<compile_context>
chip_gen: v7x
topology: tpu7x:2x2x1
jax: 0.10.2.dev20260603
libtpu: 0.0.44.dev20260713+nightly
codegen_flags: <defaults>
</compile_context>

<pallas_src>
import functools

import jax
import jax.numpy as jnp
from jax import lax
from jax.experimental import pallas as pl
from jax.experimental.pallas import tpu as pltpu
from jax.experimental.pallas import tpu_sc as plsc

B = 4096
NEG = 4
D = 64
NC = 2
NS = 16
NW = NC * NS
BPW = B // NW
L = 16
GROUPS = BPW // L
NOUT = 1 + NEG

_mesh = plsc.VectorSubcoreMesh(core_axis_name="c", subcore_axis_name="s")


@functools.partial(
    pl.kernel,
    mesh=_mesh,
    compiler_params=pltpu.CompilerParams(needs_layout_passes=False,
                                         use_tc_tiling_on_sc=False),
    out_type=jax.ShapeDtypeStruct((B, NOUT), jnp.float32),
    scratch_types=[
        pltpu.VMEM((BPW,), jnp.int32),
        pltpu.VMEM((BPW,), jnp.int32),
        pltpu.VMEM((NEG, BPW), jnp.int32),
        pltpu.VMEM((BPW, D), jnp.float32),
        pltpu.VMEM((BPW, D), jnp.float32),
        pltpu.VMEM((NEG * BPW, D), jnp.float32),
        pltpu.VMEM((BPW, NOUT), jnp.float32),
        pltpu.SemaphoreType.DMA,
    ],
)
def _bpr_sc(user_hbm, pos_hbm, n0_hbm, n1_hbm, n2_hbm, n3_hbm,
            utab_hbm, itab_hbm, out_hbm,
            uidx, pidx, nidx, urows, prows, nrows, oblk, sem):
    wid = lax.axis_index("s") * NC + lax.axis_index("c")
    base = wid * BPW
    iota = lax.iota(jnp.int32, L)

    idx_copies = [
        pltpu.async_copy(user_hbm.at[pl.ds(base, BPW)], uidx, sem),
        pltpu.async_copy(pos_hbm.at[pl.ds(base, BPW)], pidx, sem),
    ] + [
        pltpu.async_copy(n_hbm.at[pl.ds(base, BPW)], nidx.at[j], sem)
        for j, n_hbm in enumerate((n0_hbm, n1_hbm, n2_hbm, n3_hbm))
    ]
    for c in idx_copies:
        c.wait()

    copies = [
        pltpu.async_copy(utab_hbm.at[uidx], urows, sem),
        pltpu.async_copy(itab_hbm.at[pidx], prows, sem),
    ] + [
        pltpu.async_copy(itab_hbm.at[nidx.at[j]],
                         nrows.at[pl.ds(j * BPW, BPW)], sem)
        for j in range(NEG)
    ]
    for c in copies:
        c.wait()

    last_lane = iota == (L - 1)

    def group_body(g, _):
        for l in range(L):
            b = g * L + l
            uvs = [urows[b, pl.ds(L * k, L)] for k in range(4)]
            pvs = [prows[b, pl.ds(L * k, L)] for k in range(4)]
            nvss = [[nrows[j * BPW + b, pl.ds(L * k, L)] for k in range(4)]
                    for j in range(NEG)]
            sums = [plsc.cumsum(
                (uvs[0] * w[0] + uvs[1] * w[1]) +
                (uvs[2] * w[2] + uvs[3] * w[3]))
                for w in [pvs] + nvss]
            bv = jnp.full((L,), b, jnp.int32)
            for c in range(NOUT):
                plsc.store_scatter(oblk, [bv, jnp.full((L,), c, jnp.int32)],
                                   sums[c], mask=last_lane)
        return 0

    lax.fori_loop(0, GROUPS, group_body, 0)
    pltpu.sync_copy(oblk, out_hbm.at[pl.ds(base, BPW)])


def kernel(user, pos_item, neg_item, user_table, item_table):
    negs = [neg_item[:, j] for j in range(NEG)]
    return _bpr_sc(user, pos_item, *negs, user_table, item_table)

# --- scband reference (transcript-rebuilt; emitter-appended) ---
"""Pipeline reference for scband-bpr-49813030699117 (READ-ONLY COPY).

The authoritative reference and input builder live on the scoring server;
editing this copy changes nothing except your own understanding.
"""

import jax, jax.numpy as jnp
import numpy as np

B = 4096
NEG = 4
USER_NUM = 100000
ITEM_NUM = 100000
EMBED_DIM = 64
USE_L2NORM = False


def setup_inputs(seed: int = 0) -> dict:
    key = jax.random.key(seed)
    k1, k2, k3, k4, k5 = jax.random.split(key, 5)
    user = jax.random.randint(k1, (B,), 0, USER_NUM, dtype=jnp.int64 if jax.config.jax_enable_x64 else jnp.int32).astype(jnp.int32)
    pos_item = jax.random.randint(k2, (B,), 0, ITEM_NUM).astype(jnp.int32)
    neg_item = jax.random.randint(k3, (B, NEG), 0, ITEM_NUM).astype(jnp.int32)
    # Embedding tables (random_normal initializer in keras)
    user_table = jax.random.normal(k4, (USER_NUM, EMBED_DIM), dtype=jnp.float32) * 0.05
    item_table = jax.random.normal(k5, (ITEM_NUM, EMBED_DIM), dtype=jnp.float32) * 0.05
    return {"user": user, "pos_item": pos_item, "neg_item": neg_item,
            "user_table": user_table, "item_table": item_table}


def _l2norm(x):
    return x / jnp.sqrt(jnp.maximum(jnp.sum(x * x, axis=-1, keepdims=True), 1e-12))


def reference(user, pos_item, neg_item, user_table, item_table):
    # user_embed = user_embedding(reshape(user, [-1]))
    user_embed = jnp.take(user_table, jnp.reshape(user, (-1,)), axis=0)          # [B, D]
    pos_info = jnp.take(item_table, jnp.reshape(pos_item, (-1,)), axis=0)        # [B, D]
    neg_info = jnp.take(item_table, neg_item, axis=0)                             # [B, NEG, D]
    if USE_L2NORM:
        pos_info = _l2norm(pos_info)
        neg_info = _l2norm(neg_info)
        user_embed = _l2norm(user_embed)
    pos_scores = jnp.sum(user_embed * pos_info, axis=-1, keepdims=True)          # [B, 1]
    neg_scores = jnp.sum(jnp.expand_dims(user_embed, axis=1) * neg_info, axis=-1)  # [B, NEG]
    logits = jnp.concatenate([pos_scores, neg_scores], axis=-1)                  # [B, 1+NEG]
    return logits

if __name__ == "__main__":
    import jax
    _d = setup_inputs()
    print(jax.jit(kernel)(*tuple(_d.values())))

</pallas_src>

<mosaic_0001>
#map = affine_map<(d0, d1) -> (0)>
#map1 = affine_map<(d0, d1) -> (0, 0)>
module attributes {stable_mosaic.version = 14 : i64} {
  func.func @_bpr_sc(%arg0: i32, %arg1: i32, %arg2: memref<4096xi32, #tpu.memory_space<hbm>>, %arg3: memref<4096xi32, #tpu.memory_space<hbm>>, %arg4: memref<4096xi32, #tpu.memory_space<hbm>>, %arg5: memref<4096xi32, #tpu.memory_space<hbm>>, %arg6: memref<4096xi32, #tpu.memory_space<hbm>>, %arg7: memref<4096xi32, #tpu.memory_space<hbm>>, %arg8: memref<100000x64xf32, #tpu.memory_space<hbm>>, %arg9: memref<100000x64xf32, #tpu.memory_space<hbm>>, %arg10: memref<4096x5xf32, #tpu.memory_space<hbm>>, %arg11: memref<128xi32, #tpu.memory_space<vmem>>, %arg12: memref<128xi32, #tpu.memory_space<vmem>>, %arg13: memref<4x128xi32, #tpu.memory_space<vmem>>, %arg14: memref<128x64xf32, #tpu.memory_space<vmem>>, %arg15: memref<128x64xf32, #tpu.memory_space<vmem>>, %arg16: memref<512x64xf32, #tpu.memory_space<vmem>>, %arg17: memref<128x5xf32, #tpu.memory_space<vmem>>, %arg18: memref<!tpu.dma_semaphore, #tpu.memory_space<semaphore_mem>>) attributes {dimension_semantics = [#tpu.dimension_semantics<core_parallel>, #tpu.dimension_semantics<subcore_parallel>], iteration_bounds = array<i64: 2, 16>, scalar_prefetch = 0 : i64, scratch_operands = 8 : i64, tpu.core_type = #tpu.core_type<sc_vector_subcore>, window_params = [{transform_indices = #map}, {transform_indices = #map}, {transform_indices = #map}, {transform_indices = #map}, {transform_indices = #map}, {transform_indices = #map}, {transform_indices = #map1}, {transform_indices = #map1}, {transform_indices = #map1}]} {
    %mul3A = arith.constant 2 : i32
    %mul3A_0 = arith.muli %arg1, %mul3A : i32
    %add3A = arith.addi %mul3A_0, %arg0 : i32
    %mul3A_1 = arith.constant 128 : i32
    %mul3A_2 = arith.muli %add3A, %mul3A_1 : i32
    %iota3A = tpu.iota {dimensions = array<i32: 0>} : vector<16xi32>
    %dma_start3A = tpu.memref_slice %arg2[%mul3A_2] : memref<4096xi32, #tpu.memory_space<hbm>> -> memref<128xi32, #tpu.memory_space<hbm>>
    %dma_start3A_3 = tpu.memref_slice %arg2[%mul3A_2] : memref<4096xi32, #tpu.memory_space<hbm>> -> memref<128xi32, #tpu.memory_space<hbm>>
    tpu.enqueue_dma source(%dma_start3A_3 : memref<128xi32, #tpu.memory_space<hbm>>) target(%arg11 : memref<128xi32, #tpu.memory_space<vmem>>) target_semaphore(%arg18 : memref<!tpu.dma_semaphore, #tpu.memory_space<semaphore_mem>>)
    %dma_start3A_4 = tpu.memref_slice %arg3[%mul3A_2] : memref<4096xi32, #tpu.memory_space<hbm>> -> memref<128xi32, #tpu.memory_space<hbm>>
    %dma_start3A_5 = tpu.memref_slice %arg3[%mul3A_2] : memref<4096xi32, #tpu.memory_space<hbm>> -> memref<128xi32, #tpu.memory_space<hbm>>
    tpu.enqueue_dma source(%dma_start3A_5 : memref<128xi32, #tpu.memory_space<hbm>>) target(%arg12 : memref<128xi32, #tpu.memory_space<vmem>>) target_semaphore(%arg18 : memref<!tpu.dma_semaphore, #tpu.memory_space<semaphore_mem>>)
    %dma_start3A_6 = arith.constant 0 : i32
    %dma_start3A_7 = arith.constant 0 : i32
    %dma_start3A_8 = tpu.memref_slice %arg13[%dma_start3A_6, %dma_start3A_7] : memref<4x128xi32, #tpu.memory_space<vmem>> -> memref<1x128xi32, #tpu.memory_space<vmem>>
    %dma_start3A_9 = tpu.memref_squeeze %dma_start3A_8 : memref<1x128xi32, #tpu.memory_space<vmem>> -> memref<128xi32, #tpu.memory_space<vmem>>
    %dma_start3A_10 = tpu.memref_slice %arg4[%mul3A_2] : memref<4096xi32, #tpu.memory_space<hbm>> -> memref<128xi32, #tpu.memory_space<hbm>>
    %dma_start3A_11 = arith.constant 0 : i32
    %dma_start3A_12 = tpu.memref_slice %arg13[%dma_start3A_6, %dma_start3A_11] : memref<4x128xi32, #tpu.memory_space<vmem>> -> memref<1x128xi32, #tpu.memory_space<vmem>>
    %dma_start3A_13 = tpu.memref_squeeze %dma_start3A_12 : memref<1x128xi32, #tpu.memory_space<vmem>> -> memref<128xi32, #tpu.memory_space<vmem>>
    %dma_start3A_14 = tpu.memref_slice %arg4[%mul3A_2] : memref<4096xi32, #tpu.memory_space<hbm>> -> memref<128xi32, #tpu.memory_space<hbm>>
    tpu.enqueue_dma source(%dma_start3A_14 : memref<128xi32, #tpu.memory_space<hbm>>) target(%dma_start3A_13 : memref<128xi32, #tpu.memory_space<vmem>>) target_semaphore(%arg18 : memref<!tpu.dma_semaphore, #tpu.memory_space<semaphore_mem>>)
    %dma_start3A_15 = arith.constant 1 : i32
    %dma_start3A_16 = arith.constant 0 : i32
    %dma_start3A_17 = tpu.memref_slice %arg13[%dma_start3A_15, %dma_start3A_16] : memref<4x128xi32, #tpu.memory_space<vmem>> -> memref<1x128xi32, #tpu.memory_space<vmem>>
    %dma_start3A_18 = tpu.memref_squeeze %dma_start3A_17 : memref<1x128xi32, #tpu.memory_space<vmem>> -> memref<128xi32, #tpu.memory_space<vmem>>
    %dma_start3A_19 = tpu.memref_slice %arg5[%mul3A_2] : memref<4096xi32, #tpu.memory_space<hbm>> -> memref<128xi32, #tpu.memory_space<hbm>>
    %dma_start3A_20 = arith.constant 0 : i32
    %dma_start3A_21 = tpu.memref_slice %arg13[%dma_start3A_15, %dma_start3A_20] : memref<4x128xi32, #tpu.memory_space<vmem>> -> memref<1x128xi32, #tpu.memory_space<vmem>>
    %dma_start3A_22 = tpu.memref_squeeze %dma_start3A_21 : memref<1x128xi32, #tpu.memory_space<vmem>> -> memref<128xi32, #tpu.memory_space<vmem>>
    %dma_start3A_23 = tpu.memref_slice %arg5[%mul3A_2] : memref<4096xi32, #tpu.memory_space<hbm>> -> memref<128xi32, #tpu.memory_space<hbm>>
    tpu.enqueue_dma source(%dma_start3A_23 : memref<128xi32, #tpu.memory_space<hbm>>) target(%dma_start3A_22 : memref<128xi32, #tpu.memory_space<vmem>>) target_semaphore(%arg18 : memref<!tpu.dma_semaphore, #tpu.memory_space<semaphore_mem>>)
    %dma_start3A_24 = arith.constant 2 : i32
    %dma_start3A_25 = arith.constant 0 : i32
    %dma_start3A_26 = tpu.memref_slice %arg13[%dma_start3A_24, %dma_start3A_25] : memref<4x128xi32, #tpu.memory_space<vmem>> -> memref<1x128xi32, #tpu.memory_space<vmem>>
    %dma_start3A_27 = tpu.memref_squeeze %dma_start3A_26 : memref<1x128xi32, #tpu.memory_space<vmem>> -> memref<128xi32, #tpu.memory_space<vmem>>
    %dma_start3A_28 = tpu.memref_slice %arg6[%mul3A_2] : memref<4096xi32, #tpu.memory_space<hbm>> -> memref<128xi32, #tpu.memory_space<hbm>>
    %dma_start3A_29 = arith.constant 0 : i32
    %dma_start3A_30 = tpu.memref_slice %arg13[%dma_start3A_24, %dma_start3A_29] : memref<4x128xi32, #tpu.memory_space<vmem>> -> memref<1x128xi32, #tpu.memory_space<vmem>>
    %dma_start3A_31 = tpu.memref_squeeze %dma_start3A_30 : memref<1x128xi32, #tpu.memory_space<vmem>> -> memref<128xi32, #tpu.memory_space<vmem>>
    %dma_start3A_32 = tpu.memref_slice %arg6[%mul3A_2] : memref<4096xi32, #tpu.memory_space<hbm>> -> memref<128xi32, #tpu.memory_space<hbm>>
    tpu.enqueue_dma source(%dma_start3A_32 : memref<128xi32, #tpu.memory_space<hbm>>) target(%dma_start3A_31 : memref<128xi32, #tpu.memory_space<vmem>>) target_semaphore(%arg18 : memref<!tpu.dma_semaphore, #tpu.memory_space<semaphore_mem>>)
    %dma_start3A_33 = arith.constant 3 : i32
    %dma_start3A_34 = arith.constant 0 : i32
    %dma_start3A_35 = tpu.memref_slice %arg13[%dma_start3A_33, %dma_start3A_34] : memref<4x128xi32, #tpu.memory_space<vmem>> -> memref<1x128xi32, #tpu.memory_space<vmem>>
    %dma_start3A_36 = tpu.memref_squeeze %dma_start3A_35 : memref<1x128xi32, #tpu.memory_space<vmem>> -> memref<128xi32, #tpu.memory_space<vmem>>
    %dma_start3A_37 = tpu.memref_slice %arg7[%mul3A_2] : memref<4096xi32, #tpu.memory_space<hbm>> -> memref<128xi32, #tpu.memory_space<hbm>>
    %dma_start3A_38 = arith.constant 0 : i32
    %dma_start3A_39 = tpu.memref_slice %arg13[%dma_start3A_33, %dma_start3A_38] : memref<4x128xi32, #tpu.memory_space<vmem>> -> memref<1x128xi32, #tpu.memory_space<vmem>>
    %dma_start3A_40 = tpu.memref_squeeze %dma_start3A_39 : memref<1x128xi32, #tpu.memory_space<vmem>> -> memref<128xi32, #tpu.memory_space<vmem>>
    %dma_start3A_41 = tpu.memref_slice %arg7[%mul3A_2] : memref<4096xi32, #tpu.memory_space<hbm>> -> memref<128xi32, #tpu.memory_space<hbm>>
    tpu.enqueue_dma source(%dma_start3A_41 : memref<128xi32, #tpu.memory_space<hbm>>) target(%dma_start3A_40 : memref<128xi32, #tpu.memory_space<vmem>>) target_semaphore(%arg18 : memref<!tpu.dma_semaphore, #tpu.memory_space<semaphore_mem>>)
    %dma_wait3A = tpu.memref_slice %arg2[%mul3A_2] : memref<4096xi32, #tpu.memory_space<hbm>> -> memref<128xi32, #tpu.memory_space<hbm>>
    %dma_wait3A_42 = tpu.memref_slice %arg2[%mul3A_2] : memref<4096xi32, #tpu.memory_space<hbm>> -> memref<128xi32, #tpu.memory_space<hbm>>
    tpu.wait_dma2 semaphore(%arg18 : memref<!tpu.dma_semaphore, #tpu.memory_space<semaphore_mem>>) src(%dma_wait3A_42 : memref<128xi32, #tpu.memory_space<hbm>>) dst(%arg11 : memref<128xi32, #tpu.memory_space<vmem>>)
    %dma_wait3A_43 = tpu.memref_slice %arg3[%mul3A_2] : memref<4096xi32, #tpu.memory_space<hbm>> -> memref<128xi32, #tpu.memory_space<hbm>>
    %dma_wait3A_44 = tpu.memref_slice %arg3[%mul3A_2] : memref<4096xi32, #tpu.memory_space<hbm>> -> memref<128xi32, #tpu.memory_space<hbm>>
    tpu.wait_dma2 semaphore(%arg18 : memref<!tpu.dma_semaphore, #tpu.memory_space<semaphore_mem>>) src(%dma_wait3A_44 : memref<128xi32, #tpu.memory_space<hbm>>) dst(%arg12 : memref<128xi32, #tpu.memory_space<vmem>>)
    %dma_wait3A_45 = arith.constant 0 : i32
    %dma_wait3A_46 = arith.constant 0 : i32
    %dma_wait3A_47 = tpu.memref_slice %arg13[%dma_wait3A_45, %dma_wait3A_46] : memref<4x128xi32, #tpu.memory_space<vmem>> -> memref<1x128xi32, #tpu.memory_space<vmem>>
    %dma_wait3A_48 = tpu.memref_squeeze %dma_wait3A_47 : memref<1x128xi32, #tpu.memory_space<vmem>> -> memref<128xi32, #tpu.memory_space<vmem>>
    %dma_wait3A_49 = tpu.memref_slice %arg4[%mul3A_2] : memref<4096xi32, #tpu.memory_space<hbm>> -> memref<128xi32, #tpu.memory_space<hbm>>
    %dma_wait3A_50 = arith.constant 0 : i32
    %dma_wait3A_51 = tpu.memref_slice %arg13[%dma_wait3A_45, %dma_wait3A_50] : memref<4x128xi32, #tpu.memory_space<vmem>> -> memref<1x128xi32, #tpu.memory_space<vmem>>
    %dma_wait3A_52 = tpu.memref_squeeze %dma_wait3A_51 : memref<1x128xi32, #tpu.memory_space<vmem>> -> memref<128xi32, #tpu.memory_space<vmem>>
    %dma_wait3A_53 = tpu.memref_slice %arg4[%mul3A_2] : memref<4096xi32, #tpu.memory_space<hbm>> -> memref<128xi32, #tpu.memory_space<hbm>>
    tpu.wait_dma2 semaphore(%arg18 : memref<!tpu.dma_semaphore, #tpu.memory_space<semaphore_mem>>) src(%dma_wait3A_53 : memref<128xi32, #tpu.memory_space<hbm>>) dst(%dma_wait3A_52 : memref<128xi32, #tpu.memory_space<vmem>>)
    %dma_wait3A_54 = arith.constant 1 : i32
    %dma_wait3A_55 = arith.constant 0 : i32
    %dma_wait3A_56 = tpu.memref_slice %arg13[%dma_wait3A_54, %dma_wait3A_55] : memref<4x128xi32, #tpu.memory_space<vmem>> -> memref<1x128xi32, #tpu.memory_space<vmem>>
    %dma_wait3A_57 = tpu.memref_squeeze %dma_wait3A_56 : memref<1x128xi32, #tpu.memory_space<vmem>> -> memref<128xi32, #tpu.memory_space<vmem>>
    %dma_wait3A_58 = tpu.memref_slice %arg5[%mul3A_2] : memref<4096xi32, #tpu.memory_space<hbm>> -> memref<128xi32, #tpu.memory_space<hbm>>
    %dma_wait3A_59 = arith.constant 0 : i32
    %dma_wait3A_60 = tpu.memref_slice %arg13[%dma_wait3A_54, %dma_wait3A_59] : memref<4x128xi32, #tpu.memory_space<vmem>> -> memref<1x128xi32, #tpu.memory_space<vmem>>
    %dma_wait3A_61 = tpu.memref_squeeze %dma_wait3A_60 : memref<1x128xi32, #tpu.memory_space<vmem>> -> memref<128xi32, #tpu.memory_space<vmem>>
    %dma_wait3A_62 = tpu.memref_slice %arg5[%mul3A_2] : memref<4096xi32, #tpu.memory_space<hbm>> -> memref<128xi32, #tpu.memory_space<hbm>>
    tpu.wait_dma2 semaphore(%arg18 : memref<!tpu.dma_semaphore, #tpu.memory_space<semaphore_mem>>) src(%dma_wait3A_62 : memref<128xi32, #tpu.memory_space<hbm>>) dst(%dma_wait3A_61 : memref<128xi32, #tpu.memory_space<vmem>>)
    %dma_wait3A_63 = arith.constant 2 : i32
    %dma_wait3A_64 = arith.constant 0 : i32
    %dma_wait3A_65 = tpu.memref_slice %arg13[%dma_wait3A_63, %dma_wait3A_64] : memref<4x128xi32, #tpu.memory_space<vmem>> -> memref<1x128xi32, #tpu.memory_space<vmem>>
    %dma_wait3A_66 = tpu.memref_squeeze %dma_wait3A_65 : memref<1x128xi32, #tpu.memory_space<vmem>> -> memref<128xi32, #tpu.memory_space<vmem>>
    %dma_wait3A_67 = tpu.memref_slice %arg6[%mul3A_2] : memref<4096xi32, #tpu.memory_space<hbm>> -> memref<128xi32, #tpu.memory_space<hbm>>
    %dma_wait3A_68 = arith.constant 0 : i32
    %dma_wait3A_69 = tpu.memref_slice %arg13[%dma_wait3A_63, %dma_wait3A_68] : memref<4x128xi32, #tpu.memory_space<vmem>> -> memref<1x128xi32, #tpu.memory_space<vmem>>
    %dma_wait3A_70 = tpu.memref_squeeze %dma_wait3A_69 : memref<1x128xi32, #tpu.memory_space<vmem>> -> memref<128xi32, #tpu.memory_space<vmem>>
    %dma_wait3A_71 = tpu.memref_slice %arg6[%mul3A_2] : memref<4096xi32, #tpu.memory_space<hbm>> -> memref<128xi32, #tpu.memory_space<hbm>>
    tpu.wait_dma2 semaphore(%arg18 : memref<!tpu.dma_semaphore, #tpu.memory_space<semaphore_mem>>) src(%dma_wait3A_71 : memref<128xi32, #tpu.memory_space<hbm>>) dst(%dma_wait3A_70 : memref<128xi32, #tpu.memory_space<vmem>>)
    %dma_wait3A_72 = arith.constant 3 : i32
    %dma_wait3A_73 = arith.constant 0 : i32
    %dma_wait3A_74 = tpu.memref_slice %arg13[%dma_wait3A_72, %dma_wait3A_73] : memref<4x128xi32, #tpu.memory_space<vmem>> -> memref<1x128xi32, #tpu.memory_space<vmem>>
    %dma_wait3A_75 = tpu.memref_squeeze %dma_wait3A_74 : memref<1x128xi32, #tpu.memory_space<vmem>> -> memref<128xi32, #tpu.memory_space<vmem>>
    %dma_wait3A_76 = tpu.memref_slice %arg7[%mul3A_2] : memref<4096xi32, #tpu.memory_space<hbm>> -> memref<128xi32, #tpu.memory_space<hbm>>
    %dma_wait3A_77 = arith.constant 0 : i32
    %dma_wait3A_78 = tpu.memref_slice %arg13[%dma_wait3A_72, %dma_wait3A_77] : memref<4x128xi32, #tpu.memory_space<vmem>> -> memref<1x128xi32, #tpu.memory_space<vmem>>
    %dma_wait3A_79 = tpu.memref_squeeze %dma_wait3A_78 : memref<1x128xi32, #tpu.memory_space<vmem>> -> memref<128xi32, #tpu.memory_space<vmem>>
    %dma_wait3A_80 = tpu.memref_slice %arg7[%mul3A_2] : memref<4096xi32, #tpu.memory_space<hbm>> -> memref<128xi32, #tpu.memory_space<hbm>>
    tpu.wait_dma2 semaphore(%arg18 : memref<!tpu.dma_semaphore, #tpu.memory_space<semaphore_mem>>) src(%dma_wait3A_80 : memref<128xi32, #tpu.memory_space<hbm>>) dst(%dma_wait3A_79 : memref<128xi32, #tpu.memory_space<vmem>>)
    %dma_start3A_81 = arith.constant 0 : i32
    %dma_start3A_82 = arith.constant 0 : i32
    %dma_start3A_83 = tpu.memref_slice %arg8[%dma_start3A_81, %dma_start3A_82] : memref<100000x64xf32, #tpu.memory_space<hbm>> -> memref<100000x64xf32, #tpu.memory_space<hbm>>
    tpu.enqueue_indirect_dma source(%dma_start3A_83 : memref<100000x64xf32, #tpu.memory_space<hbm>>) target(%arg14 : memref<128x64xf32, #tpu.memory_space<vmem>>) offsets(%arg11 : memref<128xi32, #tpu.memory_space<vmem>>) semaphore(%arg18 : memref<!tpu.dma_semaphore, #tpu.memory_space<semaphore_mem>>)
    %dma_start3A_84 = arith.constant 0 : i32
    %dma_start3A_85 = arith.constant 0 : i32
    %dma_start3A_86 = tpu.memref_slice %arg9[%dma_start3A_84, %dma_start3A_85] : memref<100000x64xf32, #tpu.memory_space<hbm>> -> memref<100000x64xf32, #tpu.memory_space<hbm>>
    tpu.enqueue_indirect_dma source(%dma_start3A_86 : memref<100000x64xf32, #tpu.memory_space<hbm>>) target(%arg15 : memref<128x64xf32, #tpu.memory_space<vmem>>) offsets(%arg12 : memref<128xi32, #tpu.memory_space<vmem>>) semaphore(%arg18 : memref<!tpu.dma_semaphore, #tpu.memory_space<semaphore_mem>>)
    %dma_start3A_87 = arith.constant 0 : i32
    %dma_start3A_88 = arith.constant 0 : i32
    %dma_start3A_89 = arith.constant 0 : i32
    %dma_start3A_90 = tpu.memref_slice %arg16[%dma_start3A_88, %dma_start3A_89] : memref<512x64xf32, #tpu.memory_space<vmem>> -> memref<128x64xf32, #tpu.memory_space<vmem>>
    %dma_start3A_91 = arith.constant 0 : i32
    %dma_start3A_92 = tpu.memref_slice %arg13[%dma_start3A_87, %dma_start3A_91] : memref<4x128xi32, #tpu.memory_space<vmem>> -> memref<1x128xi32, #tpu.memory_space<vmem>>
    %dma_start3A_93 = tpu.memref_squeeze %dma_start3A_92 : memref<1x128xi32, #tpu.memory_space<vmem>> -> memref<128xi32, #tpu.memory_space<vmem>>
    %dma_start3A_94 = arith.constant 0 : i32
    %dma_start3A_95 = arith.constant 0 : i32
    %dma_start3A_96 = tpu.memref_slice %arg9[%dma_start3A_94, %dma_start3A_95] : memref<100000x64xf32, #tpu.memory_space<hbm>> -> memref<100000x64xf32, #tpu.memory_space<hbm>>
    tpu.enqueue_indirect_dma source(%dma_start3A_96 : memref<100000x64xf32, #tpu.memory_space<hbm>>) target(%dma_start3A_90 : memref<128x64xf32, #tpu.memory_space<vmem>>) offsets(%dma_start3A_93 : memref<128xi32, #tpu.memory_space<vmem>>) semaphore(%arg18 : memref<!tpu.dma_semaphore, #tpu.memory_space<semaphore_mem>>)
    %dma_start3A_97 = arith.constant 1 : i32
    %dma_start3A_98 = arith.constant 128 : i32
    %dma_start3A_99 = arith.constant 0 : i32
    %dma_start3A_100 = tpu.memref_slice %arg16[%dma_start3A_98, %dma_start3A_99] : memref<512x64xf32, #tpu.memory_space<vmem>> -> memref<128x64xf32, #tpu.memory_space<vmem>>
    %dma_start3A_101 = arith.constant 0 : i32
    %dma_start3A_102 = tpu.memref_slice %arg13[%dma_start3A_97, %dma_start3A_101] : memref<4x128xi32, #tpu.memory_space<vmem>> -> memref<1x128xi32, #tpu.memory_space<vmem>>
    %dma_start3A_103 = tpu.memref_squeeze %dma_start3A_102 : memref<1x128xi32, #tpu.memory_space<vmem>> -> memref<128xi32, #tpu.memory_space<vmem>>
    %dma_start3A_104 = arith.constant 0 : i32
    %dma_start3A_105 = arith.constant 0 : i32
    %dma_start3A_106 = tpu.memref_slice %arg9[%dma_start3A_104, %dma_start3A_105] : memref<100000x64xf32, #tpu.memory_space<hbm>> -> memref<100000x64xf32, #tpu.memory_space<hbm>>
    tpu.enqueue_indirect_dma source(%dma_start3A_106 : memref<100000x64xf32, #tpu.memory_space<hbm>>) target(%dma_start3A_100 : memref<128x64xf32, #tpu.memory_space<vmem>>) offsets(%dma_start3A_103 : memref<128xi32, #tpu.memory_space<vmem>>) semaphore(%arg18 : memref<!tpu.dma_semaphore, #tpu.memory_space<semaphore_mem>>)
    %dma_start3A_107 = arith.constant 2 : i32
    %dma_start3A_108 = arith.constant 256 : i32
    %dma_start3A_109 = arith.constant 0 : i32
    %dma_start3A_110 = tpu.memref_slice %arg16[%dma_start3A_108, %dma_start3A_109] : memref<512x64xf32, #tpu.memory_space<vmem>> -> memref<128x64xf32, #tpu.memory_space<vmem>>
    %dma_start3A_111 = arith.constant 0 : i32
    %dma_start3A_112 = tpu.memref_slice %arg13[%dma_start3A_107, %dma_start3A_111] : memref<4x128xi32, #tpu.memory_space<vmem>> -> memref<1x128xi32, #tpu.memory_space<vmem>>
    %dma_start3A_113 = tpu.memref_squeeze %dma_start3A_112 : memref<1x128xi32, #tpu.memory_space<vmem>> -> memref<128xi32, #tpu.memory_space<vmem>>
    %dma_start3A_114 = arith.constant 0 : i32
    %dma_start3A_115 = arith.constant 0 : i32
    %dma_start3A_116 = tpu.memref_slice %arg9[%dma_start3A_114, %dma_start3A_115] : memref<100000x64xf32, #tpu.memory_space<hbm>> -> memref<100000x64xf32, #tpu.memory_space<hbm>>
    tpu.enqueue_indirect_dma source(%dma_start3A_116 : memref<100000x64xf32, #tpu.memory_space<hbm>>) target(%dma_start3A_110 : memref<128x64xf32, #tpu.memory_space<vmem>>) offsets(%dma_start3A_113 : memref<128xi32, #tpu.memory_space<vmem>>) semaphore(%arg18 : memref<!tpu.dma_semaphore, #tpu.memory_space<semaphore_mem>>)
    %dma_start3A_117 = arith.constant 3 : i32
    %dma_start3A_118 = arith.constant 384 : i32
    %dma_start3A_119 = arith.constant 0 : i32
    %dma_start3A_120 = tpu.memref_slice %arg16[%dma_start3A_118, %dma_start3A_119] : memref<512x64xf32, #tpu.memory_space<vmem>> -> memref<128x64xf32, #tpu.memory_space<vmem>>
    %dma_start3A_121 = arith.constant 0 : i32
    %dma_start3A_122 = tpu.memref_slice %arg13[%dma_start3A_117, %dma_start3A_121] : memref<4x128xi32, #tpu.memory_space<vmem>> -> memref<1x128xi32, #tpu.memory_space<vmem>>
    %dma_start3A_123 = tpu.memref_squeeze %dma_start3A_122 : memref<1x128xi32, #tpu.memory_space<vmem>> -> memref<128xi32, #tpu.memory_space<vmem>>
    %dma_start3A_124 = arith.constant 0 : i32
    %dma_start3A_125 = arith.constant 0 : i32
    %dma_start3A_126 = tpu.memref_slice %arg9[%dma_start3A_124, %dma_start3A_125] : memref<100000x64xf32, #tpu.memory_space<hbm>> -> memref<100000x64xf32, #tpu.memory_space<hbm>>
    tpu.enqueue_indirect_dma source(%dma_start3A_126 : memref<100000x64xf32, #tpu.memory_space<hbm>>) target(%dma_start3A_120 : memref<128x64xf32, #tpu.memory_space<vmem>>) offsets(%dma_start3A_123 : memref<128xi32, #tpu.memory_space<vmem>>) semaphore(%arg18 : memref<!tpu.dma_semaphore, #tpu.memory_space<semaphore_mem>>)
    %dma_wait3A_127 = arith.constant 0 : i32
    %dma_wait3A_128 = arith.constant 0 : i32
    %dma_wait3A_129 = tpu.memref_slice %arg8[%dma_wait3A_127, %dma_wait3A_128] : memref<100000x64xf32, #tpu.memory_space<hbm>> -> memref<100000x64xf32, #tpu.memory_space<hbm>>
    tpu.wait_indirect_dma semaphore(%arg18 : memref<!tpu.dma_semaphore, #tpu.memory_space<semaphore_mem>>) src(%dma_wait3A_129 : memref<100000x64xf32, #tpu.memory_space<hbm>>) dst(%arg14 : memref<128x64xf32, #tpu.memory_space<vmem>>)
    %dma_wait3A_130 = arith.constant 0 : i32
    %dma_wait3A_131 = arith.constant 0 : i32
    %dma_wait3A_132 = tpu.memref_slice %arg9[%dma_wait3A_130, %dma_wait3A_131] : memref<100000x64xf32, #tpu.memory_space<hbm>> -> memref<100000x64xf32, #tpu.memory_space<hbm>>
    tpu.wait_indirect_dma semaphore(%arg18 : memref<!tpu.dma_semaphore, #tpu.memory_space<semaphore_mem>>) src(%dma_wait3A_132 : memref<100000x64xf32, #tpu.memory_space<hbm>>) dst(%arg15 : memref<128x64xf32, #tpu.memory_space<vmem>>)
    %dma_wait3A_133 = arith.constant 0 : i32
    %dma_wait3A_134 = arith.constant 0 : i32
    %dma_wait3A_135 = arith.constant 0 : i32
    %dma_wait3A_136 = tpu.memref_slice %arg16[%dma_wait3A_134, %dma_wait3A_135] : memref<512x64xf32, #tpu.memory_space<vmem>> -> memref<128x64xf32, #tpu.memory_space<vmem>>
    %dma_wait3A_137 = arith.constant 0 : i32
    %dma_wait3A_138 = tpu.memref_slice %arg13[%dma_wait3A_133, %dma_wait3A_137] : memref<4x128xi32, #tpu.memory_space<vmem>> -> memref<1x128xi32, #tpu.memory_space<vmem>>
    %dma_wait3A_139 = tpu.memref_squeeze %dma_wait3A_138 : memref<1x128xi32, #tpu.memory_space<vmem>> -> memref<128xi32, #tpu.memory_space<vmem>>
    %dma_wait3A_140 = arith.constant 0 : i32
    %dma_wait3A_141 = arith.constant 0 : i32
    %dma_wait3A_142 = tpu.memref_slice %arg9[%dma_wait3A_140, %dma_wait3A_141] : memref<100000x64xf32, #tpu.memory_space<hbm>> -> memref<100000x64xf32, #tpu.memory_space<hbm>>
    tpu.wait_indirect_dma semaphore(%arg18 : memref<!tpu.dma_semaphore, #tpu.memory_space<semaphore_mem>>) src(%dma_wait3A_142 : memref<100000x64xf32, #tpu.memory_space<hbm>>) dst(%dma_wait3A_136 : memref<128x64xf32, #tpu.memory_space<vmem>>)
    %dma_wait3A_143 = arith.constant 1 : i32
    %dma_wait3A_144 = arith.constant 128 : i32
    %dma_wait3A_145 = arith.constant 0 : i32
    %dma_wait3A_146 = tpu.memref_slice %arg16[%dma_wait3A_144, %dma_wait3A_145] : memref<512x64xf32, #tpu.memory_space<vmem>> -> memref<128x64xf32, #tpu.memory_space<vmem>>
    %dma_wait3A_147 = arith.constant 0 : i32
    %dma_wait3A_148 = tpu.memref_slice %arg13[%dma_wait3A_143, %dma_wait3A_147] : memref<4x128xi32, #tpu.memory_space<vmem>> -> memref<1x128xi32, #tpu.memory_space<vmem>>
    %dma_wait3A_149 = tpu.memref_squeeze %dma_wait3A_148 : memref<1x128xi32, #tpu.memory_space<vmem>> -> memref<128xi32, #tpu.memory_space<vmem>>
    %dma_wait3A_150 = arith.constant 0 : i32
    %dma_wait3A_151 = arith.constant 0 : i32
    %dma_wait3A_152 = tpu.memref_slice %arg9[%dma_wait3A_150, %dma_wait3A_151] : memref<100000x64xf32, #tpu.memory_space<hbm>> -> memref<100000x64xf32, #tpu.memory_space<hbm>>
    tpu.wait_indirect_dma semaphore(%arg18 : memref<!tpu.dma_semaphore, #tpu.memory_space<semaphore_mem>>) src(%dma_wait3A_152 : memref<100000x64xf32, #tpu.memory_space<hbm>>) dst(%dma_wait3A_146 : memref<128x64xf32, #tpu.memory_space<vmem>>)
    %dma_wait3A_153 = arith.constant 2 : i32
    %dma_wait3A_154 = arith.constant 256 : i32
    %dma_wait3A_155 = arith.constant 0 : i32
    %dma_wait3A_156 = tpu.memref_slice %arg16[%dma_wait3A_154, %dma_wait3A_155] : memref<512x64xf32, #tpu.memory_space<vmem>> -> memref<128x64xf32, #tpu.memory_space<vmem>>
    %dma_wait3A_157 = arith.constant 0 : i32
    %dma_wait3A_158 = tpu.memref_slice %arg13[%dma_wait3A_153, %dma_wait3A_157] : memref<4x128xi32, #tpu.memory_space<vmem>> -> memref<1x128xi32, #tpu.memory_space<vmem>>
    %dma_wait3A_159 = tpu.memref_squeeze %dma_wait3A_158 : memref<1x128xi32, #tpu.memory_space<vmem>> -> memref<128xi32, #tpu.memory_space<vmem>>
    %dma_wait3A_160 = arith.constant 0 : i32
    %dma_wait3A_161 = arith.constant 0 : i32
    %dma_wait3A_162 = tpu.memref_slice %arg9[%dma_wait3A_160, %dma_wait3A_161] : memref<100000x64xf32, #tpu.memory_space<hbm>> -> memref<100000x64xf32, #tpu.memory_space<hbm>>
    tpu.wait_indirect_dma semaphore(%arg18 : memref<!tpu.dma_semaphore, #tpu.memory_space<semaphore_mem>>) src(%dma_wait3A_162 : memref<100000x64xf32, #tpu.memory_space<hbm>>) dst(%dma_wait3A_156 : memref<128x64xf32, #tpu.memory_space<vmem>>)
    %dma_wait3A_163 = arith.constant 3 : i32
    %dma_wait3A_164 = arith.constant 384 : i32
    %dma_wait3A_165 = arith.constant 0 : i32
    %dma_wait3A_166 = tpu.memref_slice %arg16[%dma_wait3A_164, %dma_wait3A_165] : memref<512x64xf32, #tpu.memory_space<vmem>> -> memref<128x64xf32, #tpu.memory_space<vmem>>
    %dma_wait3A_167 = arith.constant 0 : i32
    %dma_wait3A_168 = tpu.memref_slice %arg13[%dma_wait3A_163, %dma_wait3A_167] : memref<4x128xi32, #tpu.memory_space<vmem>> -> memref<1x128xi32, #tpu.memory_space<vmem>>
    %dma_wait3A_169 = tpu.memref_squeeze %dma_wait3A_168 : memref<1x128xi32, #tpu.memory_space<vmem>> -> memref<128xi32, #tpu.memory_space<vmem>>
    %dma_wait3A_170 = arith.constant 0 : i32
    %dma_wait3A_171 = arith.constant 0 : i32
    %dma_wait3A_172 = tpu.memref_slice %arg9[%dma_wait3A_170, %dma_wait3A_171] : memref<100000x64xf32, #tpu.memory_space<hbm>> -> memref<100000x64xf32, #tpu.memory_space<hbm>>
    tpu.wait_indirect_dma semaphore(%arg18 : memref<!tpu.dma_semaphore, #tpu.memory_space<semaphore_mem>>) src(%dma_wait3A_172 : memref<100000x64xf32, #tpu.memory_space<hbm>>) dst(%dma_wait3A_166 : memref<128x64xf32, #tpu.memory_space<vmem>>)
    %eq3A = arith.constant 15 : i32
    %eq3A_173 = vector.broadcast %eq3A : i32 to vector<16xi32>
    %eq3A_174 = arith.cmpi eq, %iota3A, %eq3A_173 : vector<16xi32>
    %scan3A = arith.constant 0 : i32
    %scan3A_175 = arith.constant 0 : i32
    %scan3A_176 = arith.constant 8 : i32
    %scan3A_177 = arith.addi %scan3A_175, %scan3A_176 : i32
    %scan3A_178 = arith.constant 1 : i32
    %scan3A_179 = scf.for %scan3A_181 = %scan3A_175 to %scan3A_177 step %scan3A_178 iter_args(%scan3A_182 = %scan3A) -> (i32)  : i32 {
      %mul3A_183 = arith.constant 16 : i32
      %mul3A_184 = arith.muli %scan3A_181, %mul3A_183 : i32
      %add3A_185 = arith.constant 0 : i32
      %add3A_186 = arith.addi %mul3A_184, %add3A_185 : i32
      %get3A = arith.index_cast %add3A_186 : i32 to index
      %get3A_187 = arith.constant 0 : index
      %get3A_188 = tpu.vector_load %arg14[%get3A, %get3A_187] {strides = array<i32>} : memref<128x64xf32, #tpu.memory_space<vmem>>, vector<16xf32>,
      %get3A_189 = arith.index_cast %add3A_186 : i32 to index
      %get3A_190 = arith.constant 16 : index
      %get3A_191 = tpu.vector_load %arg14[%get3A_189, %get3A_190] {strides = array<i32>} : memref<128x64xf32, #tpu.memory_space<vmem>>, vector<16xf32>,
      %get3A_192 = arith.index_cast %add3A_186 : i32 to index
      %get3A_193 = arith.constant 32 : index
      %get3A_194 = tpu.vector_load %arg14[%get3A_192, %get3A_193] {strides = array<i32>} : memref<128x64xf32, #tpu.memory_space<vmem>>, vector<16xf32>,
      %get3A_195 = arith.index_cast %add3A_186 : i32 to index
      %get3A_196 = arith.constant 48 : index
      %get3A_197 = tpu.vector_load %arg14[%get3A_195, %get3A_196] {strides = array<i32>} : memref<128x64xf32, #tpu.memory_space<vmem>>, vector<16xf32>,
      %get3A_198 = arith.index_cast %add3A_186 : i32 to index
      %get3A_199 = arith.constant 0 : index
      %get3A_200 = tpu.vector_load %arg15[%get3A_198, %get3A_199] {strides = array<i32>} : memref<128x64xf32, #tpu.memory_space<vmem>>, vector<16xf32>,
      %get3A_201 = arith.index_cast %add3A_186 : i32 to index
      %get3A_202 = arith.constant 16 : index
      %get3A_203 = tpu.vector_load %arg15[%get3A_201, %get3A_202] {strides = array<i32>} : memref<128x64xf32, #tpu.memory_space<vmem>>, vector<16xf32>,
      %get3A_204 = arith.index_cast %add3A_186 : i32 to index
      %get3A_205 = arith.constant 32 : index
      %get3A_206 = tpu.vector_load %arg15[%get3A_204, %get3A_205] {strides = array<i32>} : memref<128x64xf32, #tpu.memory_space<vmem>>, vector<16xf32>,
      %get3A_207 = arith.index_cast %add3A_186 : i32 to index
      %get3A_208 = arith.constant 48 : index
      %get3A_209 = tpu.vector_load %arg15[%get3A_207, %get3A_208] {strides = array<i32>} : memref<128x64xf32, #tpu.memory_space<vmem>>, vector<16xf32>,
      %add3A_210 = arith.constant 0 : i32
      %add3A_211 = arith.addi %add3A_210, %add3A_186 : i32
      %get3A_212 = arith.index_cast %add3A_211 : i32 to index
      %get3A_213 = arith.constant 0 : index
      %get3A_214 = tpu.vector_load %arg16[%get3A_212, %get3A_213] {strides = array<i32>} : memref<512x64xf32, #tpu.memory_space<vmem>>, vector<16xf32>,
      %add3A_215 = arith.constant 0 : i32
      %add3A_216 = arith.addi %add3A_215, %add3A_186 : i32
      %get3A_217 = arith.index_cast %add3A_216 : i32 to index
      %get3A_218 = arith.constant 16 : index
      %get3A_219 = tpu.vector_load %arg16[%get3A_217, %get3A_218] {strides = array<i32>} : memref<512x64xf32, #tpu.memory_space<vmem>>, vector<16xf32>,
      %add3A_220 = arith.constant 0 : i32
      %add3A_221 = arith.addi %add3A_220, %add3A_186 : i32
      %get3A_222 = arith.index_cast %add3A_221 : i32 to index
      %get3A_223 = arith.constant 32 : index
      %get3A_224 = tpu.vector_load %arg16[%get3A_222, %get3A_223] {strides = array<i32>} : memref<512x64xf32, #tpu.memory_space<vmem>>, vector<16xf32>,
      %add3A_225 = arith.constant 0 : i32
      %add3A_226 = arith.addi %add3A_225, %add3A_186 : i32
      %get3A_227 = arith.index_cast %add3A_226 : i32 to index
      %get3A_228 = arith.constant 48 : index
      %get3A_229 = tpu.vector_load %arg16[%get3A_227, %get3A_228] {strides = array<i32>} : memref<512x64xf32, #tpu.memory_space<vmem>>, vector<16xf32>,
      %add3A_230 = arith.constant 128 : i32
      %add3A_231 = arith.addi %add3A_230, %add3A_186 : i32
      %get3A_232 = arith.index_cast %add3A_231 : i32 to index
      %get3A_233 = arith.constant 0 : index
      %get3A_234 = tpu.vector_load %arg16[%get3A_232, %get3A_233] {strides = array<i32>} : memref<512x64xf32, #tpu.memory_space<vmem>>, vector<16xf32>,
      %add3A_235 = arith.constant 128 : i32
      %add3A_236 = arith.addi %add3A_235, %add3A_186 : i32
      %get3A_237 = arith.index_cast %add3A_236 : i32 to index
      %get3A_238 = arith.constant 16 : index
      %get3A_239 = tpu.vector_load %arg16[%get3A_237, %get3A_238] {strides = array<i32>} : memref<512x64xf32, #tpu.memory_space<vmem>>, vector<16xf32>,
      %add3A_240 = arith.constant 128 : i32
      %add3A_241 = arith.addi %add3A_240, %add3A_186 : i32
      %get3A_242 = arith.index_cast %add3A_241 : i32 to index
      %get3A_243 = arith.constant 32 : index
      %get3A_244 = tpu.vector_load %arg16[%get3A_242, %get3A_243] {strides = array<i32>} : memref<512x64xf32, #tpu.memory_space<vmem>>, vector<16xf32>,
      %add3A_245 = arith.constant 128 : i32
      %add3A_246 = arith.addi %add3A_245, %add3A_186 : i32
      %get3A_247 = arith.index_cast %add3A_246 : i32 to index
      %get3A_248 = arith.constant 48 : index
      %get3A_249 = tpu.vector_load %arg16[%get3A_247, %get3A_248] {strides = array<i32>} : memref<512x64xf32, #tpu.memory_space<vmem>>, vector<16xf32>,
      %add3A_250 = arith.constant 256 : i32
      %add3A_251 = arith.addi %add3A_250, %add3A_186 : i32
      %get3A_252 = arith.index_cast %add3A_251 : i32 to index
      %get3A_253 = arith.constant 0 : index
      %get3A_254 = tpu.vector_load %arg16[%get3A_252, %get3A_253] {strides = array<i32>} : memref<512x64xf32, #tpu.memory_space<vmem>>, vector<16xf32>,
      %add3A_255 = arith.constant 256 : i32
      %add3A_256 = arith.addi %add3A_255, %add3A_186 : i32
      %get3A_257 = arith.index_cast %add3A_256 : i32 to index
      %get3A_258 = arith.constant 16 : index
      %get3A_259 = tpu.vector_load %arg16[%get3A_257, %get3A_258] {strides = array<i32>} : memref<512x64xf32, #tpu.memory_space<vmem>>, vector<16xf32>,
      %add3A_260 = arith.constant 256 : i32
      %add3A_261 = arith.addi %add3A_260, %add3A_186 : i32
      %get3A_262 = arith.index_cast %add3A_261 : i32 to index
      %get3A_263 = arith.constant 32 : index
      %get3A_264 = tpu.vector_load %arg16[%get3A_262, %get3A_263] {strides = array<i32>} : memref<512x64xf32, #tpu.memory_space<vmem>>, vector<16xf32>,
      %add3A_265 = arith.constant 256 : i32
      %add3A_266 = arith.addi %add3A_265, %add3A_186 : i32
      %get3A_267 = arith.index_cast %add3A_266 : i32 to index
      %get3A_268 = arith.constant 48 : index
      %get3A_269 = tpu.vector_load %arg16[%get3A_267, %get3A_268] {strides = array<i32>} : memref<512x64xf32, #tpu.memory_space<vmem>>, vector<16xf32>,
      %add3A_270 = arith.constant 384 : i32
      %add3A_271 = arith.addi %add3A_270, %add3A_186 : i32
      %get3A_272 = arith.index_cast %add3A_271 : i32 to index
      %get3A_273 = arith.constant 0 : index
      %get3A_274 = tpu.vector_load %arg16[%get3A_272, %get3A_273] {strides = array<i32>} : memref<512x64xf32, #tpu.memory_space<vmem>>, vector<16xf32>,
      %add3A_275 = arith.constant 384 : i32
      %add3A_276 = arith.addi %add3A_275, %add3A_186 : i32
      %get3A_277 = arith.index_cast %add3A_276 : i32 to index
      %get3A_278 = arith.constant 16 : index
      %get3A_279 = tpu.vector_load %arg16[%get3A_277, %get3A_278] {strides = array<i32>} : memref<512x64xf32, #tpu.memory_space<vmem>>, vector<16xf32>,
      %add3A_280 = arith.constant 384 : i32
      %add3A_281 = arith.addi %add3A_280, %add3A_186 : i32
      %get3A_282 = arith.index_cast %add3A_281 : i32 to index
      %get3A_283 = arith.constant 32 : index
      %get3A_284 = tpu.vector_load %arg16[%get3A_282, %get3A_283] {strides = array<i32>} : memref<512x64xf32, #tpu.memory_space<vmem>>, vector<16xf32>,
      %add3A_285 = arith.constant 384 : i32
      %add3A_286 = arith.addi %add3A_285, %add3A_186 : i32
      %get3A_287 = arith.index_cast %add3A_286 : i32 to index
      %get3A_288 = arith.constant 48 : index
      %get3A_289 = tpu.vector_load %arg16[%get3A_287, %get3A_288] {strides = array<i32>} : memref<512x64xf32, #tpu.memory_space<vmem>>, vector<16xf32>,
      %mul3A_290 = arith.mulf %get3A_188, %get3A_200 : vector<16xf32>
      %mul3A_291 = arith.mulf %get3A_191, %get3A_203 : vector<16xf32>
      %add3A_292 = arith.addf %mul3A_290, %mul3A_291 : vector<16xf32>
      %mul3A_293 = arith.mulf %get3A_194, %get3A_206 : vector<16xf32>
      %mul3A_294 = arith.mulf %get3A_197, %get3A_209 : vector<16xf32>
      %add3A_295 = arith.addf %mul3A_293, %mul3A_294 : vector<16xf32>
      %add3A_296 = arith.addf %add3A_292, %add3A_295 : vector<16xf32>
      %broadcast_in_dim3A = arith.constant true
      %broadcast_in_dim3A_297 = vector.broadcast %broadcast_in_dim3A : i1 to vector<16xi1>
      %masked_cumsum3A = tpu.scan <sum>, %add3A_296 masked %broadcast_in_dim3A_297 : vector<16xf32>, vector<16xi1> -> vector<16xf32>
      %mul3A_298 = arith.mulf %get3A_188, %get3A_214 : vector<16xf32>
      %mul3A_299 = arith.mulf %get3A_191, %get3A_219 : vector<16xf32>
      %add3A_300 = arith.addf %mul3A_298, %mul3A_299 : vector<16xf32>
      %mul3A_301 = arith.mulf %get3A_194, %get3A_224 : vector<16xf32>
      %mul3A_302 = arith.mulf %get3A_197, %get3A_229 : vector<16xf32>
      %add3A_303 = arith.addf %mul3A_301, %mul3A_302 : vector<16xf32>
      %add3A_304 = arith.addf %add3A_300, %add3A_303 : vector<16xf32>
      %broadcast_in_dim3A_305 = arith.constant true
      %broadcast_in_dim3A_306 = vector.broadcast %broadcast_in_dim3A_305 : i1 to vector<16xi1>
      %masked_cumsum3A_307 = tpu.scan <sum>, %add3A_304 masked %broadcast_in_dim3A_306 : vector<16xf32>, vector<16xi1> -> vector<16xf32>
      %mul3A_308 = arith.mulf %get3A_188, %get3A_234 : vector<16xf32>
      %mul3A_309 = arith.mulf %get3A_191, %get3A_239 : vector<16xf32>
      %add3A_310 = arith.addf %mul3A_308, %mul3A_309 : vector<16xf32>
      %mul3A_311 = arith.mulf %get3A_194, %get3A_244 : vector<16xf32>
      %mul3A_312 = arith.mulf %get3A_197, %get3A_249 : vector<16xf32>
      %add3A_313 = arith.addf %mul3A_311, %mul3A_312 : vector<16xf32>
      %add3A_314 = arith.addf %add3A_310, %add3A_313 : vector<16xf32>
      %broadcast_in_dim3A_315 = arith.constant true
      %broadcast_in_dim3A_316 = vector.broadcast %broadcast_in_dim3A_315 : i1 to vector<16xi1>
      %masked_cumsum3A_317 = tpu.scan <sum>, %add3A_314 masked %broadcast_in_dim3A_316 : vector<16xf32>, vector<16xi1> -> vector<16xf32>
      %mul3A_318 = arith.mulf %get3A_188, %get3A_254 : vector<16xf32>
      %mul3A_319 = arith.mulf %get3A_191, %get3A_259 : vector<16xf32>
      %add3A_320 = arith.addf %mul3A_318, %mul3A_319 : vector<16xf32>
      %mul3A_321 = arith.mulf %get3A_194, %get3A_264 : vector<16xf32>
      %mul3A_322 = arith.mulf %get3A_197, %get3A_269 : vector<16xf32>
      %add3A_323 = arith.addf %mul3A_321, %mul3A_322 : vector<16xf32>
      %add3A_324 = arith.addf %add3A_320, %add3A_323 : vector<16xf32>
      %broadcast_in_dim3A_325 = arith.constant true
      %broadcast_in_dim3A_326 = vector.broadcast %broadcast_in_dim3A_325 : i1 to vector<16xi1>
      %masked_cumsum3A_327 = tpu.scan <sum>, %add3A_324 masked %broadcast_in_dim3A_326 : vector<16xf32>, vector<16xi1> -> vector<16xf32>
      %mul3A_328 = arith.mulf %get3A_188, %get3A_274 : vector<16xf32>
      %mul3A_329 = arith.mulf %get3A_191, %get3A_279 : vector<16xf32>
      %add3A_330 = arith.addf %mul3A_328, %mul3A_329 : vector<16xf32>
      %mul3A_331 = arith.mulf %get3A_194, %get3A_284 : vector<16xf32>
      %mul3A_332 = arith.mulf %get3A_197, %get3A_289 : vector<16xf32>
      %add3A_333 = arith.addf %mul3A_331, %mul3A_332 : vector<16xf32>
      %add3A_334 = arith.addf %add3A_330, %add3A_333 : vector<16xf32>
      %broadcast_in_dim3A_335 = arith.constant true
      %broadcast_in_dim3A_336 = vector.broadcast %broadcast_in_dim3A_335 : i1 to vector<16xi1>
      %masked_cumsum3A_337 = tpu.scan <sum>, %add3A_334 masked %broadcast_in_dim3A_336 : vector<16xf32>, vector<16xi1> -> vector<16xf32>
      %broadcast_in_dim3A_338 = vector.broadcast %add3A_186 : i32 to vector<16xi32>
      %broadcast_in_dim3A_339 = arith.constant 0 : i32
      %broadcast_in_dim3A_340 = vector.broadcast %broadcast_in_dim3A_339 : i32 to vector<16xi32>
      tpu.vector_store_idx %arg17[%broadcast_in_dim3A_338, %broadcast_in_dim3A_340], %masked_cumsum3A masked %eq3A_174 : memref<128x5xf32, #tpu.memory_space<vmem>>[vector<16xi32>, vector<16xi32>], vector<16xf32>, vector<16xi1>
      %broadcast_in_dim3A_341 = arith.constant 1 : i32
      %broadcast_in_dim3A_342 = vector.broadcast %broadcast_in_dim3A_341 : i32 to vector<16xi32>
      tpu.vector_store_idx %arg17[%broadcast_in_dim3A_338, %broadcast_in_dim3A_342], %masked_cumsum3A_307 masked %eq3A_174 : memref<128x5xf32, #tpu.memory_space<vmem>>[vector<16xi32>, vector<16xi32>], vector<16xf32>, vector<16xi1>
      %broadcast_in_dim3A_343 = arith.constant 2 : i32
      %broadcast_in_dim3A_344 = vector.broadcast %broadcast_in_dim3A_343 : i32 to vector<16xi32>
      tpu.vector_store_idx %arg17[%broadcast_in_dim3A_338, %broadcast_in_dim3A_344], %masked_cumsum3A_317 masked %eq3A_174 : memref<128x5xf32, #tpu.memory_space<vmem>>[vector<16xi32>, vector<16xi32>], vector<16xf32>, vector<16xi1>
      %broadcast_in_dim3A_345 = arith.constant 3 : i32
      %broadcast_in_dim3A_346 = vector.broadcast %broadcast_in_dim3A_345 : i32 to vector<16xi32>
      tpu.vector_store_idx %arg17[%broadcast_in_dim3A_338, %broadcast_in_dim3A_346], %masked_cumsum3A_327 masked %eq3A_174 : memref<128x5xf32, #tpu.memory_space<vmem>>[vector<16xi32>, vector<16xi32>], vector<16xf32>, vector<16xi1>
      %broadcast_in_dim3A_347 = arith.constant 4 : i32
      %broadcast_in_dim3A_348 = vector.broadcast %broadcast_in_dim3A_347 : i32 to vector<16xi32>
      tpu.vector_store_idx %arg17[%broadcast_in_dim3A_338, %broadcast_in_dim3A_348], %masked_cumsum3A_337 masked %eq3A_174 : memref<128x5xf32, #tpu.memory_space<vmem>>[vector<16xi32>, vector<16xi32>], vector<16xf32>, vector<16xi1>
      %mul3A_349 = arith.constant 16 : i32
      %mul3A_350 = arith.muli %scan3A_181, %mul3A_349 : i32
      %add3A_351 = arith.constant 1 : i32
      %add3A_352 = arith.addi %mul3A_350, %add3A_351 : i32
      %get3A_353 = arith.index_cast %add3A_352 : i32 to index
      %get3A_354 = arith.constant 0 : index
      %get3A_355 = tpu.vector_load %arg14[%get3A_353, %get3A_354] {strides = array<i32>} : memref<128x64xf32, #tpu.memory_space<vmem>>, vector<16xf32>,
      %get3A_356 = arith.index_cast %add3A_352 : i32 to index
      %get3A_357 = arith.constant 16 : index
      %get3A_358 = tpu.vector_load %arg14[%get3A_356, %get3A_357] {strides = array<i32>} : memref<128x64xf32, #tpu.memory_space<vmem>>, vector<16xf32>,
      %get3A_359 = arith.index_cast %add3A_352 : i32 to index
      %get3A_360 = arith.constant 32 : index
      %get3A_361 = tpu.vector_load %arg14[%get3A_359, %get3A_360] {strides = array<i32>} : memref<128x64xf32, #tpu.memory_space<vmem>>, vector<16xf32>,
      %get3A_362 = arith.index_cast %add3A_352 : i32 to index
      %get3A_363 = arith.constant 48 : index
      %get3A_364 = tpu.vector_load %arg14[%get3A_362, %get3A_363] {strides = array<i32>} : memref<128x64xf32, #tpu.memory_space<vmem>>, vector<16xf32>,
      %get3A_365 = arith.index_cast %add3A_352 : i32 to index
      %get3A_366 = arith.constant 0 : index
      %get3A_367 = tpu.vector_load %arg15[%get3A_365, %get3A_366] {strides = array<i32>} : memref<128x64xf32, #tpu.memory_space<vmem>>, vector<16xf32>,
      %get3A_368 = arith.index_cast %add3A_352 : i32 to index
      %get3A_369 = arith.constant 16 : index
      %get3A_370 = tpu.vector_load %arg15[%get3A_368, %get3A_369] {strides = array<i32>} : memref<128x64xf32, #tpu.memory_space<vmem>>, vector<16xf32>,
      %get3A_371 = arith.index_cast %add3A_352 : i32 to index
      %get3A_372 = arith.constant 32 : index
      %get3A_373 = tpu.vector_load %arg15[%get3A_371, %get3A_372] {strides = array<i32>} : memref<128x64xf32, #tpu.memory_space<vmem>>, vector<16xf32>,
      %get3A_374 = arith.index_cast %add3A_352 : i32 to index
      %get3A_375 = arith.constant 48 : index
      %get3A_376 = tpu.vector_load %arg15[%get3A_374, %get3A_375] {strides = array<i32>} : memref<128x64xf32, #tpu.memory_space<vmem>>, vector<16xf32>,
      %add3A_377 = arith.constant 0 : i32
      %add3A_378 = arith.addi %add3A_377, %add3A_352 : i32
      %get3A_379 = arith.index_cast %add3A_378 : i32 to index
      %get3A_380 = arith.constant 0 : index
      %get3A_381 = tpu.vector_load %arg16[%get3A_379, %get3A_380] {strides = array<i32>} : memref<512x64xf32, #tpu.memory_space<vmem>>, vector<16xf32>,
      %add3A_382 = arith.constant 0 : i32
      %add3A_383 = arith.addi %add3A_382, %add3A_352 : i32
      %get3A_384 = arith.index_cast %add3A_383 : i32 to index
      %get3A_385 = arith.constant 16 : index
      %get3A_386 = tpu.vector_load %arg16[%get3A_384, %get3A_385] {strides = array<i32>} : memref<512x64xf32, #tpu.memory_space<vmem>>, vector<16xf32>,
      %add3A_387 = arith.constant 0 : i32
      %add3A_388 = arith.addi %add3A_387, %add3A_352 : i32
      %get3A_389 = arith.index_cast %add3A_388 : i32 to index
      %get3A_390 = arith.constant 32 : index
      %get3A_391 = tpu.vector_load %arg16[%get3A_389, %get3A_390] {strides = array<i32>} : memref<512x64xf32, #tpu.memory_space<vmem>>, vector<16xf32>,
      %add3A_392 = arith.constant 0 : i32
      %add3A_393 = arith.addi %add3A_392, %add3A_352 : i32
      %get3A_394 = arith.index_cast %add3A_393 : i32 to index
      %get3A_395 = arith.constant 48 : index
      %get3A_396 = tpu.vector_load %arg16[%get3A_394, %get3A_395] {strides = array<i32>} : memref<512x64xf32, #tpu.memory_space<vmem>>, vector<16xf32>,
      %add3A_397 = arith.constant 128 : i32
      %add3A_398 = arith.addi %add3A_397, %add3A_352 : i32
      %get3A_399 = arith.index_cast %add3A_398 : i32 to index
      %get3A_400 = arith.constant 0 : index
      %get3A_401 = tpu.vector_load %arg16[%get3A_399, %get3A_400] {strides = array<i32>} : memref<512x64xf32, #tpu.memory_space<vmem>>, vector<16xf32>,
      %add3A_402 = arith.constant 128 : i32
      %add3A_403 = arith.addi %add3A_402, %add3A_352 : i32
      %get3A_404 = arith.index_cast %add3A_403 : i32 to index
      %get3A_405 = arith.constant 16 : index
      %get3A_406 = tpu.vector_load %arg16[%get3A_404, %get3A_405] {strides = array<i32>} : memref<512x64xf32, #tpu.memory_space<vmem>>, vector<16xf32>,
      %add3A_407 = arith.constant 128 : i32
      %add3A_408 = arith.addi %add3A_407, %add3A_352 : i32
      %get3A_409 = arith.index_cast %add3A_408 : i32 to index
      %get3A_410 = arith.constant 32 : index
      %get3A_411 = tpu.vector_load %arg16[%get3A_409, %get3A_410] {strides = array<i32>} : memref<512x64xf32, #tpu.memory_space<vmem>>, vector<16xf32>,
      %add3A_412 = arith.constant 128 : i32
      %add3A_413 = arith.addi %add3A_412, %add3A_352 : i32
      %get3A_414 = arith.index_cast %add3A_413 : i32 to index
      %get3A_415 = arith.constant 48 : index
      %get3A_416 = tpu.vector_load %arg16[%get3A_414, %get3A_415] {strides = array<i32>} : memref<512x64xf32, #tpu.memory_space<vmem>>, vector<16xf32>,
      %add3A_417 = arith.constant 256 : i32
      %add3A_418 = arith.addi %add3A_417, %add3A_352 : i32
      %get3A_419 = arith.index_cast %add3A_418 : i32 to index
      %get3A_420 = arith.constant 0 : index
      %get3A_421 = tpu.vector_load %arg16[%get3A_419, %get3A_420] {strides = array<i32>} : memref<512x64xf32, #tpu.memory_space<vmem>>, vector<16xf32>,
      %add3A_422 = arith.constant 256 : i32
      %add3A_423 = arith.addi %add3A_422, %add3A_352 : i32
      %get3A_424 = arith.index_cast %add3A_423 : i32 to index
      %get3A_425 = arith.constant 16 : index
      %get3A_426 = tpu.vector_load %arg16[%get3A_424, %get3A_425] {strides = array<i32>} : memref<512x64xf32, #tpu.memory_space<vmem>>, vector<16xf32>,
      %add3A_427 = arith.constant 256 : i32
      %add3A_428 = arith.addi %add3A_427, %add3A_352 : i32
      %get3A_429 = arith.index_cast %add3A_428 : i32 to index
      %get3A_430 = arith.constant 32 : index
      %get3A_431 = tpu.vector_load %arg16[%get3A_429, %get3A_430] {strides = array<i32>} : memref<512x64xf32, #tpu.memory_space<vmem>>, vector<16xf32>,
      %add3A_432 = arith.constant 256 : i32
      %add3A_433 = arith.addi %add3A_432, %add3A_352 : i32
      %get3A_434 = arith.index_cast %add3A_433 : i32 to index
      %get3A_435 = arith.constant 48 : index
      %get3A_436 = tpu.vector_load %arg16[%get3A_434, %get3A_435] {strides = array<i32>} : memref<512x64xf32, #tpu.memory_space<vmem>>, vector<16xf32>,
      %add3A_437 = arith.constant 384 : i32
      %add3A_438 = arith.addi %add3A_437, %add3A_352 : i32
      %get3A_439 = arith.index_cast %add3A_438 : i32 to index
      %get3A_440 = arith.constant 0 : index
      %get3A_441 = tpu.vector_load %arg16[%get3A_439, %get3A_440] {strides = array<i32>} : memref<512x64xf32, #tpu.memory_space<vmem>>, vector<16xf32>,
      %add3A_442 = arith.constant 384 : i32
      %add3A_443 = arith.addi %add3A_442, %add3A_352 : i32
      %get3A_444 = arith.index_cast %add3A_443 : i32 to index
      %get3A_445 = arith.constant 16 : index
      %get3A_446 = tpu.vector_load %arg16[%get3A_444, %get3A_445] {strides = array<i32>} : memref<512x64xf32, #tpu.memory_space<vmem>>, vector<16xf32>,
      %add3A_447 = arith.constant 384 : i32
      %add3A_448 = arith.addi %add3A_447, %add3A_352 : i32
      %get3A_449 = arith.index_cast %add3A_448 : i32 to index
      %get3A_450 = arith.constant 32 : index
      %get3A_451 = tpu.vector_load %arg16[%get3A_449, %get3A_450] {strides = array<i32>} : memref<512x64xf32, #tpu.memory_space<vmem>>, vector<16xf32>,
      %add3A_452 = arith.constant 384 : i32
      %add3A_453 = arith.addi %add3A_452, %add3A_352 : i32
      %get3A_454 = arith.index_cast %add3A_453 : i32 to index
      %get3A_455 = arith.constant 48 : index
      %get3A_456 = tpu.vector_load %arg16[%get3A_454, %get3A_455] {strides = array<i32>} : memref<512x64xf32, #tpu.memory_space<vmem>>, vector<16xf32>,
      %mul3A_457 = arith.mulf %get3A_355, %get3A_367 : vector<16xf32>
      %mul3A_458 = arith.mulf %get3A_358, %get3A_370 : vector<16xf32>
      %add3A_459 = arith.addf %mul3A_457, %mul3A_458 : vector<16xf32>
      %mul3A_460 = arith.mulf %get3A_361, %get3A_373 : vector<16xf32>
      %mul3A_461 = arith.mulf %get3A_364, %get3A_376 : vector<16xf32>
      %add3A_462 = arith.addf %mul3A_460, %mul3A_461 : vector<16xf32>
      %add3A_463 = arith.addf %add3A_459, %add3A_462 : vector<16xf32>
      %broadcast_in_dim3A_464 = arith.constant true
      %broadcast_in_dim3A_465 = vector.broadcast %broadcast_in_dim3A_464 : i1 to vector<16xi1>
      %masked_cumsum3A_466 = tpu.scan <sum>, %add3A_463 masked %broadcast_in_dim3A_465 : vector<16xf32>, vector<16xi1> -> vector<16xf32>
      %mul3A_467 = arith.mulf %get3A_355, %get3A_381 : vector<16xf32>
      %mul3A_468 = arith.mulf %get3A_358, %get3A_386 : vector<16xf32>
      %add3A_469 = arith.addf %mul3A_467, %mul3A_468 : vector<16xf32>
      %mul3A_470 = arith.mulf %get3A_361, %get3A_391 : vector<16xf32>
      %mul3A_471 = arith.mulf %get3A_364, %get3A_396 : vector<16xf32>
      %add3A_472 = arith.addf %mul3A_470, %mul3A_471 : vector<16xf32>
      %add3A_473 = arith.addf %add3A_469, %add3A_472 : vector<16xf32>
      %broadcast_in_dim3A_474 = arith.constant true
      %broadcast_in_dim3A_475 = vector.broadcast %broadcast_in_dim3A_474 : i1 to vector<16xi1>
      %masked_cumsum3A_476 = tpu.scan <sum>, %add3A_473 masked %broadcast_in_dim3A_475 : vector<16xf32>, vector<16xi1> -> vector<16xf32>
      %mul3A_477 = arith.mulf %get3A_355, %get3A_401 : vector<16xf32>
      %mul3A_478 = arith.mulf %get3A_358, %get3A_406 : vector<16xf32>
      %add3A_479 = arith.addf %mul3A_477, %mul3A_478 : vector<16xf32>
      %mul3A_480 = arith.mulf %get3A_361, %get3A_411 : vector<16xf32>
      %mul3A_481 = arith.mulf %get3A_364, %get3A_416 : vector<16xf32>
      %add3A_482 = arith.addf %mul3A_480, %mul3A_481 : vector<16xf32>
      %add3A_483 = arith.addf %add3A_479, %add3A_482 : vector<16xf32>
      %broadcast_in_dim3A_484 = arith.constant true
      %broadcast_in_dim3A_485 = vector.broadcast %broadcast_in_dim3A_484 : i1 to vector<16xi1>
      %masked_cumsum3A_486 = tpu.scan <sum>, %add3A_483 masked %broadcast_in_dim3A_485 : vector<16xf32>, vector<16xi1> -> vector<16xf32>
      %mul3A_487 = arith.mulf %get3A_355, %get3A_421 : vector<16xf32>
      %mul3A_488 = arith.mulf %get3A_358, %get3A_426 : vector<16xf32>
      %add3A_489 = arith.addf %mul3A_487, %mul3A_488 : vector<16xf32>
      %mul3A_490 = arith.mulf %get3A_361, %get3A_431 : vector<16xf32>
      %mul3A_491 = arith.mulf %get3A_364, %get3A_436 : vector<16xf32>
      %add3A_492 = arith.addf %mul3A_490, %mul3A_491 : vector<16xf32>
      %add3A_493 = arith.addf %add3A_489, %add3A_492 : vector<16xf32>
      %broadcast_in_dim3A_494 = arith.constant true
      %broadcast_in_dim3A_495 = vector.broadcast %broadcast_in_dim3A_494 : i1 to vector<16xi1>
      %masked_cumsum3A_496 = tpu.scan <sum>, %add3A_493 masked %broadcast_in_dim3A_495 : vector<16xf32>, vector<16xi1> -> vector<16xf32>
      %mul3A_497 = arith.mulf %get3A_355, %get3A_441 : vector<16xf32>
      %mul3A_498 = arith.mulf %get3A_358, %get3A_446 : vector<16xf32>
      %add3A_499 = arith.addf %mul3A_497, %mul3A_498 : vector<16xf32>
      %mul3A_500 = arith.mulf %get3A_361, %get3A_451 : vector<16xf32>
      %mul3A_501 = arith.mulf %get3A_364, %get3A_456 : vector<16xf32>
      %add3A_502 = arith.addf %mul3A_500, %mul3A_501 : vector<16xf32>
      %add3A_503 = arith.addf %add3A_499, %add3A_502 : vector<16xf32>
      %broadcast_in_dim3A_504 = arith.constant true
      %broadcast_in_dim3A_505 = vector.broadcast %broadcast_in_dim3A_504 : i1 to vector<16xi1>
      %masked_cumsum3A_506 = tpu.scan <sum>, %add3A_503 masked %broadcast_in_dim3A_505 : vector<16xf32>, vector<16xi1> -> vector<16xf32>
      %broadcast_in_dim3A_507 = vector.broadcast %add3A_352 : i32 to vector<16xi32>
      %broadcast_in_dim3A_508 = arith.constant 0 : i32
      %broadcast_in_dim3A_509 = vector.broadcast %broadcast_in_dim3A_508 : i32 to vector<16xi32>
      tpu.vector_store_idx %arg17[%broadcast_in_dim3A_507, %broadcast_in_dim3A_509], %masked_cumsum3A_466 masked %eq3A_174 : memref<128x5xf32, #tpu.memory_space<vmem>>[vector<16xi32>, vector<16xi32>], vector<16xf32>, vector<16xi1>
      %broadcast_in_dim3A_510 = arith.constant 1 : i32
      %broadcast_in_dim3A_511 = vector.broadcast %broadcast_in_dim3A_510 : i32 to vector<16xi32>
      tpu.vector_store_idx %arg17[%broadcast_in_dim3A_507, %broadcast_in_dim3A_511], %masked_cumsum3A_476 masked %eq3A_174 : memref<128x5xf32, #tpu.memory_space<vmem>>[vector<16xi32>, vector<16xi32>], vector<16xf32>, vector<16xi1>
      %broadcast_in_dim3A_512 = arith.constant 2 : i32
      %broadcast_in_dim3A_513 = vector.broadcast %broadcast_in_dim3A_512 : i32 to vector<16xi32>
      tpu.vector_store_idx %arg17[%broadcast_in_dim3A_507, %broadcast_in_dim3A_513], %masked_cumsum3A_486 masked %eq3A_174 : memref<128x5xf32, #tpu.memory_space<vmem>>[vector<16xi32>, vector<16xi32>], vector<16xf32>, vector<16xi1>
      %broadcast_in_dim3A_514 = arith.constant 3 : i32
      %broadcast_in_dim3A_515 = vector.broadcast %broadcast_in_dim3A_514 : i32 to vector<16xi32>
      tpu.vector_store_idx %arg17[%broadcast_in_dim3A_507, %broadcast_in_dim3A_515], %masked_cumsum3A_496 masked %eq3A_174 : memref<128x5xf32, #tpu.memory_space<vmem>>[vector<16xi32>, vector<16xi32>], vector<16xf32>, vector<16xi1>
      %broadcast_in_dim3A_516 = arith.constant 4 : i32
      %broadcast_in_dim3A_517 = vector.broadcast %broadcast_in_dim3A_516 : i32 to vector<16xi32>
      tpu.vector_store_idx %arg17[%broadcast_in_dim3A_507, %broadcast_in_dim3A_517], %masked_cumsum3A_506 masked %eq3A_174 : memref<128x5xf32, #tpu.memory_space<vmem>>[vector<16xi32>, vector<16xi32>], vector<16xf32>, vector<16xi1>
      %mul3A_518 = arith.constant 16 : i32
      %mul3A_519 = arith.muli %scan3A_181, %mul3A_518 : i32
      %add3A_520 = arith.constant 2 : i32
      %add3A_521 = arith.addi %mul3A_519, %add3A_520 : i32
      %get3A_522 = arith.index_cast %add3A_521 : i32 to index
      %get3A_523 = arith.constant 0 : index
      %get3A_524 = tpu.vector_load %arg14[%get3A_522, %get3A_523] {strides = array<i32>} : memref<128x64xf32, #tpu.memory_space<vmem>>, vector<16xf32>,
      %get3A_525 = arith.index_cast %add3A_521 : i32 to index
      %get3A_526 = arith.constant 16 : index
      %get3A_527 = tpu.vector_load %arg14[%get3A_525, %get3A_526] {strides = array<i32>} : memref<128x64xf32, #tpu.memory_space<vmem>>, vector<16xf32>,
      %get3A_528 = arith.index_cast %add3A_521 : i32 to index
      %get3A_529 = arith.constant 32 : index
      %get3A_530 = tpu.vector_load %arg14[%get3A_528, %get3A_529] {strides = array<i32>} : memref<128x64xf32, #tpu.memory_space<vmem>>, vector<16xf32>,
      %get3A_531 = arith.index_cast %add3A_521 : i32 to index
      %get3A_532 = arith.constant 48 : index
      %get3A_533 = tpu.vector_load %arg14[%get3A_531, %get3A_532] {strides = array<i32>} : memref<128x64xf32, #tpu.memory_space<vmem>>, vector<16xf32>,
      %get3A_534 = arith.index_cast %add3A_521 : i32 to index
      %get3A_535 = arith.constant 0 : index
      %get3A_536 = tpu.vector_load %arg15[%get3A_534, %get3A_535] {strides = array<i32>} : memref<128x64xf32, #tpu.memory_space<vmem>>, vector<16xf32>,
      %get3A_537 = arith.index_cast %add3A_521 : i32 to index
      %get3A_538 = arith.constant 16 : index
      %get3A_539 = tpu.vector_load %arg15[%get3A_537, %get3A_538] {strides = array<i32>} : memref<128x64xf32, #tpu.memory_space<vmem>>, vector<16xf32>,
      %get3A_540 = arith.index_cast %add3A_521 : i32 to index
      %get3A_541 = arith.constant 32 : index
      %get3A_542 = tpu.vector_load %arg15[%get3A_540, %get3A_541] {strides = array<i32>} : memref<128x64xf32, #tpu.memory_space<vmem>>, vector<16xf32>,
      %get3A_543 = arith.index_cast %add3A_521 : i32 to index
      %get3A_544 = arith.constant 48 : index
      %get3A_545 = tpu.vector_load %arg15[%get3A_543, %get3A_544] {strides = array<i32>} : memref<128x64xf32, #tpu.memory_space<vmem>>, vector<16xf32>,
      %add3A_546 = arith.constant 0 : i32
      %add3A_547 = arith.addi %add3A_546, %add3A_521 : i32
      %get3A_548 = arith.index_cast %add3A_547 : i32 to index
      %get3A_549 = arith.constant 0 : index
      %get3A_550 = tpu.vector_load %arg16[%get3A_548, %get3A_549] {strides = array<i32>} : memref<512x64xf32, #tpu.memory_space<vmem>>, vector<16xf32>,
      %add3A_551 = arith.constant 0 : i32
      %add3A_552 = arith.addi %add3A_551, %add3A_521 : i32
      %get3A_553 = arith.index_cast %add3A_552 : i32 to index
      %get3A_554 = arith.constant 16 : index
      %get3A_555 = tpu.vector_load %arg16[%get3A_553, %get3A_554] {strides = array<i32>} : memref<512x64xf32, #tpu.memory_space<vmem>>, vector<16xf32>,
      %add3A_556 = arith.constant 0 : i32
      %add3A_557 = arith.addi %add3A_556, %add3A_521 : i32
      %get3A_558 = arith.index_cast %add3A_557 : i32 to index
      %get3A_559 = arith.constant 32 : index
      %get3A_560 = tpu.vector_load %arg16[%get3A_558, %get3A_559] {strides = array<i32>} : memref<512x64xf32, #tpu.memory_space<vmem>>, vector<16xf32>,
      %add3A_561 = arith.constant 0 : i32
      %add3A_562 = arith.addi %add3A_561, %add3A_521 : i32
      %get3A_563 = arith.index_cast %add3A_562 : i32 to index
      %get3A_564 = arith.constant 48 : index
      %get3A_565 = tpu.vector_load %arg16[%get3A_563, %get3A_564] {strides = array<i32>} : memref<512x64xf32, #tpu.memory_space<vmem>>, vector<16xf32>,
      %add3A_566 = arith.constant 128 : i32
      %add3A_567 = arith.addi %add3A_566, %add3A_521 : i32
      %get3A_568 = arith.index_cast %add3A_567 : i32 to index
      %get3A_569 = arith.constant 0 : index
      %get3A_570 = tpu.vector_load %arg16[%get3A_568, %get3A_569] {strides = array<i32>} : memref<512x64xf32, #tpu.memory_space<vmem>>, vector<16xf32>,
      %add3A_571 = arith.constant 128 : i32
      %add3A_572 = arith.addi %add3A_571, %add3A_521 : i32
      %get3A_573 = arith.index_cast %add3A_572 : i32 to index
      %get3A_574 = arith.constant 16 : index
      %get3A_575 = tpu.vector_load %arg16[%get3A_573, %get3A_574] {strides = array<i32>} : memref<512x64xf32, #tpu.memory_space<vmem>>, vector<16xf32>,
      %add3A_576 = arith.constant 128 : i32
      %add3A_577 = arith.addi %add3A_576, %add3A_521 : i32
      %get3A_578 = arith.index_cast %add3A_577 : i32 to index
      %get3A_579 = arith.constant 32 : index
      %get3A_580 = tpu.vector_load %arg16[%get3A_578, %get3A_579] {strides = array<i32>} : memref<512x64xf32, #tpu.memory_space<vmem>>, vector<16xf32>,
      %add3A_581 = arith.constant 128 : i32
      %add3A_582 = arith.addi %add3A_581, %add3A_521 : i32
      %get3A_583 = arith.index_cast %add3A_582 : i32 to index
      %get3A_584 = arith.constant 48 : index
      %get3A_585 = tpu.vector_load %arg16[%get3A_583, %get3A_584] {strides = array<i32>} : memref<512x64xf32, #tpu.memory_space<vmem>>, vector<16xf32>,
      %add3A_586 = arith.constant 256 : i32
      %add3A_587 = arith.addi %add3A_586, %add3A_521 : i32
      %get3A_588 = arith.index_cast %add3A_587 : i32 to index
      %get3A_589 = arith.constant 0 : index
      %get3A_590 = tpu.vector_load %arg16[%get3A_588, %get3A_589] {strides = array<i32>} : memref<512x64xf32, #tpu.memory_space<vmem>>, vector<16xf32>,
      %add3A_591 = arith.constant 256 : i32
      %add3A_592 = arith.addi %add3A_591, %add3A_521 : i32
      %get3A_593 = arith.index_cast %add3A_592 : i32 to index
      %get3A_594 = arith.constant 16 : index
      %get3A_595 = tpu.vector_load %arg16[%get3A_593, %get3A_594] {strides = array<i32>} : memref<512x64xf32, #tpu.memory_space<vmem>>, vector<16xf32>,
      %add3A_596 = arith.constant 256 : i32
      %add3A_597 = arith.addi %add3A_596, %add3A_521 : i32
      %get3A_598 = arith.index_cast %add3A_597 : i32 to index
      %get3A_599 = arith.constant 32 : index
      %get3A_600 = tpu.vector_load %arg16[%get3A_598, %get3A_599] {strides = array<i32>} : memref<512x64xf32, #tpu.memory_space<vmem>>, vector<16xf32>,
      %add3A_601 = arith.constant 256 : i32
      %add3A_602 = arith.addi %add3A_601, %add3A_521 : i32
      %get3A_603 = arith.index_cast %add3A_602 : i32 to index
      %get3A_604 = arith.constant 48 : index
      %get3A_605 = tpu.vector_load %arg16[%get3A_603, %get3A_604] {strides = array<i32>} : memref<512x64xf32, #tpu.memory_space<vmem>>, vector<16xf32>,
      %add3A_606 = arith.constant 384 : i32
      %add3A_607 = arith.addi %add3A_606, %add3A_521 : i32
      %get3A_608 = arith.index_cast %add3A_607 : i32 to index
      %get3A_609 = arith.constant 0 : index
      %get3A_610 = tpu.vector_load %arg16[%get3A_608, %get3A_609] {strides = array<i32>} : memref<512x64xf32, #tpu.memory_space<vmem>>, vector<16xf32>,
      %add3A_611 = arith.constant 384 : i32
      %add3A_612 = arith.addi %add3A_611, %add3A_521 : i32
      %get3A_613 = arith.index_cast %add3A_612 : i32 to index
      %get3A_614 = arith.constant 16 : index
      %get3A_615 = tpu.vector_load %arg16[%get3A_613, %get3A_614] {strides = array<i32>} : memref<512x64xf32, #tpu.memory_space<vmem>>, vector<16xf32>,
      %add3A_616 = arith.constant 384 : i32
      %add3A_617 = arith.addi %add3A_616, %add3A_521 : i32
      %get3A_618 = arith.index_cast %add3A_617 : i32 to index
      %get3A_619 = arith.constant 32 : index
      %get3A_620 = tpu.vector_load %arg16[%get3A_618, %get3A_619] {strides = array<i32>} : memref<512x64xf32, #tpu.memory_space<vmem>>, vector<16xf32>,
      %add3A_621 = arith.constant 384 : i32
      %add3A_622 = arith.addi %add3A_621, %add3A_521 : i32
      %get3A_623 = arith.index_cast %add3A_622 : i32 to index
      %get3A_624 = arith.constant 48 : index
      %get3A_625 = tpu.vector_load %arg16[%get3A_623, %get3A_624] {strides = array<i32>} : memref<512x64xf32, #tpu.memory_space<vmem>>, vector<16xf32>,
      %mul3A_626 = arith.mulf %get3A_524, %get3A_536 : vector<16xf32>
      %mul3A_627 = arith.mulf %get3A_527, %get3A_539 : vector<16xf32>
      %add3A_628 = arith.addf %mul3A_626, %mul3A_627 : vector<16xf32>
      %mul3A_629 = arith.mulf %get3A_530, %get3A_542 : vector<16xf32>
      %mul3A_630 = arith.mulf %get3A_533, %get3A_545 : vector<16xf32>
      %add3A_631 = arith.addf %mul3A_629, %mul3A_630 : vector<16xf32>
      %add3A_632 = arith.addf %add3A_628, %add3A_631 : vector<16xf32>
      %broadcast_in_dim3A_633 = arith.constant true
      %broadcast_in_dim3A_634 = vector.broadcast %broadcast_in_dim3A_633 : i1 to vector<16xi1>
      %masked_cumsum3A_635 = tpu.scan <sum>, %add3A_632 masked %broadcast_in_dim3A_634 : vector<16xf32>, vector<16xi1> -> vector<16xf32>
      %mul3A_636 = arith.mulf %get3A_524, %get3A_550 : vector<16xf32>
      %mul3A_637 = arith.mulf %get3A_527, %get3A_555 : vector<16xf32>
      %add3A_638 = arith.addf %mul3A_636, %mul3A_637 : vector<16xf32>
      %mul3A_639 = arith.mulf %get3A_530, %get3A_560 : vector<16xf32>
      %mul3A_640 = arith.mulf %get3A_533, %get3A_565 : vector<16xf32>
      %add3A_641 = arith.addf %mul3A_639, %mul3A_640 : vector<16xf32>
      %add3A_642 = arith.addf %add3A_638, %add3A_641 : vector<16xf32>
      %broadcast_in_dim3A_643 = arith.constant true
      %broadcast_in_dim3A_644 = vector.broadcast %broadcast_in_dim3A_643 : i1 to vector<16xi1>
      %masked_cumsum3A_645 = tpu.scan <sum>, %add3A_642 masked %broadcast_in_dim3A_644 : vector<16xf32>, vector<16xi1> -> vector<16xf32>
      %mul3A_646 = arith.mulf %get3A_524, %get3A_570 : vector<16xf32>
      %mul3A_647 = arith.mulf %get3A_527, %get3A_575 : vector<16xf32>
      %add3A_648 = arith.addf %mul3A_646, %mul3A_647 : vector<16xf32>
      %mul3A_649 = arith.mulf %get3A_530, %get3A_580 : vector<16xf32>
      %mul3A_650 = arith.mulf %get3A_533, %get3A_585 : vector<16xf32>
      %add3A_651 = arith.addf %mul3A_649, %mul3A_650 : vector<16xf32>
      %add3A_652 = arith.addf %add3A_648, %add3A_651 : vector<16xf32>
      %broadcast_in_dim3A_653 = arith.constant true
      %broadcast_in_dim3A_654 = vector.broadcast %broadcast_in_dim3A_653 : i1 to vector<16xi1>
      %masked_cumsum3A_655 = tpu.scan <sum>, %add3A_652 masked %broadcast_in_dim3A_654 : vector<16xf32>, vector<16xi1> -> vector<16xf32>
      %mul3A_656 = arith.mulf %get3A_524, %get3A_590 : vector<16xf32>
      %mul3A_657 = arith.mulf %get3A_527, %get3A_595 : vector<16xf32>
      %add3A_658 = arith.addf %mul3A_656, %mul3A_657 : vector<16xf32>
      %mul3A_659 = arith.mulf %get3A_530, %get3A_600 : vector<16xf32>
      %mul3A_660 = arith.mulf %get3A_533, %get3A_605 : vector<16xf32>
      %add3A_661 = arith.addf %mul3A_659, %mul3A_660 : vector<16xf32>
      %add3A_662 = arith.addf %add3A_658, %add3A_661 : vector<16xf32>
      %broadcast_in_dim3A_663 = arith.constant true
      %broadcast_in_dim3A_664 = vector.broadcast %broadcast_in_dim3A_663 : i1 to vector<16xi1>
      %masked_cumsum3A_665 = tpu.scan <sum>, %add3A_662 masked %broadcast_in_dim3A_664 : vector<16xf32>, vector<16xi1> -> vector<16xf32>
      %mul3A_666 = arith.mulf %get3A_524, %get3A_610 : vector<16xf32>
      %mul3A_667 = arith.mulf %get3A_527, %get3A_615 : vector<16xf32>
      %add3A_668 = arith.addf %mul3A_666, %mul3A_667 : vector<16xf32>
      %mul3A_669 = arith.mulf %get3A_530, %get3A_620 : vector<16xf32>
      %mul3A_670 = arith.mulf %get3A_533, %get3A_625 : vector<16xf32>
      %add3A_671 = arith.addf %mul3A_669, %mul3A_670 : vector<16xf32>
      %add3A_672 = arith.addf %add3A_668, %add3A_671 : vector<16xf32>
      %broadcast_in_dim3A_673 = arith.constant true
      %broadcast_in_dim3A_674 = vector.broadcast %broadcast_in_dim3A_673 : i1 to vector<16xi1>
      %masked_cumsum3A_675 = tpu.scan <sum>, %add3A_672 masked %broadcast_in_dim3A_674 : vector<16xf32>, vector<16xi1> -> vector<16xf32>
      %broadcast_in_dim3A_676 = vector.broadcast %add3A_521 : i32 to vector<16xi32>
      %broadcast_in_dim3A_677 = arith.constant 0 : i32
      %broadcast_in_dim3A_678 = vector.broadcast %broadcast_in_dim3A_677 : i32 to vector<16xi32>
      tpu.vector_store_idx %arg17[%broadcast_in_dim3A_676, %broadcast_in_dim3A_678], %masked_cumsum3A_635 masked %eq3A_174 : memref<128x5xf32, #tpu.memory_space<vmem>>[vector<16xi32>, vector<16xi32>], vector<16xf32>, vector<16xi1>
      %broadcast_in_dim3A_679 = arith.constant 1 : i32
      %broadcast_in_dim3A_680 = vector.broadcast %broadcast_in_dim3A_679 : i32 to vector<16xi32>
      tpu.vector_store_idx %arg17[%broadcast_in_dim3A_676, %broadcast_in_dim3A_680], %masked_cumsum3A_645 masked %eq3A_174 : memref<128x5xf32, #tpu.memory_space<vmem>>[vector<16xi32>, vector<16xi32>], vector<16xf32>, vector<16xi1>
      %broadcast_in_dim3A_681 = arith.constant 2 : i32
      %broadcast_in_dim3A_682 = vector.broadcast %broadcast_in_dim3A_681 : i32 to vector<16xi32>
      tpu.vector_store_idx %arg17[%broadcast_in_dim3A_676, %broadcast_in_dim3A_682], %masked_cumsum3A_655 masked %eq3A_174 : memref<128x5xf32, #tpu.memory_space<vmem>>[vector<16xi32>, vector<16xi32>], vector<16xf32>, vector<16xi1>
      %broadcast_in_dim3A_683 = arith.constant 3 : i32
      %broadcast_in_dim3A_684 = vector.broadcast %broadcast_in_dim3A_683 : i32 to vector<16xi32>
      tpu.vector_store_idx %arg17[%broadcast_in_dim3A_676, %broadcast_in_dim3A_684], %masked_cumsum3A_665 masked %eq3A_174 : memref<128x5xf32, #tpu.memory_space<vmem>>[vector<16xi32>, vector<16xi32>], vector<16xf32>, vector<16xi1>
      %broadcast_in_dim3A_685 = arith.constant 4 : i32
      %broadcast_in_dim3A_686 = vector.broadcast %broadcast_in_dim3A_685 : i32 to vector<16xi32>
      tpu.vector_store_idx %arg17[%broadcast_in_dim3A_676, %broadcast_in_dim3A_686], %masked_cumsum3A_675 masked %eq3A_174 : memref<128x5xf32, #tpu.memory_space<vmem>>[vector<16xi32>, vector<16xi32>], vector<16xf32>, vector<16xi1>
      %mul3A_687 = arith.constant 16 : i32
      %mul3A_688 = arith.muli %scan3A_181, %mul3A_687 : i32
      %add3A_689 = arith.constant 3 : i32
      %add3A_690 = arith.addi %mul3A_688, %add3A_689 : i32
      %get3A_691 = arith.index_cast %add3A_690 : i32 to index
      %get3A_692 = arith.constant 0 : index
      %get3A_693 = tpu.vector_load %arg14[%get3A_691, %get3A_692] {strides = array<i32>} : memref<128x64xf32, #tpu.memory_space<vmem>>, vector<16xf32>,
      %get3A_694 = arith.index_cast %add3A_690 : i32 to index
      %get3A_695 = arith.constant 16 : index
      %get3A_696 = tpu.vector_load %arg14[%get3A_694, %get3A_695] {strides = array<i32>} : memref<128x64xf32, #tpu.memory_space<vmem>>, vector<16xf32>,
      %get3A_697 = arith.index_cast %add3A_690 : i32 to index
      %get3A_698 = arith.constant 32 : index
      %get3A_699 = tpu.vector_load %arg14[%get3A_697, %get3A_698] {strides = array<i32>} : memref<128x64xf32, #tpu.memory_space<vmem>>, vector<16xf32>,
      %get3A_700 = arith.index_cast %add3A_690 : i32 to index
      %get3A_701 = arith.constant 48 : index
      %get3A_702 = tpu.vector_load %arg14[%get3A_700, %get3A_701] {strides = array<i32>} : memref<128x64xf32, #tpu.memory_space<vmem>>, vector<16xf32>,
      %get3A_703 = arith.index_cast %add3A_690 : i32 to index
      %get3A_704 = arith.constant 0 : index
      %get3A_705 = tpu.vector_load %arg15[%get3A_703, %get3A_704] {strides = array<i32>} : memref<128x64xf32, #tpu.memory_space<vmem>>, vector<16xf32>,
      %get3A_706 = arith.index_cast %add3A_690 : i32 to index
      %get3A_707 = arith.constant 16 : index
      %get3A_708 = tpu.vector_load %arg15[%get3A_706, %get3A_707] {strides = array<i32>} : memref<128x64xf32, #tpu.memory_space<vmem>>, vector<16xf32>,
      %get3A_709 = arith.index_cast %add3A_690 : i32 to index
      %get3A_710 = arith.constant 32 : index
      %get3A_711 = tpu.vector_load %arg15[%get3A_709, %get3A_710] {strides = array<i32>} : memref<128x64xf32, #tpu.memory_space<vmem>>, vector<16xf32>,
      %get3A_712 = arith.index_cast %add3A_690 : i32 to index
      %get3A_713 = arith.constant 48 : index
      %get3A_714 = tpu.vector_load %arg15[%get3A_712, %get3A_713] {strides = array<i32>} : memref<128x64xf32, #tpu.memory_space<vmem>>, vector<16xf32>,
      %add3A_715 = arith.constant 0 : i32
      %add3A_716 = arith.addi %add3A_715, %add3A_690 : i32
      %get3A_717 = arith.index_cast %add3A_716 : i32 to index
      %get3A_718 = arith.constant 0 : index
      %get3A_719 = tpu.vector_load %arg16[%get3A_717, %get3A_718] {strides = array<i32>} : memref<512x64xf32, #tpu.memory_space<vmem>>, vector<16xf32>,
      %add3A_720 = arith.constant 0 : i32
      %add3A_721 = arith.addi %add3A_720, %add3A_690 : i32
      %get3A_722 = arith.index_cast %add3A_721 : i32 to index
      %get3A_723 = arith.constant 16 : index
      %get3A_724 = tpu.vector_load %arg16[%get3A_722, %get3A_723] {strides = array<i32>} : memref<512x64xf32, #tpu.memory_space<vmem>>, vector<16xf32>,
      %add3A_725 = arith.constant 0 : i32
      %add3A_726 = arith.addi %add3A_725, %add3A_690 : i32
      %get3A_727 = arith.index_cast %add3A_726 : i32 to index
      %get3A_728 = arith.constant 32 : index
      %get3A_729 = tpu.vector_load %arg16[%get3A_727, %get3A_728] {strides = array<i32>} : memref<512x64xf32, #tpu.memory_space<vmem>>, vector<16xf32>,
      %add3A_730 = arith.constant 0 : i32
      %add3A_731 = arith.addi %add3A_730, %add3A_690 : i32
      %get3A_732 = arith.index_cast %add3A_731 : i32 to index
      %get3A_733 = arith.constant 48 : index
      %get3A_734 = tpu.vector_load %arg16[%get3A_732, %get3A_733] {strides = array<i32>} : memref<512x64xf32, #tpu.memory_space<vmem>>, vector<16xf32>,
      %add3A_735 = arith.constant 128 : i32
      %add3A_736 = arith.addi %add3A_735, %add3A_690 : i32
      %get3A_737 = arith.index_cast %add3A_736 : i32 to index
      %get3A_738 = arith.constant 0 : index
      %get3A_739 = tpu.vector_load %arg16[%get3A_737, %get3A_738] {strides = array<i32>} : memref<512x64xf32, #tpu.memory_space<vmem>>, vector<16xf32>,
      %add3A_740 = arith.constant 128 : i32
      %add3A_741 = arith.addi %add3A_740, %add3A_690 : i32
      %get3A_742 = arith.index_cast %add3A_741 : i32 to index
      %get3A_743 = arith.constant 16 : index
      %get3A_744 = tpu.vector_load %arg16[%get3A_742, %get3A_743] {strides = array<i32>} : memref<512x64xf32, #tpu.memory_space<vmem>>, vector<16xf32>,
      %add3A_745 = arith.constant 128 : i32
      %add3A_746 = arith.addi %add3A_745, %add3A_690 : i32
      %get3A_747 = arith.index_cast %add3A_746 : i32 to index
      %get3A_748 = arith.constant 32 : index
      %get3A_749 = tpu.vector_load %arg16[%get3A_747, %get3A_748] {strides = array<i32>} : memref<512x64xf32, #tpu.memory_space<vmem>>, vector<16xf32>,
      %add3A_750 = arith.constant 128 : i32
      %add3A_751 = arith.addi %add3A_750, %add3A_690 : i32
      %get3A_752 = arith.index_cast %add3A_751 : i32 to index
      %get3A_753 = arith.constant 48 : index
      %get3A_754 = tpu.vector_load %arg16[%get3A_752, %get3A_753] {strides = array<i32>} : memref<512x64xf32, #tpu.memory_space<vmem>>, vector<16xf32>,
      %add3A_755 = arith.constant 256 : i32
      %add3A_756 = arith.addi %add3A_755, %add3A_690 : i32
      %get3A_757 = arith.index_cast %add3A_756 : i32 to index
      %get3A_758 = arith.constant 0 : index
      %get3A_759 = tpu.vector_load %arg16[%get3A_757, %get3A_758] {strides = array<i32>} : memref<512x64xf32, #tpu.memory_space<vmem>>, vector<16xf32>,
      %add3A_760 = arith.constant 256 : i32
      %add3A_761 = arith.addi %add3A_760, %add3A_690 : i32
      %get3A_762 = arith.index_cast %add3A_761 : i32 to index
      %get3A_763 = arith.constant 16 : index
      %get3A_764 = tpu.vector_load %arg16[%get3A_762, %get3A_763] {strides = array<i32>} : memref<512x64xf32, #tpu.memory_space<vmem>>, vector<16xf32>,
      %add3A_765 = arith.constant 256 : i32
      %add3A_766 = arith.addi %add3A_765, %add3A_690 : i32
      %get3A_767 = arith.index_cast %add3A_766 : i32 to index
      %get3A_768 = arith.constant 32 : index
      %get3A_769 = tpu.vector_load %arg16[%get3A_767, %get3A_768] {strides = array<i32>} : memref<512x64xf32, #tpu.memory_space<vmem>>, vector<16xf32>,
      %add3A_770 = arith.constant 256 : i32
      %add3A_771 = arith.addi %add3A_770, %add3A_690 : i32
      %get3A_772 = arith.index_cast %add3A_771 : i32 to index
      %get3A_773 = arith.constant 48 : index
      %get3A_774 = tpu.vector_load %arg16[%get3A_772, %get3A_773] {strides = array<i32>} : memref<512x64xf32, #tpu.memory_space<vmem>>, vector<16xf32>,
      %add3A_775 = arith.constant 384 : i32
      %add3A_776 = arith.addi %add3A_775, %add3A_690 : i32
      %get3A_777 = arith.index_cast %add3A_776 : i32 to index
      %get3A_778 = arith.constant 0 : index
      %get3A_779 = tpu.vector_load %arg16[%get3A_777, %get3A_778] {strides = array<i32>} : memref<512x64xf32, #tpu.memory_space<vmem>>, vector<16xf32>,
      %add3A_780 = arith.constant 384 : i32
      %add3A_781 = arith.addi %add3A_780, %add3A_690 : i32
      %get3A_782 = arith.index_cast %add3A_781 : i32 to index
      %get3A_783 = arith.constant 16 : index
      %get3A_784 = tpu.vector_load %arg16[%get3A_782, %get3A_783] {strides = array<i32>} : memref<512x64xf32, #tpu.memory_space<vmem>>, vector<16xf32>,
      %add3A_785 = arith.constant 384 : i32
      %add3A_786 = arith.addi %add3A_785, %add3A_690 : i32
      %get3A_787 = arith.index_cast %add3A_786 : i32 to index
      %get3A_788 = arith.constant 32 : index
      %get3A_789 = tpu.vector_load %arg16[%get3A_787, %get3A_788] {strides = array<i32>} : memref<512x64xf32, #tpu.memory_space<vmem>>, vector<16xf32>,
      %add3A_790 = arith.constant 384 : i32
      %add3A_791 = arith.addi %add3A_790, %add3A_690 : i32
      %get3A_792 = arith.index_cast %add3A_791 : i32 to index
      %get3A_793 = arith.constant 48 : index
      %get3A_794 = tpu.vector_load %arg16[%get3A_792, %get3A_793] {strides = array<i32>} : memref<512x64xf32, #tpu.memory_space<vmem>>, vector<16xf32>,
      %mul3A_795 = arith.mulf %get3A_693, %get3A_705 : vector<16xf32>
      %mul3A_796 = arith.mulf %get3A_696, %get3A_708 : vector<16xf32>
      %add3A_797 = arith.addf %mul3A_795, %mul3A_796 : vector<16xf32>
      %mul3A_798 = arith.mulf %get3A_699, %get3A_711 : vector<16xf32>
      %mul3A_799 = arith.mulf %get3A_702, %get3A_714 : vector<16xf32>
      %add3A_800 = arith.addf %mul3A_798, %mul3A_799 : vector<16xf32>
      %add3A_801 = arith.addf %add3A_797, %add3A_800 : vector<16xf32>
      %broadcast_in_dim3A_802 = arith.constant true
      %broadcast_in_dim3A_803 = vector.broadcast %broadcast_in_dim3A_802 : i1 to vector<16xi1>
      %masked_cumsum3A_804 = tpu.scan <sum>, %add3A_801 masked %broadcast_in_dim3A_803 : vector<16xf32>, vector<16xi1> -> vector<16xf32>
      %mul3A_805 = arith.mulf %get3A_693, %get3A_719 : vector<16xf32>
      %mul3A_806 = arith.mulf %get3A_696, %get3A_724 : vector<16xf32>
      %add3A_807 = arith.addf %mul3A_805, %mul3A_806 : vector<16xf32>
      %mul3A_808 = arith.mulf %get3A_699, %get3A_729 : vector<16xf32>
      %mul3A_809 = arith.mulf %get3A_702, %get3A_734 : vector<16xf32>
      %add3A_810 = arith.addf %mul3A_808, %mul3A_809 : vector<16xf32>
      %add3A_811 = arith.addf %add3A_807, %add3A_810 : vector<16xf32>
      %broadcast_in_dim3A_812 = arith.constant true
      %broadcast_in_dim3A_813 = vector.broadcast %broadcast_in_dim3A_812 : i1 to vector<16xi1>
      %masked_cumsum3A_814 = tpu.scan <sum>, %add3A_811 masked %broadcast_in_dim3A_813 : vector<16xf32>, vector<16xi1> -> vector<16xf32>
      %mul3A_815 = arith.mulf %get3A_693, %get3A_739 : vector<16xf32>
      %mul3A_816 = arith.mulf %get3A_696, %get3A_744 : vector<16xf32>
      %add3A_817 = arith.addf %mul3A_815, %mul3A_816 : vector<16xf32>
      %mul3A_818 = arith.mulf %get3A_699, %get3A_749 : vector<16xf32>
      %mul3A_819 = arith.mulf %get3A_702, %get3A_754 : vector<16xf32>
      %add3A_820 = arith.addf %mul3A_818, %mul3A_819 : vector<16xf32>
      %add3A_821 = arith.addf %add3A_817, %add3A_820 : vector<16xf32>
      %broadcast_in_dim3A_822 = arith.constant true
      %broadcast_in_dim3A_823 = vector.broadcast %broadcast_in_dim3A_822 : i1 to vector<16xi1>
      %masked_cumsum3A_824 = tpu.scan <sum>, %add3A_821 masked %broadcast_in_dim3A_823 : vector<16xf32>, vector<16xi1> -> vector<16xf32>
      %mul3A_825 = arith.mulf %get3A_693, %get3A_759 : vector<16xf32>
      %mul3A_826 = arith.mulf %get3A_696, %get3A_764 : vector<16xf32>
      %add3A_827 = arith.addf %mul3A_825, %mul3A_826 : vector<16xf32>
      %mul3A_828 = arith.mulf %get3A_699, %get3A_769 : vector<16xf32>
      %mul3A_829 = arith.mulf %get3A_702, %get3A_774 : vector<16xf32>
      %add3A_830 = arith.addf %mul3A_828, %mul3A_829 : vector<16xf32>
      %add3A_831 = arith.addf %add3A_827, %add3A_830 : vector<16xf32>
      %broadcast_in_dim3A_832 = arith.constant true
      %broadcast_in_dim3A_833 = vector.broadcast %broadcast_in_dim3A_832 : i1 to vector<16xi1>
      %masked_cumsum3A_834 = tpu.scan <sum>, %add3A_831 masked %broadcast_in_dim3A_833 : vector<16xf32>, vector<16xi1> -> vector<16xf32>
      %mul3A_835 = arith.mulf %get3A_693, %get3A_779 : vector<16xf32>
      %mul3A_836 = arith.mulf %get3A_696, %get3A_784 : vector<16xf32>
      %add3A_837 = arith.addf %mul3A_835, %mul3A_836 : vector<16xf32>
      %mul3A_838 = arith.mulf %get3A_699, %get3A_789 : vector<16xf32>
      %mul3A_839 = arith.mulf %get3A_702, %get3A_794 : vector<16xf32>
      %add3A_840 = arith.addf %mul3A_838, %mul3A_839 : vector<16xf32>
      %add3A_841 = arith.addf %add3A_837, %add3A_840 : vector<16xf32>
      %broadcast_in_dim3A_842 = arith.constant true
      %broadcast_in_dim3A_843 = vector.broadcast %broadcast_in_dim3A_842 : i1 to vector<16xi1>
      %masked_cumsum3A_844 = tpu.scan <sum>, %add3A_841 masked %broadcast_in_dim3A_843 : vector<16xf32>, vector<16xi1> -> vector<16xf32>
      %broadcast_in_dim3A_845 = vector.broadcast %add3A_690 : i32 to vector<16xi32>
      %broadcast_in_dim3A_846 = arith.constant 0 : i32
      %broadcast_in_dim3A_847 = vector.broadcast %broadcast_in_dim3A_846 : i32 to vector<16xi32>
      tpu.vector_store_idx %arg17[%broadcast_in_dim3A_845, %broadcast_in_dim3A_847], %masked_cumsum3A_804 masked %eq3A_174 : memref<128x5xf32, #tpu.memory_space<vmem>>[vector<16xi32>, vector<16xi32>], vector<16xf32>, vector<16xi1>
      %broadcast_in_dim3A_848 = arith.constant 1 : i32
      %broadcast_in_dim3A_849 = vector.broadcast %broadcast_in_dim3A_848 : i32 to vector<16xi32>
      tpu.vector_store_idx %arg17[%broadcast_in_dim3A_845, %broadcast_in_dim3A_849], %masked_cumsum3A_814 masked %eq3A_174 : memref<128x5xf32, #tpu.memory_space<vmem>>[vector<16xi32>, vector<16xi32>], vector<16xf32>, vector<16xi1>
      %broadcast_in_dim3A_850 = arith.constant 2 : i32
      %broadcast_in_dim3A_851 = vector.broadcast %broadcast_in_dim3A_850 : i32 to vector<16xi32>
      tpu.vector_store_idx %arg17[%broadcast_in_dim3A_845, %broadcast_in_dim3A_851], %masked_cumsum3A_824 masked %eq3A_174 : memref<128x5xf32, #tpu.memory_space<vmem>>[vector<16xi32>, vector<16xi32>], vector<16xf32>, vector<16xi1>
      %broadcast_in_dim3A_852 = arith.constant 3 : i32
      %broadcast_in_dim3A_853 = vector.broadcast %broadcast_in_dim3A_852 : i32 to vector<16xi32>
      tpu.vector_store_idx %arg17[%broadcast_in_dim3A_845, %broadcast_in_dim3A_853], %masked_cumsum3A_834 masked %eq3A_174 : memref<128x5xf32, #tpu.memory_space<vmem>>[vector<16xi32>, vector<16xi32>], vector<16xf32>, vector<16xi1>
      %broadcast_in_dim3A_854 = arith.constant 4 : i32
      %broadcast_in_dim3A_855 = vector.broadcast %broadcast_in_dim3A_854 : i32 to vector<16xi32>
      tpu.vector_store_idx %arg17[%broadcast_in_dim3A_845, %broadcast_in_dim3A_855], %masked_cumsum3A_844 masked %eq3A_174 : memref<128x5xf32, #tpu.memory_space<vmem>>[vector<16xi32>, vector<16xi32>], vector<16xf32>, vector<16xi1>
      %mul3A_856 = arith.constant 16 : i32
      %mul3A_857 = arith.muli %scan3A_181, %mul3A_856 : i32
      %add3A_858 = arith.constant 4 : i32
      %add3A_859 = arith.addi %mul3A_857, %add3A_858 : i32
      %get3A_860 = arith.index_cast %add3A_859 : i32 to index
      %get3A_861 = arith.constant 0 : index
      %get3A_862 = tpu.vector_load %arg14[%get3A_860, %get3A_861] {strides = array<i32>} : memref<128x64xf32, #tpu.memory_space<vmem>>, vector<16xf32>,
      %get3A_863 = arith.index_cast %add3A_859 : i32 to index
      %get3A_864 = arith.constant 16 : index
      %get3A_865 = tpu.vector_load %arg14[%get3A_863, %get3A_864] {strides = array<i32>} : memref<128x64xf32, #tpu.memory_space<vmem>>, vector<16xf32>,
      %get3A_866 = arith.index_cast %add3A_859 : i32 to index
      %get3A_867 = arith.constant 32 : index
      %get3A_868 = tpu.vector_load %arg14[%get3A_866, %get3A_867] {strides = array<i32>} : memref<128x64xf32, #tpu.memory_space<vmem>>, vector<16xf32>,
      %get3A_869 = arith.index_cast %add3A_859 : i32 to index
      %get3A_870 = arith.constant 48 : index
      %get3A_871 = tpu.vector_load %arg14[%get3A_869, %get3A_870] {strides = array<i32>} : memref<128x64xf32, #tpu.memory_space<vmem>>, vector<16xf32>,
      %get3A_872 = arith.index_cast %add3A_859 : i32 to index
      %get3A_873 = arith.constant 0 : index
      %get3A_874 = tpu.vector_load %arg15[%get3A_872, %get3A_873] {strides = array<i32>} : memref<128x64xf32, #tpu.memory_space<vmem>>, vector<16xf32>,
      %get3A_875 = arith.index_cast %add3A_859 : i32 to index
      %get3A_876 = arith.constant 16 : index
      %get3A_877 = tpu.vector_load %arg15[%get3A_875, %get3A_876] {strides = array<i32>} : memref<128x64xf32, #tpu.memory_space<vmem>>, vector<16xf32>,
      %get3A_878 = arith.index_cast %add3A_859 : i32 to index
      %get3A_879 = arith.constant 32 : index
      %get3A_880 = tpu.vector_load %arg15[%get3A_878, %get3A_879] {strides = array<i32>} : memref<128x64xf32, #tpu.memory_space<vmem>>, vector<16xf32>,
      %get3A_881 = arith.index_cast %add3A_859 : i32 to index
      %get3A_882 = arith.constant 48 : index
      %get3A_883 = tpu.vector_load %arg15[%get3A_881, %get3A_882] {strides = array<i32>} : memref<128x64xf32, #tpu.memory_space<vmem>>, vector<16xf32>,
      %add3A_884 = arith.constant 0 : i32
      %add3A_885 = arith.addi %add3A_884, %add3A_859 : i32
      %get3A_886 = arith.index_cast %add3A_885 : i32 to index
      %get3A_887 = arith.constant 0 : index
      %get3A_888 = tpu.vector_load %arg16[%get3A_886, %get3A_887] {strides = array<i32>} : memref<512x64xf32, #tpu.memory_space<vmem>>, vector<16xf32>,
      %add3A_889 = arith.constant 0 : i32
      %add3A_890 = arith.addi %add3A_889, %add3A_859 : i32
      %get3A_891 = arith.index_cast %add3A_890 : i32 to index
      %get3A_892 = arith.constant 16 : index
      %get3A_893 = tpu.vector_load %arg16[%get3A_891, %get3A_892] {strides = array<i32>} : memref<512x64xf32, #tpu.memory_space<vmem>>, vector<16xf32>,
      %add3A_894 = arith.constant 0 : i32
      %add3A_895 = arith.addi %add3A_894, %add3A_859 : i32
      %get3A_896 = arith.index_cast %add3A_895 : i32 to index
      %get3A_897 = arith.constant 32 : index
      %get3A_898 = tpu.vector_load %arg16[%get3A_896, %get3A_897] {strides = array<i32>} : memref<512x64xf32, #tpu.memory_space<vmem>>, vector<16xf32>,
      %add3A_899 = arith.constant 0 : i32
      %add3A_900 = arith.addi %add3A_899, %add3A_859 : i32
      %get3A_901 = arith.index_cast %add3A_900 : i32 to index
      %get3A_902 = arith.constant 48 : index
      %get3A_903 = tpu.vector_load %arg16[%get3A_901, %get3A_902] {strides = array<i32>} : memref<512x64xf32, #tpu.memory_space<vmem>>, vector<16xf32>,
      %add3A_904 = arith.constant 128 : i32
      %add3A_905 = arith.addi %add3A_904, %add3A_859 : i32
      %get3A_906 = arith.index_cast %add3A_905 : i32 to index
      %get3A_907 = arith.constant 0 : index
      %get3A_908 = tpu.vector_load %arg16[%get3A_906, %get3A_907] {strides = array<i32>} : memref<512x64xf32, #tpu.memory_space<vmem>>, vector<16xf32>,
      %add3A_909 = arith.constant 128 : i32
      %add3A_910 = arith.addi %add3A_909, %add3A_859 : i32
      %get3A_911 = arith.index_cast %add3A_910 : i32 to index
      %get3A_912 = arith.constant 16 : index
      %get3A_913 = tpu.vector_load %arg16[%get3A_911, %get3A_912] {strides = array<i32>} : memref<512x64xf32, #tpu.memory_space<vmem>>, vector<16xf32>,
      %add3A_914 = arith.constant 128 : i32
      %add3A_915 = arith.addi %add3A_914, %add3A_859 : i32
      %get3A_916 = arith.index_cast %add3A_915 : i32 to index
      %get3A_917 = arith.constant 32 : index
      %get3A_918 = tpu.vector_load %arg16[%get3A_916, %get3A_917] {strides = array<i32>} : memref<512x64xf32, #tpu.memory_space<vmem>>, vector<16xf32>,
      %add3A_919 = arith.constant 128 : i32
      %add3A_920 = arith.addi %add3A_919, %add3A_859 : i32
      %get3A_921 = arith.index_cast %add3A_920 : i32 to index
      %get3A_922 = arith.constant 48 : index
      %get3A_923 = tpu.vector_load %arg16[%get3A_921, %get3A_922] {strides = array<i32>} : memref<512x64xf32, #tpu.memory_space<vmem>>, vector<16xf32>,
      %add3A_924 = arith.constant 256 : i32
      %add3A_925 = arith.addi %add3A_924, %add3A_859 : i32
      %get3A_926 = arith.index_cast %add3A_925 : i32 to index
      %get3A_927 = arith.constant 0 : index
      %get3A_928 = tpu.vector_load %arg16[%get3A_926, %get3A_927] {strides = array<i32>} : memref<512x64xf32, #tpu.memory_space<vmem>>, vector<16xf32>,
      %add3A_929 = arith.constant 256 : i32
      %add3A_930 = arith.addi %add3A_929, %add3A_859 : i32
      %get3A_931 = arith.index_cast %add3A_930 : i32 to index
      %get3A_932 = arith.constant 16 : index
      %get3A_933 = tpu.vector_load %arg16[%get3A_931, %get3A_932] {strides = array<i32>} : memref<512x64xf32, #tpu.memory_space<vmem>>, vector<16xf32>,
      %add3A_934 = arith.constant 256 : i32
      %add3A_935 = arith.addi %add3A_934, %add3A_859 : i32
      %get3A_936 = arith.index_cast %add3A_935 : i32 to index
      %get3A_937 = arith.constant 32 : index
      %get3A_938 = tpu.vector_load %arg16[%get3A_936, %get3A_937] {strides = array<i32>} : memref<512x64xf32, #tpu.memory_space<vmem>>, vector<16xf32>,
      %add3A_939 = arith.constant 256 : i32
      %add3A_940 = arith.addi %add3A_939, %add3A_859 : i32
      %get3A_941 = arith.index_cast %add3A_940 : i32 to index
      %get3A_942 = arith.constant 48 : index
      %get3A_943 = tpu.vector_load %arg16[%get3A_941, %get3A_942] {strides = array<i32>} : memref<512x64xf32, #tpu.memory_space<vmem>>, vector<16xf32>,
      %add3A_944 = arith.constant 384 : i32
      %add3A_945 = arith.addi %add3A_944, %add3A_859 : i32
      %get3A_946 = arith.index_cast %add3A_945 : i32 to index
      %get3A_947 = arith.constant 0 : index
      %get3A_948 = tpu.vector_load %arg16[%get3A_946, %get3A_947] {strides = array<i32>} : memref<512x64xf32, #tpu.memory_space<vmem>>, vector<16xf32>,
      %add3A_949 = arith.constant 384 : i32
      %add3A_950 = arith.addi %add3A_949, %add3A_859 : i32
      %get3A_951 = arith.index_cast %add3A_950 : i32 to index
      %get3A_952 = arith.constant 16 : index
      %get3A_953 = tpu.vector_load %arg16[%get3A_951, %get3A_952] {strides = array<i32>} : memref<512x64xf32, #tpu.memory_space<vmem>>, vector<16xf32>,
      %add3A_954 = arith.constant 384 : i32
      %add3A_955 = arith.addi %add3A_954, %add3A_859 : i32
      %get3A_956 = arith.index_cast %add3A_955 : i32 to index
      %get3A_957 = arith.constant 32 : index
      %get3A_958 = tpu.vector_load %arg16[%get3A_956, %get3A_957] {strides = array<i32>} : memref<512x64xf32, #tpu.memory_space<vmem>>, vector<16xf32>,
      %add3A_959 = arith.constant 384 : i32
      %add3A_960 = arith.addi %add3A_959, %add3A_859 : i32
      %get3A_961 = arith.index_cast %add3A_960 : i32 to index
      %get3A_962 = arith.constant 48 : index
      %get3A_963 = tpu.vector_load %arg16[%get3A_961, %get3A_962] {strides = array<i32>} : memref<512x64xf32, #tpu.memory_space<vmem>>, vector<16xf32>,
      %mul3A_964 = arith.mulf %get3A_862, %get3A_874 : vector<16xf32>
      %mul3A_965 = arith.mulf %get3A_865, %get3A_877 : vector<16xf32>
      %add3A_966 = arith.addf %mul3A_964, %mul3A_965 : vector<16xf32>
      %mul3A_967 = arith.mulf %get3A_868, %get3A_880 : vector<16xf32>
      %mul3A_968 = arith.mulf %get3A_871, %get3A_883 : vector<16xf32>
      %add3A_969 = arith.addf %mul3A_967, %mul3A_968 : vector<16xf32>
      %add3A_970 = arith.addf %add3A_966, %add3A_969 : vector<16xf32>
      %broadcast_in_dim3A_971 = arith.constant true
      %broadcast_in_dim3A_972 = vector.broadcast %broadcast_in_dim3A_971 : i1 to vector<16xi1>
      %masked_cumsum3A_973 = tpu.scan <sum>, %add3A_970 masked %broadcast_in_dim3A_972 : vector<16xf32>, vector<16xi1> -> vector<16xf32>
      %mul3A_974 = arith.mulf %get3A_862, %get3A_888 : vector<16xf32>
      %mul3A_975 = arith.mulf %get3A_865, %get3A_893 : vector<16xf32>
      %add3A_976 = arith.addf %mul3A_974, %mul3A_975 : vector<16xf32>
      %mul3A_977 = arith.mulf %get3A_868, %get3A_898 : vector<16xf32>
      %mul3A_978 = arith.mulf %get3A_871, %get3A_903 : vector<16xf32>
      %add3A_979 = arith.addf %mul3A_977, %mul3A_978 : vector<16xf32>
      %add3A_980 = arith.addf %add3A_976, %add3A_979 : vector<16xf32>
      %broadcast_in_dim3A_981 = arith.constant true
      %broadcast_in_dim3A_982 = vector.broadcast %broadcast_in_dim3A_981 : i1 to vector<16xi1>
      %masked_cumsum3A_983 = tpu.scan <sum>, %add3A_980 masked %broadcast_in_dim3A_982 : vector<16xf32>, vector<16xi1> -> vector<16xf32>
      %mul3A_984 = arith.mulf %get3A_862, %get3A_908 : vector<16xf32>
      %mul3A_985 = arith.mulf %get3A_865, %get3A_913 : vector<16xf32>
      %add3A_986 = arith.addf %mul3A_984, %mul3A_985 : vector<16xf32>
      %mul3A_987 = arith.mulf %get3A_868, %get3A_918 : vector<16xf32>
      %mul3A_988 = arith.mulf %get3A_871, %get3A_923 : vector<16xf32>
      %add3A_989 = arith.addf %mul3A_987, %mul3A_988 : vector<16xf32>
      %add3A_990 = arith.addf %add3A_986, %add3A_989 : vector<16xf32>
      %broadcast_in_dim3A_991 = arith.constant true
      %broadcast_in_dim3A_992 = vector.broadcast %broadcast_in_dim3A_991 : i1 to vector<16xi1>
      %masked_cumsum3A_993 = tpu.scan <sum>, %add3A_990 masked %broadcast_in_dim3A_992 : vector<16xf32>, vector<16xi1> -> vector<16xf32>
      %mul3A_994 = arith.mulf %get3A_862, %get3A_928 : vector<16xf32>
      %mul3A_995 = arith.mulf %get3A_865, %get3A_933 : vector<16xf32>
      %add3A_996 = arith.addf %mul3A_994, %mul3A_995 : vector<16xf32>
      %mul3A_997 = arith.mulf %get3A_868, %get3A_938 : vector<16xf32>
      %mul3A_998 = arith.mulf %get3A_871, %get3A_943 : vector<16xf32>
      %add3A_999 = arith.addf %mul3A_997, %mul3A_998 : vector<16xf32>
      %add3A_1000 = arith.addf %add3A_996, %add3A_999 : vector<16xf32>
      %broadcast_in_dim3A_1001 = arith.constant true
      %broadcast_in_dim3A_1002 = vector.broadcast %broadcast_in_dim3A_1001 : i1 to vector<16xi1>
      %masked_cumsum3A_1003 = tpu.scan <sum>, %add3A_1000 masked %broadcast_in_dim3A_1002 : vector<16xf32>, vector<16xi1> -> vector<16xf32>
      %mul3A_1004 = arith.mulf %get3A_862, %get3A_948 : vector<16xf32>
      %mul3A_1005 = arith.mulf %get3A_865, %get3A_953 : vector<16xf32>
      %add3A_1006 = arith.addf %mul3A_1004, %mul3A_1005 : vector<16xf32>
      %mul3A_1007 = arith.mulf %get3A_868, %get3A_958 : vector<16xf32>
      %mul3A_1008 = arith.mulf %get3A_871, %get3A_963 : vector<16xf32>
      %add3A_1009 = arith.addf %mul3A_1007, %mul3A_1008 : vector<16xf32>
      %add3A_1010 = arith.addf %add3A_1006, %add3A_1009 : vector<16xf32>
      %broadcast_in_dim3A_1011 = arith.constant true
      %broadcast_in_dim3A_1012 = vector.broadcast %broadcast_in_dim3A_1011 : i1 to vector<16xi1>
      %masked_cumsum3A_1013 = tpu.scan <sum>, %add3A_1010 masked %broadcast_in_dim3A_1012 : vector<16xf32>, vector<16xi1> -> vector<16xf32>
      %broadcast_in_dim3A_1014 = vector.broadcast %add3A_859 : i32 to vector<16xi32>
      %broadcast_in_dim3A_1015 = arith.constant 0 : i32
      %broadcast_in_dim3A_1016 = vector.broadcast %broadcast_in_dim3A_1015 : i32 to vector<16xi32>
      tpu.vector_store_idx %arg17[%broadcast_in_dim3A_1014, %broadcast_in_dim3A_1016], %masked_cumsum3A_973 masked %eq3A_174 : memref<128x5xf32, #tpu.memory_space<vmem>>[vector<16xi32>, vector<16xi32>], vector<16xf32>, vector<16xi1>
      %broadcast_in_dim3A_1017 = arith.constant 1 : i32
      %broadcast_in_dim3A_1018 = vector.broadcast %broadcast_in_dim3A_1017 : i32 to vector<16xi32>
      tpu.vector_store_idx %arg17[%broadcast_in_dim3A_1014, %broadcast_in_dim3A_1018], %masked_cumsum3A_983 masked %eq3A_174 : memref<128x5xf32, #tpu.memory_space<vmem>>[vector<16xi32>, vector<16xi32>], vector<16xf32>, vector<16xi1>
      %broadcast_in_dim3A_1019 = arith.constant 2 : i32
      %broadcast_in_dim3A_1020 = vector.broadcast %broadcast_in_dim3A_1019 : i32 to vector<16xi32>
      tpu.vector_store_idx %arg17[%broadcast_in_dim3A_1014, %broadcast_in_dim3A_1020], %masked_cumsum3A_993 masked %eq3A_174 : memref<128x5xf32, #tpu.memory_space<vmem>>[vector<16xi32>, vector<16xi32>], vector<16xf32>, vector<16xi1>
      %broadcast_in_dim3A_1021 = arith.constant 3 : i32
      %broadcast_in_dim3A_1022 = vector.broadcast %broadcast_in_dim3A_1021 : i32 to vector<16xi32>
      tpu.vector_store_idx %arg17[%broadcast_in_dim3A_1014, %broadcast_in_dim3A_1022], %masked_cumsum3A_1003 masked %eq3A_174 : memref<128x5xf32, #tpu.memory_space<vmem>>[vector<16xi32>, vector<16xi32>], vector<16xf32>, vector<16xi1>
      %broadcast_in_dim3A_1023 = arith.constant 4 : i32
      %broadcast_in_dim3A_1024 = vector.broadcast %broadcast_in_dim3A_1023 : i32 to vector<16xi32>
      tpu.vector_store_idx %arg17[%broadcast_in_dim3A_1014, %broadcast_in_dim3A_1024], %masked_cumsum3A_1013 masked %eq3A_174 : memref<128x5xf32, #tpu.memory_space<vmem>>[vector<16xi32>, vector<16xi32>], vector<16xf32>, vector<16xi1>
      %mul3A_1025 = arith.constant 16 : i32
      %mul3A_1026 = arith.muli %scan3A_181, %mul3A_1025 : i32
      %add3A_1027 = arith.constant 5 : i32
      %add3A_1028 = arith.addi %mul3A_1026, %add3A_1027 : i32
      %get3A_1029 = arith.index_cast %add3A_1028 : i32 to index
      %get3A_1030 = arith.constant 0 : index
      %get3A_1031 = tpu.vector_load %arg14[%get3A_1029, %get3A_1030] {strides = array<i32>} : memref<128x64xf32, #tpu.memory_space<vmem>>, vector<16xf32>,
      %get3A_1032 = arith.index_cast %add3A_1028 : i32 to index
      %get3A_1033 = arith.constant 16 : index
      %get3A_1034 = tpu.vector_load %arg14[%get3A_1032, %get3A_1033] {strides = array<i32>} : memref<128x64xf32, #tpu.memory_space<vmem>>, vector<16xf32>,
      %get3A_1035 = arith.index_cast %add3A_1028 : i32 to index
      %get3A_1036 = arith.constant 32 : index
      %get3A_1037 = tpu.vector_load %arg14[%get3A_1035, %get3A_1036] {strides = array<i32>} : memref<128x64xf32, #tpu.memory_space<vmem>>, vector<16xf32>,
      %get3A_1038 = arith.index_cast %add3A_1028 : i32 to index
      %get3A_1039 = arith.constant 48 : index
      %get3A_1040 = tpu.vector_load %arg14[%get3A_1038, %get3A_1039] {strides = array<i32>} : memref<128x64xf32, #tpu.memory_space<vmem>>, vector<16xf32>,
      %get3A_1041 = arith.index_cast %add3A_1028 : i32 to index
      %get3A_1042 = arith.constant 0 : index
      %get3A_1043 = tpu.vector_load %arg15[%get3A_1041, %get3A_1042] {strides = array<i32>} : memref<128x64xf32, #tpu.memory_space<vmem>>, vector<16xf32>,
      %get3A_1044 = arith.index_cast %add3A_1028 : i32 to index
      %get3A_1045 = arith.constant 16 : index
      %get3A_1046 = tpu.vector_load %arg15[%get3A_1044, %get3A_1045] {strides = array<i32>} : memref<128x64xf32, #tpu.memory_space<vmem>>, vector<16xf32>,
      %get3A_1047 = arith.index_cast %add3A_1028 : i32 to index
      %get3A_1048 = arith.constant 32 : index
      %get3A_1049 = tpu.vector_load %arg15[%get3A_1047, %get3A_1048] {strides = array<i32>} : memref<128x64xf32, #tpu.memory_space<vmem>>, vector<16xf32>,
      %get3A_1050 = arith.index_cast %add3A_1028 : i32 to index
      %get3A_1051 = arith.constant 48 : index
      %get3A_1052 = tpu.vector_load %arg15[%get3A_1050, %get3A_1051] {strides = array<i32>} : memref<128x64xf32, #tpu.memory_space<vmem>>, vector<16xf32>,
      %add3A_1053 = arith.constant 0 : i32
      %add3A_1054 = arith.addi %add3A_1053, %add3A_1028 : i32
      %get3A_1055 = arith.index_cast %add3A_1054 : i32 to index
      %get3A_1056 = arith.constant 0 : index
      %get3A_1057 = tpu.vector_load %arg16[%get3A_1055, %get3A_1056] {strides = array<i32>} : memref<512x64xf32, #tpu.memory_space<vmem>>, vector<16xf32>,
      %add3A_1058 = arith.constant 0 : i32
      %add3A_1059 = arith.addi %add3A_1058, %add3A_1028 : i32
      %get3A_1060 = arith.index_cast %add3A_1059 : i32 to index
      %get3A_1061 = arith.constant 16 : index
      %get3A_1062 = tpu.vector_load %arg16[%get3A_1060, %get3A_1061] {strides = array<i32>} : memref<512x64xf32, #tpu.memory_space<vmem>>, vector<16xf32>,
      %add3A_1063 = arith.constant 0 : i32
      %add3A_1064 = arith.addi %add3A_1063, %add3A_1028 : i32
      %get3A_1065 = arith.index_cast %add3A_1064 : i32 to index
      %get3A_1066 = arith.constant 32 : index
      %get3A_1067 = tpu.vector_load %arg16[%get3A_1065, %get3A_1066] {strides = array<i32>} : memref<512x64xf32, #tpu.memory_space<vmem>>, vector<16xf32>,
      %add3A_1068 = arith.constant 0 : i32
      %add3A_1069 = arith.addi %add3A_1068, %add3A_1028 : i32
      %get3A_1070 = arith.index_cast %add3A_1069 : i32 to index
      %get3A_1071 = arith.constant 48 : index
      %get3A_1072 = tpu.vector_load %arg16[%get3A_1070, %get3A_1071] {strides = array<i32>} : memref<512x64xf32, #tpu.memory_space<vmem>>, vector<16xf32>,
      %add3A_1073 = arith.constant 128 : i32
      %add3A_1074 = arith.addi %add3A_1073, %add3A_1028 : i32
      %get3A_1075 = arith.index_cast %add3A_1074 : i32 to index
      %get3A_1076 = arith.constant 0 : index
      %get3A_1077 = tpu.vector_load %arg16[%get3A_1075, %get3A_1076] {strides = array<i32>} : memref<512x64xf32, #tpu.memory_space<vmem>>, vector<16xf32>,
      %add3A_1078 = arith.constant 128 : i32
      %add3A_1079 = arith.addi %add3A_1078, %add3A_1028 : i32
      %get3A_1080 = arith.index_cast %add3A_1079 : i32 to index
      %get3A_1081 = arith.constant 16 : index
      %get3A_1082 = tpu.vector_load %arg16[%get3A_1080, %get3A_1081] {strides = array<i32>} : memref<512x64xf32, #tpu.memory_space<vmem>>, vector<16xf32>,
      %add3A_1083 = arith.constant 128 : i32
      %add3A_1084 = arith.addi %add3A_1083, %add3A_1028 : i32
      %get3A_1085 = arith.index_cast %add3A_1084 : i32 to index
      %get3A_1086 = arith.constant 32 : index
      %get3A_1087 = tpu.vector_load %arg16[%get3A_1085, %get3A_1086] {strides = array<i32>} : memref<512x64xf32, #tpu.memory_space<vmem>>, vector<16xf32>,
      %add3A_1088 = arith.constant 128 : i32
      %add3A_1089 = arith.addi %add3A_1088, %add3A_1028 : i32
      %get3A_1090 = arith.index_cast %add3A_1089 : i32 to index
      %get3A_1091 = arith.constant 48 : index
      %get3A_1092 = tpu.vector_load %arg16[%get3A_1090, %get3A_1091] {strides = array<i32>} : memref<512x64xf32, #tpu.memory_space<vmem>>, vector<16xf32>,
      %add3A_1093 = arith.constant 256 : i32
      %add3A_1094 = arith.addi %add3A_1093, %add3A_1028 : i32
      %get3A_1095 = arith.index_cast %add3A_1094 : i32 to index
      %get3A_1096 = arith.constant 0 : index
      %get3A_1097 = tpu.vector_load %arg16[%get3A_1095, %get3A_1096] {strides = array<i32>} : memref<512x64xf32, #tpu.memory_space<vmem>>, vector<16xf32>,
      %add3A_1098 = arith.constant 256 : i32
      %add3A_1099 = arith.addi %add3A_1098, %add3A_1028 : i32
      %get3A_1100 = arith.index_cast %add3A_1099 : i32 to index
      %get3A_1101 = arith.constant 16 : index
      %get3A_1102 = tpu.vector_load %arg16[%get3A_1100, %get3A_1101] {strides = array<i32>} : memref<512x64xf32, #tpu.memory_space<vmem>>, vector<16xf32>,
      %add3A_1103 = arith.constant 256 : i32
      %add3A_1104 = arith.addi %add3A_1103, %add3A_1028 : i32
      %get3A_1105 = arith.index_cast %add3A_1104 : i32 to index
      %get3A_1106 = arith.constant 32 : index
      %get3A_1107 = tpu.vector_load %arg16[%get3A_1105, %get3A_1106] {strides = array<i32>} : memref<512x64xf32, #tpu.memory_space<vmem>>, vector<16xf32>,
      %add3A_1108 = arith.constant 256 : i32
      %add3A_1109 = arith.addi %add3A_1108, %add3A_1028 : i32
      %get3A_1110 = arith.index_cast %add3A_1109 : i32 to index
      %get3A_1111 = arith.constant 48 : index
      %get3A_1112 = tpu.vector_load %arg16[%get3A_1110, %get3A_1111] {strides = array<i32>} : memref<512x64xf32, #tpu.memory_space<vmem>>, vector<16xf32>,
      %add3A_1113 = arith.constant 384 : i32
      %add3A_1114 = arith.addi %add3A_1113, %add3A_1028 : i32
      %get3A_1115 = arith.index_cast %add3A_1114 : i32 to index
      %get3A_1116 = arith.constant 0 : index
      %get3A_1117 = tpu.vector_load %arg16[%get3A_1115, %get3A_1116] {strides = array<i32>} : memref<512x64xf32, #tpu.memory_space<vmem>>, vector<16xf32>,
      %add3A_1118 = arith.constant 384 : i32
      %add3A_1119 = arith.addi %add3A_1118, %add3A_1028 : i32
      %get3A_1120 = arith.index_cast %add3A_1119 : i32 to index
      %get3A_1121 = arith.constant 16 : index
      %get3A_1122 = tpu.vector_load %arg16[%get3A_1120, %get3A_1121] {strides = array<i32>} : memref<512x64xf32, #tpu.memory_space<vmem>>, vector<16xf32>,
      %add3A_1123 = arith.constant 384 : i32
      %add3A_1124 = arith.addi %add3A_1123, %add3A_1028 : i32
      %get3A_1125 = arith.index_cast %add3A_1124 : i32 to index
      %get3A_1126 = arith.constant 32 : index
      %get3A_1127 = tpu.vector_load %arg16[%get3A_1125, %get3A_1126] {strides = array<i32>} : memref<512x64xf32, #tpu.memory_space<vmem>>, vector<16xf32>,
      %add3A_1128 = arith.constant 384 : i32
      %add3A_1129 = arith.addi %add3A_1128, %add3A_1028 : i32
      %get3A_1130 = arith.index_cast %add3A_1129 : i32 to index
      %get3A_1131 = arith.constant 48 : index
      %get3A_1132 = tpu.vector_load %arg16[%get3A_1130, %get3A_1131] {strides = array<i32>} : memref<512x64xf32, #tpu.memory_space<vmem>>, vector<16xf32>,
      %mul3A_1133 = arith.mulf %get3A_1031, %get3A_1043 : vector<16xf32>
      %mul3A_1134 = arith.mulf %get3A_1034, %get3A_1046 : vector<16xf32>
      %add3A_1135 = arith.addf %mul3A_1133, %mul3A_1134 : vector<16xf32>
      %mul3A_1136 = arith.mulf %get3A_1037, %get3A_1049 : vector<16xf32>
      %mul3A_1137 = arith.mulf %get3A_1040, %get3A_1052 : vector<16xf32>
      %add3A_1138 = arith.addf %mul3A_1136, %mul3A_1137 : vector<16xf32>
      %add3A_1139 = arith.addf %add3A_1135, %add3A_1138 : vector<16xf32>
      %broadcast_in_dim3A_1140 = arith.constant true
      %broadcast_in_dim3A_1141 = vector.broadcast %broadcast_in_dim3A_1140 : i1 to vector<16xi1>
      %masked_cumsum3A_1142 = tpu.scan <sum>, %add3A_1139 masked %broadcast_in_dim3A_1141 : vector<16xf32>, vector<16xi1> -> vector<16xf32>
      %mul3A_1143 = arith.mulf %get3A_1031, %get3A_1057 : vector<16xf32>
      %mul3A_1144 = arith.mulf %get3A_1034, %get3A_1062 : vector<16xf32>
      %add3A_1145 = arith.addf %mul3A_1143, %mul3A_1144 : vector<16xf32>
      %mul3A_1146 = arith.mulf %get3A_1037, %get3A_1067 : vector<16xf32>
      %mul3A_1147 = arith.mulf %get3A_1040, %get3A_1072 : vector<16xf32>
      %add3A_1148 = arith.addf %mul3A_1146, %mul3A_1147 : vector<16xf32>
      %add3A_1149 = arith.addf %add3A_1145, %add3A_1148 : vector<16xf32>
      %broadcast_in_dim3A_1150 = arith.constant true
      %broadcast_in_dim3A_1151 = vector.broadcast %broadcast_in_dim3A_1150 : i1 to vector<16xi1>
      %masked_cumsum3A_1152 = tpu.scan <sum>, %add3A_1149 masked %broadcast_in_dim3A_1151 : vector<16xf32>, vector<16xi1> -> vector<16xf32>
      %mul3A_1153 = arith.mulf %get3A_1031, %get3A_1077 : vector<16xf32>
      %mul3A_1154 = arith.mulf %get3A_1034, %get3A_1082 : vector<16xf32>
      %add3A_1155 = arith.addf %mul3A_1153, %mul3A_1154 : vector<16xf32>
      %mul3A_1156 = arith.mulf %get3A_1037, %get3A_1087 : vector<16xf32>
      %mul3A_1157 = arith.mulf %get3A_1040, %get3A_1092 : vector<16xf32>
      %add3A_1158 = arith.addf %mul3A_1156, %mul3A_1157 : vector<16xf32>
      %add3A_1159 = arith.addf %add3A_1155, %add3A_1158 : vector<16xf32>
      %broadcast_in_dim3A_1160 = arith.constant true
      %broadcast_in_dim3A_1161 = vector.broadcast %broadcast_in_dim3A_1160 : i1 to vector<16xi1>
      %masked_cumsum3A_1162 = tpu.scan <sum>, %add3A_1159 masked %broadcast_in_dim3A_1161 : vector<16xf32>, vector<16xi1> -> vector<16xf32>
      %mul3A_1163 = arith.mulf %get3A_1031, %get3A_1097 : vector<16xf32>
      %mul3A_1164 = arith.mulf %get3A_1034, %get3A_1102 : vector<16xf32>
      %add3A_1165 = arith.addf %mul3A_1163, %mul3A_1164 : vector<16xf32>
      %mul3A_1166 = arith.mulf %get3A_1037, %get3A_1107 : vector<16xf32>
      %mul3A_1167 = arith.mulf %get3A_1040, %get3A_1112 : vector<16xf32>
      %add3A_1168 = arith.addf %mul3A_1166, %mul3A_1167 : vector<16xf32>
      %add3A_1169 = arith.addf %add3A_1165, %add3A_1168 : vector<16xf32>
      %broadcast_in_dim3A_1170 = arith.constant true
      %broadcast_in_dim3A_1171 = vector.broadcast %broadcast_in_dim3A_1170 : i1 to vector<16xi1>
      %masked_cumsum3A_1172 = tpu.scan <sum>, %add3A_1169 masked %broadcast_in_dim3A_1171 : vector<16xf32>, vector<16xi1> -> vector<16xf32>
      %mul3A_1173 = arith.mulf %get3A_1031, %get3A_1117 : vector<16xf32>
      %mul3A_1174 = arith.mulf %get3A_1034, %get3A_1122 : vector<16xf32>
      %add3A_1175 = arith.addf %mul3A_1173, %mul3A_1174 : vector<16xf32>
      %mul3A_1176 = arith.mulf %get3A_1037, %get3A_1127 : vector<16xf32>
      %mul3A_1177 = arith.mulf %get3A_1040, %get3A_1132 : vector<16xf32>
      %add3A_1178 = arith.addf %mul3A_1176, %mul3A_1177 : vector<16xf32>
      %add3A_1179 = arith.addf %add3A_1175, %add3A_1178 : vector<16xf32>
      %broadcast_in_dim3A_1180 = arith.constant true
      %broadcast_in_dim3A_1181 = vector.broadcast %broadcast_in_dim3A_1180 : i1 to vector<16xi1>
      %masked_cumsum3A_1182 = tpu.scan <sum>, %add3A_1179 masked %broadcast_in_dim3A_1181 : vector<16xf32>, vector<16xi1> -> vector<16xf32>
      %broadcast_in_dim3A_1183 = vector.broadcast %add3A_1028 : i32 to vector<16xi32>
      %broadcast_in_dim3A_1184 = arith.constant 0 : i32
      %broadcast_in_dim3A_1185 = vector.broadcast %broadcast_in_dim3A_1184 : i32 to vector<16xi32>
      tpu.vector_store_idx %arg17[%broadcast_in_dim3A_1183, %broadcast_in_dim3A_1185], %masked_cumsum3A_1142 masked %eq3A_174 : memref<128x5xf32, #tpu.memory_space<vmem>>[vector<16xi32>, vector<16xi32>], vector<16xf32>, vector<16xi1>
      %broadcast_in_dim3A_1186 = arith.constant 1 : i32
      %broadcast_in_dim3A_1187 = vector.broadcast %broadcast_in_dim3A_1186 : i32 to vector<16xi32>
      tpu.vector_store_idx %arg17[%broadcast_in_dim3A_1183, %broadcast_in_dim3A_1187], %masked_cumsum3A_1152 masked %eq3A_174 : memref<128x5xf32, #tpu.memory_space<vmem>>[vector<16xi32>, vector<16xi32>], vector<16xf32>, vector<16xi1>
      %broadcast_in_dim3A_1188 = arith.constant 2 : i32
      %broadcast_in_dim3A_1189 = vector.broadcast %broadcast_in_dim3A_1188 : i32 to vector<16xi32>
      tpu.vector_store_idx %arg17[%broadcast_in_dim3A_1183, %broadcast_in_dim3A_1189], %masked_cumsum3A_1162 masked %eq3A_174 : memref<128x5xf32, #tpu.memory_space<vmem>>[vector<16xi32>, vector<16xi32>], vector<16xf32>, vector<16xi1>
      %broadcast_in_dim3A_1190 = arith.constant 3 : i32
      %broadcast_in_dim3A_1191 = vector.broadcast %broadcast_in_dim3A_1190 : i32 to vector<16xi32>
      tpu.vector_store_idx %arg17[%broadcast_in_dim3A_1183, %broadcast_in_dim3A_1191], %masked_cumsum3A_1172 masked %eq3A_174 : memref<128x5xf32, #tpu.memory_space<vmem>>[vector<16xi32>, vector<16xi32>], vector<16xf32>, vector<16xi1>
      %broadcast_in_dim3A_1192 = arith.constant 4 : i32
      %broadcast_in_dim3A_1193 = vector.broadcast %broadcast_in_dim3A_1192 : i32 to vector<16xi32>
      tpu.vector_store_idx %arg17[%broadcast_in_dim3A_1183, %broadcast_in_dim3A_1193], %masked_cumsum3A_1182 masked %eq3A_174 : memref<128x5xf32, #tpu.memory_space<vmem>>[vector<16xi32>, vector<16xi32>], vector<16xf32>, vector<16xi1>
      %mul3A_1194 = arith.constant 16 : i32
      %mul3A_1195 = arith.muli %scan3A_181, %mul3A_1194 : i32
      %add3A_1196 = arith.constant 6 : i32
      %add3A_1197 = arith.addi %mul3A_1195, %add3A_1196 : i32
      %get3A_1198 = arith.index_cast %add3A_1197 : i32 to index
      %get3A_1199 = arith.constant 0 : index
      %get3A_1200 = tpu.vector_load %arg14[%get3A_1198, %get3A_1199] {strides = array<i32>} : memref<128x64xf32, #tpu.memory_space<vmem>>, vector<16xf32>,
      %get3A_1201 = arith.index_cast %add3A_1197 : i32 to index
      %get3A_1202 = arith.constant 16 : index
      %get3A_1203 = tpu.vector_load %arg14[%get3A_1201, %get3A_1202] {strides = array<i32>} : memref<128x64xf32, #tpu.memory_space<vmem>>, vector<16xf32>,
      %get3A_1204 = arith.index_cast %add3A_1197 : i32 to index
      %get3A_1205 = arith.constant 32 : index
      %get3A_1206 = tpu.vector_load %arg14[%get3A_1204, %get3A_1205] {strides = array<i32>} : memref<128x64xf32, #tpu.memory_space<vmem>>, vector<16xf32>,
      %get3A_1207 = arith.index_cast %add3A_1197 : i32 to index
      %get3A_1208 = arith.constant 48 : index
      %get3A_1209 = tpu.vector_load %arg14[%get3A_1207, %get3A_1208] {strides = array<i32>} : memref<128x64xf32, #tpu.memory_space<vmem>>, vector<16xf32>,
      %get3A_1210 = arith.index_cast %add3A_1197 : i32 to index
      %get3A_1211 = arith.constant 0 : index
      %get3A_1212 = tpu.vector_load %arg15[%get3A_1210, %get3A_1211] {strides = array<i32>} : memref<128x64xf32, #tpu.memory_space<vmem>>, vector<16xf32>,
      %get3A_1213 = arith.index_cast %add3A_1197 : i32 to index
      %get3A_1214 = arith.constant 16 : index
      %get3A_1215 = tpu.vector_load %arg15[%get3A_1213, %get3A_1214] {strides = array<i32>} : memref<128x64xf32, #tpu.memory_space<vmem>>, vector<16xf32>,
      %get3A_1216 = arith.index_cast %add3A_1197 : i32 to index
      %get3A_1217 = arith.constant 32 : index
      %get3A_1218 = tpu.vector_load %arg15[%get3A_1216, %get3A_1217] {strides = array<i32>} : memref<128x64xf32, #tpu.memory_space<vmem>>, vector<16xf32>,
      %get3A_1219 = arith.index_cast %add3A_1197 : i32 to index
      %get3A_1220 = arith.constant 48 : index
      %get3A_1221 = tpu.vector_load %arg15[%get3A_1219, %get3A_1220] {strides = array<i32>} : memref<128x64xf32, #tpu.memory_space<vmem>>, vector<16xf32>,
      %add3A_1222 = arith.constant 0 : i32
      %add3A_1223 = arith.addi %add3A_1222, %add3A_1197 : i32
      %get3A_1224 = arith.index_cast %add3A_1223 : i32 to index
      %get3A_1225 = arith.constant 0 : index
      %get3A_1226 = tpu.vector_load %arg16[%get3A_1224, %get3A_1225] {strides = array<i32>} : memref<512x64xf32, #tpu.memory_space<vmem>>, vector<16xf32>,
      %add3A_1227 = arith.constant 0 : i32
      %add3A_1228 = arith.addi %add3A_1227, %add3A_1197 : i32
      %get3A_1229 = arith.index_cast %add3A_1228 : i32 to index
      %get3A_1230 = arith.constant 16 : index
      %get3A_1231 = tpu.vector_load %arg16[%get3A_1229, %get3A_1230] {strides = array<i32>} : memref<512x64xf32, #tpu.memory_space<vmem>>, vector<16xf32>,
      %add3A_1232 = arith.constant 0 : i32
      %add3A_1233 = arith.addi %add3A_1232, %add3A_1197 : i32
      %get3A_1234 = arith.index_cast %add3A_1233 : i32 to index
      %get3A_1235 = arith.constant 32 : index
      %get3A_1236 = tpu.vector_load %arg16[%get3A_1234, %get3A_1235] {strides = array<i32>} : memref<512x64xf32, #tpu.memory_space<vmem>>, vector<16xf32>,
      %add3A_1237 = arith.constant 0 : i32
      %add3A_1238 = arith.addi %add3A_1237, %add3A_1197 : i32
      %get3A_1239 = arith.index_cast %add3A_1238 : i32 to index
      %get3A_1240 = arith.constant 48 : index
      %get3A_1241 = tpu.vector_load %arg16[%get3A_1239, %get3A_1240] {strides = array<i32>} : memref<512x64xf32, #tpu.memory_space<vmem>>, vector<16xf32>,
      %add3A_1242 = arith.constant 128 : i32
      %add3A_1243 = arith.addi %add3A_1242, %add3A_1197 : i32
      %get3A_1244 = arith.index_cast %add3A_1243 : i32 to index
      %get3A_1245 = arith.constant 0 : index
      %get3A_1246 = tpu.vector_load %arg16[%get3A_1244, %get3A_1245] {strides = array<i32>} : memref<512x64xf32, #tpu.memory_space<vmem>>, vector<16xf32>,
      %add3A_1247 = arith.constant 128 : i32
      %add3A_1248 = arith.addi %add3A_1247, %add3A_1197 : i32
      %get3A_1249 = arith.index_cast %add3A_1248 : i32 to index
      %get3A_1250 = arith.constant 16 : index
      %get3A_1251 = tpu.vector_load %arg16[%get3A_1249, %get3A_1250] {strides = array<i32>} : memref<512x64xf32, #tpu.memory_space<vmem>>, vector<16xf32>,
      %add3A_1252 = arith.constant 128 : i32
      %add3A_1253 = arith.addi %add3A_1252, %add3A_1197 : i32
      %get3A_1254 = arith.index_cast %add3A_1253 : i32 to index
      %get3A_1255 = arith.constant 32 : index
      %get3A_1256 = tpu.vector_load %arg16[%get3A_1254, %get3A_1255] {strides = array<i32>} : memref<512x64xf32, #tpu.memory_space<vmem>>, vector<16xf32>,
      %add3A_1257 = arith.constant 128 : i32
      %add3A_1258 = arith.addi %add3A_1257, %add3A_1197 : i32
      %get3A_1259 = arith.index_cast %add3A_1258 : i32 to index
      %get3A_1260 = arith.constant 48 : index
      %get3A_1261 = tpu.vector_load %arg16[%get3A_1259, %get3A_1260] {strides = array<i32>} : memref<512x64xf32, #tpu.memory_space<vmem>>, vector<16xf32>,
      %add3A_1262 = arith.constant 256 : i32
      %add3A_1263 = arith.addi %add3A_1262, %add3A_1197 : i32
      %get3A_1264 = arith.index_cast %add3A_1263 : i32 to index
      %get3A_1265 = arith.constant 0 : index
      %get3A_1266 = tpu.vector_load %arg16[%get3A_1264, %get3A_1265] {strides = array<i32>} : memref<512x64xf32, #tpu.memory_space<vmem>>, vector<16xf32>,
      %add3A_1267 = arith.constant 256 : i32
      %add3A_1268 = arith.addi %add3A_1267, %add3A_1197 : i32
      %get3A_1269 = arith.index_cast %add3A_1268 : i32 to index
      %get3A_1270 = arith.constant 16 : index
      %get3A_1271 = tpu.vector_load %arg16[%get3A_1269, %get3A_1270] {strides = array<i32>} : memref<512x64xf32, #tpu.memory_space<vmem>>, vector<16xf32>,
      %add3A_1272 = arith.constant 256 : i32
      %add3A_1273 = arith.addi %add3A_1272, %add3A_1197 : i32
      %get3A_1274 = arith.index_cast %add3A_1273 : i32 to index
      %get3A_1275 = arith.constant 32 : index
      %get3A_1276 = tpu.vector_load %arg16[%get3A_1274, %get3A_1275] {strides = array<i32>} : memref<512x64xf32, #tpu.memory_space<vmem>>, vector<16xf32>,
      %add3A_1277 = arith.constant 256 : i32
      %add3A_1278 = arith.addi %add3A_1277, %add3A_1197 : i32
      %get3A_1279 = arith.index_cast %add3A_1278 : i32 to index
      %get3A_1280 = arith.constant 48 : index
      %get3A_1281 = tpu.vector_load %arg16[%get3A_1279, %get3A_1280] {strides = array<i32>} : memref<512x64xf32, #tpu.memory_space<vmem>>, vector<16xf32>,
      %add3A_1282 = arith.constant 384 : i32
      %add3A_1283 = arith.addi %add3A_1282, %add3A_1197 : i32
      %get3A_1284 = arith.index_cast %add3A_1283 : i32 to index
      %get3A_1285 = arith.constant 0 : index
      %get3A_1286 = tpu.vector_load %arg16[%get3A_1284, %get3A_1285] {strides = array<i32>} : memref<512x64xf32, #tpu.memory_space<vmem>>, vector<16xf32>,
      %add3A_1287 = arith.constant 384 : i32
      %add3A_1288 = arith.addi %add3A_1287, %add3A_1197 : i32
      %get3A_1289 = arith.index_cast %add3A_1288 : i32 to index
      %get3A_1290 = arith.constant 16 : index
      %get3A_1291 = tpu.vector_load %arg16[%get3A_1289, %get3A_1290] {strides = array<i32>} : memref<512x64xf32, #tpu.memory_space<vmem>>, vector<16xf32>,
      %add3A_1292 = arith.constant 384 : i32
      %add3A_1293 = arith.addi %add3A_1292, %add3A_1197 : i32
      %get3A_1294 = arith.index_cast %add3A_1293 : i32 to index
      %get3A_1295 = arith.constant 32 : index
      %get3A_1296 = tpu.vector_load %arg16[%get3A_1294, %get3A_1295] {strides = array<i32>} : memref<512x64xf32, #tpu.memory_space<vmem>>, vector<16xf32>,
      %add3A_1297 = arith.constant 384 : i32
      %add3A_1298 = arith.addi %add3A_1297, %add3A_1197 : i32
      %get3A_1299 = arith.index_cast %add3A_1298 : i32 to index
      %get3A_1300 = arith.constant 48 : index
      %get3A_1301 = tpu.vector_load %arg16[%get3A_1299, %get3A_1300] {strides = array<i32>} : memref<512x64xf32, #tpu.memory_space<vmem>>, vector<16xf32>,
      %mul3A_1302 = arith.mulf %get3A_1200, %get3A_1212 : vector<16xf32>
      %mul3A_1303 = arith.mulf %get3A_1203, %get3A_1215 : vector<16xf32>
      %add3A_1304 = arith.addf %mul3A_1302, %mul3A_1303 : vector<16xf32>
      %mul3A_1305 = arith.mulf %get3A_1206, %get3A_1218 : vector<16xf32>
      %mul3A_1306 = arith.mulf %get3A_1209, %get3A_1221 : vector<16xf32>
      %add3A_1307 = arith.addf %mul3A_1305, %mul3A_1306 : vector<16xf32>
      %add3A_1308 = arith.addf %add3A_1304, %add3A_1307 : vector<16xf32>
      %broadcast_in_dim3A_1309 = arith.constant true
      %broadcast_in_dim3A_1310 = vector.broadcast %broadcast_in_dim3A_1309 : i1 to vector<16xi1>
      %masked_cumsum3A_1311 = tpu.scan <sum>, %add3A_1308 masked %broadcast_in_dim3A_1310 : vector<16xf32>, vector<16xi1> -> vector<16xf32>
      %mul3A_1312 = arith.mulf %get3A_1200, %get3A_1226 : vector<16xf32>
      %mul3A_1313 = arith.mulf %get3A_1203, %get3A_1231 : vector<16xf32>
      %add3A_1314 = arith.addf %mul3A_1312, %mul3A_1313 : vector<16xf32>
      %mul3A_1315 = arith.mulf %get3A_1206, %get3A_1236 : vector<16xf32>
      %mul3A_1316 = arith.mulf %get3A_1209, %get3A_1241 : vector<16xf32>
      %add3A_1317 = arith.addf %mul3A_1315, %mul3A_1316 : vector<16xf32>
      %add3A_1318 = arith.addf %add3A_1314, %add3A_1317 : vector<16xf32>
      %broadcast_in_dim3A_1319 = arith.constant true
      %broadcast_in_dim3A_1320 = vector.broadcast %broadcast_in_dim3A_1319 : i1 to vector<16xi1>
      %masked_cumsum3A_1321 = tpu.scan <sum>, %add3A_1318 masked %broadcast_in_dim3A_1320 : vector<16xf32>, vector<16xi1> -> vector<16xf32>
      %mul3A_1322 = arith.mulf %get3A_1200, %get3A_1246 : vector<16xf32>
      %mul3A_1323 = arith.mulf %get3A_1203, %get3A_1251 : vector<16xf32>
      %add3A_1324 = arith.addf %mul3A_1322, %mul3A_1323 : vector<16xf32>
      %mul3A_1325 = arith.mulf %get3A_1206, %get3A_1256 : vector<16xf32>
      %mul3A_1326 = arith.mulf %get3A_1209, %get3A_1261 : vector<16xf32>
      %add3A_1327 = arith.addf %mul3A_1325, %mul3A_1326 : vector<16xf32>
      %add3A_1328 = arith.addf %add3A_1324, %add3A_1327 : vector<16xf32>
      %broadcast_in_dim3A_1329 = arith.constant true
      %broadcast_in_dim3A_1330 = vector.broadcast %broadcast_in_dim3A_1329 : i1 to vector<16xi1>
      %masked_cumsum3A_1331 = tpu.scan <sum>, %add3A_1328 masked %broadcast_in_dim3A_1330 : vector<16xf32>, vector<16xi1> -> vector<16xf32>
      %mul3A_1332 = arith.mulf %get3A_1200, %get3A_1266 : vector<16xf32>
      %mul3A_1333 = arith.mulf %get3A_1203, %get3A_1271 : vector<16xf32>
      %add3A_1334 = arith.addf %mul3A_1332, %mul3A_1333 : vector<16xf32>
      %mul3A_1335 = arith.mulf %get3A_1206, %get3A_1276 : vector<16xf32>
      %mul3A_1336 = arith.mulf %get3A_1209, %get3A_1281 : vector<16xf32>
      %add3A_1337 = arith.addf %mul3A_1335, %mul3A_1336 : vector<16xf32>
      %add3A_1338 = arith.addf %add3A_1334, %add3A_1337 : vector<16xf32>
      %broadcast_in_dim3A_1339 = arith.constant true
      %broadcast_in_dim3A_1340 = vector.broadcast %broadcast_in_dim3A_1339 : i1 to vector<16xi1>
      %masked_cumsum3A_1341 = tpu.scan <sum>, %add3A_1338 masked %broadcast_in_dim3A_1340 : vector<16xf32>, vector<16xi1> -> vector<16xf32>
      %mul3A_1342 = arith.mulf %get3A_1200, %get3A_1286 : vector<16xf32>
      %mul3A_1343 = arith.mulf %get3A_1203, %get3A_1291 : vector<16xf32>
      %add3A_1344 = arith.addf %mul3A_1342, %mul3A_1343 : vector<16xf32>
      %mul3A_1345 = arith.mulf %get3A_1206, %get3A_1296 : vector<16xf32>
      %mul3A_1346 = arith.mulf %get3A_1209, %get3A_1301 : vector<16xf32>
      %add3A_1347 = arith.addf %mul3A_1345, %mul3A_1346 : vector<16xf32>
      %add3A_1348 = arith.addf %add3A_1344, %add3A_1347 : vector<16xf32>
      %broadcast_in_dim3A_1349 = arith.constant true
      %broadcast_in_dim3A_1350 = vector.broadcast %broadcast_in_dim3A_1349 : i1 to vector<16xi1>
      %masked_cumsum3A_1351 = tpu.scan <sum>, %add3A_1348 masked %broadcast_in_dim3A_1350 : vector<16xf32>, vector<16xi1> -> vector<16xf32>
      %broadcast_in_dim3A_1352 = vector.broadcast %add3A_1197 : i32 to vector<16xi32>
      %broadcast_in_dim3A_1353 = arith.constant 0 : i32
      %broadcast_in_dim3A_1354 = vector.broadcast %broadcast_in_dim3A_1353 : i32 to vector<16xi32>
      tpu.vector_store_idx %arg17[%broadcast_in_dim3A_1352, %broadcast_in_dim3A_1354], %masked_cumsum3A_1311 masked %eq3A_174 : memref<128x5xf32, #tpu.memory_space<vmem>>[vector<16xi32>, vector<16xi32>], vector<16xf32>, vector<16xi1>
      %broadcast_in_dim3A_1355 = arith.constant 1 : i32
      %broadcast_in_dim3A_1356 = vector.broadcast %broadcast_in_dim3A_1355 : i32 to vector<16xi32>
      tpu.vector_store_idx %arg17[%broadcast_in_dim3A_1352, %broadcast_in_dim3A_1356], %masked_cumsum3A_1321 masked %eq3A_174 : memref<128x5xf32, #tpu.memory_space<vmem>>[vector<16xi32>, vector<16xi32>], vector<16xf32>, vector<16xi1>
      %broadcast_in_dim3A_1357 = arith.constant 2 : i32
      %broadcast_in_dim3A_1358 = vector.broadcast %broadcast_in_dim3A_1357 : i32 to vector<16xi32>
      tpu.vector_store_idx %arg17[%broadcast_in_dim3A_1352, %broadcast_in_dim3A_1358], %masked_cumsum3A_1331 masked %eq3A_174 : memref<128x5xf32, #tpu.memory_space<vmem>>[vector<16xi32>, vector<16xi32>], vector<16xf32>, vector<16xi1>
      %broadcast_in_dim3A_1359 = arith.constant 3 : i32
      %broadcast_in_dim3A_1360 = vector.broadcast %broadcast_in_dim3A_1359 : i32 to vector<16xi32>
      tpu.vector_store_idx %arg17[%broadcast_in_dim3A_1352, %broadcast_in_dim3A_1360], %masked_cumsum3A_1341 masked %eq3A_174 : memref<128x5xf32, #tpu.memory_space<vmem>>[vector<16xi32>, vector<16xi32>], vector<16xf32>, vector<16xi1>
      %broadcast_in_dim3A_1361 = arith.constant 4 : i32
      %broadcast_in_dim3A_1362 = vector.broadcast %broadcast_in_dim3A_1361 : i32 to vector<16xi32>
      tpu.vector_store_idx %arg17[%broadcast_in_dim3A_1352, %broadcast_in_dim3A_1362], %masked_cumsum3A_1351 masked %eq3A_174 : memref<128x5xf32, #tpu.memory_space<vmem>>[vector<16xi32>, vector<16xi32>], vector<16xf32>, vector<16xi1>
      %mul3A_1363 = arith.constant 16 : i32
      %mul3A_1364 = arith.muli %scan3A_181, %mul3A_1363 : i32
      %add3A_1365 = arith.constant 7 : i32
      %add3A_1366 = arith.addi %mul3A_1364, %add3A_1365 : i32
      %get3A_1367 = arith.index_cast %add3A_1366 : i32 to index
      %get3A_1368 = arith.constant 0 : index
      %get3A_1369 = tpu.vector_load %arg14[%get3A_1367, %get3A_1368] {strides = array<i32>} : memref<128x64xf32, #tpu.memory_space<vmem>>, vector<16xf32>,
      %get3A_1370 = arith.index_cast %add3A_1366 : i32 to index
      %get3A_1371 = arith.constant 16 : index
      %get3A_1372 = tpu.vector_load %arg14[%get3A_1370, %get3A_1371] {strides = array<i32>} : memref<128x64xf32, #tpu.memory_space<vmem>>, vector<16xf32>,
      %get3A_1373 = arith.index_cast %add3A_1366 : i32 to index
      %get3A_1374 = arith.constant 32 : index
      %get3A_1375 = tpu.vector_load %arg14[%get3A_1373, %get3A_1374] {strides = array<i32>} : memref<128x64xf32, #tpu.memory_space<vmem>>, vector<16xf32>,
      %get3A_1376 = arith.index_cast %add3A_1366 : i32 to index
      %get3A_1377 = arith.constant 48 : index
      %get3A_1378 = tpu.vector_load %arg14[%get3A_1376, %get3A_1377] {strides = array<i32>} : memref<128x64xf32, #tpu.memory_space<vmem>>, vector<16xf32>,
      %get3A_1379 = arith.index_cast %add3A_1366 : i32 to index
      %get3A_1380 = arith.constant 0 : index
      %get3A_1381 = tpu.vector_load %arg15[%get3A_1379, %get3A_1380] {strides = array<i32>} : memref<128x64xf32, #tpu.memory_space<vmem>>, vector<16xf32>,
      %get3A_1382 = arith.index_cast %add3A_1366 : i32 to index
      %get3A_1383 = arith.constant 16 : index
      %get3A_1384 = tpu.vector_load %arg15[%get3A_1382, %get3A_1383] {strides = array<i32>} : memref<128x64xf32, #tpu.memory_space<vmem>>, vector<16xf32>,
      %get3A_1385 = arith.index_cast %add3A_1366 : i32 to index
      %get3A_1386 = arith.constant 32 : index
      %get3A_1387 = tpu.vector_load %arg15[%get3A_1385, %get3A_1386] {strides = array<i32>} : memref<128x64xf32, #tpu.memory_space<vmem>>, vector<16xf32>,
      %get3A_1388 = arith.index_cast %add3A_1366 : i32 to index
      %get3A_1389 = arith.constant 48 : index
      %get3A_1390 = tpu.vector_load %arg15[%get3A_1388, %get3A_1389] {strides = array<i32>} : memref<128x64xf32, #tpu.memory_space<vmem>>, vector<16xf32>,
      %add3A_1391 = arith.constant 0 : i32
      %add3A_1392 = arith.addi %add3A_1391, %add3A_1366 : i32
      %get3A_1393 = arith.index_cast %add3A_1392 : i32 to index
      %get3A_1394 = arith.constant 0 : index
      %get3A_1395 = tpu.vector_load %arg16[%get3A_1393, %get3A_1394] {strides = array<i32>} : memref<512x64xf32, #tpu.memory_space<vmem>>, vector<16xf32>,
      %add3A_1396 = arith.constant 0 : i32
      %add3A_1397 = arith.addi %add3A_1396, %add3A_1366 : i32
      %get3A_1398 = arith.index_cast %add3A_1397 : i32 to index
      %get3A_1399 = arith.constant 16 : index
      %get3A_1400 = tpu.vector_load %arg16[%get3A_1398, %get3A_1399] {strides = array<i32>} : memref<512x64xf32, #tpu.memory_space<vmem>>, vector<16xf32>,
      %add3A_1401 = arith.constant 0 : i32
      %add3A_1402 = arith.addi %add3A_1401, %add3A_1366 : i32
      %get3A_1403 = arith.index_cast %add3A_1402 : i32 to index
      %get3A_1404 = arith.constant 32 : index
      %get3A_1405 = tpu.vector_load %arg16[%get3A_1403, %get3A_1404] {strides = array<i32>} : memref<512x64xf32, #tpu.memory_space<vmem>>, vector<16xf32>,
      %add3A_1406 = arith.constant 0 : i32
      %add3A_1407 = arith.addi %add3A_1406, %add3A_1366 : i32
      %get3A_1408 = arith.index_cast %add3A_1407 : i32 to index
      %get3A_1409 = arith.constant 48 : index
      %get3A_1410 = tpu.vector_load %arg16[%get3A_1408, %get3A_1409] {strides = array<i32>} : memref<512x64xf32, #tpu.memory_space<vmem>>, vector<16xf32>,
      %add3A_1411 = arith.constant 128 : i32
      %add3A_1412 = arith.addi %add3A_1411, %add3A_1366 : i32
      %get3A_1413 = arith.index_cast %add3A_1412 : i32 to index
      %get3A_1414 = arith.constant 0 : index
      %get3A_1415 = tpu.vector_load %arg16[%get3A_1413, %get3A_1414] {strides = array<i32>} : memref<512x64xf32, #tpu.memory_space<vmem>>, vector<16xf32>,
      %add3A_1416 = arith.constant 128 : i32
      %add3A_1417 = arith.addi %add3A_1416, %add3A_1366 : i32
      %get3A_1418 = arith.index_cast %add3A_1417 : i32 to index
      %get3A_1419 = arith.constant 16 : index
      %get3A_1420 = tpu.vector_load %arg16[%get3A_1418, %get3A_1419] {strides = array<i32>} : memref<512x64xf32, #tpu.memory_space<vmem>>, vector<16xf32>,
      %add3A_1421 = arith.constant 128 : i32
      %add3A_1422 = arith.addi %add3A_1421, %add3A_1366 : i32
      %get3A_1423 = arith.index_cast %add3A_1422 : i32 to index
      %get3A_1424 = arith.constant 32 : index
      %get3A_1425 = tpu.vector_load %arg16[%get3A_1423, %get3A_1424] {strides = array<i32>} : memref<512x64xf32, #tpu.memory_space<vmem>>, vector<16xf32>,
      %add3A_1426 = arith.constant 128 : i32
      %add3A_1427 = arith.addi %add3A_1426, %add3A_1366 : i32
      %get3A_1428 = arith.index_cast %add3A_1427 : i32 to index
      %get3A_1429 = arith.constant 48 : index
      %get3A_1430 = tpu.vector_load %arg16[%get3A_1428, %get3A_1429] {strides = array<i32>} : memref<512x64xf32, #tpu.memory_space<vmem>>, vector<16xf32>,
      %add3A_1431 = arith.constant 256 : i32
      %add3A_1432 = arith.addi %add3A_1431, %add3A_1366 : i32
      %get3A_1433 = arith.index_cast %add3A_1432 : i32 to index
      %get3A_1434 = arith.constant 0 : index
      %get3A_1435 = tpu.vector_load %arg16[%get3A_1433, %get3A_1434] {strides = array<i32>} : memref<512x64xf32, #tpu.memory_space<vmem>>, vector<16xf32>,
      %add3A_1436 = arith.constant 256 : i32
      %add3A_1437 = arith.addi %add3A_1436, %add3A_1366 : i32
      %get3A_1438 = arith.index_cast %add3A_1437 : i32 to index
      %get3A_1439 = arith.constant 16 : index
      %get3A_1440 = tpu.vector_load %arg16[%get3A_1438, %get3A_1439] {strides = array<i32>} : memref<512x64xf32, #tpu.memory_space<vmem>>, vector<16xf32>,
      %add3A_1441 = arith.constant 256 : i32
      %add3A_1442 = arith.addi %add3A_1441, %add3A_1366 : i32
      %get3A_1443 = arith.index_cast %add3A_1442 : i32 to index
      %get3A_1444 = arith.constant 32 : index
      %get3A_1445 = tpu.vector_load %arg16[%get3A_1443, %get3A_1444] {strides = array<i32>} : memref<512x64xf32, #tpu.memory_space<vmem>>, vector<16xf32>,
      %add3A_1446 = arith.constant 256 : i32
      %add3A_1447 = arith.addi %add3A_1446, %add3A_1366 : i32
      %get3A_1448 = arith.index_cast %add3A_1447 : i32 to index
      %get3A_1449 = arith.constant 48 : index
      %get3A_1450 = tpu.vector_load %arg16[%get3A_1448, %get3A_1449] {strides = array<i32>} : memref<512x64xf32, #tpu.memory_space<vmem>>, vector<16xf32>,
      %add3A_1451 = arith.constant 384 : i32
      %add3A_1452 = arith.addi %add3A_1451, %add3A_1366 : i32
      %get3A_1453 = arith.index_cast %add3A_1452 : i32 to index
      %get3A_1454 = arith.constant 0 : index
      %get3A_1455 = tpu.vector_load %arg16[%get3A_1453, %get3A_1454] {strides = array<i32>} : memref<512x64xf32, #tpu.memory_space<vmem>>, vector<16xf32>,
      %add3A_1456 = arith.constant 384 : i32
      %add3A_1457 = arith.addi %add3A_1456, %add3A_1366 : i32
      %get3A_1458 = arith.index_cast %add3A_1457 : i32 to index
      %get3A_1459 = arith.constant 16 : index
      %get3A_1460 = tpu.vector_load %arg16[%get3A_1458, %get3A_1459] {strides = array<i32>} : memref<512x64xf32, #tpu.memory_space<vmem>>, vector<16xf32>,
      %add3A_1461 = arith.constant 384 : i32
      %add3A_1462 = arith.addi %add3A_1461, %add3A_1366 : i32
      %get3A_1463 = arith.index_cast %add3A_1462 : i32 to index
      %get3A_1464 = arith.constant 32 : index
      %get3A_1465 = tpu.vector_load %arg16[%get3A_1463, %get3A_1464] {strides = array<i32>} : memref<512x64xf32, #tpu.memory_space<vmem>>, vector<16xf32>,
      %add3A_1466 = arith.constant 384 : i32
      %add3A_1467 = arith.addi %add3A_1466, %add3A_1366 : i32
      %get3A_1468 = arith.index_cast %add3A_1467 : i32 to index
      %get3A_1469 = arith.constant 48 : index
      %get3A_1470 = tpu.vector_load %arg16[%get3A_1468, %get3A_1469] {strides = array<i32>} : memref<512x64xf32, #tpu.memory_space<vmem>>, vector<16xf32>,
      %mul3A_1471 = arith.mulf %get3A_1369, %get3A_1381 : vector<16xf32>
      %mul3A_1472 = arith.mulf %get3A_1372, %get3A_1384 : vector<16xf32>
      %add3A_1473 = arith.addf %mul3A_1471, %mul3A_1472 : vector<16xf32>
      %mul3A_1474 = arith.mulf %get3A_1375, %get3A_1387 : vector<16xf32>
      %mul3A_1475 = arith.mulf %get3A_1378, %get3A_1390 : vector<16xf32>
      %add3A_1476 = arith.addf %mul3A_1474, %mul3A_1475 : vector<16xf32>
      %add3A_1477 = arith.addf %add3A_1473, %add3A_1476 : vector<16xf32>
      %broadcast_in_dim3A_1478 = arith.constant true
      %broadcast_in_dim3A_1479 = vector.broadcast %broadcast_in_dim3A_1478 : i1 to vector<16xi1>
      %masked_cumsum3A_1480 = tpu.scan <sum>, %add3A_1477 masked %broadcast_in_dim3A_1479 : vector<16xf32>, vector<16xi1> -> vector<16xf32>
      %mul3A_1481 = arith.mulf %get3A_1369, %get3A_1395 : vector<16xf32>
      %mul3A_1482 = arith.mulf %get3A_1372, %get3A_1400 : vector<16xf32>
      %add3A_1483 = arith.addf %mul3A_1481, %mul3A_1482 : vector<16xf32>
      %mul3A_1484 = arith.mulf %get3A_1375, %get3A_1405 : vector<16xf32>
      %mul3A_1485 = arith.mulf %get3A_1378, %get3A_1410 : vector<16xf32>
      %add3A_1486 = arith.addf %mul3A_1484, %mul3A_1485 : vector<16xf32>
      %add3A_1487 = arith.addf %add3A_1483, %add3A_1486 : vector<16xf32>
      %broadcast_in_dim3A_1488 = arith.constant true
      %broadcast_in_dim3A_1489 = vector.broadcast %broadcast_in_dim3A_1488 : i1 to vector<16xi1>
      %masked_cumsum3A_1490 = tpu.scan <sum>, %add3A_1487 masked %broadcast_in_dim3A_1489 : vector<16xf32>, vector<16xi1> -> vector<16xf32>
      %mul3A_1491 = arith.mulf %get3A_1369, %get3A_1415 : vector<16xf32>
      %mul3A_1492 = arith.mulf %get3A_1372, %get3A_1420 : vector<16xf32>
      %add3A_1493 = arith.addf %mul3A_1491, %mul3A_1492 : vector<16xf32>
      %mul3A_1494 = arith.mulf %get3A_1375, %get3A_1425 : vector<16xf32>
      %mul3A_1495 = arith.mulf %get3A_1378, %get3A_1430 : vector<16xf32>
      %add3A_1496 = arith.addf %mul3A_1494, %mul3A_1495 : vector<16xf32>
      %add3A_1497 = arith.addf %add3A_1493, %add3A_1496 : vector<16xf32>
      %broadcast_in_dim3A_1498 = arith.constant true
      %broadcast_in_dim3A_1499 = vector.broadcast %broadcast_in_dim3A_1498 : i1 to vector<16xi1>
      %masked_cumsum3A_1500 = tpu.scan <sum>, %add3A_1497 masked %broadcast_in_dim3A_1499 : vector<16xf32>, vector<16xi1> -> vector<16xf32>
      %mul3A_1501 = arith.mulf %get3A_1369, %get3A_1435 : vector<16xf32>
      %mul3A_1502 = arith.mulf %get3A_1372, %get3A_1440 : vector<16xf32>
      %add3A_1503 = arith.addf %mul3A_1501, %mul3A_1502 : vector<16xf32>
      %mul3A_1504 = arith.mulf %get3A_1375, %get3A_1445 : vector<16xf32>
      %mul3A_1505 = arith.mulf %get3A_1378, %get3A_1450 : vector<16xf32>
      %add3A_1506 = arith.addf %mul3A_1504, %mul3A_1505 : vector<16xf32>
      %add3A_1507 = arith.addf %add3A_1503, %add3A_1506 : vector<16xf32>
      %broadcast_in_dim3A_1508 = arith.constant true
      %broadcast_in_dim3A_1509 = vector.broadcast %broadcast_in_dim3A_1508 : i1 to vector<16xi1>
      %masked_cumsum3A_1510 = tpu.scan <sum>, %add3A_1507 masked %broadcast_in_dim3A_1509 : vector<16xf32>, vector<16xi1> -> vector<16xf32>
      %mul3A_1511 = arith.mulf %get3A_1369, %get3A_1455 : vector<16xf32>
      %mul3A_1512 = arith.mulf %get3A_1372, %get3A_1460 : vector<16xf32>
      %add3A_1513 = arith.addf %mul3A_1511, %mul3A_1512 : vector<16xf32>
      %mul3A_1514 = arith.mulf %get3A_1375, %get3A_1465 : vector<16xf32>
      %mul3A_1515 = arith.mulf %get3A_1378, %get3A_1470 : vector<16xf32>
      %add3A_1516 = arith.addf %mul3A_1514, %mul3A_1515 : vector<16xf32>
      %add3A_1517 = arith.addf %add3A_1513, %add3A_1516 : vector<16xf32>
      %broadcast_in_dim3A_1518 = arith.constant true
      %broadcast_in_dim3A_1519 = vector.broadcast %broadcast_in_dim3A_1518 : i1 to vector<16xi1>
      %masked_cumsum3A_1520 = tpu.scan <sum>, %add3A_1517 masked %broadcast_in_dim3A_1519 : vector<16xf32>, vector<16xi1> -> vector<16xf32>
      %broadcast_in_dim3A_1521 = vector.broadcast %add3A_1366 : i32 to vector<16xi32>
      %broadcast_in_dim3A_1522 = arith.constant 0 : i32
      %broadcast_in_dim3A_1523 = vector.broadcast %broadcast_in_dim3A_1522 : i32 to vector<16xi32>
      tpu.vector_store_idx %arg17[%broadcast_in_dim3A_1521, %broadcast_in_dim3A_1523], %masked_cumsum3A_1480 masked %eq3A_174 : memref<128x5xf32, #tpu.memory_space<vmem>>[vector<16xi32>, vector<16xi32>], vector<16xf32>, vector<16xi1>
      %broadcast_in_dim3A_1524 = arith.constant 1 : i32
      %broadcast_in_dim3A_1525 = vector.broadcast %broadcast_in_dim3A_1524 : i32 to vector<16xi32>
      tpu.vector_store_idx %arg17[%broadcast_in_dim3A_1521, %broadcast_in_dim3A_1525], %masked_cumsum3A_1490 masked %eq3A_174 : memref<128x5xf32, #tpu.memory_space<vmem>>[vector<16xi32>, vector<16xi32>], vector<16xf32>, vector<16xi1>
      %broadcast_in_dim3A_1526 = arith.constant 2 : i32
      %broadcast_in_dim3A_1527 = vector.broadcast %broadcast_in_dim3A_1526 : i32 to vector<16xi32>
      tpu.vector_store_idx %arg17[%broadcast_in_dim3A_1521, %broadcast_in_dim3A_1527], %masked_cumsum3A_1500 masked %eq3A_174 : memref<128x5xf32, #tpu.memory_space<vmem>>[vector<16xi32>, vector<16xi32>], vector<16xf32>, vector<16xi1>
      %broadcast_in_dim3A_1528 = arith.constant 3 : i32
      %broadcast_in_dim3A_1529 = vector.broadcast %broadcast_in_dim3A_1528 : i32 to vector<16xi32>
      tpu.vector_store_idx %arg17[%broadcast_in_dim3A_1521, %broadcast_in_dim3A_1529], %masked_cumsum3A_1510 masked %eq3A_174 : memref<128x5xf32, #tpu.memory_space<vmem>>[vector<16xi32>, vector<16xi32>], vector<16xf32>, vector<16xi1>
      %broadcast_in_dim3A_1530 = arith.constant 4 : i32
      %broadcast_in_dim3A_1531 = vector.broadcast %broadcast_in_dim3A_1530 : i32 to vector<16xi32>
      tpu.vector_store_idx %arg17[%broadcast_in_dim3A_1521, %broadcast_in_dim3A_1531], %masked_cumsum3A_1520 masked %eq3A_174 : memref<128x5xf32, #tpu.memory_space<vmem>>[vector<16xi32>, vector<16xi32>], vector<16xf32>, vector<16xi1>
      %mul3A_1532 = arith.constant 16 : i32
      %mul3A_1533 = arith.muli %scan3A_181, %mul3A_1532 : i32
      %add3A_1534 = arith.constant 8 : i32
      %add3A_1535 = arith.addi %mul3A_1533, %add3A_1534 : i32
      %get3A_1536 = arith.index_cast %add3A_1535 : i32 to index
      %get3A_1537 = arith.constant 0 : index
      %get3A_1538 = tpu.vector_load %arg14[%get3A_1536, %get3A_1537] {strides = array<i32>} : memref<128x64xf32, #tpu.memory_space<vmem>>, vector<16xf32>,
      %get3A_1539 = arith.index_cast %add3A_1535 : i32 to index
      %get3A_1540 = arith.constant 16 : index
      %get3A_1541 = tpu.vector_load %arg14[%get3A_1539, %get3A_1540] {strides = array<i32>} : memref<128x64xf32, #tpu.memory_space<vmem>>, vector<16xf32>,
      %get3A_1542 = arith.index_cast %add3A_1535 : i32 to index
      %get3A_1543 = arith.constant 32 : index
      %get3A_1544 = tpu.vector_load %arg14[%get3A_1542, %get3A_1543] {strides = array<i32>} : memref<128x64xf32, #tpu.memory_space<vmem>>, vector<16xf32>,
      %get3A_1545 = arith.index_cast %add3A_1535 : i32 to index
      %get3A_1546 = arith.constant 48 : index
      %get3A_1547 = tpu.vector_load %arg14[%get3A_1545, %get3A_1546] {strides = array<i32>} : memref<128x64xf32, #tpu.memory_space<vmem>>, vector<16xf32>,
      %get3A_1548 = arith.index_cast %add3A_1535 : i32 to index
      %get3A_1549 = arith.constant 0 : index
      %get3A_1550 = tpu.vector_load %arg15[%get3A_1548, %get3A_1549] {strides = array<i32>} : memref<128x64xf32, #tpu.memory_space<vmem>>, vector<16xf32>,
      %get3A_1551 = arith.index_cast %add3A_1535 : i32 to index
      %get3A_1552 = arith.constant 16 : index
      %get3A_1553 = tpu.vector_load %arg15[%get3A_1551, %get3A_1552] {strides = array<i32>} : memref<128x64xf32, #tpu.memory_space<vmem>>, vector<16xf32>,
      %get3A_1554 = arith.index_cast %add3A_1535 : i32 to index
      %get3A_1555 = arith.constant 32 : index
      %get3A_1556 = tpu.vector_load %arg15[%get3A_1554, %get3A_1555] {strides = array<i32>} : memref<128x64xf32, #tpu.memory_space<vmem>>, vector<16xf32>,
      %get3A_1557 = arith.index_cast %add3A_1535 : i32 to index
      %get3A_1558 = arith.constant 48 : index
      %get3A_1559 = tpu.vector_load %arg15[%get3A_1557, %get3A_1558] {strides = array<i32>} : memref<128x64xf32, #tpu.memory_space<vmem>>, vector<16xf32>,
      %add3A_1560 = arith.constant 0 : i32
      %add3A_1561 = arith.addi %add3A_1560, %add3A_1535 : i32
      %get3A_1562 = arith.index_cast %add3A_1561 : i32 to index
      %get3A_1563 = arith.constant 0 : index
      %get3A_1564 = tpu.vector_load %arg16[%get3A_1562, %get3A_1563] {strides = array<i32>} : memref<512x64xf32, #tpu.memory_space<vmem>>, vector<16xf32>,
      %add3A_1565 = arith.constant 0 : i32
      %add3A_1566 = arith.addi %add3A_1565, %add3A_1535 : i32
      %get3A_1567 = arith.index_cast %add3A_1566 : i32 to index
      %get3A_1568 = arith.constant 16 : index
      %get3A_1569 = tpu.vector_load %arg16[%get3A_1567, %get3A_1568] {strides = array<i32>} : memref<512x64xf32, #tpu.memory_space<vmem>>, vector<16xf32>,
      %add3A_1570 = arith.constant 0 : i32
      %add3A_1571 = arith.addi %add3A_1570, %add3A_1535 : i32
      %get3A_1572 = arith.index_cast %add3A_1571 : i32 to index
      %get3A_1573 = arith.constant 32 : index
      %get3A_1574 = tpu.vector_load %arg16[%get3A_1572, %get3A_1573] {strides = array<i32>} : memref<512x64xf32, #tpu.memory_space<vmem>>, vector<16xf32>,
      %add3A_1575 = arith.constant 0 : i32
      %add3A_1576 = arith.addi %add3A_1575, %add3A_1535 : i32
      %get3A_1577 = arith.index_cast %add3A_1576 : i32 to index
      %get3A_1578 = arith.constant 48 : index
      %get3A_1579 = tpu.vector_load %arg16[%get3A_1577, %get3A_1578] {strides = array<i32>} : memref<512x64xf32, #tpu.memory_space<vmem>>, vector<16xf32>,
      %add3A_1580 = arith.constant 128 : i32
      %add3A_1581 = arith.addi %add3A_1580, %add3A_1535 : i32
      %get3A_1582 = arith.index_cast %add3A_1581 : i32 to index
      %get3A_1583 = arith.constant 0 : index
      %get3A_1584 = tpu.vector_load %arg16[%get3A_1582, %get3A_1583] {strides = array<i32>} : memref<512x64xf32, #tpu.memory_space<vmem>>, vector<16xf32>,
      %add3A_1585 = arith.constant 128 : i32
      %add3A_1586 = arith.addi %add3A_1585, %add3A_1535 : i32
      %get3A_1587 = arith.index_cast %add3A_1586 : i32 to index
      %get3A_1588 = arith.constant 16 : index
      %get3A_1589 = tpu.vector_load %arg16[%get3A_1587, %get3A_1588] {strides = array<i32>} : memref<512x64xf32, #tpu.memory_space<vmem>>, vector<16xf32>,
      %add3A_1590 = arith.constant 128 : i32
      %add3A_1591 = arith.addi %add3A_1590, %add3A_1535 : i32
      %get3A_1592 = arith.index_cast %add3A_1591 : i32 to index
      %get3A_1593 = arith.constant 32 : index
      %get3A_1594 = tpu.vector_load %arg16[%get3A_1592, %get3A_1593] {strides = array<i32>} : memref<512x64xf32, #tpu.memory_space<vmem>>, vector<16xf32>,
      %add3A_1595 = arith.constant 128 : i32
      %add3A_1596 = arith.addi %add3A_1595, %add3A_1535 : i32
      %get3A_1597 = arith.index_cast %add3A_1596 : i32 to index
      %get3A_1598 = arith.constant 48 : index
      %get3A_1599 = tpu.vector_load %arg16[%get3A_1597, %get3A_1598] {strides = array<i32>} : memref<512x64xf32, #tpu.memory_space<vmem>>, vector<16xf32>,
      %add3A_1600 = arith.constant 256 : i32
      %add3A_1601 = arith.addi %add3A_1600, %add3A_1535 : i32
      %get3A_1602 = arith.index_cast %add3A_1601 : i32 to index
      %get3A_1603 = arith.constant 0 : index
      %get3A_1604 = tpu.vector_load %arg16[%get3A_1602, %get3A_1603] {strides = array<i32>} : memref<512x64xf32, #tpu.memory_space<vmem>>, vector<16xf32>,
      %add3A_1605 = arith.constant 256 : i32
      %add3A_1606 = arith.addi %add3A_1605, %add3A_1535 : i32
      %get3A_1607 = arith.index_cast %add3A_1606 : i32 to index
      %get3A_1608 = arith.constant 16 : index
      %get3A_1609 = tpu.vector_load %arg16[%get3A_1607, %get3A_1608] {strides = array<i32>} : memref<512x64xf32, #tpu.memory_space<vmem>>, vector<16xf32>,
      %add3A_1610 = arith.constant 256 : i32
      %add3A_1611 = arith.addi %add3A_1610, %add3A_1535 : i32
      %get3A_1612 = arith.index_cast %add3A_1611 : i32 to index
      %get3A_1613 = arith.constant 32 : index
      %get3A_1614 = tpu.vector_load %arg16[%get3A_1612, %get3A_1613] {strides = array<i32>} : memref<512x64xf32, #tpu.memory_space<vmem>>, vector<16xf32>,
      %add3A_1615 = arith.constant 256 : i32
      %add3A_1616 = arith.addi %add3A_1615, %add3A_1535 : i32
      %get3A_1617 = arith.index_cast %add3A_1616 : i32 to index
      %get3A_1618 = arith.constant 48 : index
      %get3A_1619 = tpu.vector_load %arg16[%get3A_1617, %get3A_1618] {strides = array<i32>} : memref<512x64xf32, #tpu.memory_space<vmem>>, vector<16xf32>,
      %add3A_1620 = arith.constant 384 : i32
      %add3A_1621 = arith.addi %add3A_1620, %add3A_1535 : i32
      %get3A_1622 = arith.index_cast %add3A_1621 : i32 to index
      %get3A_1623 = arith.constant 0 : index
      %get3A_1624 = tpu.vector_load %arg16[%get3A_1622, %get3A_1623] {strides = array<i32>} : memref<512x64xf32, #tpu.memory_space<vmem>>, vector<16xf32>,
      %add3A_1625 = arith.constant 384 : i32
      %add3A_1626 = arith.addi %add3A_1625, %add3A_1535 : i32
      %get3A_1627 = arith.index_cast %add3A_1626 : i32 to index
      %get3A_1628 = arith.constant 16 : index
      %get3A_1629 = tpu.vector_load %arg16[%get3A_1627, %get3A_1628] {strides = array<i32>} : memref<512x64xf32, #tpu.memory_space<vmem>>, vector<16xf32>,
      %add3A_1630 = arith.constant 384 : i32
      %add3A_1631 = arith.addi %add3A_1630, %add3A_1535 : i32
      %get3A_1632 = arith.index_cast %add3A_1631 : i32 to index
      %get3A_1633 = arith.constant 32 : index
      %get3A_1634 = tpu.vector_load %arg16[%get3A_1632, %get3A_1633] {strides = array<i32>} : memref<512x64xf32, #tpu.memory_space<vmem>>, vector<16xf32>,
      %add3A_1635 = arith.constant 384 : i32
      %add3A_1636 = arith.addi %add3A_1635, %add3A_1535 : i32
      %get3A_1637 = arith.index_cast %add3A_1636 : i32 to index
      %get3A_1638 = arith.constant 48 : index
      %get3A_1639 = tpu.vector_load %arg16[%get3A_1637, %get3A_1638] {strides = array<i32>} : memref<512x64xf32, #tpu.memory_space<vmem>>, vector<16xf32>,
      %mul3A_1640 = arith.mulf %get3A_1538, %get3A_1550 : vector<16xf32>
      %mul3A_1641 = arith.mulf %get3A_1541, %get3A_1553 : vector<16xf32>
      %add3A_1642 = arith.addf %mul3A_1640, %mul3A_1641 : vector<16xf32>
      %mul3A_1643 = arith.mulf %get3A_1544, %get3A_1556 : vector<16xf32>
      %mul3A_1644 = arith.mulf %get3A_1547, %get3A_1559 : vector<16xf32>
      %add3A_1645 = arith.addf %mul3A_1643, %mul3A_1644 : vector<16xf32>
      %add3A_1646 = arith.addf %add3A_1642, %add3A_1645 : vector<16xf32>
      %broadcast_in_dim3A_1647 = arith.constant true
      %broadcast_in_dim3A_1648 = vector.broadcast %broadcast_in_dim3A_1647 : i1 to vector<16xi1>
      %masked_cumsum3A_1649 = tpu.scan <sum>, %add3A_1646 masked %broadcast_in_dim3A_1648 : vector<16xf32>, vector<16xi1> -> vector<16xf32>
      %mul3A_1650 = arith.mulf %get3A_1538, %get3A_1564 : vector<16xf32>
      %mul3A_1651 = arith.mulf %get3A_1541, %get3A_1569 : vector<16xf32>
      %add3A_1652 = arith.addf %mul3A_1650, %mul3A_1651 : vector<16xf32>
      %mul3A_1653 = arith.mulf %get3A_1544, %get3A_1574 : vector<16xf32>
      %mul3A_1654 = arith.mulf %get3A_1547, %get3A_1579 : vector<16xf32>
      %add3A_1655 = arith.addf %mul3A_1653, %mul3A_1654 : vector<16xf32>
      %add3A_1656 = arith.addf %add3A_1652, %add3A_1655 : vector<16xf32>
      %broadcast_in_dim3A_1657 = arith.constant true
      %broadcast_in_dim3A_1658 = vector.broadcast %broadcast_in_dim3A_1657 : i1 to vector<16xi1>
      %masked_cumsum3A_1659 = tpu.scan <sum>, %add3A_1656 masked %broadcast_in_dim3A_1658 : vector<16xf32>, vector<16xi1> -> vector<16xf32>
      %mul3A_1660 = arith.mulf %get3A_1538, %get3A_1584 : vector<16xf32>
      %mul3A_1661 = arith.mulf %get3A_1541, %get3A_1589 : vector<16xf32>
      %add3A_1662 = arith.addf %mul3A_1660, %mul3A_1661 : vector<16xf32>
      %mul3A_1663 = arith.mulf %get3A_1544, %get3A_1594 : vector<16xf32>
      %mul3A_1664 = arith.mulf %get3A_1547, %get3A_1599 : vector<16xf32>
      %add3A_1665 = arith.addf %mul3A_1663, %mul3A_1664 : vector<16xf32>
      %add3A_1666 = arith.addf %add3A_1662, %add3A_1665 : vector<16xf32>
      %broadcast_in_dim3A_1667 = arith.constant true
      %broadcast_in_dim3A_1668 = vector.broadcast %broadcast_in_dim3A_1667 : i1 to vector<16xi1>
      %masked_cumsum3A_1669 = tpu.scan <sum>, %add3A_1666 masked %broadcast_in_dim3A_1668 : vector<16xf32>, vector<16xi1> -> vector<16xf32>
      %mul3A_1670 = arith.mulf %get3A_1538, %get3A_1604 : vector<16xf32>
      %mul3A_1671 = arith.mulf %get3A_1541, %get3A_1609 : vector<16xf32>
      %add3A_1672 = arith.addf %mul3A_1670, %mul3A_1671 : vector<16xf32>
      %mul3A_1673 = arith.mulf %get3A_1544, %get3A_1614 : vector<16xf32>
      %mul3A_1674 = arith.mulf %get3A_1547, %get3A_1619 : vector<16xf32>
      %add3A_1675 = arith.addf %mul3A_1673, %mul3A_1674 : vector<16xf32>
      %add3A_1676 = arith.addf %add3A_1672, %add3A_1675 : vector<16xf32>
      %broadcast_in_dim3A_1677 = arith.constant true
      %broadcast_in_dim3A_1678 = vector.broadcast %broadcast_in_dim3A_1677 : i1 to vector<16xi1>
      %masked_cumsum3A_1679 = tpu.scan <sum>, %add3A_1676 masked %broadcast_in_dim3A_1678 : vector<16xf32>, vector<16xi1> -> vector<16xf32>
      %mul3A_1680 = arith.mulf %get3A_1538, %get3A_1624 : vector<16xf32>
      %mul3A_1681 = arith.mulf %get3A_1541, %get3A_1629 : vector<16xf32>
      %add3A_1682 = arith.addf %mul3A_1680, %mul3A_1681 : vector<16xf32>
      %mul3A_1683 = arith.mulf %get3A_1544, %get3A_1634 : vector<16xf32>
      %mul3A_1684 = arith.mulf %get3A_1547, %get3A_1639 : vector<16xf32>
      %add3A_1685 = arith.addf %mul3A_1683, %mul3A_1684 : vector<16xf32>
      %add3A_1686 = arith.addf %add3A_1682, %add3A_1685 : vector<16xf32>
      %broadcast_in_dim3A_1687 = arith.constant true
      %broadcast_in_dim3A_1688 = vector.broadcast %broadcast_in_dim3A_1687 : i1 to vector<16xi1>
      %masked_cumsum3A_1689 = tpu.scan <sum>, %add3A_1686 masked %broadcast_in_dim3A_1688 : vector<16xf32>, vector<16xi1> -> vector<16xf32>
      %broadcast_in_dim3A_1690 = vector.broadcast %add3A_1535 : i32 to vector<16xi32>
      %broadcast_in_dim3A_1691 = arith.constant 0 : i32
      %broadcast_in_dim3A_1692 = vector.broadcast %broadcast_in_dim3A_1691 : i32 to vector<16xi32>
      tpu.vector_store_idx %arg17[%broadcast_in_dim3A_1690, %broadcast_in_dim3A_1692], %masked_cumsum3A_1649 masked %eq3A_174 : memref<128x5xf32, #tpu.memory_space<vmem>>[vector<16xi32>, vector<16xi32>], vector<16xf32>, vector<16xi1>
      %broadcast_in_dim3A_1693 = arith.constant 1 : i32
      %broadcast_in_dim3A_1694 = vector.broadcast %broadcast_in_dim3A_1693 : i32 to vector<16xi32>
      tpu.vector_store_idx %arg17[%broadcast_in_dim3A_1690, %broadcast_in_dim3A_1694], %masked_cumsum3A_1659 masked %eq3A_174 : memref<128x5xf32, #tpu.memory_space<vmem>>[vector<16xi32>, vector<16xi32>], vector<16xf32>, vector<16xi1>
      %broadcast_in_dim3A_1695 = arith.constant 2 : i32
      %broadcast_in_dim3A_1696 = vector.broadcast %broadcast_in_dim3A_1695 : i32 to vector<16xi32>
      tpu.vector_store_idx %arg17[%broadcast_in_dim3A_1690, %broadcast_in_dim3A_1696], %masked_cumsum3A_1669 masked %eq3A_174 : memref<128x5xf32, #tpu.memory_space<vmem>>[vector<16xi32>, vector<16xi32>], vector<16xf32>, vector<16xi1>
      %broadcast_in_dim3A_1697 = arith.constant 3 : i32
      %broadcast_in_dim3A_1698 = vector.broadcast %broadcast_in_dim3A_1697 : i32 to vector<16xi32>
      tpu.vector_store_idx %arg17[%broadcast_in_dim3A_1690, %broadcast_in_dim3A_1698], %masked_cumsum3A_1679 masked %eq3A_174 : memref<128x5xf32, #tpu.memory_space<vmem>>[vector<16xi32>, vector<16xi32>], vector<16xf32>, vector<16xi1>
      %broadcast_in_dim3A_1699 = arith.constant 4 : i32
      %broadcast_in_dim3A_1700 = vector.broadcast %broadcast_in_dim3A_1699 : i32 to vector<16xi32>
      tpu.vector_store_idx %arg17[%broadcast_in_dim3A_1690, %broadcast_in_dim3A_1700], %masked_cumsum3A_1689 masked %eq3A_174 : memref<128x5xf32, #tpu.memory_space<vmem>>[vector<16xi32>, vector<16xi32>], vector<16xf32>, vector<16xi1>
      %mul3A_1701 = arith.constant 16 : i32
      %mul3A_1702 = arith.muli %scan3A_181, %mul3A_1701 : i32
      %add3A_1703 = arith.constant 9 : i32
      %add3A_1704 = arith.addi %mul3A_1702, %add3A_1703 : i32
      %get3A_1705 = arith.index_cast %add3A_1704 : i32 to index
      %get3A_1706 = arith.constant 0 : index
      %get3A_1707 = tpu.vector_load %arg14[%get3A_1705, %get3A_1706] {strides = array<i32>} : memref<128x64xf32, #tpu.memory_space<vmem>>, vector<16xf32>,
      %get3A_1708 = arith.index_cast %add3A_1704 : i32 to index
      %get3A_1709 = arith.constant 16 : index
      %get3A_1710 = tpu.vector_load %arg14[%get3A_1708, %get3A_1709] {strides = array<i32>} : memref<128x64xf32, #tpu.memory_space<vmem>>, vector<16xf32>,
      %get3A_1711 = arith.index_cast %add3A_1704 : i32 to index
      %get3A_1712 = arith.constant 32 : index
      %get3A_1713 = tpu.vector_load %arg14[%get3A_1711, %get3A_1712] {strides = array<i32>} : memref<128x64xf32, #tpu.memory_space<vmem>>, vector<16xf32>,
      %get3A_1714 = arith.index_cast %add3A_1704 : i32 to index
      %get3A_1715 = arith.constant 48 : index
      %get3A_1716 = tpu.vector_load %arg14[%get3A_1714, %get3A_1715] {strides = array<i32>} : memref<128x64xf32, #tpu.memory_space<vmem>>, vector<16xf32>,
      %get3A_1717 = arith.index_cast %add3A_1704 : i32 to index
      %get3A_1718 = arith.constant 0 : index
      %get3A_1719 = tpu.vector_load %arg15[%get3A_1717, %get3A_1718] {strides = array<i32>} : memref<128x64xf32, #tpu.memory_space<vmem>>, vector<16xf32>,
      %get3A_1720 = arith.index_cast %add3A_1704 : i32 to index
      %get3A_1721 = arith.constant 16 : index
      %get3A_1722 = tpu.vector_load %arg15[%get3A_1720, %get3A_1721] {strides = array<i32>} : memref<128x64xf32, #tpu.memory_space<vmem>>, vector<16xf32>,
      %get3A_1723 = arith.index_cast %add3A_1704 : i32 to index
      %get3A_1724 = arith.constant 32 : index
      %get3A_1725 = tpu.vector_load %arg15[%get3A_1723, %get3A_1724] {strides = array<i32>} : memref<128x64xf32, #tpu.memory_space<vmem>>, vector<16xf32>,
      %get3A_1726 = arith.index_cast %add3A_1704 : i32 to index
      %get3A_1727 = arith.constant 48 : index
      %get3A_1728 = tpu.vector_load %arg15[%get3A_1726, %get3A_1727] {strides = array<i32>} : memref<128x64xf32, #tpu.memory_space<vmem>>, vector<16xf32>,
      %add3A_1729 = arith.constant 0 : i32
      %add3A_1730 = arith.addi %add3A_1729, %add3A_1704 : i32
      %get3A_1731 = arith.index_cast %add3A_1730 : i32 to index
      %get3A_1732 = arith.constant 0 : index
      %get3A_1733 = tpu.vector_load %arg16[%get3A_1731, %get3A_1732] {strides = array<i32>} : memref<512x64xf32, #tpu.memory_space<vmem>>, vector<16xf32>,
      %add3A_1734 = arith.constant 0 : i32
      %add3A_1735 = arith.addi %add3A_1734, %add3A_1704 : i32
      %get3A_1736 = arith.index_cast %add3A_1735 : i32 to index
      %get3A_1737 = arith.constant 16 : index
      %get3A_1738 = tpu.vector_load %arg16[%get3A_1736, %get3A_1737] {strides = array<i32>} : memref<512x64xf32, #tpu.memory_space<vmem>>, vector<16xf32>,
      %add3A_1739 = arith.constant 0 : i32
      %add3A_1740 = arith.addi %add3A_1739, %add3A_1704 : i32
      %get3A_1741 = arith.index_cast %add3A_1740 : i32 to index
      %get3A_1742 = arith.constant 32 : index
      %get3A_1743 = tpu.vector_load %arg16[%get3A_1741, %get3A_1742] {strides = array<i32>} : memref<512x64xf32, #tpu.memory_space<vmem>>, vector<16xf32>,
      %add3A_1744 = arith.constant 0 : i32
      %add3A_1745 = arith.addi %add3A_1744, %add3A_1704 : i32
      %get3A_1746 = arith.index_cast %add3A_1745 : i32 to index
      %get3A_1747 = arith.constant 48 : index
      %get3A_1748 = tpu.vector_load %arg16[%get3A_1746, %get3A_1747] {strides = array<i32>} : memref<512x64xf32, #tpu.memory_space<vmem>>, vector<16xf32>,
      %add3A_1749 = arith.constant 128 : i32
      %add3A_1750 = arith.addi %add3A_1749, %add3A_1704 : i32
      %get3A_1751 = arith.index_cast %add3A_1750 : i32 to index
      %get3A_1752 = arith.constant 0 : index
      %get3A_1753 = tpu.vector_load %arg16[%get3A_1751, %get3A_1752] {strides = array<i32>} : memref<512x64xf32, #tpu.memory_space<vmem>>, vector<16xf32>,
      %add3A_1754 = arith.constant 128 : i32
      %add3A_1755 = arith.addi %add3A_1754, %add3A_1704 : i32
      %get3A_1756 = arith.index_cast %add3A_1755 : i32 to index
      %get3A_1757 = arith.constant 16 : index
      %get3A_1758 = tpu.vector_load %arg16[%get3A_1756, %get3A_1757] {strides = array<i32>} : memref<512x64xf32, #tpu.memory_space<vmem>>, vector<16xf32>,
      %add3A_1759 = arith.constant 128 : i32
      %add3A_1760 = arith.addi %add3A_1759, %add3A_1704 : i32
      %get3A_1761 = arith.index_cast %add3A_1760 : i32 to index
      %get3A_1762 = arith.constant 32 : index
      %get3A_1763 = tpu.vector_load %arg16[%get3A_1761, %get3A_1762] {strides = array<i32>} : memref<512x64xf32, #tpu.memory_space<vmem>>, vector<16xf32>,
      %add3A_1764 = arith.constant 128 : i32
      %add3A_1765 = arith.addi %add3A_1764, %add3A_1704 : i32
      %get3A_1766 = arith.index_cast %add3A_1765 : i32 to index
      %get3A_1767 = arith.constant 48 : index
      %get3A_1768 = tpu.vector_load %arg16[%get3A_1766, %get3A_1767] {strides = array<i32>} : memref<512x64xf32, #tpu.memory_space<vmem>>, vector<16xf32>,
      %add3A_1769 = arith.constant 256 : i32
      %add3A_1770 = arith.addi %add3A_1769, %add3A_1704 : i32
      %get3A_1771 = arith.index_cast %add3A_1770 : i32 to index
      %get3A_1772 = arith.constant 0 : index
      %get3A_1773 = tpu.vector_load %arg16[%get3A_1771, %get3A_1772] {strides = array<i32>} : memref<512x64xf32, #tpu.memory_space<vmem>>, vector<16xf32>,
      %add3A_1774 = arith.constant 256 : i32
      %add3A_1775 = arith.addi %add3A_1774, %add3A_1704 : i32
      %get3A_1776 = arith.index_cast %add3A_1775 : i32 to index
      %get3A_1777 = arith.constant 16 : index
      %get3A_1778 = tpu.vector_load %arg16[%get3A_1776, %get3A_1777] {strides = array<i32>} : memref<512x64xf32, #tpu.memory_space<vmem>>, vector<16xf32>,
      %add3A_1779 = arith.constant 256 : i32
      %add3A_1780 = arith.addi %add3A_1779, %add3A_1704 : i32
      %get3A_1781 = arith.index_cast %add3A_1780 : i32 to index
      %get3A_1782 = arith.constant 32 : index
      %get3A_1783 = tpu.vector_load %arg16[%get3A_1781, %get3A_1782] {strides = array<i32>} : memref<512x64xf32, #tpu.memory_space<vmem>>, vector<16xf32>,
      %add3A_1784 = arith.constant 256 : i32
      %add3A_1785 = arith.addi %add3A_1784, %add3A_1704 : i32
      %get3A_1786 = arith.index_cast %add3A_1785 : i32 to index
      %get3A_1787 = arith.constant 48 : index
      %get3A_1788 = tpu.vector_load %arg16[%get3A_1786, %get3A_1787] {strides = array<i32>} : memref<512x64xf32, #tpu.memory_space<vmem>>, vector<16xf32>,
      %add3A_1789 = arith.constant 384 : i32
      %add3A_1790 = arith.addi %add3A_1789, %add3A_1704 : i32
      %get3A_1791 = arith.index_cast %add3A_1790 : i32 to index
      %get3A_1792 = arith.constant 0 : index
      %get3A_1793 = tpu.vector_load %arg16[%get3A_1791, %get3A_1792] {strides = array<i32>} : memref<512x64xf32, #tpu.memory_space<vmem>>, vector<16xf32>,
      %add3A_1794 = arith.constant 384 : i32
      %add3A_1795 = arith.addi %add3A_1794, %add3A_1704 : i32
      %get3A_1796 = arith.index_cast %add3A_1795 : i32 to index
      %get3A_1797 = arith.constant 16 : index
      %get3A_1798 = tpu.vector_load %arg16[%get3A_1796, %get3A_1797] {strides = array<i32>} : memref<512x64xf32, #tpu.memory_space<vmem>>, vector<16xf32>,
      %add3A_1799 = arith.constant 384 : i32
      %add3A_1800 = arith.addi %add3A_1799, %add3A_1704 : i32
      %get3A_1801 = arith.index_cast %add3A_1800 : i32 to index
      %get3A_1802 = arith.constant 32 : index
      %get3A_1803 = tpu.vector_load %arg16[%get3A_1801, %get3A_1802] {strides = array<i32>} : memref<512x64xf32, #tpu.memory_space<vmem>>, vector<16xf32>,
      %add3A_1804 = arith.constant 384 : i32
      %add3A_1805 = arith.addi %add3A_1804, %add3A_1704 : i32
      %get3A_1806 = arith.index_cast %add3A_1805 : i32 to index
      %get3A_1807 = arith.constant 48 : index
      %get3A_1808 = tpu.vector_load %arg16[%get3A_1806, %get3A_1807] {strides = array<i32>} : memref<512x64xf32, #tpu.memory_space<vmem>>, vector<16xf32>,
      %mul3A_1809 = arith.mulf %get3A_1707, %get3A_1719 : vector<16xf32>
      %mul3A_1810 = arith.mulf %get3A_1710, %get3A_1722 : vector<16xf32>
      %add3A_1811 = arith.addf %mul3A_1809, %mul3A_1810 : vector<16xf32>
      %mul3A_1812 = arith.mulf %get3A_1713, %get3A_1725 : vector<16xf32>
      %mul3A_1813 = arith.mulf %get3A_1716, %get3A_1728 : vector<16xf32>
      %add3A_1814 = arith.addf %mul3A_1812, %mul3A_1813 : vector<16xf32>
      %add3A_1815 = arith.addf %add3A_1811, %add3A_1814 : vector<16xf32>
      %broadcast_in_dim3A_1816 = arith.constant true
      %broadcast_in_dim3A_1817 = vector.broadcast %broadcast_in_dim3A_1816 : i1 to vector<16xi1>
      %masked_cumsum3A_1818 = tpu.scan <sum>, %add3A_1815 masked %broadcast_in_dim3A_1817 : vector<16xf32>, vector<16xi1> -> vector<16xf32>
      %mul3A_1819 = arith.mulf %get3A_1707, %get3A_1733 : vector<16xf32>
      %mul3A_1820 = arith.mulf %get3A_1710, %get3A_1738 : vector<16xf32>
      %add3A_1821 = arith.addf %mul3A_1819, %mul3A_1820 : vector<16xf32>
      %mul3A_1822 = arith.mulf %get3A_1713, %get3A_1743 : vector<16xf32>
      %mul3A_1823 = arith.mulf %get3A_1716, %get3A_1748 : vector<16xf32>
      %add3A_1824 = arith.addf %mul3A_1822, %mul3A_1823 : vector<16xf32>
      %add3A_1825 = arith.addf %add3A_1821, %add3A_1824 : vector<16xf32>
      %broadcast_in_dim3A_1826 = arith.constant true
      %broadcast_in_dim3A_1827 = vector.broadcast %broadcast_in_dim3A_1826 : i1 to vector<16xi1>
      %masked_cumsum3A_1828 = tpu.scan <sum>, %add3A_1825 masked %broadcast_in_dim3A_1827 : vector<16xf32>, vector<16xi1> -> vector<16xf32>
      %mul3A_1829 = arith.mulf %get3A_1707, %get3A_1753 : vector<16xf32>
      %mul3A_1830 = arith.mulf %get3A_1710, %get3A_1758 : vector<16xf32>
      %add3A_1831 = arith.addf %mul3A_1829, %mul3A_1830 : vector<16xf32>
      %mul3A_1832 = arith.mulf %get3A_1713, %get3A_1763 : vector<16xf32>
      %mul3A_1833 = arith.mulf %get3A_1716, %get3A_1768 : vector<16xf32>
      %add3A_1834 = arith.addf %mul3A_1832, %mul3A_1833 : vector<16xf32>
      %add3A_1835 = arith.addf %add3A_1831, %add3A_1834 : vector<16xf32>
      %broadcast_in_dim3A_1836 = arith.constant true
      %broadcast_in_dim3A_1837 = vector.broadcast %broadcast_in_dim3A_1836 : i1 to vector<16xi1>
      %masked_cumsum3A_1838 = tpu.scan <sum>, %add3A_1835 masked %broadcast_in_dim3A_1837 : vector<16xf32>, vector<16xi1> -> vector<16xf32>
      %mul3A_1839 = arith.mulf %get3A_1707, %get3A_1773 : vector<16xf32>
      %mul3A_1840 = arith.mulf %get3A_1710, %get3A_1778 : vector<16xf32>
      %add3A_1841 = arith.addf %mul3A_1839, %mul3A_1840 : vector<16xf32>
      %mul3A_1842 = arith.mulf %get3A_1713, %get3A_1783 : vector<16xf32>
      %mul3A_1843 = arith.mulf %get3A_1716, %get3A_1788 : vector<16xf32>
      %add3A_1844 = arith.addf %mul3A_1842, %mul3A_1843 : vector<16xf32>
      %add3A_1845 = arith.addf %add3A_1841, %add3A_1844 : vector<16xf32>
      %broadcast_in_dim3A_1846 = arith.constant true
      %broadcast_in_dim3A_1847 = vector.broadcast %broadcast_in_dim3A_1846 : i1 to vector<16xi1>
      %masked_cumsum3A_1848 = tpu.scan <sum>, %add3A_1845 masked %broadcast_in_dim3A_1847 : vector<16xf32>, vector<16xi1> -> vector<16xf32>
      %mul3A_1849 = arith.mulf %get3A_1707, %get3A_1793 : vector<16xf32>
      %mul3A_1850 = arith.mulf %get3A_1710, %get3A_1798 : vector<16xf32>
      %add3A_1851 = arith.addf %mul3A_1849, %mul3A_1850 : vector<16xf32>
      %mul3A_1852 = arith.mulf %get3A_1713, %get3A_1803 : vector<16xf32>
      %mul3A_1853 = arith.mulf %get3A_1716, %get3A_1808 : vector<16xf32>
      %add3A_1854 = arith.addf %mul3A_1852, %mul3A_1853 : vector<16xf32>
      %add3A_1855 = arith.addf %add3A_1851, %add3A_1854 : vector<16xf32>
      %broadcast_in_dim3A_1856 = arith.constant true
      %broadcast_in_dim3A_1857 = vector.broadcast %broadcast_in_dim3A_1856 : i1 to vector<16xi1>
      %masked_cumsum3A_1858 = tpu.scan <sum>, %add3A_1855 masked %broadcast_in_dim3A_1857 : vector<16xf32>, vector<16xi1> -> vector<16xf32>
      %broadcast_in_dim3A_1859 = vector.broadcast %add3A_1704 : i32 to vector<16xi32>
      %broadcast_in_dim3A_1860 = arith.constant 0 : i32
      %broadcast_in_dim3A_1861 = vector.broadcast %broadcast_in_dim3A_1860 : i32 to vector<16xi32>
      tpu.vector_store_idx %arg17[%broadcast_in_dim3A_1859, %broadcast_in_dim3A_1861], %masked_cumsum3A_1818 masked %eq3A_174 : memref<128x5xf32, #tpu.memory_space<vmem>>[vector<16xi32>, vector<16xi32>], vector<16xf32>, vector<16xi1>
      %broadcast_in_dim3A_1862 = arith.constant 1 : i32
      %broadcast_in_dim3A_1863 = vector.broadcast %broadcast_in_dim3A_1862 : i32 to vector<16xi32>
      tpu.vector_store_idx %arg17[%broadcast_in_dim3A_1859, %broadcast_in_dim3A_1863], %masked_cumsum3A_1828 masked %eq3A_174 : memref<128x5xf32, #tpu.memory_space<vmem>>[vector<16xi32>, vector<16xi32>], vector<16xf32>, vector<16xi1>
      %broadcast_in_dim3A_1864 = arith.constant 2 : i32
      %broadcast_in_dim3A_1865 = vector.broadcast %broadcast_in_dim3A_1864 : i32 to vector<16xi32>
      tpu.vector_store_idx %arg17[%broadcast_in_dim3A_1859, %broadcast_in_dim3A_1865], %masked_cumsum3A_1838 masked %eq3A_174 : memref<128x5xf32, #tpu.memory_space<vmem>>[vector<16xi32>, vector<16xi32>], vector<16xf32>, vector<16xi1>
      %broadcast_in_dim3A_1866 = arith.constant 3 : i32
      %broadcast_in_dim3A_1867 = vector.broadcast %broadcast_in_dim3A_1866 : i32 to vector<16xi32>
      tpu.vector_store_idx %arg17[%broadcast_in_dim3A_1859, %broadcast_in_dim3A_1867], %masked_cumsum3A_1848 masked %eq3A_174 : memref<128x5xf32, #tpu.memory_space<vmem>>[vector<16xi32>, vector<16xi32>], vector<16xf32>, vector<16xi1>
      %broadcast_in_dim3A_1868 = arith.constant 4 : i32
      %broadcast_in_dim3A_1869 = vector.broadcast %broadcast_in_dim3A_1868 : i32 to vector<16xi32>
      tpu.vector_store_idx %arg17[%broadcast_in_dim3A_1859, %broadcast_in_dim3A_1869], %masked_cumsum3A_1858 masked %eq3A_174 : memref<128x5xf32, #tpu.memory_space<vmem>>[vector<16xi32>, vector<16xi32>], vector<16xf32>, vector<16xi1>
      %mul3A_1870 = arith.constant 16 : i32
      %mul3A_1871 = arith.muli %scan3A_181, %mul3A_1870 : i32
      %add3A_1872 = arith.constant 10 : i32
      %add3A_1873 = arith.addi %mul3A_1871, %add3A_1872 : i32
      %get3A_1874 = arith.index_cast %add3A_1873 : i32 to index
      %get3A_1875 = arith.constant 0 : index
      %get3A_1876 = tpu.vector_load %arg14[%get3A_1874, %get3A_1875] {strides = array<i32>} : memref<128x64xf32, #tpu.memory_space<vmem>>, vector<16xf32>,
      %get3A_1877 = arith.index_cast %add3A_1873 : i32 to index
      %get3A_1878 = arith.constant 16 : index
      %get3A_1879 = tpu.vector_load %arg14[%get3A_1877, %get3A_1878] {strides = array<i32>} : memref<128x64xf32, #tpu.memory_space<vmem>>, vector<16xf32>,
      %get3A_1880 = arith.index_cast %add3A_1873 : i32 to index
      %get3A_1881 = arith.constant 32 : index
      %get3A_1882 = tpu.vector_load %arg14[%get3A_1880, %get3A_1881] {strides = array<i32>} : memref<128x64xf32, #tpu.memory_space<vmem>>, vector<16xf32>,
      %get3A_1883 = arith.index_cast %add3A_1873 : i32 to index
      %get3A_1884 = arith.constant 48 : index
      %get3A_1885 = tpu.vector_load %arg14[%get3A_1883, %get3A_1884] {strides = array<i32>} : memref<128x64xf32, #tpu.memory_space<vmem>>, vector<16xf32>,
      %get3A_1886 = arith.index_cast %add3A_1873 : i32 to index
      %get3A_1887 = arith.constant 0 : index
      %get3A_1888 = tpu.vector_load %arg15[%get3A_1886, %get3A_1887] {strides = array<i32>} : memref<128x64xf32, #tpu.memory_space<vmem>>, vector<16xf32>,
      %get3A_1889 = arith.index_cast %add3A_1873 : i32 to index
      %get3A_1890 = arith.constant 16 : index
      %get3A_1891 = tpu.vector_load %arg15[%get3A_1889, %get3A_1890] {strides = array<i32>} : memref<128x64xf32, #tpu.memory_space<vmem>>, vector<16xf32>,
      %get3A_1892 = arith.index_cast %add3A_1873 : i32 to index
      %get3A_1893 = arith.constant 32 : index
      %get3A_1894 = tpu.vector_load %arg15[%get3A_1892, %get3A_1893] {strides = array<i32>} : memref<128x64xf32, #tpu.memory_space<vmem>>, vector<16xf32>,
      %get3A_1895 = arith.index_cast %add3A_1873 : i32 to index
      %get3A_1896 = arith.constant 48 : index
      %get3A_1897 = tpu.vector_load %arg15[%get3A_1895, %get3A_1896] {strides = array<i32>} : memref<128x64xf32, #tpu.memory_space<vmem>>, vector<16xf32>,
      %add3A_1898 = arith.constant 0 : i32
      %add3A_1899 = arith.addi %add3A_1898, %add3A_1873 : i32
      %get3A_1900 = arith.index_cast %add3A_1899 : i32 to index
      %get3A_1901 = arith.constant 0 : index
      %get3A_1902 = tpu.vector_load %arg16[%get3A_1900, %get3A_1901] {strides = array<i32>} : memref<512x64xf32, #tpu.memory_space<vmem>>, vector<16xf32>,
      %add3A_1903 = arith.constant 0 : i32
      %add3A_1904 = arith.addi %add3A_1903, %add3A_1873 : i32
      %get3A_1905 = arith.index_cast %add3A_1904 : i32 to index
      %get3A_1906 = arith.constant 16 : index
      %get3A_1907 = tpu.vector_load %arg16[%get3A_1905, %get3A_1906] {strides = array<i32>} : memref<512x64xf32, #tpu.memory_space<vmem>>, vector<16xf32>,
      %add3A_1908 = arith.constant 0 : i32
      %add3A_1909 = arith.addi %add3A_1908, %add3A_1873 : i32
      %get3A_1910 = arith.index_cast %add3A_1909 : i32 to index
      %get3A_1911 = arith.constant 32 : index
      %get3A_1912 = tpu.vector_load %arg16[%get3A_1910, %get3A_1911] {strides = array<i32>} : memref<512x64xf32, #tpu.memory_space<vmem>>, vector<16xf32>,
      %add3A_1913 = arith.constant 0 : i32
      %add3A_1914 = arith.addi %add3A_1913, %add3A_1873 : i32
      %get3A_1915 = arith.index_cast %add3A_1914 : i32 to index
      %get3A_1916 = arith.constant 48 : index
      %get3A_1917 = tpu.vector_load %arg16[%get3A_1915, %get3A_1916] {strides = array<i32>} : memref<512x64xf32, #tpu.memory_space<vmem>>, vector<16xf32>,
      %add3A_1918 = arith.constant 128 : i32
      %add3A_1919 = arith.addi %add3A_1918, %add3A_1873 : i32
      %get3A_1920 = arith.index_cast %add3A_1919 : i32 to index
      %get3A_1921 = arith.constant 0 : index
      %get3A_1922 = tpu.vector_load %arg16[%get3A_1920, %get3A_1921] {strides = array<i32>} : memref<512x64xf32, #tpu.memory_space<vmem>>, vector<16xf32>,
      %add3A_1923 = arith.constant 128 : i32
      %add3A_1924 = arith.addi %add3A_1923, %add3A_1873 : i32
      %get3A_1925 = arith.index_cast %add3A_1924 : i32 to index
      %get3A_1926 = arith.constant 16 : index
      %get3A_1927 = tpu.vector_load %arg16[%get3A_1925, %get3A_1926] {strides = array<i32>} : memref<512x64xf32, #tpu.memory_space<vmem>>, vector<16xf32>,
      %add3A_1928 = arith.constant 128 : i32
      %add3A_1929 = arith.addi %add3A_1928, %add3A_1873 : i32
      %get3A_1930 = arith.index_cast %add3A_1929 : i32 to index
      %get3A_1931 = arith.constant 32 : index
      %get3A_1932 = tpu.vector_load %arg16[%get3A_1930, %get3A_1931] {strides = array<i32>} : memref<512x64xf32, #tpu.memory_space<vmem>>, vector<16xf32>,
      %add3A_1933 = arith.constant 128 : i32
      %add3A_1934 = arith.addi %add3A_1933, %add3A_1873 : i32
      %get3A_1935 = arith.index_cast %add3A_1934 : i32 to index
      %get3A_1936 = arith.constant 48 : index
      %get3A_1937 = tpu.vector_load %arg16[%get3A_1935, %get3A_1936] {strides = array<i32>} : memref<512x64xf32, #tpu.memory_space<vmem>>, vector<16xf32>,
      %add3A_1938 = arith.constant 256 : i32
      %add3A_1939 = arith.addi %add3A_1938, %add3A_1873 : i32
      %get3A_1940 = arith.index_cast %add3A_1939 : i32 to index
      %get3A_1941 = arith.constant 0 : index
      %get3A_1942 = tpu.vector_load %arg16[%get3A_1940, %get3A_1941] {strides = array<i32>} : memref<512x64xf32, #tpu.memory_space<vmem>>, vector<16xf32>,
      %add3A_1943 = arith.constant 256 : i32
      %add3A_1944 = arith.addi %add3A_1943, %add3A_1873 : i32
      %get3A_1945 = arith.index_cast %add3A_1944 : i32 to index
      %get3A_1946 = arith.constant 16 : index
      %get3A_1947 = tpu.vector_load %arg16[%get3A_1945, %get3A_1946] {strides = array<i32>} : memref<512x64xf32, #tpu.memory_space<vmem>>, vector<16xf32>,
      %add3A_1948 = arith.constant 256 : i32
      %add3A_1949 = arith.addi %add3A_1948, %add3A_1873 : i32
      %get3A_1950 = arith.index_cast %add3A_1949 : i32 to index
      %get3A_1951 = arith.constant 32 : index
      %get3A_1952 = tpu.vector_load %arg16[%get3A_1950, %get3A_1951] {strides = array<i32>} : memref<512x64xf32, #tpu.memory_space<vmem>>, vector<16xf32>,
      %add3A_1953 = arith.constant 256 : i32
      %add3A_1954 = arith.addi %add3A_1953, %add3A_1873 : i32
      %get3A_1955 = arith.index_cast %add3A_1954 : i32 to index
      %get3A_1956 = arith.constant 48 : index
      %get3A_1957 = tpu.vector_load %arg16[%get3A_1955, %get3A_1956] {strides = array<i32>} : memref<512x64xf32, #tpu.memory_space<vmem>>, vector<16xf32>,
      %add3A_1958 = arith.constant 384 : i32
      %add3A_1959 = arith.addi %add3A_1958, %add3A_1873 : i32
      %get3A_1960 = arith.index_cast %add3A_1959 : i32 to index
      %get3A_1961 = arith.constant 0 : index
      %get3A_1962 = tpu.vector_load %arg16[%get3A_1960, %get3A_1961] {strides = array<i32>} : memref<512x64xf32, #tpu.memory_space<vmem>>, vector<16xf32>,
      %add3A_1963 = arith.constant 384 : i32
      %add3A_1964 = arith.addi %add3A_1963, %add3A_1873 : i32
      %get3A_1965 = arith.index_cast %add3A_1964 : i32 to index
      %get3A_1966 = arith.constant 16 : index
      %get3A_1967 = tpu.vector_load %arg16[%get3A_1965, %get3A_1966] {strides = array<i32>} : memref<512x64xf32, #tpu.memory_space<vmem>>, vector<16xf32>,
      %add3A_1968 = arith.constant 384 : i32
      %add3A_1969 = arith.addi %add3A_1968, %add3A_1873 : i32
      %get3A_1970 = arith.index_cast %add3A_1969 : i32 to index
      %get3A_1971 = arith.constant 32 : index
      %get3A_1972 = tpu.vector_load %arg16[%get3A_1970, %get3A_1971] {strides = array<i32>} : memref<512x64xf32, #tpu.memory_space<vmem>>, vector<16xf32>,
      %add3A_1973 = arith.constant 384 : i32
      %add3A_1974 = arith.addi %add3A_1973, %add3A_1873 : i32
      %get3A_1975 = arith.index_cast %add3A_1974 : i32 to index
      %get3A_1976 = arith.constant 48 : index
      %get3A_1977 = tpu.vector_load %arg16[%get3A_1975, %get3A_1976] {strides = array<i32>} : memref<512x64xf32, #tpu.memory_space<vmem>>, vector<16xf32>,
      %mul3A_1978 = arith.mulf %get3A_1876, %get3A_1888 : vector<16xf32>
      %mul3A_1979 = arith.mulf %get3A_1879, %get3A_1891 : vector<16xf32>
      %add3A_1980 = arith.addf %mul3A_1978, %mul3A_1979 : vector<16xf32>
      %mul3A_1981 = arith.mulf %get3A_1882, %get3A_1894 : vector<16xf32>
      %mul3A_1982 = arith.mulf %get3A_1885, %get3A_1897 : vector<16xf32>
      %add3A_1983 = arith.addf %mul3A_1981, %mul3A_1982 : vector<16xf32>
      %add3A_1984 = arith.addf %add3A_1980, %add3A_1983 : vector<16xf32>
      %broadcast_in_dim3A_1985 = arith.constant true
      %broadcast_in_dim3A_1986 = vector.broadcast %broadcast_in_dim3A_1985 : i1 to vector<16xi1>
      %masked_cumsum3A_1987 = tpu.scan <sum>, %add3A_1984 masked %broadcast_in_dim3A_1986 : vector<16xf32>, vector<16xi1> -> vector<16xf32>
      %mul3A_1988 = arith.mulf %get3A_1876, %get3A_1902 : vector<16xf32>
      %mul3A_1989 = arith.mulf %get3A_1879, %get3A_1907 : vector<16xf32>
      %add3A_1990 = arith.addf %mul3A_1988, %mul3A_1989 : vector<16xf32>
      %mul3A_1991 = arith.mulf %get3A_1882, %get3A_1912 : vector<16xf32>
      %mul3A_1992 = arith.mulf %get3A_1885, %get3A_1917 : vector<16xf32>
      %add3A_1993 = arith.addf %mul3A_1991, %mul3A_1992 : vector<16xf32>
      %add3A_1994 = arith.addf %add3A_1990, %add3A_1993 : vector<16xf32>
      %broadcast_in_dim3A_1995 = arith.constant true
      %broadcast_in_dim3A_1996 = vector.broadcast %broadcast_in_dim3A_1995 : i1 to vector<16xi1>
      %masked_cumsum3A_1997 = tpu.scan <sum>, %add3A_1994 masked %broadcast_in_dim3A_1996 : vector<16xf32>, vector<16xi1> -> vector<16xf32>
      %mul3A_1998 = arith.mulf %get3A_1876, %get3A_1922 : vector<16xf32>
      %mul3A_1999 = arith.mulf %get3A_1879, %get3A_1927 : vector<16xf32>
      %add3A_2000 = arith.addf %mul3A_1998, %mul3A_1999 : vector<16xf32>
      %mul3A_2001 = arith.mulf %get3A_1882, %get3A_1932 : vector<16xf32>
      %mul3A_2002 = arith.mulf %get3A_1885, %get3A_1937 : vector<16xf32>
      %add3A_2003 = arith.addf %mul3A_2001, %mul3A_2002 : vector<16xf32>
      %add3A_2004 = arith.addf %add3A_2000, %add3A_2003 : vector<16xf32>
      %broadcast_in_dim3A_2005 = arith.constant true
      %broadcast_in_dim3A_2006 = vector.broadcast %broadcast_in_dim3A_2005 : i1 to vector<16xi1>
      %masked_cumsum3A_2007 = tpu.scan <sum>, %add3A_2004 masked %broadcast_in_dim3A_2006 : vector<16xf32>, vector<16xi1> -> vector<16xf32>
      %mul3A_2008 = arith.mulf %get3A_1876, %get3A_1942 : vector<16xf32>
      %mul3A_2009 = arith.mulf %get3A_1879, %get3A_1947 : vector<16xf32>
      %add3A_2010 = arith.addf %mul3A_2008, %mul3A_2009 : vector<16xf32>
      %mul3A_2011 = arith.mulf %get3A_1882, %get3A_1952 : vector<16xf32>
      %mul3A_2012 = arith.mulf %get3A_1885, %get3A_1957 : vector<16xf32>
      %add3A_2013 = arith.addf %mul3A_2011, %mul3A_2012 : vector<16xf32>
      %add3A_2014 = arith.addf %add3A_2010, %add3A_2013 : vector<16xf32>
      %broadcast_in_dim3A_2015 = arith.constant true
      %broadcast_in_dim3A_2016 = vector.broadcast %broadcast_in_dim3A_2015 : i1 to vector<16xi1>
      %masked_cumsum3A_2017 = tpu.scan <sum>, %add3A_2014 masked %broadcast_in_dim3A_2016 : vector<16xf32>, vector<16xi1> -> vector<16xf32>
      %mul3A_2018 = arith.mulf %get3A_1876, %get3A_1962 : vector<16xf32>
      %mul3A_2019 = arith.mulf %get3A_1879, %get3A_1967 : vector<16xf32>
      %add3A_2020 = arith.addf %mul3A_2018, %mul3A_2019 : vector<16xf32>
      %mul3A_2021 = arith.mulf %get3A_1882, %get3A_1972 : vector<16xf32>
      %mul3A_2022 = arith.mulf %get3A_1885, %get3A_1977 : vector<16xf32>
      %add3A_2023 = arith.addf %mul3A_2021, %mul3A_2022 : vector<16xf32>
      %add3A_2024 = arith.addf %add3A_2020, %add3A_2023 : vector<16xf32>
      %broadcast_in_dim3A_2025 = arith.constant true
      %broadcast_in_dim3A_2026 = vector.broadcast %broadcast_in_dim3A_2025 : i1 to vector<16xi1>
      %masked_cumsum3A_2027 = tpu.scan <sum>, %add3A_2024 masked %broadcast_in_dim3A_2026 : vector<16xf32>, vector<16xi1> -> vector<16xf32>
      %broadcast_in_dim3A_2028 = vector.broadcast %add3A_1873 : i32 to vector<16xi32>
      %broadcast_in_dim3A_2029 = arith.constant 0 : i32
      %broadcast_in_dim3A_2030 = vector.broadcast %broadcast_in_dim3A_2029 : i32 to vector<16xi32>
      tpu.vector_store_idx %arg17[%broadcast_in_dim3A_2028, %broadcast_in_dim3A_2030], %masked_cumsum3A_1987 masked %eq3A_174 : memref<128x5xf32, #tpu.memory_space<vmem>>[vector<16xi32>, vector<16xi32>], vector<16xf32>, vector<16xi1>
      %broadcast_in_dim3A_2031 = arith.constant 1 : i32
      %broadcast_in_dim3A_2032 = vector.broadcast %broadcast_in_dim3A_2031 : i32 to vector<16xi32>
      tpu.vector_store_idx %arg17[%broadcast_in_dim3A_2028, %broadcast_in_dim3A_2032], %masked_cumsum3A_1997 masked %eq3A_174 : memref<128x5xf32, #tpu.memory_space<vmem>>[vector<16xi32>, vector<16xi32>], vector<16xf32>, vector<16xi1>
      %broadcast_in_dim3A_2033 = arith.constant 2 : i32
      %broadcast_in_dim3A_2034 = vector.broadcast %broadcast_in_dim3A_2033 : i32 to vector<16xi32>
      tpu.vector_store_idx %arg17[%broadcast_in_dim3A_2028, %broadcast_in_dim3A_2034], %masked_cumsum3A_2007 masked %eq3A_174 : memref<128x5xf32, #tpu.memory_space<vmem>>[vector<16xi32>, vector<16xi32>], vector<16xf32>, vector<16xi1>
      %broadcast_in_dim3A_2035 = arith.constant 3 : i32
      %broadcast_in_dim3A_2036 = vector.broadcast %broadcast_in_dim3A_2035 : i32 to vector<16xi32>
      tpu.vector_store_idx %arg17[%broadcast_in_dim3A_2028, %broadcast_in_dim3A_2036], %masked_cumsum3A_2017 masked %eq3A_174 : memref<128x5xf32, #tpu.memory_space<vmem>>[vector<16xi32>, vector<16xi32>], vector<16xf32>, vector<16xi1>
      %broadcast_in_dim3A_2037 = arith.constant 4 : i32
      %broadcast_in_dim3A_2038 = vector.broadcast %broadcast_in_dim3A_2037 : i32 to vector<16xi32>
      tpu.vector_store_idx %arg17[%broadcast_in_dim3A_2028, %broadcast_in_dim3A_2038], %masked_cumsum3A_2027 masked %eq3A_174 : memref<128x5xf32, #tpu.memory_space<vmem>>[vector<16xi32>, vector<16xi32>], vector<16xf32>, vector<16xi1>
      %mul3A_2039 = arith.constant 16 : i32
      %mul3A_2040 = arith.muli %scan3A_181, %mul3A_2039 : i32
      %add3A_2041 = arith.constant 11 : i32
      %add3A_2042 = arith.addi %mul3A_2040, %add3A_2041 : i32
      %get3A_2043 = arith.index_cast %add3A_2042 : i32 to index
      %get3A_2044 = arith.constant 0 : index
      %get3A_2045 = tpu.vector_load %arg14[%get3A_2043, %get3A_2044] {strides = array<i32>} : memref<128x64xf32, #tpu.memory_space<vmem>>, vector<16xf32>,
      %get3A_2046 = arith.index_cast %add3A_2042 : i32 to index
      %get3A_2047 = arith.constant 16 : index
      %get3A_2048 = tpu.vector_load %arg14[%get3A_2046, %get3A_2047] {strides = array<i32>} : memref<128x64xf32, #tpu.memory_space<vmem>>, vector<16xf32>,
      %get3A_2049 = arith.index_cast %add3A_2042 : i32 to index
      %get3A_2050 = arith.constant 32 : index
      %get3A_2051 = tpu.vector_load %arg14[%get3A_2049, %get3A_2050] {strides = array<i32>} : memref<128x64xf32, #tpu.memory_space<vmem>>, vector<16xf32>,
      %get3A_2052 = arith.index_cast %add3A_2042 : i32 to index
      %get3A_2053 = arith.constant 48 : index
      %get3A_2054 = tpu.vector_load %arg14[%get3A_2052, %get3A_2053] {strides = array<i32>} : memref<128x64xf32, #tpu.memory_space<vmem>>, vector<16xf32>,
      %get3A_2055 = arith.index_cast %add3A_2042 : i32 to index
      %get3A_2056 = arith.constant 0 : index
      %get3A_2057 = tpu.vector_load %arg15[%get3A_2055, %get3A_2056] {strides = array<i32>} : memref<128x64xf32, #tpu.memory_space<vmem>>, vector<16xf32>,
      %get3A_2058 = arith.index_cast %add3A_2042 : i32 to index
      %get3A_2059 = arith.constant 16 : index
      %get3A_2060 = tpu.vector_load %arg15[%get3A_2058, %get3A_2059] {strides = array<i32>} : memref<128x64xf32, #tpu.memory_space<vmem>>, vector<16xf32>,
      %get3A_2061 = arith.index_cast %add3A_2042 : i32 to index
      %get3A_2062 = arith.constant 32 : index
      %get3A_2063 = tpu.vector_load %arg15[%get3A_2061, %get3A_2062] {strides = array<i32>} : memref<128x64xf32, #tpu.memory_space<vmem>>, vector<16xf32>,
      %get3A_2064 = arith.index_cast %add3A_2042 : i32 to index
      %get3A_2065 = arith.constant 48 : index
      %get3A_2066 = tpu.vector_load %arg15[%get3A_2064, %get3A_2065] {strides = array<i32>} : memref<128x64xf32, #tpu.memory_space<vmem>>, vector<16xf32>,
      %add3A_2067 = arith.constant 0 : i32
      %add3A_2068 = arith.addi %add3A_2067, %add3A_2042 : i32
      %get3A_2069 = arith.index_cast %add3A_2068 : i32 to index
      %get3A_2070 = arith.constant 0 : index
      %get3A_2071 = tpu.vector_load %arg16[%get3A_2069, %get3A_2070] {strides = array<i32>} : memref<512x64xf32, #tpu.memory_space<vmem>>, vector<16xf32>,
      %add3A_2072 = arith.constant 0 : i32
      %add3A_2073 = arith.addi %add3A_2072, %add3A_2042 : i32
      %get3A_2074 = arith.index_cast %add3A_2073 : i32 to index
      %get3A_2075 = arith.constant 16 : index
      %get3A_2076 = tpu.vector_load %arg16[%get3A_2074, %get3A_2075] {strides = array<i32>} : memref<512x64xf32, #tpu.memory_space<vmem>>, vector<16xf32>,
      %add3A_2077 = arith.constant 0 : i32
      %add3A_2078 = arith.addi %add3A_2077, %add3A_2042 : i32
      %get3A_2079 = arith.index_cast %add3A_2078 : i32 to index
      %get3A_2080 = arith.constant 32 : index
      %get3A_2081 = tpu.vector_load %arg16[%get3A_2079, %get3A_2080] {strides = array<i32>} : memref<512x64xf32, #tpu.memory_space<vmem>>, vector<16xf32>,
      %add3A_2082 = arith.constant 0 : i32
      %add3A_2083 = arith.addi %add3A_2082, %add3A_2042 : i32
      %get3A_2084 = arith.index_cast %add3A_2083 : i32 to index
      %get3A_2085 = arith.constant 48 : index
      %get3A_2086 = tpu.vector_load %arg16[%get3A_2084, %get3A_2085] {strides = array<i32>} : memref<512x64xf32, #tpu.memory_space<vmem>>, vector<16xf32>,
      %add3A_2087 = arith.constant 128 : i32
      %add3A_2088 = arith.addi %add3A_2087, %add3A_2042 : i32
      %get3A_2089 = arith.index_cast %add3A_2088 : i32 to index
      %get3A_2090 = arith.constant 0 : index
      %get3A_2091 = tpu.vector_load %arg16[%get3A_2089, %get3A_2090] {strides = array<i32>} : memref<512x64xf32, #tpu.memory_space<vmem>>, vector<16xf32>,
      %add3A_2092 = arith.constant 128 : i32
      %add3A_2093 = arith.addi %add3A_2092, %add3A_2042 : i32
      %get3A_2094 = arith.index_cast %add3A_2093 : i32 to index
      %get3A_2095 = arith.constant 16 : index
      %get3A_2096 = tpu.vector_load %arg16[%get3A_2094, %get3A_2095] {strides = array<i32>} : memref<512x64xf32, #tpu.memory_space<vmem>>, vector<16xf32>,
      %add3A_2097 = arith.constant 128 : i32
      %add3A_2098 = arith.addi %add3A_2097, %add3A_2042 : i32
      %get3A_2099 = arith.index_cast %add3A_2098 : i32 to index
      %get3A_2100 = arith.constant 32 : index
      %get3A_2101 = tpu.vector_load %arg16[%get3A_2099, %get3A_2100] {strides = array<i32>} : memref<512x64xf32, #tpu.memory_space<vmem>>, vector<16xf32>,
      %add3A_2102 = arith.constant 128 : i32
      %add3A_2103 = arith.addi %add3A_2102, %add3A_2042 : i32
      %get3A_2104 = arith.index_cast %add3A_2103 : i32 to index
      %get3A_2105 = arith.constant 48 : index
      %get3A_2106 = tpu.vector_load %arg16[%get3A_2104, %get3A_2105] {strides = array<i32>} : memref<512x64xf32, #tpu.memory_space<vmem>>, vector<16xf32>,
      %add3A_2107 = arith.constant 256 : i32
      %add3A_2108 = arith.addi %add3A_2107, %add3A_2042 : i32
      %get3A_2109 = arith.index_cast %add3A_2108 : i32 to index
      %get3A_2110 = arith.constant 0 : index
      %get3A_2111 = tpu.vector_load %arg16[%get3A_2109, %get3A_2110] {strides = array<i32>} : memref<512x64xf32, #tpu.memory_space<vmem>>, vector<16xf32>,
      %add3A_2112 = arith.constant 256 : i32
      %add3A_2113 = arith.addi %add3A_2112, %add3A_2042 : i32
      %get3A_2114 = arith.index_cast %add3A_2113 : i32 to index
      %get3A_2115 = arith.constant 16 : index
      %get3A_2116 = tpu.vector_load %arg16[%get3A_2114, %get3A_2115] {strides = array<i32>} : memref<512x64xf32, #tpu.memory_space<vmem>>, vector<16xf32>,
      %add3A_2117 = arith.constant 256 : i32
      %add3A_2118 = arith.addi %add3A_2117, %add3A_2042 : i32
      %get3A_2119 = arith.index_cast %add3A_2118 : i32 to index
      %get3A_2120 = arith.constant 32 : index
      %get3A_2121 = tpu.vector_load %arg16[%get3A_2119, %get3A_2120] {strides = array<i32>} : memref<512x64xf32, #tpu.memory_space<vmem>>, vector<16xf32>,
      %add3A_2122 = arith.constant 256 : i32
      %add3A_2123 = arith.addi %add3A_2122, %add3A_2042 : i32
      %get3A_2124 = arith.index_cast %add3A_2123 : i32 to index
      %get3A_2125 = arith.constant 48 : index
      %get3A_2126 = tpu.vector_load %arg16[%get3A_2124, %get3A_2125] {strides = array<i32>} : memref<512x64xf32, #tpu.memory_space<vmem>>, vector<16xf32>,
      %add3A_2127 = arith.constant 384 : i32
      %add3A_2128 = arith.addi %add3A_2127, %add3A_2042 : i32
      %get3A_2129 = arith.index_cast %add3A_2128 : i32 to index
      %get3A_2130 = arith.constant 0 : index
      %get3A_2131 = tpu.vector_load %arg16[%get3A_2129, %get3A_2130] {strides = array<i32>} : memref<512x64xf32, #tpu.memory_space<vmem>>, vector<16xf32>,
      %add3A_2132 = arith.constant 384 : i32
      %add3A_2133 = arith.addi %add3A_2132, %add3A_2042 : i32
      %get3A_2134 = arith.index_cast %add3A_2133 : i32 to index
      %get3A_2135 = arith.constant 16 : index
      %get3A_2136 = tpu.vector_load %arg16[%get3A_2134, %get3A_2135] {strides = array<i32>} : memref<512x64xf32, #tpu.memory_space<vmem>>, vector<16xf32>,
      %add3A_2137 = arith.constant 384 : i32
      %add3A_2138 = arith.addi %add3A_2137, %add3A_2042 : i32
      %get3A_2139 = arith.index_cast %add3A_2138 : i32 to index
      %get3A_2140 = arith.constant 32 : index
      %get3A_2141 = tpu.vector_load %arg16[%get3A_2139, %get3A_2140] {strides = array<i32>} : memref<512x64xf32, #tpu.memory_space<vmem>>, vector<16xf32>,
      %add3A_2142 = arith.constant 384 : i32
      %add3A_2143 = arith.addi %add3A_2142, %add3A_2042 : i32
      %get3A_2144 = arith.index_cast %add3A_2143 : i32 to index
      %get3A_2145 = arith.constant 48 : index
      %get3A_2146 = tpu.vector_load %arg16[%get3A_2144, %get3A_2145] {strides = array<i32>} : memref<512x64xf32, #tpu.memory_space<vmem>>, vector<16xf32>,
      %mul3A_2147 = arith.mulf %get3A_2045, %get3A_2057 : vector<16xf32>
      %mul3A_2148 = arith.mulf %get3A_2048, %get3A_2060 : vector<16xf32>
      %add3A_2149 = arith.addf %mul3A_2147, %mul3A_2148 : vector<16xf32>
      %mul3A_2150 = arith.mulf %get3A_2051, %get3A_2063 : vector<16xf32>
      %mul3A_2151 = arith.mulf %get3A_2054, %get3A_2066 : vector<16xf32>
      %add3A_2152 = arith.addf %mul3A_2150, %mul3A_2151 : vector<16xf32>
      %add3A_2153 = arith.addf %add3A_2149, %add3A_2152 : vector<16xf32>
      %broadcast_in_dim3A_2154 = arith.constant true
      %broadcast_in_dim3A_2155 = vector.broadcast %broadcast_in_dim3A_2154 : i1 to vector<16xi1>
      %masked_cumsum3A_2156 = tpu.scan <sum>, %add3A_2153 masked %broadcast_in_dim3A_2155 : vector<16xf32>, vector<16xi1> -> vector<16xf32>
      %mul3A_2157 = arith.mulf %get3A_2045, %get3A_2071 : vector<16xf32>
      %mul3A_2158 = arith.mulf %get3A_2048, %get3A_2076 : vector<16xf32>
      %add3A_2159 = arith.addf %mul3A_2157, %mul3A_2158 : vector<16xf32>
      %mul3A_2160 = arith.mulf %get3A_2051, %get3A_2081 : vector<16xf32>
      %mul3A_2161 = arith.mulf %get3A_2054, %get3A_2086 : vector<16xf32>
      %add3A_2162 = arith.addf %mul3A_2160, %mul3A_2161 : vector<16xf32>
      %add3A_2163 = arith.addf %add3A_2159, %add3A_2162 : vector<16xf32>
      %broadcast_in_dim3A_2164 = arith.constant true
      %broadcast_in_dim3A_2165 = vector.broadcast %broadcast_in_dim3A_2164 : i1 to vector<16xi1>
      %masked_cumsum3A_2166 = tpu.scan <sum>, %add3A_2163 masked %broadcast_in_dim3A_2165 : vector<16xf32>, vector<16xi1> -> vector<16xf32>
      %mul3A_2167 = arith.mulf %get3A_2045, %get3A_2091 : vector<16xf32>
      %mul3A_2168 = arith.mulf %get3A_2048, %get3A_2096 : vector<16xf32>
      %add3A_2169 = arith.addf %mul3A_2167, %mul3A_2168 : vector<16xf32>
      %mul3A_2170 = arith.mulf %get3A_2051, %get3A_2101 : vector<16xf32>
      %mul3A_2171 = arith.mulf %get3A_2054, %get3A_2106 : vector<16xf32>
      %add3A_2172 = arith.addf %mul3A_2170, %mul3A_2171 : vector<16xf32>
      %add3A_2173 = arith.addf %add3A_2169, %add3A_2172 : vector<16xf32>
      %broadcast_in_dim3A_2174 = arith.constant true
      %broadcast_in_dim3A_2175 = vector.broadcast %broadcast_in_dim3A_2174 : i1 to vector<16xi1>
      %masked_cumsum3A_2176 = tpu.scan <sum>, %add3A_2173 masked %broadcast_in_dim3A_2175 : vector<16xf32>, vector<16xi1> -> vector<16xf32>
      %mul3A_2177 = arith.mulf %get3A_2045, %get3A_2111 : vector<16xf32>
      %mul3A_2178 = arith.mulf %get3A_2048, %get3A_2116 : vector<16xf32>
      %add3A_2179 = arith.addf %mul3A_2177, %mul3A_2178 : vector<16xf32>
      %mul3A_2180 = arith.mulf %get3A_2051, %get3A_2121 : vector<16xf32>
      %mul3A_2181 = arith.mulf %get3A_2054, %get3A_2126 : vector<16xf32>
      %add3A_2182 = arith.addf %mul3A_2180, %mul3A_2181 : vector<16xf32>
      %add3A_2183 = arith.addf %add3A_2179, %add3A_2182 : vector<16xf32>
      %broadcast_in_dim3A_2184 = arith.constant true
      %broadcast_in_dim3A_2185 = vector.broadcast %broadcast_in_dim3A_2184 : i1 to vector<16xi1>
      %masked_cumsum3A_2186 = tpu.scan <sum>, %add3A_2183 masked %broadcast_in_dim3A_2185 : vector<16xf32>, vector<16xi1> -> vector<16xf32>
      %mul3A_2187 = arith.mulf %get3A_2045, %get3A_2131 : vector<16xf32>
      %mul3A_2188 = arith.mulf %get3A_2048, %get3A_2136 : vector<16xf32>
      %add3A_2189 = arith.addf %mul3A_2187, %mul3A_2188 : vector<16xf32>
      %mul3A_2190 = arith.mulf %get3A_2051, %get3A_2141 : vector<16xf32>
      %mul3A_2191 = arith.mulf %get3A_2054, %get3A_2146 : vector<16xf32>
      %add3A_2192 = arith.addf %mul3A_2190, %mul3A_2191 : vector<16xf32>
      %add3A_2193 = arith.addf %add3A_2189, %add3A_2192 : vector<16xf32>
      %broadcast_in_dim3A_2194 = arith.constant true
      %broadcast_in_dim3A_2195 = vector.broadcast %broadcast_in_dim3A_2194 : i1 to vector<16xi1>
      %masked_cumsum3A_2196 = tpu.scan <sum>, %add3A_2193 masked %broadcast_in_dim3A_2195 : vector<16xf32>, vector<16xi1> -> vector<16xf32>
      %broadcast_in_dim3A_2197 = vector.broadcast %add3A_2042 : i32 to vector<16xi32>
      %broadcast_in_dim3A_2198 = arith.constant 0 : i32
      %broadcast_in_dim3A_2199 = vector.broadcast %broadcast_in_dim3A_2198 : i32 to vector<16xi32>
      tpu.vector_store_idx %arg17[%broadcast_in_dim3A_2197, %broadcast_in_dim3A_2199], %masked_cumsum3A_2156 masked %eq3A_174 : memref<128x5xf32, #tpu.memory_space<vmem>>[vector<16xi32>, vector<16xi32>], vector<16xf32>, vector<16xi1>
      %broadcast_in_dim3A_2200 = arith.constant 1 : i32
      %broadcast_in_dim3A_2201 = vector.broadcast %broadcast_in_dim3A_2200 : i32 to vector<16xi32>
      tpu.vector_store_idx %arg17[%broadcast_in_dim3A_2197, %broadcast_in_dim3A_2201], %masked_cumsum3A_2166 masked %eq3A_174 : memref<128x5xf32, #tpu.memory_space<vmem>>[vector<16xi32>, vector<16xi32>], vector<16xf32>, vector<16xi1>
      %broadcast_in_dim3A_2202 = arith.constant 2 : i32
      %broadcast_in_dim3A_2203 = vector.broadcast %broadcast_in_dim3A_2202 : i32 to vector<16xi32>
      tpu.vector_store_idx %arg17[%broadcast_in_dim3A_2197, %broadcast_in_dim3A_2203], %masked_cumsum3A_2176 masked %eq3A_174 : memref<128x5xf32, #tpu.memory_space<vmem>>[vector<16xi32>, vector<16xi32>], vector<16xf32>, vector<16xi1>
      %broadcast_in_dim3A_2204 = arith.constant 3 : i32
      %broadcast_in_dim3A_2205 = vector.broadcast %broadcast_in_dim3A_2204 : i32 to vector<16xi32>
      tpu.vector_store_idx %arg17[%broadcast_in_dim3A_2197, %broadcast_in_dim3A_2205], %masked_cumsum3A_2186 masked %eq3A_174 : memref<128x5xf32, #tpu.memory_space<vmem>>[vector<16xi32>, vector<16xi32>], vector<16xf32>, vector<16xi1>
      %broadcast_in_dim3A_2206 = arith.constant 4 : i32
      %broadcast_in_dim3A_2207 = vector.broadcast %broadcast_in_dim3A_2206 : i32 to vector<16xi32>
      tpu.vector_store_idx %arg17[%broadcast_in_dim3A_2197, %broadcast_in_dim3A_2207], %masked_cumsum3A_2196 masked %eq3A_174 : memref<128x5xf32, #tpu.memory_space<vmem>>[vector<16xi32>, vector<16xi32>], vector<16xf32>, vector<16xi1>
      %mul3A_2208 = arith.constant 16 : i32
      %mul3A_2209 = arith.muli %scan3A_181, %mul3A_2208 : i32
      %add3A_2210 = arith.constant 12 : i32
      %add3A_2211 = arith.addi %mul3A_2209, %add3A_2210 : i32
      %get3A_2212 = arith.index_cast %add3A_2211 : i32 to index
      %get3A_2213 = arith.constant 0 : index
      %get3A_2214 = tpu.vector_load %arg14[%get3A_2212, %get3A_2213] {strides = array<i32>} : memref<128x64xf32, #tpu.memory_space<vmem>>, vector<16xf32>,
      %get3A_2215 = arith.index_cast %add3A_2211 : i32 to index
      %get3A_2216 = arith.constant 16 : index
      %get3A_2217 = tpu.vector_load %arg14[%get3A_2215, %get3A_2216] {strides = array<i32>} : memref<128x64xf32, #tpu.memory_space<vmem>>, vector<16xf32>,
      %get3A_2218 = arith.index_cast %add3A_2211 : i32 to index
      %get3A_2219 = arith.constant 32 : index
      %get3A_2220 = tpu.vector_load %arg14[%get3A_2218, %get3A_2219] {strides = array<i32>} : memref<128x64xf32, #tpu.memory_space<vmem>>, vector<16xf32>,
      %get3A_2221 = arith.index_cast %add3A_2211 : i32 to index
      %get3A_2222 = arith.constant 48 : index
      %get3A_2223 = tpu.vector_load %arg14[%get3A_2221, %get3A_2222] {strides = array<i32>} : memref<128x64xf32, #tpu.memory_space<vmem>>, vector<16xf32>,
      %get3A_2224 = arith.index_cast %add3A_2211 : i32 to index
      %get3A_2225 = arith.constant 0 : index
      %get3A_2226 = tpu.vector_load %arg15[%get3A_2224, %get3A_2225] {strides = array<i32>} : memref<128x64xf32, #tpu.memory_space<vmem>>, vector<16xf32>,
      %get3A_2227 = arith.index_cast %add3A_2211 : i32 to index
      %get3A_2228 = arith.constant 16 : index
      %get3A_2229 = tpu.vector_load %arg15[%get3A_2227, %get3A_2228] {strides = array<i32>} : memref<128x64xf32, #tpu.memory_space<vmem>>, vector<16xf32>,
      %get3A_2230 = arith.index_cast %add3A_2211 : i32 to index
      %get3A_2231 = arith.constant 32 : index
      %get3A_2232 = tpu.vector_load %arg15[%get3A_2230, %get3A_2231] {strides = array<i32>} : memref<128x64xf32, #tpu.memory_space<vmem>>, vector<16xf32>,
      %get3A_2233 = arith.index_cast %add3A_2211 : i32 to index
      %get3A_2234 = arith.constant 48 : index
      %get3A_2235 = tpu.vector_load %arg15[%get3A_2233, %get3A_2234] {strides = array<i32>} : memref<128x64xf32, #tpu.memory_space<vmem>>, vector<16xf32>,
      %add3A_2236 = arith.constant 0 : i32
      %add3A_2237 = arith.addi %add3A_2236, %add3A_2211 : i32
      %get3A_2238 = arith.index_cast %add3A_2237 : i32 to index
      %get3A_2239 = arith.constant 0 : index
      %get3A_2240 = tpu.vector_load %arg16[%get3A_2238, %get3A_2239] {strides = array<i32>} : memref<512x64xf32, #tpu.memory_space<vmem>>, vector<16xf32>,
      %add3A_2241 = arith.constant 0 : i32
      %add3A_2242 = arith.addi %add3A_2241, %add3A_2211 : i32
      %get3A_2243 = arith.index_cast %add3A_2242 : i32 to index
      %get3A_2244 = arith.constant 16 : index
      %get3A_2245 = tpu.vector_load %arg16[%get3A_2243, %get3A_2244] {strides = array<i32>} : memref<512x64xf32, #tpu.memory_space<vmem>>, vector<16xf32>,
      %add3A_2246 = arith.constant 0 : i32
      %add3A_2247 = arith.addi %add3A_2246, %add3A_2211 : i32
      %get3A_2248 = arith.index_cast %add3A_2247 : i32 to index
      %get3A_2249 = arith.constant 32 : index
      %get3A_2250 = tpu.vector_load %arg16[%get3A_2248, %get3A_2249] {strides = array<i32>} : memref<512x64xf32, #tpu.memory_space<vmem>>, vector<16xf32>,
      %add3A_2251 = arith.constant 0 : i32
      %add3A_2252 = arith.addi %add3A_2251, %add3A_2211 : i32
      %get3A_2253 = arith.index_cast %add3A_2252 : i32 to index
      %get3A_2254 = arith.constant 48 : index
      %get3A_2255 = tpu.vector_load %arg16[%get3A_2253, %get3A_2254] {strides = array<i32>} : memref<512x64xf32, #tpu.memory_space<vmem>>, vector<16xf32>,
      %add3A_2256 = arith.constant 128 : i32
      %add3A_2257 = arith.addi %add3A_2256, %add3A_2211 : i32
      %get3A_2258 = arith.index_cast %add3A_2257 : i32 to index
      %get3A_2259 = arith.constant 0 : index
      %get3A_2260 = tpu.vector_load %arg16[%get3A_2258, %get3A_2259] {strides = array<i32>} : memref<512x64xf32, #tpu.memory_space<vmem>>, vector<16xf32>,
      %add3A_2261 = arith.constant 128 : i32
      %add3A_2262 = arith.addi %add3A_2261, %add3A_2211 : i32
      %get3A_2263 = arith.index_cast %add3A_2262 : i32 to index
      %get3A_2264 = arith.constant 16 : index
      %get3A_2265 = tpu.vector_load %arg16[%get3A_2263, %get3A_2264] {strides = array<i32>} : memref<512x64xf32, #tpu.memory_space<vmem>>, vector<16xf32>,
      %add3A_2266 = arith.constant 128 : i32
      %add3A_2267 = arith.addi %add3A_2266, %add3A_2211 : i32
      %get3A_2268 = arith.index_cast %add3A_2267 : i32 to index
      %get3A_2269 = arith.constant 32 : index
      %get3A_2270 = tpu.vector_load %arg16[%get3A_2268, %get3A_2269] {strides = array<i32>} : memref<512x64xf32, #tpu.memory_space<vmem>>, vector<16xf32>,
      %add3A_2271 = arith.constant 128 : i32
      %add3A_2272 = arith.addi %add3A_2271, %add3A_2211 : i32
      %get3A_2273 = arith.index_cast %add3A_2272 : i32 to index
      %get3A_2274 = arith.constant 48 : index
      %get3A_2275 = tpu.vector_load %arg16[%get3A_2273, %get3A_2274] {strides = array<i32>} : memref<512x64xf32, #tpu.memory_space<vmem>>, vector<16xf32>,
      %add3A_2276 = arith.constant 256 : i32
      %add3A_2277 = arith.addi %add3A_2276, %add3A_2211 : i32
      %get3A_2278 = arith.index_cast %add3A_2277 : i32 to index
      %get3A_2279 = arith.constant 0 : index
      %get3A_2280 = tpu.vector_load %arg16[%get3A_2278, %get3A_2279] {strides = array<i32>} : memref<512x64xf32, #tpu.memory_space<vmem>>, vector<16xf32>,
      %add3A_2281 = arith.constant 256 : i32
      %add3A_2282 = arith.addi %add3A_2281, %add3A_2211 : i32
      %get3A_2283 = arith.index_cast %add3A_2282 : i32 to index
      %get3A_2284 = arith.constant 16 : index
      %get3A_2285 = tpu.vector_load %arg16[%get3A_2283, %get3A_2284] {strides = array<i32>} : memref<512x64xf32, #tpu.memory_space<vmem>>, vector<16xf32>,
      %add3A_2286 = arith.constant 256 : i32
      %add3A_2287 = arith.addi %add3A_2286, %add3A_2211 : i32
      %get3A_2288 = arith.index_cast %add3A_2287 : i32 to index
      %get3A_2289 = arith.constant 32 : index
      %get3A_2290 = tpu.vector_load %arg16[%get3A_2288, %get3A_2289] {strides = array<i32>} : memref<512x64xf32, #tpu.memory_space<vmem>>, vector<16xf32>,
      %add3A_2291 = arith.constant 256 : i32
      %add3A_2292 = arith.addi %add3A_2291, %add3A_2211 : i32
      %get3A_2293 = arith.index_cast %add3A_2292 : i32 to index
      %get3A_2294 = arith.constant 48 : index
      %get3A_2295 = tpu.vector_load %arg16[%get3A_2293, %get3A_2294] {strides = array<i32>} : memref<512x64xf32, #tpu.memory_space<vmem>>, vector<16xf32>,
      %add3A_2296 = arith.constant 384 : i32
      %add3A_2297 = arith.addi %add3A_2296, %add3A_2211 : i32
      %get3A_2298 = arith.index_cast %add3A_2297 : i32 to index
      %get3A_2299 = arith.constant 0 : index
      %get3A_2300 = tpu.vector_load %arg16[%get3A_2298, %get3A_2299] {strides = array<i32>} : memref<512x64xf32, #tpu.memory_space<vmem>>, vector<16xf32>,
      %add3A_2301 = arith.constant 384 : i32
      %add3A_2302 = arith.addi %add3A_2301, %add3A_2211 : i32
      %get3A_2303 = arith.index_cast %add3A_2302 : i32 to index
      %get3A_2304 = arith.constant 16 : index
      %get3A_2305 = tpu.vector_load %arg16[%get3A_2303, %get3A_2304] {strides = array<i32>} : memref<512x64xf32, #tpu.memory_space<vmem>>, vector<16xf32>,
      %add3A_2306 = arith.constant 384 : i32
      %add3A_2307 = arith.addi %add3A_2306, %add3A_2211 : i32
      %get3A_2308 = arith.index_cast %add3A_2307 : i32 to index
      %get3A_2309 = arith.constant 32 : index
      %get3A_2310 = tpu.vector_load %arg16[%get3A_2308, %get3A_2309] {strides = array<i32>} : memref<512x64xf32, #tpu.memory_space<vmem>>, vector<16xf32>,
      %add3A_2311 = arith.constant 384 : i32
      %add3A_2312 = arith.addi %add3A_2311, %add3A_2211 : i32
      %get3A_2313 = arith.index_cast %add3A_2312 : i32 to index
      %get3A_2314 = arith.constant 48 : index
      %get3A_2315 = tpu.vector_load %arg16[%get3A_2313, %get3A_2314] {strides = array<i32>} : memref<512x64xf32, #tpu.memory_space<vmem>>, vector<16xf32>,
      %mul3A_2316 = arith.mulf %get3A_2214, %get3A_2226 : vector<16xf32>
      %mul3A_2317 = arith.mulf %get3A_2217, %get3A_2229 : vector<16xf32>
      %add3A_2318 = arith.addf %mul3A_2316, %mul3A_2317 : vector<16xf32>
      %mul3A_2319 = arith.mulf %get3A_2220, %get3A_2232 : vector<16xf32>
      %mul3A_2320 = arith.mulf %get3A_2223, %get3A_2235 : vector<16xf32>
      %add3A_2321 = arith.addf %mul3A_2319, %mul3A_2320 : vector<16xf32>
      %add3A_2322 = arith.addf %add3A_2318, %add3A_2321 : vector<16xf32>
      %broadcast_in_dim3A_2323 = arith.constant true
      %broadcast_in_dim3A_2324 = vector.broadcast %broadcast_in_dim3A_2323 : i1 to vector<16xi1>
      %masked_cumsum3A_2325 = tpu.scan <sum>, %add3A_2322 masked %broadcast_in_dim3A_2324 : vector<16xf32>, vector<16xi1> -> vector<16xf32>
      %mul3A_2326 = arith.mulf %get3A_2214, %get3A_2240 : vector<16xf32>
      %mul3A_2327 = arith.mulf %get3A_2217, %get3A_2245 : vector<16xf32>
      %add3A_2328 = arith.addf %mul3A_2326, %mul3A_2327 : vector<16xf32>
      %mul3A_2329 = arith.mulf %get3A_2220, %get3A_2250 : vector<16xf32>
      %mul3A_2330 = arith.mulf %get3A_2223, %get3A_2255 : vector<16xf32>
      %add3A_2331 = arith.addf %mul3A_2329, %mul3A_2330 : vector<16xf32>
      %add3A_2332 = arith.addf %add3A_2328, %add3A_2331 : vector<16xf32>
      %broadcast_in_dim3A_2333 = arith.constant true
      %broadcast_in_dim3A_2334 = vector.broadcast %broadcast_in_dim3A_2333 : i1 to vector<16xi1>
      %masked_cumsum3A_2335 = tpu.scan <sum>, %add3A_2332 masked %broadcast_in_dim3A_2334 : vector<16xf32>, vector<16xi1> -> vector<16xf32>
      %mul3A_2336 = arith.mulf %get3A_2214, %get3A_2260 : vector<16xf32>
      %mul3A_2337 = arith.mulf %get3A_2217, %get3A_2265 : vector<16xf32>
      %add3A_2338 = arith.addf %mul3A_2336, %mul3A_2337 : vector<16xf32>
      %mul3A_2339 = arith.mulf %get3A_2220, %get3A_2270 : vector<16xf32>
      %mul3A_2340 = arith.mulf %get3A_2223, %get3A_2275 : vector<16xf32>
      %add3A_2341 = arith.addf %mul3A_2339, %mul3A_2340 : vector<16xf32>
      %add3A_2342 = arith.addf %add3A_2338, %add3A_2341 : vector<16xf32>
      %broadcast_in_dim3A_2343 = arith.constant true
      %broadcast_in_dim3A_2344 = vector.broadcast %broadcast_in_dim3A_2343 : i1 to vector<16xi1>
      %masked_cumsum3A_2345 = tpu.scan <sum>, %add3A_2342 masked %broadcast_in_dim3A_2344 : vector<16xf32>, vector<16xi1> -> vector<16xf32>
      %mul3A_2346 = arith.mulf %get3A_2214, %get3A_2280 : vector<16xf32>
      %mul3A_2347 = arith.mulf %get3A_2217, %get3A_2285 : vector<16xf32>
      %add3A_2348 = arith.addf %mul3A_2346, %mul3A_2347 : vector<16xf32>
      %mul3A_2349 = arith.mulf %get3A_2220, %get3A_2290 : vector<16xf32>
      %mul3A_2350 = arith.mulf %get3A_2223, %get3A_2295 : vector<16xf32>
      %add3A_2351 = arith.addf %mul3A_2349, %mul3A_2350 : vector<16xf32>
      %add3A_2352 = arith.addf %add3A_2348, %add3A_2351 : vector<16xf32>
      %broadcast_in_dim3A_2353 = arith.constant true
      %broadcast_in_dim3A_2354 = vector.broadcast %broadcast_in_dim3A_2353 : i1 to vector<16xi1>
      %masked_cumsum3A_2355 = tpu.scan <sum>, %add3A_2352 masked %broadcast_in_dim3A_2354 : vector<16xf32>, vector<16xi1> -> vector<16xf32>
      %mul3A_2356 = arith.mulf %get3A_2214, %get3A_2300 : vector<16xf32>
      %mul3A_2357 = arith.mulf %get3A_2217, %get3A_2305 : vector<16xf32>
      %add3A_2358 = arith.addf %mul3A_2356, %mul3A_2357 : vector<16xf32>
      %mul3A_2359 = arith.mulf %get3A_2220, %get3A_2310 : vector<16xf32>
      %mul3A_2360 = arith.mulf %get3A_2223, %get3A_2315 : vector<16xf32>
      %add3A_2361 = arith.addf %mul3A_2359, %mul3A_2360 : vector<16xf32>
      %add3A_2362 = arith.addf %add3A_2358, %add3A_2361 : vector<16xf32>
      %broadcast_in_dim3A_2363 = arith.constant true
      %broadcast_in_dim3A_2364 = vector.broadcast %broadcast_in_dim3A_2363 : i1 to vector<16xi1>
      %masked_cumsum3A_2365 = tpu.scan <sum>, %add3A_2362 masked %broadcast_in_dim3A_2364 : vector<16xf32>, vector<16xi1> -> vector<16xf32>
      %broadcast_in_dim3A_2366 = vector.broadcast %add3A_2211 : i32 to vector<16xi32>
      %broadcast_in_dim3A_2367 = arith.constant 0 : i32
      %broadcast_in_dim3A_2368 = vector.broadcast %broadcast_in_dim3A_2367 : i32 to vector<16xi32>
      tpu.vector_store_idx %arg17[%broadcast_in_dim3A_2366, %broadcast_in_dim3A_2368], %masked_cumsum3A_2325 masked %eq3A_174 : memref<128x5xf32, #tpu.memory_space<vmem>>[vector<16xi32>, vector<16xi32>], vector<16xf32>, vector<16xi1>
      %broadcast_in_dim3A_2369 = arith.constant 1 : i32
      %broadcast_in_dim3A_2370 = vector.broadcast %broadcast_in_dim3A_2369 : i32 to vector<16xi32>
      tpu.vector_store_idx %arg17[%broadcast_in_dim3A_2366, %broadcast_in_dim3A_2370], %masked_cumsum3A_2335 masked %eq3A_174 : memref<128x5xf32, #tpu.memory_space<vmem>>[vector<16xi32>, vector<16xi32>], vector<16xf32>, vector<16xi1>
      %broadcast_in_dim3A_2371 = arith.constant 2 : i32
      %broadcast_in_dim3A_2372 = vector.broadcast %broadcast_in_dim3A_2371 : i32 to vector<16xi32>
      tpu.vector_store_idx %arg17[%broadcast_in_dim3A_2366, %broadcast_in_dim3A_2372], %masked_cumsum3A_2345 masked %eq3A_174 : memref<128x5xf32, #tpu.memory_space<vmem>>[vector<16xi32>, vector<16xi32>], vector<16xf32>, vector<16xi1>
      %broadcast_in_dim3A_2373 = arith.constant 3 : i32
      %broadcast_in_dim3A_2374 = vector.broadcast %broadcast_in_dim3A_2373 : i32 to vector<16xi32>
      tpu.vector_store_idx %arg17[%broadcast_in_dim3A_2366, %broadcast_in_dim3A_2374], %masked_cumsum3A_2355 masked %eq3A_174 : memref<128x5xf32, #tpu.memory_space<vmem>>[vector<16xi32>, vector<16xi32>], vector<16xf32>, vector<16xi1>
      %broadcast_in_dim3A_2375 = arith.constant 4 : i32
      %broadcast_in_dim3A_2376 = vector.broadcast %broadcast_in_dim3A_2375 : i32 to vector<16xi32>
      tpu.vector_store_idx %arg17[%broadcast_in_dim3A_2366, %broadcast_in_dim3A_2376], %masked_cumsum3A_2365 masked %eq3A_174 : memref<128x5xf32, #tpu.memory_space<vmem>>[vector<16xi32>, vector<16xi32>], vector<16xf32>, vector<16xi1>
      %mul3A_2377 = arith.constant 16 : i32
      %mul3A_2378 = arith.muli %scan3A_181, %mul3A_2377 : i32
      %add3A_2379 = arith.constant 13 : i32
      %add3A_2380 = arith.addi %mul3A_2378, %add3A_2379 : i32
      %get3A_2381 = arith.index_cast %add3A_2380 : i32 to index
      %get3A_2382 = arith.constant 0 : index
      %get3A_2383 = tpu.vector_load %arg14[%get3A_2381, %get3A_2382] {strides = array<i32>} : memref<128x64xf32, #tpu.memory_space<vmem>>, vector<16xf32>,
      %get3A_2384 = arith.index_cast %add3A_2380 : i32 to index
      %get3A_2385 = arith.constant 16 : index
      %get3A_2386 = tpu.vector_load %arg14[%get3A_2384, %get3A_2385] {strides = array<i32>} : memref<128x64xf32, #tpu.memory_space<vmem>>, vector<16xf32>,
      %get3A_2387 = arith.index_cast %add3A_2380 : i32 to index
      %get3A_2388 = arith.constant 32 : index
      %get3A_2389 = tpu.vector_load %arg14[%get3A_2387, %get3A_2388] {strides = array<i32>} : memref<128x64xf32, #tpu.memory_space<vmem>>, vector<16xf32>,
      %get3A_2390 = arith.index_cast %add3A_2380 : i32 to index
      %get3A_2391 = arith.constant 48 : index
      %get3A_2392 = tpu.vector_load %arg14[%get3A_2390, %get3A_2391] {strides = array<i32>} : memref<128x64xf32, #tpu.memory_space<vmem>>, vector<16xf32>,
      %get3A_2393 = arith.index_cast %add3A_2380 : i32 to index
      %get3A_2394 = arith.constant 0 : index
      %get3A_2395 = tpu.vector_load %arg15[%get3A_2393, %get3A_2394] {strides = array<i32>} : memref<128x64xf32, #tpu.memory_space<vmem>>, vector<16xf32>,
      %get3A_2396 = arith.index_cast %add3A_2380 : i32 to index
      %get3A_2397 = arith.constant 16 : index
      %get3A_2398 = tpu.vector_load %arg15[%get3A_2396, %get3A_2397] {strides = array<i32>} : memref<128x64xf32, #tpu.memory_space<vmem>>, vector<16xf32>,
      %get3A_2399 = arith.index_cast %add3A_2380 : i32 to index
      %get3A_2400 = arith.constant 32 : index
      %get3A_2401 = tpu.vector_load %arg15[%get3A_2399, %get3A_2400] {strides = array<i32>} : memref<128x64xf32, #tpu.memory_space<vmem>>, vector<16xf32>,
      %get3A_2402 = arith.index_cast %add3A_2380 : i32 to index
      %get3A_2403 = arith.constant 48 : index
      %get3A_2404 = tpu.vector_load %arg15[%get3A_2402, %get3A_2403] {strides = array<i32>} : memref<128x64xf32, #tpu.memory_space<vmem>>, vector<16xf32>,
      %add3A_2405 = arith.constant 0 : i32
      %add3A_2406 = arith.addi %add3A_2405, %add3A_2380 : i32
      %get3A_2407 = arith.index_cast %add3A_2406 : i32 to index
      %get3A_2408 = arith.constant 0 : index
      %get3A_2409 = tpu.vector_load %arg16[%get3A_2407, %get3A_2408] {strides = array<i32>} : memref<512x64xf32, #tpu.memory_space<vmem>>, vector<16xf32>,
      %add3A_2410 = arith.constant 0 : i32
      %add3A_2411 = arith.addi %add3A_2410, %add3A_2380 : i32
      %get3A_2412 = arith.index_cast %add3A_2411 : i32 to index
      %get3A_2413 = arith.constant 16 : index
      %get3A_2414 = tpu.vector_load %arg16[%get3A_2412, %get3A_2413] {strides = array<i32>} : memref<512x64xf32, #tpu.memory_space<vmem>>, vector<16xf32>,
      %add3A_2415 = arith.constant 0 : i32
      %add3A_2416 = arith.addi %add3A_2415, %add3A_2380 : i32
      %get3A_2417 = arith.index_cast %add3A_2416 : i32 to index
      %get3A_2418 = arith.constant 32 : index
      %get3A_2419 = tpu.vector_load %arg16[%get3A_2417, %get3A_2418] {strides = array<i32>} : memref<512x64xf32, #tpu.memory_space<vmem>>, vector<16xf32>,
      %add3A_2420 = arith.constant 0 : i32
      %add3A_2421 = arith.addi %add3A_2420, %add3A_2380 : i32
      %get3A_2422 = arith.index_cast %add3A_2421 : i32 to index
      %get3A_2423 = arith.constant 48 : index
      %get3A_2424 = tpu.vector_load %arg16[%get3A_2422, %get3A_2423] {strides = array<i32>} : memref<512x64xf32, #tpu.memory_space<vmem>>, vector<16xf32>,
      %add3A_2425 = arith.constant 128 : i32
      %add3A_2426 = arith.addi %add3A_2425, %add3A_2380 : i32
      %get3A_2427 = arith.index_cast %add3A_2426 : i32 to index
      %get3A_2428 = arith.constant 0 : index
      %get3A_2429 = tpu.vector_load %arg16[%get3A_2427, %get3A_2428] {strides = array<i32>} : memref<512x64xf32, #tpu.memory_space<vmem>>, vector<16xf32>,
      %add3A_2430 = arith.constant 128 : i32
      %add3A_2431 = arith.addi %add3A_2430, %add3A_2380 : i32
      %get3A_2432 = arith.index_cast %add3A_2431 : i32 to index
      %get3A_2433 = arith.constant 16 : index
      %get3A_2434 = tpu.vector_load %arg16[%get3A_2432, %get3A_2433] {strides = array<i32>} : memref<512x64xf32, #tpu.memory_space<vmem>>, vector<16xf32>,
      %add3A_2435 = arith.constant 128 : i32
      %add3A_2436 = arith.addi %add3A_2435, %add3A_2380 : i32
      %get3A_2437 = arith.index_cast %add3A_2436 : i32 to index
      %get3A_2438 = arith.constant 32 : index
      %get3A_2439 = tpu.vector_load %arg16[%get3A_2437, %get3A_2438] {strides = array<i32>} : memref<512x64xf32, #tpu.memory_space<vmem>>, vector<16xf32>,
      %add3A_2440 = arith.constant 128 : i32
      %add3A_2441 = arith.addi %add3A_2440, %add3A_2380 : i32
      %get3A_2442 = arith.index_cast %add3A_2441 : i32 to index
      %get3A_2443 = arith.constant 48 : index
      %get3A_2444 = tpu.vector_load %arg16[%get3A_2442, %get3A_2443] {strides = array<i32>} : memref<512x64xf32, #tpu.memory_space<vmem>>, vector<16xf32>,
      %add3A_2445 = arith.constant 256 : i32
      %add3A_2446 = arith.addi %add3A_2445, %add3A_2380 : i32
      %get3A_2447 = arith.index_cast %add3A_2446 : i32 to index
      %get3A_2448 = arith.constant 0 : index
      %get3A_2449 = tpu.vector_load %arg16[%get3A_2447, %get3A_2448] {strides = array<i32>} : memref<512x64xf32, #tpu.memory_space<vmem>>, vector<16xf32>,
      %add3A_2450 = arith.constant 256 : i32
      %add3A_2451 = arith.addi %add3A_2450, %add3A_2380 : i32
      %get3A_2452 = arith.index_cast %add3A_2451 : i32 to index
      %get3A_2453 = arith.constant 16 : index
      %get3A_2454 = tpu.vector_load %arg16[%get3A_2452, %get3A_2453] {strides = array<i32>} : memref<512x64xf32, #tpu.memory_space<vmem>>, vector<16xf32>,
      %add3A_2455 = arith.constant 256 : i32
      %add3A_2456 = arith.addi %add3A_2455, %add3A_2380 : i32
      %get3A_2457 = arith.index_cast %add3A_2456 : i32 to index
      %get3A_2458 = arith.constant 32 : index
      %get3A_2459 = tpu.vector_load %arg16[%get3A_2457, %get3A_2458] {strides = array<i32>} : memref<512x64xf32, #tpu.memory_space<vmem>>, vector<16xf32>,
      %add3A_2460 = arith.constant 256 : i32
      %add3A_2461 = arith.addi %add3A_2460, %add3A_2380 : i32
      %get3A_2462 = arith.index_cast %add3A_2461 : i32 to index
      %get3A_2463 = arith.constant 48 : index
      %get3A_2464 = tpu.vector_load %arg16[%get3A_2462, %get3A_2463] {strides = array<i32>} : memref<512x64xf32, #tpu.memory_space<vmem>>, vector<16xf32>,
      %add3A_2465 = arith.constant 384 : i32
      %add3A_2466 = arith.addi %add3A_2465, %add3A_2380 : i32
      %get3A_2467 = arith.index_cast %add3A_2466 : i32 to index
      %get3A_2468 = arith.constant 0 : index
      %get3A_2469 = tpu.vector_load %arg16[%get3A_2467, %get3A_2468] {strides = array<i32>} : memref<512x64xf32, #tpu.memory_space<vmem>>, vector<16xf32>,
      %add3A_2470 = arith.constant 384 : i32
      %add3A_2471 = arith.addi %add3A_2470, %add3A_2380 : i32
      %get3A_2472 = arith.index_cast %add3A_2471 : i32 to index
      %get3A_2473 = arith.constant 16 : index
      %get3A_2474 = tpu.vector_load %arg16[%get3A_2472, %get3A_2473] {strides = array<i32>} : memref<512x64xf32, #tpu.memory_space<vmem>>, vector<16xf32>,
      %add3A_2475 = arith.constant 384 : i32
      %add3A_2476 = arith.addi %add3A_2475, %add3A_2380 : i32
      %get3A_2477 = arith.index_cast %add3A_2476 : i32 to index
      %get3A_2478 = arith.constant 32 : index
      %get3A_2479 = tpu.vector_load %arg16[%get3A_2477, %get3A_2478] {strides = array<i32>} : memref<512x64xf32, #tpu.memory_space<vmem>>, vector<16xf32>,
      %add3A_2480 = arith.constant 384 : i32
      %add3A_2481 = arith.addi %add3A_2480, %add3A_2380 : i32
      %get3A_2482 = arith.index_cast %add3A_2481 : i32 to index
      %get3A_2483 = arith.constant 48 : index
      %get3A_2484 = tpu.vector_load %arg16[%get3A_2482, %get3A_2483] {strides = array<i32>} : memref<512x64xf32, #tpu.memory_space<vmem>>, vector<16xf32>,
      %mul3A_2485 = arith.mulf %get3A_2383, %get3A_2395 : vector<16xf32>
      %mul3A_2486 = arith.mulf %get3A_2386, %get3A_2398 : vector<16xf32>
      %add3A_2487 = arith.addf %mul3A_2485, %mul3A_2486 : vector<16xf32>
      %mul3A_2488 = arith.mulf %get3A_2389, %get3A_2401 : vector<16xf32>
      %mul3A_2489 = arith.mulf %get3A_2392, %get3A_2404 : vector<16xf32>
      %add3A_2490 = arith.addf %mul3A_2488, %mul3A_2489 : vector<16xf32>
      %add3A_2491 = arith.addf %add3A_2487, %add3A_2490 : vector<16xf32>
      %broadcast_in_dim3A_2492 = arith.constant true
      %broadcast_in_dim3A_2493 = vector.broadcast %broadcast_in_dim3A_2492 : i1 to vector<16xi1>
      %masked_cumsum3A_2494 = tpu.scan <sum>, %add3A_2491 masked %broadcast_in_dim3A_2493 : vector<16xf32>, vector<16xi1> -> vector<16xf32>
      %mul3A_2495 = arith.mulf %get3A_2383, %get3A_2409 : vector<16xf32>
      %mul3A_2496 = arith.mulf %get3A_2386, %get3A_2414 : vector<16xf32>
      %add3A_2497 = arith.addf %mul3A_2495, %mul3A_2496 : vector<16xf32>
      %mul3A_2498 = arith.mulf %get3A_2389, %get3A_2419 : vector<16xf32>
      %mul3A_2499 = arith.mulf %get3A_2392, %get3A_2424 : vector<16xf32>
      %add3A_2500 = arith.addf %mul3A_2498, %mul3A_2499 : vector<16xf32>
      %add3A_2501 = arith.addf %add3A_2497, %add3A_2500 : vector<16xf32>
      %broadcast_in_dim3A_2502 = arith.constant true
      %broadcast_in_dim3A_2503 = vector.broadcast %broadcast_in_dim3A_2502 : i1 to vector<16xi1>
      %masked_cumsum3A_2504 = tpu.scan <sum>, %add3A_2501 masked %broadcast_in_dim3A_2503 : vector<16xf32>, vector<16xi1> -> vector<16xf32>
      %mul3A_2505 = arith.mulf %get3A_2383, %get3A_2429 : vector<16xf32>
      %mul3A_2506 = arith.mulf %get3A_2386, %get3A_2434 : vector<16xf32>
      %add3A_2507 = arith.addf %mul3A_2505, %mul3A_2506 : vector<16xf32>
      %mul3A_2508 = arith.mulf %get3A_2389, %get3A_2439 : vector<16xf32>
      %mul3A_2509 = arith.mulf %get3A_2392, %get3A_2444 : vector<16xf32>
      %add3A_2510 = arith.addf %mul3A_2508, %mul3A_2509 : vector<16xf32>
      %add3A_2511 = arith.addf %add3A_2507, %add3A_2510 : vector<16xf32>
      %broadcast_in_dim3A_2512 = arith.constant true
      %broadcast_in_dim3A_2513 = vector.broadcast %broadcast_in_dim3A_2512 : i1 to vector<16xi1>
      %masked_cumsum3A_2514 = tpu.scan <sum>, %add3A_2511 masked %broadcast_in_dim3A_2513 : vector<16xf32>, vector<16xi1> -> vector<16xf32>
      %mul3A_2515 = arith.mulf %get3A_2383, %get3A_2449 : vector<16xf32>
      %mul3A_2516 = arith.mulf %get3A_2386, %get3A_2454 : vector<16xf32>
      %add3A_2517 = arith.addf %mul3A_2515, %mul3A_2516 : vector<16xf32>
      %mul3A_2518 = arith.mulf %get3A_2389, %get3A_2459 : vector<16xf32>
      %mul3A_2519 = arith.mulf %get3A_2392, %get3A_2464 : vector<16xf32>
      %add3A_2520 = arith.addf %mul3A_2518, %mul3A_2519 : vector<16xf32>
      %add3A_2521 = arith.addf %add3A_2517, %add3A_2520 : vector<16xf32>
      %broadcast_in_dim3A_2522 = arith.constant true
      %broadcast_in_dim3A_2523 = vector.broadcast %broadcast_in_dim3A_2522 : i1 to vector<16xi1>
      %masked_cumsum3A_2524 = tpu.scan <sum>, %add3A_2521 masked %broadcast_in_dim3A_2523 : vector<16xf32>, vector<16xi1> -> vector<16xf32>
      %mul3A_2525 = arith.mulf %get3A_2383, %get3A_2469 : vector<16xf32>
      %mul3A_2526 = arith.mulf %get3A_2386, %get3A_2474 : vector<16xf32>
      %add3A_2527 = arith.addf %mul3A_2525, %mul3A_2526 : vector<16xf32>
      %mul3A_2528 = arith.mulf %get3A_2389, %get3A_2479 : vector<16xf32>
      %mul3A_2529 = arith.mulf %get3A_2392, %get3A_2484 : vector<16xf32>
      %add3A_2530 = arith.addf %mul3A_2528, %mul3A_2529 : vector<16xf32>
      %add3A_2531 = arith.addf %add3A_2527, %add3A_2530 : vector<16xf32>
      %broadcast_in_dim3A_2532 = arith.constant true
      %broadcast_in_dim3A_2533 = vector.broadcast %broadcast_in_dim3A_2532 : i1 to vector<16xi1>
      %masked_cumsum3A_2534 = tpu.scan <sum>, %add3A_2531 masked %broadcast_in_dim3A_2533 : vector<16xf32>, vector<16xi1> -> vector<16xf32>
      %broadcast_in_dim3A_2535 = vector.broadcast %add3A_2380 : i32 to vector<16xi32>
      %broadcast_in_dim3A_2536 = arith.constant 0 : i32
      %broadcast_in_dim3A_2537 = vector.broadcast %broadcast_in_dim3A_2536 : i32 to vector<16xi32>
      tpu.vector_store_idx %arg17[%broadcast_in_dim3A_2535, %broadcast_in_dim3A_2537], %masked_cumsum3A_2494 masked %eq3A_174 : memref<128x5xf32, #tpu.memory_space<vmem>>[vector<16xi32>, vector<16xi32>], vector<16xf32>, vector<16xi1>
      %broadcast_in_dim3A_2538 = arith.constant 1 : i32
      %broadcast_in_dim3A_2539 = vector.broadcast %broadcast_in_dim3A_2538 : i32 to vector<16xi32>
      tpu.vector_store_idx %arg17[%broadcast_in_dim3A_2535, %broadcast_in_dim3A_2539], %masked_cumsum3A_2504 masked %eq3A_174 : memref<128x5xf32, #tpu.memory_space<vmem>>[vector<16xi32>, vector<16xi32>], vector<16xf32>, vector<16xi1>
      %broadcast_in_dim3A_2540 = arith.constant 2 : i32
      %broadcast_in_dim3A_2541 = vector.broadcast %broadcast_in_dim3A_2540 : i32 to vector<16xi32>
      tpu.vector_store_idx %arg17[%broadcast_in_dim3A_2535, %broadcast_in_dim3A_2541], %masked_cumsum3A_2514 masked %eq3A_174 : memref<128x5xf32, #tpu.memory_space<vmem>>[vector<16xi32>, vector<16xi32>], vector<16xf32>, vector<16xi1>
      %broadcast_in_dim3A_2542 = arith.constant 3 : i32
      %broadcast_in_dim3A_2543 = vector.broadcast %broadcast_in_dim3A_2542 : i32 to vector<16xi32>
      tpu.vector_store_idx %arg17[%broadcast_in_dim3A_2535, %broadcast_in_dim3A_2543], %masked_cumsum3A_2524 masked %eq3A_174 : memref<128x5xf32, #tpu.memory_space<vmem>>[vector<16xi32>, vector<16xi32>], vector<16xf32>, vector<16xi1>
      %broadcast_in_dim3A_2544 = arith.constant 4 : i32
      %broadcast_in_dim3A_2545 = vector.broadcast %broadcast_in_dim3A_2544 : i32 to vector<16xi32>
      tpu.vector_store_idx %arg17[%broadcast_in_dim3A_2535, %broadcast_in_dim3A_2545], %masked_cumsum3A_2534 masked %eq3A_174 : memref<128x5xf32, #tpu.memory_space<vmem>>[vector<16xi32>, vector<16xi32>], vector<16xf32>, vector<16xi1>
      %mul3A_2546 = arith.constant 16 : i32
      %mul3A_2547 = arith.muli %scan3A_181, %mul3A_2546 : i32
      %add3A_2548 = arith.constant 14 : i32
      %add3A_2549 = arith.addi %mul3A_2547, %add3A_2548 : i32
      %get3A_2550 = arith.index_cast %add3A_2549 : i32 to index
      %get3A_2551 = arith.constant 0 : index
      %get3A_2552 = tpu.vector_load %arg14[%get3A_2550, %get3A_2551] {strides = array<i32>} : memref<128x64xf32, #tpu.memory_space<vmem>>, vector<16xf32>,
      %get3A_2553 = arith.index_cast %add3A_2549 : i32 to index
      %get3A_2554 = arith.constant 16 : index
      %get3A_2555 = tpu.vector_load %arg14[%get3A_2553, %get3A_2554] {strides = array<i32>} : memref<128x64xf32, #tpu.memory_space<vmem>>, vector<16xf32>,
      %get3A_2556 = arith.index_cast %add3A_2549 : i32 to index
      %get3A_2557 = arith.constant 32 : index
      %get3A_2558 = tpu.vector_load %arg14[%get3A_2556, %get3A_2557] {strides = array<i32>} : memref<128x64xf32, #tpu.memory_space<vmem>>, vector<16xf32>,
      %get3A_2559 = arith.index_cast %add3A_2549 : i32 to index
      %get3A_2560 = arith.constant 48 : index
      %get3A_2561 = tpu.vector_load %arg14[%get3A_2559, %get3A_2560] {strides = array<i32>} : memref<128x64xf32, #tpu.memory_space<vmem>>, vector<16xf32>,
      %get3A_2562 = arith.index_cast %add3A_2549 : i32 to index
      %get3A_2563 = arith.constant 0 : index
      %get3A_2564 = tpu.vector_load %arg15[%get3A_2562, %get3A_2563] {strides = array<i32>} : memref<128x64xf32, #tpu.memory_space<vmem>>, vector<16xf32>,
      %get3A_2565 = arith.index_cast %add3A_2549 : i32 to index
      %get3A_2566 = arith.constant 16 : index
      %get3A_2567 = tpu.vector_load %arg15[%get3A_2565, %get3A_2566] {strides = array<i32>} : memref<128x64xf32, #tpu.memory_space<vmem>>, vector<16xf32>,
      %get3A_2568 = arith.index_cast %add3A_2549 : i32 to index
      %get3A_2569 = arith.constant 32 : index
      %get3A_2570 = tpu.vector_load %arg15[%get3A_2568, %get3A_2569] {strides = array<i32>} : memref<128x64xf32, #tpu.memory_space<vmem>>, vector<16xf32>,
      %get3A_2571 = arith.index_cast %add3A_2549 : i32 to index
      %get3A_2572 = arith.constant 48 : index
      %get3A_2573 = tpu.vector_load %arg15[%get3A_2571, %get3A_2572] {strides = array<i32>} : memref<128x64xf32, #tpu.memory_space<vmem>>, vector<16xf32>,
      %add3A_2574 = arith.constant 0 : i32
      %add3A_2575 = arith.addi %add3A_2574, %add3A_2549 : i32
      %get3A_2576 = arith.index_cast %add3A_2575 : i32 to index
      %get3A_2577 = arith.constant 0 : index
      %get3A_2578 = tpu.vector_load %arg16[%get3A_2576, %get3A_2577] {strides = array<i32>} : memref<512x64xf32, #tpu.memory_space<vmem>>, vector<16xf32>,
      %add3A_2579 = arith.constant 0 : i32
      %add3A_2580 = arith.addi %add3A_2579, %add3A_2549 : i32
      %get3A_2581 = arith.index_cast %add3A_2580 : i32 to index
      %get3A_2582 = arith.constant 16 : index
      %get3A_2583 = tpu.vector_load %arg16[%get3A_2581, %get3A_2582] {strides = array<i32>} : memref<512x64xf32, #tpu.memory_space<vmem>>, vector<16xf32>,
      %add3A_2584 = arith.constant 0 : i32
      %add3A_2585 = arith.addi %add3A_2584, %add3A_2549 : i32
      %get3A_2586 = arith.index_cast %add3A_2585 : i32 to index
      %get3A_2587 = arith.constant 32 : index
      %get3A_2588 = tpu.vector_load %arg16[%get3A_2586, %get3A_2587] {strides = array<i32>} : memref<512x64xf32, #tpu.memory_space<vmem>>, vector<16xf32>,
      %add3A_2589 = arith.constant 0 : i32
      %add3A_2590 = arith.addi %add3A_2589, %add3A_2549 : i32
      %get3A_2591 = arith.index_cast %add3A_2590 : i32 to index
      %get3A_2592 = arith.constant 48 : index
      %get3A_2593 = tpu.vector_load %arg16[%get3A_2591, %get3A_2592] {strides = array<i32>} : memref<512x64xf32, #tpu.memory_space<vmem>>, vector<16xf32>,
      %add3A_2594 = arith.constant 128 : i32
      %add3A_2595 = arith.addi %add3A_2594, %add3A_2549 : i32
      %get3A_2596 = arith.index_cast %add3A_2595 : i32 to index
      %get3A_2597 = arith.constant 0 : index
      %get3A_2598 = tpu.vector_load %arg16[%get3A_2596, %get3A_2597] {strides = array<i32>} : memref<512x64xf32, #tpu.memory_space<vmem>>, vector<16xf32>,
      %add3A_2599 = arith.constant 128 : i32
      %add3A_2600 = arith.addi %add3A_2599, %add3A_2549 : i32
      %get3A_2601 = arith.index_cast %add3A_2600 : i32 to index
      %get3A_2602 = arith.constant 16 : index
      %get3A_2603 = tpu.vector_load %arg16[%get3A_2601, %get3A_2602] {strides = array<i32>} : memref<512x64xf32, #tpu.memory_space<vmem>>, vector<16xf32>,
      %add3A_2604 = arith.constant 128 : i32
      %add3A_2605 = arith.addi %add3A_2604, %add3A_2549 : i32
      %get3A_2606 = arith.index_cast %add3A_2605 : i32 to index
      %get3A_2607 = arith.constant 32 : index
      %get3A_2608 = tpu.vector_load %arg16[%get3A_2606, %get3A_2607] {strides = array<i32>} : memref<512x64xf32, #tpu.memory_space<vmem>>, vector<16xf32>,
      %add3A_2609 = arith.constant 128 : i32
      %add3A_2610 = arith.addi %add3A_2609, %add3A_2549 : i32
      %get3A_2611 = arith.index_cast %add3A_2610 : i32 to index
      %get3A_2612 = arith.constant 48 : index
      %get3A_2613 = tpu.vector_load %arg16[%get3A_2611, %get3A_2612] {strides = array<i32>} : memref<512x64xf32, #tpu.memory_space<vmem>>, vector<16xf32>,
      %add3A_2614 = arith.constant 256 : i32
      %add3A_2615 = arith.addi %add3A_2614, %add3A_2549 : i32
      %get3A_2616 = arith.index_cast %add3A_2615 : i32 to index
      %get3A_2617 = arith.constant 0 : index
      %get3A_2618 = tpu.vector_load %arg16[%get3A_2616, %get3A_2617] {strides = array<i32>} : memref<512x64xf32, #tpu.memory_space<vmem>>, vector<16xf32>,
      %add3A_2619 = arith.constant 256 : i32
      %add3A_2620 = arith.addi %add3A_2619, %add3A_2549 : i32
      %get3A_2621 = arith.index_cast %add3A_2620 : i32 to index
      %get3A_2622 = arith.constant 16 : index
      %get3A_2623 = tpu.vector_load %arg16[%get3A_2621, %get3A_2622] {strides = array<i32>} : memref<512x64xf32, #tpu.memory_space<vmem>>, vector<16xf32>,
      %add3A_2624 = arith.constant 256 : i32
      %add3A_2625 = arith.addi %add3A_2624, %add3A_2549 : i32
      %get3A_2626 = arith.index_cast %add3A_2625 : i32 to index
      %get3A_2627 = arith.constant 32 : index
      %get3A_2628 = tpu.vector_load %arg16[%get3A_2626, %get3A_2627] {strides = array<i32>} : memref<512x64xf32, #tpu.memory_space<vmem>>, vector<16xf32>,
      %add3A_2629 = arith.constant 256 : i32
      %add3A_2630 = arith.addi %add3A_2629, %add3A_2549 : i32
      %get3A_2631 = arith.index_cast %add3A_2630 : i32 to index
      %get3A_2632 = arith.constant 48 : index
      %get3A_2633 = tpu.vector_load %arg16[%get3A_2631, %get3A_2632] {strides = array<i32>} : memref<512x64xf32, #tpu.memory_space<vmem>>, vector<16xf32>,
      %add3A_2634 = arith.constant 384 : i32
      %add3A_2635 = arith.addi %add3A_2634, %add3A_2549 : i32
      %get3A_2636 = arith.index_cast %add3A_2635 : i32 to index
      %get3A_2637 = arith.constant 0 : index
      %get3A_2638 = tpu.vector_load %arg16[%get3A_2636, %get3A_2637] {strides = array<i32>} : memref<512x64xf32, #tpu.memory_space<vmem>>, vector<16xf32>,
      %add3A_2639 = arith.constant 384 : i32
      %add3A_2640 = arith.addi %add3A_2639, %add3A_2549 : i32
      %get3A_2641 = arith.index_cast %add3A_2640 : i32 to index
      %get3A_2642 = arith.constant 16 : index
      %get3A_2643 = tpu.vector_load %arg16[%get3A_2641, %get3A_2642] {strides = array<i32>} : memref<512x64xf32, #tpu.memory_space<vmem>>, vector<16xf32>,
      %add3A_2644 = arith.constant 384 : i32
      %add3A_2645 = arith.addi %add3A_2644, %add3A_2549 : i32
      %get3A_2646 = arith.index_cast %add3A_2645 : i32 to index
      %get3A_2647 = arith.constant 32 : index
      %get3A_2648 = tpu.vector_load %arg16[%get3A_2646, %get3A_2647] {strides = array<i32>} : memref<512x64xf32, #tpu.memory_space<vmem>>, vector<16xf32>,
      %add3A_2649 = arith.constant 384 : i32
      %add3A_2650 = arith.addi %add3A_2649, %add3A_2549 : i32
      %get3A_2651 = arith.index_cast %add3A_2650 : i32 to index
      %get3A_2652 = arith.constant 48 : index
      %get3A_2653 = tpu.vector_load %arg16[%get3A_2651, %get3A_2652] {strides = array<i32>} : memref<512x64xf32, #tpu.memory_space<vmem>>, vector<16xf32>,
      %mul3A_2654 = arith.mulf %get3A_2552, %get3A_2564 : vector<16xf32>
      %mul3A_2655 = arith.mulf %get3A_2555, %get3A_2567 : vector<16xf32>
      %add3A_2656 = arith.addf %mul3A_2654, %mul3A_2655 : vector<16xf32>
      %mul3A_2657 = arith.mulf %get3A_2558, %get3A_2570 : vector<16xf32>
      %mul3A_2658 = arith.mulf %get3A_2561, %get3A_2573 : vector<16xf32>
      %add3A_2659 = arith.addf %mul3A_2657, %mul3A_2658 : vector<16xf32>
      %add3A_2660 = arith.addf %add3A_2656, %add3A_2659 : vector<16xf32>
      %broadcast_in_dim3A_2661 = arith.constant true
      %broadcast_in_dim3A_2662 = vector.broadcast %broadcast_in_dim3A_2661 : i1 to vector<16xi1>
      %masked_cumsum3A_2663 = tpu.scan <sum>, %add3A_2660 masked %broadcast_in_dim3A_2662 : vector<16xf32>, vector<16xi1> -> vector<16xf32>
      %mul3A_2664 = arith.mulf %get3A_2552, %get3A_2578 : vector<16xf32>
      %mul3A_2665 = arith.mulf %get3A_2555, %get3A_2583 : vector<16xf32>
      %add3A_2666 = arith.addf %mul3A_2664, %mul3A_2665 : vector<16xf32>
      %mul3A_2667 = arith.mulf %get3A_2558, %get3A_2588 : vector<16xf32>
      %mul3A_2668 = arith.mulf %get3A_2561, %get3A_2593 : vector<16xf32>
      %add3A_2669 = arith.addf %mul3A_2667, %mul3A_2668 : vector<16xf32>
      %add3A_2670 = arith.addf %add3A_2666, %add3A_2669 : vector<16xf32>
      %broadcast_in_dim3A_2671 = arith.constant true
      %broadcast_in_dim3A_2672 = vector.broadcast %broadcast_in_dim3A_2671 : i1 to vector<16xi1>
      %masked_cumsum3A_2673 = tpu.scan <sum>, %add3A_2670 masked %broadcast_in_dim3A_2672 : vector<16xf32>, vector<16xi1> -> vector<16xf32>
      %mul3A_2674 = arith.mulf %get3A_2552, %get3A_2598 : vector<16xf32>
      %mul3A_2675 = arith.mulf %get3A_2555, %get3A_2603 : vector<16xf32>
      %add3A_2676 = arith.addf %mul3A_2674, %mul3A_2675 : vector<16xf32>
      %mul3A_2677 = arith.mulf %get3A_2558, %get3A_2608 : vector<16xf32>
      %mul3A_2678 = arith.mulf %get3A_2561, %get3A_2613 : vector<16xf32>
      %add3A_2679 = arith.addf %mul3A_2677, %mul3A_2678 : vector<16xf32>
      %add3A_2680 = arith.addf %add3A_2676, %add3A_2679 : vector<16xf32>
      %broadcast_in_dim3A_2681 = arith.constant true
      %broadcast_in_dim3A_2682 = vector.broadcast %broadcast_in_dim3A_2681 : i1 to vector<16xi1>
      %masked_cumsum3A_2683 = tpu.scan <sum>, %add3A_2680 masked %broadcast_in_dim3A_2682 : vector<16xf32>, vector<16xi1> -> vector<16xf32>
      %mul3A_2684 = arith.mulf %get3A_2552, %get3A_2618 : vector<16xf32>
      %mul3A_2685 = arith.mulf %get3A_2555, %get3A_2623 : vector<16xf32>
      %add3A_2686 = arith.addf %mul3A_2684, %mul3A_2685 : vector<16xf32>
      %mul3A_2687 = arith.mulf %get3A_2558, %get3A_2628 : vector<16xf32>
      %mul3A_2688 = arith.mulf %get3A_2561, %get3A_2633 : vector<16xf32>
      %add3A_2689 = arith.addf %mul3A_2687, %mul3A_2688 : vector<16xf32>
      %add3A_2690 = arith.addf %add3A_2686, %add3A_2689 : vector<16xf32>
      %broadcast_in_dim3A_2691 = arith.constant true
      %broadcast_in_dim3A_2692 = vector.broadcast %broadcast_in_dim3A_2691 : i1 to vector<16xi1>
      %masked_cumsum3A_2693 = tpu.scan <sum>, %add3A_2690 masked %broadcast_in_dim3A_2692 : vector<16xf32>, vector<16xi1> -> vector<16xf32>
      %mul3A_2694 = arith.mulf %get3A_2552, %get3A_2638 : vector<16xf32>
      %mul3A_2695 = arith.mulf %get3A_2555, %get3A_2643 : vector<16xf32>
      %add3A_2696 = arith.addf %mul3A_2694, %mul3A_2695 : vector<16xf32>
      %mul3A_2697 = arith.mulf %get3A_2558, %get3A_2648 : vector<16xf32>
      %mul3A_2698 = arith.mulf %get3A_2561, %get3A_2653 : vector<16xf32>
      %add3A_2699 = arith.addf %mul3A_2697, %mul3A_2698 : vector<16xf32>
      %add3A_2700 = arith.addf %add3A_2696, %add3A_2699 : vector<16xf32>
      %broadcast_in_dim3A_2701 = arith.constant true
      %broadcast_in_dim3A_2702 = vector.broadcast %broadcast_in_dim3A_2701 : i1 to vector<16xi1>
      %masked_cumsum3A_2703 = tpu.scan <sum>, %add3A_2700 masked %broadcast_in_dim3A_2702 : vector<16xf32>, vector<16xi1> -> vector<16xf32>
      %broadcast_in_dim3A_2704 = vector.broadcast %add3A_2549 : i32 to vector<16xi32>
      %broadcast_in_dim3A_2705 = arith.constant 0 : i32
      %broadcast_in_dim3A_2706 = vector.broadcast %broadcast_in_dim3A_2705 : i32 to vector<16xi32>
      tpu.vector_store_idx %arg17[%broadcast_in_dim3A_2704, %broadcast_in_dim3A_2706], %masked_cumsum3A_2663 masked %eq3A_174 : memref<128x5xf32, #tpu.memory_space<vmem>>[vector<16xi32>, vector<16xi32>], vector<16xf32>, vector<16xi1>
      %broadcast_in_dim3A_2707 = arith.constant 1 : i32
      %broadcast_in_dim3A_2708 = vector.broadcast %broadcast_in_dim3A_2707 : i32 to vector<16xi32>
      tpu.vector_store_idx %arg17[%broadcast_in_dim3A_2704, %broadcast_in_dim3A_2708], %masked_cumsum3A_2673 masked %eq3A_174 : memref<128x5xf32, #tpu.memory_space<vmem>>[vector<16xi32>, vector<16xi32>], vector<16xf32>, vector<16xi1>
      %broadcast_in_dim3A_2709 = arith.constant 2 : i32
      %broadcast_in_dim3A_2710 = vector.broadcast %broadcast_in_dim3A_2709 : i32 to vector<16xi32>
      tpu.vector_store_idx %arg17[%broadcast_in_dim3A_2704, %broadcast_in_dim3A_2710], %masked_cumsum3A_2683 masked %eq3A_174 : memref<128x5xf32, #tpu.memory_space<vmem>>[vector<16xi32>, vector<16xi32>], vector<16xf32>, vector<16xi1>
      %broadcast_in_dim3A_2711 = arith.constant 3 : i32
      %broadcast_in_dim3A_2712 = vector.broadcast %broadcast_in_dim3A_2711 : i32 to vector<16xi32>
      tpu.vector_store_idx %arg17[%broadcast_in_dim3A_2704, %broadcast_in_dim3A_2712], %masked_cumsum3A_2693 masked %eq3A_174 : memref<128x5xf32, #tpu.memory_space<vmem>>[vector<16xi32>, vector<16xi32>], vector<16xf32>, vector<16xi1>
      %broadcast_in_dim3A_2713 = arith.constant 4 : i32
      %broadcast_in_dim3A_2714 = vector.broadcast %broadcast_in_dim3A_2713 : i32 to vector<16xi32>
      tpu.vector_store_idx %arg17[%broadcast_in_dim3A_2704, %broadcast_in_dim3A_2714], %masked_cumsum3A_2703 masked %eq3A_174 : memref<128x5xf32, #tpu.memory_space<vmem>>[vector<16xi32>, vector<16xi32>], vector<16xf32>, vector<16xi1>
      %mul3A_2715 = arith.constant 16 : i32
      %mul3A_2716 = arith.muli %scan3A_181, %mul3A_2715 : i32
      %add3A_2717 = arith.constant 15 : i32
      %add3A_2718 = arith.addi %mul3A_2716, %add3A_2717 : i32
      %get3A_2719 = arith.index_cast %add3A_2718 : i32 to index
      %get3A_2720 = arith.constant 0 : index
      %get3A_2721 = tpu.vector_load %arg14[%get3A_2719, %get3A_2720] {strides = array<i32>} : memref<128x64xf32, #tpu.memory_space<vmem>>, vector<16xf32>,
      %get3A_2722 = arith.index_cast %add3A_2718 : i32 to index
      %get3A_2723 = arith.constant 16 : index
      %get3A_2724 = tpu.vector_load %arg14[%get3A_2722, %get3A_2723] {strides = array<i32>} : memref<128x64xf32, #tpu.memory_space<vmem>>, vector<16xf32>,
      %get3A_2725 = arith.index_cast %add3A_2718 : i32 to index
      %get3A_2726 = arith.constant 32 : index
      %get3A_2727 = tpu.vector_load %arg14[%get3A_2725, %get3A_2726] {strides = array<i32>} : memref<128x64xf32, #tpu.memory_space<vmem>>, vector<16xf32>,
      %get3A_2728 = arith.index_cast %add3A_2718 : i32 to index
      %get3A_2729 = arith.constant 48 : index
      %get3A_2730 = tpu.vector_load %arg14[%get3A_2728, %get3A_2729] {strides = array<i32>} : memref<128x64xf32, #tpu.memory_space<vmem>>, vector<16xf32>,
      %get3A_2731 = arith.index_cast %add3A_2718 : i32 to index
      %get3A_2732 = arith.constant 0 : index
      %get3A_2733 = tpu.vector_load %arg15[%get3A_2731, %get3A_2732] {strides = array<i32>} : memref<128x64xf32, #tpu.memory_space<vmem>>, vector<16xf32>,
      %get3A_2734 = arith.index_cast %add3A_2718 : i32 to index
      %get3A_2735 = arith.constant 16 : index
      %get3A_2736 = tpu.vector_load %arg15[%get3A_2734, %get3A_2735] {strides = array<i32>} : memref<128x64xf32, #tpu.memory_space<vmem>>, vector<16xf32>,
      %get3A_2737 = arith.index_cast %add3A_2718 : i32 to index
      %get3A_2738 = arith.constant 32 : index
      %get3A_2739 = tpu.vector_load %arg15[%get3A_2737, %get3A_2738] {strides = array<i32>} : memref<128x64xf32, #tpu.memory_space<vmem>>, vector<16xf32>,
      %get3A_2740 = arith.index_cast %add3A_2718 : i32 to index
      %get3A_2741 = arith.constant 48 : index
      %get3A_2742 = tpu.vector_load %arg15[%get3A_2740, %get3A_2741] {strides = array<i32>} : memref<128x64xf32, #tpu.memory_space<vmem>>, vector<16xf32>,
      %add3A_2743 = arith.constant 0 : i32
      %add3A_2744 = arith.addi %add3A_2743, %add3A_2718 : i32
      %get3A_2745 = arith.index_cast %add3A_2744 : i32 to index
      %get3A_2746 = arith.constant 0 : index
      %get3A_2747 = tpu.vector_load %arg16[%get3A_2745, %get3A_2746] {strides = array<i32>} : memref<512x64xf32, #tpu.memory_space<vmem>>, vector<16xf32>,
      %add3A_2748 = arith.constant 0 : i32
      %add3A_2749 = arith.addi %add3A_2748, %add3A_2718 : i32
      %get3A_2750 = arith.index_cast %add3A_2749 : i32 to index
      %get3A_2751 = arith.constant 16 : index
      %get3A_2752 = tpu.vector_load %arg16[%get3A_2750, %get3A_2751] {strides = array<i32>} : memref<512x64xf32, #tpu.memory_space<vmem>>, vector<16xf32>,
      %add3A_2753 = arith.constant 0 : i32
      %add3A_2754 = arith.addi %add3A_2753, %add3A_2718 : i32
      %get3A_2755 = arith.index_cast %add3A_2754 : i32 to index
      %get3A_2756 = arith.constant 32 : index
      %get3A_2757 = tpu.vector_load %arg16[%get3A_2755, %get3A_2756] {strides = array<i32>} : memref<512x64xf32, #tpu.memory_space<vmem>>, vector<16xf32>,
      %add3A_2758 = arith.constant 0 : i32
      %add3A_2759 = arith.addi %add3A_2758, %add3A_2718 : i32
      %get3A_2760 = arith.index_cast %add3A_2759 : i32 to index
      %get3A_2761 = arith.constant 48 : index
      %get3A_2762 = tpu.vector_load %arg16[%get3A_2760, %get3A_2761] {strides = array<i32>} : memref<512x64xf32, #tpu.memory_space<vmem>>, vector<16xf32>,
      %add3A_2763 = arith.constant 128 : i32
      %add3A_2764 = arith.addi %add3A_2763, %add3A_2718 : i32
      %get3A_2765 = arith.index_cast %add3A_2764 : i32 to index
      %get3A_2766 = arith.constant 0 : index
      %get3A_2767 = tpu.vector_load %arg16[%get3A_2765, %get3A_2766] {strides = array<i32>} : memref<512x64xf32, #tpu.memory_space<vmem>>, vector<16xf32>,
      %add3A_2768 = arith.constant 128 : i32
      %add3A_2769 = arith.addi %add3A_2768, %add3A_2718 : i32
      %get3A_2770 = arith.index_cast %add3A_2769 : i32 to index
      %get3A_2771 = arith.constant 16 : index
      %get3A_2772 = tpu.vector_load %arg16[%get3A_2770, %get3A_2771] {strides = array<i32>} : memref<512x64xf32, #tpu.memory_space<vmem>>, vector<16xf32>,
      %add3A_2773 = arith.constant 128 : i32
      %add3A_2774 = arith.addi %add3A_2773, %add3A_2718 : i32
      %get3A_2775 = arith.index_cast %add3A_2774 : i32 to index
      %get3A_2776 = arith.constant 32 : index
      %get3A_2777 = tpu.vector_load %arg16[%get3A_2775, %get3A_2776] {strides = array<i32>} : memref<512x64xf32, #tpu.memory_space<vmem>>, vector<16xf32>,
      %add3A_2778 = arith.constant 128 : i32
      %add3A_2779 = arith.addi %add3A_2778, %add3A_2718 : i32
      %get3A_2780 = arith.index_cast %add3A_2779 : i32 to index
      %get3A_2781 = arith.constant 48 : index
      %get3A_2782 = tpu.vector_load %arg16[%get3A_2780, %get3A_2781] {strides = array<i32>} : memref<512x64xf32, #tpu.memory_space<vmem>>, vector<16xf32>,
      %add3A_2783 = arith.constant 256 : i32
      %add3A_2784 = arith.addi %add3A_2783, %add3A_2718 : i32
      %get3A_2785 = arith.index_cast %add3A_2784 : i32 to index
      %get3A_2786 = arith.constant 0 : index
      %get3A_2787 = tpu.vector_load %arg16[%get3A_2785, %get3A_2786] {strides = array<i32>} : memref<512x64xf32, #tpu.memory_space<vmem>>, vector<16xf32>,
      %add3A_2788 = arith.constant 256 : i32
      %add3A_2789 = arith.addi %add3A_2788, %add3A_2718 : i32
      %get3A_2790 = arith.index_cast %add3A_2789 : i32 to index
      %get3A_2791 = arith.constant 16 : index
      %get3A_2792 = tpu.vector_load %arg16[%get3A_2790, %get3A_2791] {strides = array<i32>} : memref<512x64xf32, #tpu.memory_space<vmem>>, vector<16xf32>,
      %add3A_2793 = arith.constant 256 : i32
      %add3A_2794 = arith.addi %add3A_2793, %add3A_2718 : i32
      %get3A_2795 = arith.index_cast %add3A_2794 : i32 to index
      %get3A_2796 = arith.constant 32 : index
      %get3A_2797 = tpu.vector_load %arg16[%get3A_2795, %get3A_2796] {strides = array<i32>} : memref<512x64xf32, #tpu.memory_space<vmem>>, vector<16xf32>,
      %add3A_2798 = arith.constant 256 : i32
      %add3A_2799 = arith.addi %add3A_2798, %add3A_2718 : i32
      %get3A_2800 = arith.index_cast %add3A_2799 : i32 to index
      %get3A_2801 = arith.constant 48 : index
      %get3A_2802 = tpu.vector_load %arg16[%get3A_2800, %get3A_2801] {strides = array<i32>} : memref<512x64xf32, #tpu.memory_space<vmem>>, vector<16xf32>,
      %add3A_2803 = arith.constant 384 : i32
      %add3A_2804 = arith.addi %add3A_2803, %add3A_2718 : i32
      %get3A_2805 = arith.index_cast %add3A_2804 : i32 to index
      %get3A_2806 = arith.constant 0 : index
      %get3A_2807 = tpu.vector_load %arg16[%get3A_2805, %get3A_2806] {strides = array<i32>} : memref<512x64xf32, #tpu.memory_space<vmem>>, vector<16xf32>,
      %add3A_2808 = arith.constant 384 : i32
      %add3A_2809 = arith.addi %add3A_2808, %add3A_2718 : i32
      %get3A_2810 = arith.index_cast %add3A_2809 : i32 to index
      %get3A_2811 = arith.constant 16 : index
      %get3A_2812 = tpu.vector_load %arg16[%get3A_2810, %get3A_2811] {strides = array<i32>} : memref<512x64xf32, #tpu.memory_space<vmem>>, vector<16xf32>,
      %add3A_2813 = arith.constant 384 : i32
      %add3A_2814 = arith.addi %add3A_2813, %add3A_2718 : i32
      %get3A_2815 = arith.index_cast %add3A_2814 : i32 to index
      %get3A_2816 = arith.constant 32 : index
      %get3A_2817 = tpu.vector_load %arg16[%get3A_2815, %get3A_2816] {strides = array<i32>} : memref<512x64xf32, #tpu.memory_space<vmem>>, vector<16xf32>,
      %add3A_2818 = arith.constant 384 : i32
      %add3A_2819 = arith.addi %add3A_2818, %add3A_2718 : i32
      %get3A_2820 = arith.index_cast %add3A_2819 : i32 to index
      %get3A_2821 = arith.constant 48 : index
      %get3A_2822 = tpu.vector_load %arg16[%get3A_2820, %get3A_2821] {strides = array<i32>} : memref<512x64xf32, #tpu.memory_space<vmem>>, vector<16xf32>,
      %mul3A_2823 = arith.mulf %get3A_2721, %get3A_2733 : vector<16xf32>
      %mul3A_2824 = arith.mulf %get3A_2724, %get3A_2736 : vector<16xf32>
      %add3A_2825 = arith.addf %mul3A_2823, %mul3A_2824 : vector<16xf32>
      %mul3A_2826 = arith.mulf %get3A_2727, %get3A_2739 : vector<16xf32>
      %mul3A_2827 = arith.mulf %get3A_2730, %get3A_2742 : vector<16xf32>
      %add3A_2828 = arith.addf %mul3A_2826, %mul3A_2827 : vector<16xf32>
      %add3A_2829 = arith.addf %add3A_2825, %add3A_2828 : vector<16xf32>
      %broadcast_in_dim3A_2830 = arith.constant true
      %broadcast_in_dim3A_2831 = vector.broadcast %broadcast_in_dim3A_2830 : i1 to vector<16xi1>
      %masked_cumsum3A_2832 = tpu.scan <sum>, %add3A_2829 masked %broadcast_in_dim3A_2831 : vector<16xf32>, vector<16xi1> -> vector<16xf32>
      %mul3A_2833 = arith.mulf %get3A_2721, %get3A_2747 : vector<16xf32>
      %mul3A_2834 = arith.mulf %get3A_2724, %get3A_2752 : vector<16xf32>
      %add3A_2835 = arith.addf %mul3A_2833, %mul3A_2834 : vector<16xf32>
      %mul3A_2836 = arith.mulf %get3A_2727, %get3A_2757 : vector<16xf32>
      %mul3A_2837 = arith.mulf %get3A_2730, %get3A_2762 : vector<16xf32>
      %add3A_2838 = arith.addf %mul3A_2836, %mul3A_2837 : vector<16xf32>
      %add3A_2839 = arith.addf %add3A_2835, %add3A_2838 : vector<16xf32>
      %broadcast_in_dim3A_2840 = arith.constant true
      %broadcast_in_dim3A_2841 = vector.broadcast %broadcast_in_dim3A_2840 : i1 to vector<16xi1>
      %masked_cumsum3A_2842 = tpu.scan <sum>, %add3A_2839 masked %broadcast_in_dim3A_2841 : vector<16xf32>, vector<16xi1> -> vector<16xf32>
      %mul3A_2843 = arith.mulf %get3A_2721, %get3A_2767 : vector<16xf32>
      %mul3A_2844 = arith.mulf %get3A_2724, %get3A_2772 : vector<16xf32>
      %add3A_2845 = arith.addf %mul3A_2843, %mul3A_2844 : vector<16xf32>
      %mul3A_2846 = arith.mulf %get3A_2727, %get3A_2777 : vector<16xf32>
      %mul3A_2847 = arith.mulf %get3A_2730, %get3A_2782 : vector<16xf32>
      %add3A_2848 = arith.addf %mul3A_2846, %mul3A_2847 : vector<16xf32>
      %add3A_2849 = arith.addf %add3A_2845, %add3A_2848 : vector<16xf32>
      %broadcast_in_dim3A_2850 = arith.constant true
      %broadcast_in_dim3A_2851 = vector.broadcast %broadcast_in_dim3A_2850 : i1 to vector<16xi1>
      %masked_cumsum3A_2852 = tpu.scan <sum>, %add3A_2849 masked %broadcast_in_dim3A_2851 : vector<16xf32>, vector<16xi1> -> vector<16xf32>
      %mul3A_2853 = arith.mulf %get3A_2721, %get3A_2787 : vector<16xf32>
      %mul3A_2854 = arith.mulf %get3A_2724, %get3A_2792 : vector<16xf32>
      %add3A_2855 = arith.addf %mul3A_2853, %mul3A_2854 : vector<16xf32>
      %mul3A_2856 = arith.mulf %get3A_2727, %get3A_2797 : vector<16xf32>
      %mul3A_2857 = arith.mulf %get3A_2730, %get3A_2802 : vector<16xf32>
      %add3A_2858 = arith.addf %mul3A_2856, %mul3A_2857 : vector<16xf32>
      %add3A_2859 = arith.addf %add3A_2855, %add3A_2858 : vector<16xf32>
      %broadcast_in_dim3A_2860 = arith.constant true
      %broadcast_in_dim3A_2861 = vector.broadcast %broadcast_in_dim3A_2860 : i1 to vector<16xi1>
      %masked_cumsum3A_2862 = tpu.scan <sum>, %add3A_2859 masked %broadcast_in_dim3A_2861 : vector<16xf32>, vector<16xi1> -> vector<16xf32>
      %mul3A_2863 = arith.mulf %get3A_2721, %get3A_2807 : vector<16xf32>
      %mul3A_2864 = arith.mulf %get3A_2724, %get3A_2812 : vector<16xf32>
      %add3A_2865 = arith.addf %mul3A_2863, %mul3A_2864 : vector<16xf32>
      %mul3A_2866 = arith.mulf %get3A_2727, %get3A_2817 : vector<16xf32>
      %mul3A_2867 = arith.mulf %get3A_2730, %get3A_2822 : vector<16xf32>
      %add3A_2868 = arith.addf %mul3A_2866, %mul3A_2867 : vector<16xf32>
      %add3A_2869 = arith.addf %add3A_2865, %add3A_2868 : vector<16xf32>
      %broadcast_in_dim3A_2870 = arith.constant true
      %broadcast_in_dim3A_2871 = vector.broadcast %broadcast_in_dim3A_2870 : i1 to vector<16xi1>
      %masked_cumsum3A_2872 = tpu.scan <sum>, %add3A_2869 masked %broadcast_in_dim3A_2871 : vector<16xf32>, vector<16xi1> -> vector<16xf32>
      %broadcast_in_dim3A_2873 = vector.broadcast %add3A_2718 : i32 to vector<16xi32>
      %broadcast_in_dim3A_2874 = arith.constant 0 : i32
      %broadcast_in_dim3A_2875 = vector.broadcast %broadcast_in_dim3A_2874 : i32 to vector<16xi32>
      tpu.vector_store_idx %arg17[%broadcast_in_dim3A_2873, %broadcast_in_dim3A_2875], %masked_cumsum3A_2832 masked %eq3A_174 : memref<128x5xf32, #tpu.memory_space<vmem>>[vector<16xi32>, vector<16xi32>], vector<16xf32>, vector<16xi1>
      %broadcast_in_dim3A_2876 = arith.constant 1 : i32
      %broadcast_in_dim3A_2877 = vector.broadcast %broadcast_in_dim3A_2876 : i32 to vector<16xi32>
      tpu.vector_store_idx %arg17[%broadcast_in_dim3A_2873, %broadcast_in_dim3A_2877], %masked_cumsum3A_2842 masked %eq3A_174 : memref<128x5xf32, #tpu.memory_space<vmem>>[vector<16xi32>, vector<16xi32>], vector<16xf32>, vector<16xi1>
      %broadcast_in_dim3A_2878 = arith.constant 2 : i32
      %broadcast_in_dim3A_2879 = vector.broadcast %broadcast_in_dim3A_2878 : i32 to vector<16xi32>
      tpu.vector_store_idx %arg17[%broadcast_in_dim3A_2873, %broadcast_in_dim3A_2879], %masked_cumsum3A_2852 masked %eq3A_174 : memref<128x5xf32, #tpu.memory_space<vmem>>[vector<16xi32>, vector<16xi32>], vector<16xf32>, vector<16xi1>
      %broadcast_in_dim3A_2880 = arith.constant 3 : i32
      %broadcast_in_dim3A_2881 = vector.broadcast %broadcast_in_dim3A_2880 : i32 to vector<16xi32>
      tpu.vector_store_idx %arg17[%broadcast_in_dim3A_2873, %broadcast_in_dim3A_2881], %masked_cumsum3A_2862 masked %eq3A_174 : memref<128x5xf32, #tpu.memory_space<vmem>>[vector<16xi32>, vector<16xi32>], vector<16xf32>, vector<16xi1>
      %broadcast_in_dim3A_2882 = arith.constant 4 : i32
      %broadcast_in_dim3A_2883 = vector.broadcast %broadcast_in_dim3A_2882 : i32 to vector<16xi32>
      tpu.vector_store_idx %arg17[%broadcast_in_dim3A_2873, %broadcast_in_dim3A_2883], %masked_cumsum3A_2872 masked %eq3A_174 : memref<128x5xf32, #tpu.memory_space<vmem>>[vector<16xi32>, vector<16xi32>], vector<16xf32>, vector<16xi1>
      %scan3A_2884 = arith.constant 0 : i32
      scf.yield %scan3A_2884 : i32
    }
    %scan3A_180 = arith.constant 8 : i32
    "tpu.region"() ({
      %run_scoped3A = tpu.sem_alloc : memref<!tpu.dma_semaphore, #tpu.memory_space<semaphore_mem>>
      %dma_start3A_181 = arith.constant 0 : i32
      %dma_start3A_182 = tpu.memref_slice %arg10[%mul3A_2, %dma_start3A_181] : memref<4096x5xf32, #tpu.memory_space<hbm>> -> memref<128x5xf32, #tpu.memory_space<hbm>>
      %dma_start3A_183 = arith.constant 0 : i32
      %dma_start3A_184 = tpu.memref_slice %arg10[%mul3A_2, %dma_start3A_183] : memref<4096x5xf32, #tpu.memory_space<hbm>> -> memref<128x5xf32, #tpu.memory_space<hbm>>
      tpu.enqueue_dma source(%arg17 : memref<128x5xf32, #tpu.memory_space<vmem>>) target(%dma_start3A_184 : memref<128x5xf32, #tpu.memory_space<hbm>>) target_semaphore(%run_scoped3A : memref<!tpu.dma_semaphore, #tpu.memory_space<semaphore_mem>>)
      %dma_wait3A_185 = arith.constant 0 : i32
      %dma_wait3A_186 = tpu.memref_slice %arg10[%mul3A_2, %dma_wait3A_185] : memref<4096x5xf32, #tpu.memory_space<hbm>> -> memref<128x5xf32, #tpu.memory_space<hbm>>
      %dma_wait3A_187 = arith.constant 0 : i32
      %dma_wait3A_188 = tpu.memref_slice %arg10[%mul3A_2, %dma_wait3A_187] : memref<4096x5xf32, #tpu.memory_space<hbm>> -> memref<128x5xf32, #tpu.memory_space<hbm>>
      tpu.wait_dma2 semaphore(%run_scoped3A : memref<!tpu.dma_semaphore, #tpu.memory_space<semaphore_mem>>) src(%arg17 : memref<128x5xf32, #tpu.memory_space<vmem>>) dst(%dma_wait3A_188 : memref<128x5xf32, #tpu.memory_space<hbm>>)
      tpu.yield
    }) : () -> ()
    return
  }
}

</mosaic_0001>

<sc_bundles>
// kernel: kernel.3.cloned.1.call-start
scs
__scs_entry_jumppad:
0x0: {  	(pc) =	sbr.rel $0x88, $3  }
0x1: {  	(tag) =	ssettag $0x0;
	lr =	simm.s32 $0x1  }
0x2: {  	[smem:$0x3F9C] =	sst lr;
	_ =	strace $0xD0000000  }
0x3: {  	_ = 	snop  }
0x4: {  	_ = 	snop  }
0x5: {  	_ = 	snop  }
0x6: {  	_ = 	snop  }
0x7: {  	_ = 	snop  }
__scs_overlays_trampoline_lowered:
0x8: {  	[smem:$0x3FAB] =	sst s0  }
0x9: {  	[smem:$0x3FAC] =	sst s1  }
0xa: {  	[smem:$0x3FAD] =	sst s2  }
0xb: {  	[smem:$0x3FAE] =	sst s3  }
0xc: {  	[smem:$0x3FAF] =	sst s4  }
0xd: {  	[smem:$0x3FB0] =	sst s5  }
0xe: {  	[smem:$0x3FB1] =	sst s6  }
0xf: {  	[smem:$0x3FB2] =	sst s7  }
0x10: {  	[smem:$0x3FB3] =	sst s8  }
0x11: {  	[smem:$0x3FB4] =	sst s9;
	s0 =	simm.s32 @!p0 $0x0  }
0x12: {  	s1 =	sld [smem:$0x3F9A];
	s0 =	simm.s32 @p0 $0x1  }
0x13: {  	[smem:$0x3FB5] =	sst s0;
	s0 =	simm.s32 @!p1 $0x0  }
0x14: {  	s2 =	sld [smem:$0x3F99];
	s0 =	simm.s32 @p1 $0x1  }
0x15: {  	[smem:$0x3FB6] =	sst s0;
	s0 =	simm.s32 @!p2 $0x0  }
0x16: {  	s3 =	sld [smem:$0x3FDB];
	s0 =	simm.s32 @p2 $0x1  }
0x17: {  	s4 =	simm.s32 $0x1BF5;
	[smem:$0x3FB8] =	sst s0  }
0x18: {  	s0 =	sld [smem:$0x3F9B];
	_ =	swait.ge [sflag:s4], $0x0  }
0x19: {  	s7 =	sld [smem:$0x3F9C]  }
0x1a: {  	s8 =	sadd.s32 $0xFFFFE003, lr  }
0x1b: {  	s9 =	sadd.s32 $0xFFFFFEF7, lr;
	s5 =	simm.s32 $0xFFFFFFFF;
	p2 =	slt.u32 s8, $0xFFFFF086  }
0x1c: {  	p1 =	slt.u32 s9, $0xF7A;
	s5 =	simm.s32 @!p2 $0x0  }
0x1d: {  	s5 =	simm.s32 @p1 $0x1;
	p0 =	seq.s32 s7, s2  }
0x1e: {  	s7 =	smul.u32 @!p0 $0xF7A, s2;
	p2 =	seq.s32 @!p0 s5, $0x0  }
0x1f: {  	s9 =	smul.u32 $0xF7A, s1;
	s8 =	simm.s32 @!p0 $0x1BF5;
	p2 =	por !p2, p0  }
0x20: {  	[sflag:s8] =	ssyncset.s32 @!p0 $0xFFFFF086;
	s6 =	sadd.s32 @!p0 s3, s7;
	s7 =	simm.s32 @!p0 $0x108  }
0x21: {  	s3 =	sadd.s32 s3, s9;
	s6 =	sadd.s32 @!p0 $0x88, s6;
	s7 =	simm.s32 @p2 $0x1082  }
0x22: {  	[simem:s7], [sflag:s8] =	dma.local @!p0 [hbm:s6], $0xF7A  }
0x23: {  	s9 =	sor.u32 $0xD0000000, s2;
	s6 =	simm.s32 $0x108;
	_ =	swait.ge @!p0 [sflag:s8], $0x0  }
0x24: {  	s3 =	sadd.s32 $0x88, s3;
	s6 =	simm.s32 @!p1 $0x1082;
	[sflag:s4] =	ssyncset.s32 $0xFFFFF086  }
0x25: {  	[simem:s6], [sflag:s4] =	dma.local [hbm:s3], $0xF7A  }
0x26: {  	[smem:$0x3F9C] =	sst s1;
	(tag) =	ssettag s2;
	_ =	strace s9  }
0x27: {  	s1 =	sld [smem:$0x3FAC]  }
0x28: {  	s2 =	sld [smem:$0x3FAD]  }
0x29: {  	s4 =	sld [smem:$0x3FAF]  }
0x2a: {  	p0 =	seq.s32 s5, $0x0;
	s5 =	sld [smem:$0x3FB0]  }
0x2b: {  	s6 =	sld [smem:$0x3FB1]  }
0x2c: {  	s7 =	sld [smem:$0x3FB2]  }
0x2d: {  	s3 =	simm.s32 $0x108;
	s8 =	sld [smem:$0x3FB3]  }
0x2e: {  	s3 =	simm.s32 @!p0 $0x1082;
	s9 =	sld [smem:$0x3FB4]  }
0x2f: {  	lr =	sadd.s32 s0, s3;
	s0 =	sld [smem:$0x3FAB]  }
0x30: {  	s3 =	sld [smem:$0x3FAE]  }
0x31: {  	[smem:$0x3FB7] =	sst s10  }
0x32: {  	s10 =	sld [smem:$0x3FB5];
	_ =	sdelay $0x3  }
0x33: {  	p0 =	seq.s32 s10, $0x1;
	s10 =	sld [smem:$0x3FB7];
	_ =	sdelay $0x3  }
0x34: {  	[smem:$0x3FB7] =	sst s10  }
0x35: {  	s10 =	sld [smem:$0x3FB6];
	_ =	sdelay $0x3  }
0x36: {  	p1 =	seq.s32 s10, $0x1;
	s10 =	sld [smem:$0x3FB7];
	_ =	sdelay $0x3  }
0x37: {  	[smem:$0x3FB7] =	sst s10  }
0x38: {  	s10 =	sld [smem:$0x3FB8]  }
0x39: {  	_ = 	snop;
	(pc) =	sbr.ind lr, $3  }
0x3a: {  	_ = 	snop  }
0x3b: {  	_ = 	snop  }
0x3c: {  	p2 =	seq.s32 s10, $0x1;
	s10 =	sld [smem:$0x3FB7]  }
0x3d: {  	_ =	shalt  }
0x3e: {  	_ =	shalt  }
0x3f: {  	_ =	shalt  }
0x40: {  	_ =	shalt  }
0x41: {  	_ =	shalt  }
0x42: {  	_ =	shalt  }
0x43: {  	_ =	shalt  }
0x44: {  	_ =	shalt  }
0x45: {  	_ =	shalt  }
0x46: {  	_ =	shalt  }
0x47: {  	_ =	shalt  }
0x48: {  	_ =	shalt  }
0x49: {  	_ =	shalt  }
0x4a: {  	_ =	shalt  }
0x4b: {  	_ =	shalt  }
0x4c: {  	_ =	shalt  }
0x4d: {  	_ =	shalt  }
0x4e: {  	_ =	shalt  }
0x4f: {  	_ =	shalt  }
0x50: {  	_ =	shalt  }
0x51: {  	_ =	shalt  }
0x52: {  	_ =	shalt  }
0x53: {  	_ =	shalt  }
0x54: {  	_ =	shalt  }
0x55: {  	_ =	shalt  }
0x56: {  	_ =	shalt  }
0x57: {  	_ =	shalt  }
0x58: {  	_ =	shalt  }
0x59: {  	_ =	shalt  }
0x5a: {  	_ =	shalt  }
0x5b: {  	_ =	shalt  }
0x5c: {  	_ =	shalt  }
0x5d: {  	_ =	shalt  }
0x5e: {  	_ =	shalt  }
0x5f: {  	_ =	shalt  }
0x60: {  	_ =	shalt  }
0x61: {  	_ =	shalt  }
0x62: {  	_ =	shalt  }
0x63: {  	_ =	shalt  }
0x64: {  	_ =	shalt  }
0x65: {  	_ =	shalt  }
0x66: {  	_ =	shalt  }
0x67: {  	_ =	shalt  }
0x68: {  	_ =	shalt  }
0x69: {  	_ =	shalt  }
0x6a: {  	_ =	shalt  }
0x6b: {  	_ =	shalt  }
0x6c: {  	_ =	shalt  }
0x6d: {  	_ =	shalt  }
0x6e: {  	_ =	shalt  }
0x6f: {  	_ =	shalt  }
0x70: {  	_ =	shalt  }
0x71: {  	_ =	shalt  }
0x72: {  	_ =	shalt  }
0x73: {  	_ =	shalt  }
0x74: {  	_ =	shalt  }
0x75: {  	_ =	shalt  }
0x76: {  	_ =	shalt  }
0x77: {  	_ =	shalt  }
0x78: {  	_ =	shalt  }
0x79: {  	_ =	shalt  }
0x7a: {  	_ =	shalt  }
0x7b: {  	_ =	shalt  }
0x7c: {  	_ =	shalt  }
0x7d: {  	_ =	shalt  }
0x7e: {  	_ =	shalt  }
0x7f: {  	_ =	shalt  }
0x80: {  	_ =	shalt  }
0x81: {  	_ =	shalt  }
0x82: {  	_ =	shalt  }
0x83: {  	_ =	shalt  }
0x84: {  	_ =	shalt  }
0x85: {  	_ =	shalt  }
0x86: {  	_ =	shalt  }
0x87: {  	_ =	shalt  }
.Lfunc_end0:
.L_simem_size_0:
called_computation_lowered:
.L_overlay_start_0:
0x88: {  	s2 =	sld [smem:$0x3FD9]  }
0x89: {  	s3 =	sld [smem:$0x3FFE];
	_ =	sdelay $0x1  }
0x8a: {  	s1 =	srdreg.scid  }
0x8b: {  	s0 =	sand.u32 $0x1, s1  }
0x8c: {  	s17 =	sshll.u32 s0, $0xA;
	s2 =	sadd.s32 s3, s2  }
0x8d: {  	s2 =	sadd.s32 s2, s17  }
0x8e: {  	[smem:$0x3FC3] =	sst s2  }
0x8f: {  	_ = 	snop  }
0x90: {  	s2 =	sld [smem:$0x3FC9]  }
0x91: {  	s18 =	sld [smem:$0x3FC8]  }
0x92: {  	s4 =	sld [smem:$0x3FD0];
	(tm) =	ssettm $0x1  }
0x93: {  	s5 =	sld [smem:$0x3FFB];
	_ =	sdelay $0x3  }
0x94: {  	_ =	strace s5  }
0x95: {  	s5 =	sld [smem:$0x3FFC];
	_ =	sdelay $0x3  }
0x96: {  	_ =	strace s5  }
0x97: {  	s5 =	sld [smem:$0x3FFD];
	_ =	sdelay $0x3  }
0x98: {  	_ =	strace s5  }
0x99: {  	_ =	strace $0x8FFFFFFF  }
0x9a: {  	s19 =	sld [smem:$0x3FDB];
	_ =	sdelay $0x1  }
0x9b: {  	s6 =	simm.s32 $_scs_section_size  }
0x9c: {  	s7 =	simm.s32 $_size__tile_overlayer_lowered;
	s8 =	simm.s32 $_tile_overlayer_lowered  }
0x9d: {  	s22 =	simm.s32 $0x1BFF;
	s21 =	sshll.u32 s8, $0x1;
	s5 =	sadd.s32 s6, s19  }
0x9e: {  	s9 =	simm.s32 $0x0;
	s20 =	sshll.u32 s7, $0x1;
	s7 =	sadd.s32 s21, s5  }
0x9f: {  	[timem:s9], [sflag:s22] =	dma.local [hbm:s7], s20  }
0xa0: {  	_ =	swait.ge [sflag:s22], s20  }
0xa1: {  	s6 =	ssub.s32 $0x0, s20;
	[sflag:s22] =	ssyncset.done $0x0  }
0xa2: {  	[sflag:s22] =	ssyncadd.s32 s6;
	_ =	sdelay $0x1  }
0xa3: {  	s23 =	simm.s32 $0x1B8B  }
0xa4: {  	_ =	swait.ge [sflag:s23], $0x1  }
0xa5: {  	[sflag:s23] =	ssyncset.done $0x0  }
0xa6: {  	s25 =	simm.s32 $0x1B8E;
	s24 =	sld [smem:$0x3FFE];
	[sflag:s23] =	ssyncadd.s32 $0xFFFFFFFF  }
0xa7: {  	s26 =	simm.s32 $execute0_lowered;
	[smem:$0x3FD2] =	sst s25  }
0xa8: {  	s7 =	sshll.u32 s26, $0x1;
	_ =	strace $0x80000046;
	[dreg:$0x1] =	wrdreg $0xFFFFFFFF  }
0xa9: {  	s28 =	simm.s32 $_size_execute0_lowered;
	s5 =	sadd.s32 s5, s7;
	[dreg:$0x0] =	wrdreg $0x0  }
0xaa: {  	s7 =	sshll.u32 s28, $0x1;
	[dreg:$0x2] =	wrdreg s5  }
0xab: {  	[dreg:$0x3] =	wrdreg s7  }
0xac: {  	[dreg:$0x4] =	wrdreg $0xC0  }
0xad: {  	_ =	task [dreg:s9], $0x5FFFF  }
0xae: {  	[dreg:$0x1] =	wrdreg $0xFFFFFFFF  }
0xaf: {  	[dreg:$0x0] =	wrdreg $0x60  }
0xb0: {  	[dreg:$0x2] =	wrdreg s2  }
0xb1: {  	[dreg:$0x3] =	wrdreg s18  }
0xb2: {  	[dreg:$0x4] =	wrdreg s24  }
0xb3: {  	[dreg:$0x5] =	wrdreg s4  }
0xb4: {  	[dreg:$0x6] =	wrdreg $0x9  }
0xb5: {  	_ =	task.clear_ibuf [dreg:s9], $0x7FFFF;
	_ =	strace $0x90000046  }
0xb6: {  	s29 =	simm.s32 $0x9;
	_ =	strace $0x80000048  }
0xb7: {  	_ =	swait.ge [sflag:s29], $0x1  }
0xb8: {  	[sflag:s29] =	ssyncadd.s32 $0xFFFFFFFF  }
0xb9: {  	_ =	strace $0x90000048  }
0xba: {  	_ =	sfence  }
0xbb: {  	s30 =	sld [smem:$0x0];
	_ =	sdelay $0x2  }
0xbc: {  	s31 =	sshll.u32 s1, $0xD;
	s1 =	sshrl.u32 s1, $0x2  }
0xbd: {  	s3 =	sand.u32 $0x4000, s31;
	s1 =	sadd.s32 s1, s30  }
0xbe: {  	s0 =	sor.u32 s3, s0;
	s1 =	sshll.u32 s1, $0x11  }
0xbf: {  	s0 =	sor.u32 s1, s0  }
0xc0: {  	s0 =	sadd.s32 $0x8F2B, s0  }
0xc1: {  	[sflag:s0] =	ssyncadd.remote.s32 $0x1  }
0xc2: {  	_ =	sfence.sel $0xFFFF  }
0xc3: {  	[dreg:$0x0] =	wrdreg $0xFFFFFFFF;
	(pc) =	sbr.abs _section_cstart, $3  }
0xc4: {  	[dreg:$0x1] =	wrdreg $0xFFFFFFFF  }
0xc5: {  	_ =	task.clear_ibuf [dreg:s9], $0x2FFFF;
	_ =	strace $0x9FFFFFFF  }
0xc6: {  	(tm) =	ssettm $0x7FFFFFFF  }
0xc7: {  	_ =	shalt  }
tec
execute0_lowered:
.L_overlay_start_1:
0x0: {  	(tag) =	ssettag $0x1  }
0x1: {  	s1 =	rddreg [dreg:$0x0]  }
0x2: {  	s6 =	rddreg [dreg:$0x1]  }
0x3: {  	s2 =	srdreg.scid;
	s4 =	rddreg [dreg:$0x2]  }
0x4: {  	s0 =	stileid.u32;
	s11 =	rddreg [dreg:$0x3];
	s14 =	simm.s32 $0x100  }
0x5: {  	s15 =	simm.s32 $0x180;
	s16 =	simm.s32 $0x200;
	s17 =	simm.s32 $0x280  }
0x6: {  	s18 =	simm.s32 $0x1;
	s19 =	simm.s32 $0x300;
	s20 =	simm.s32 $0x2300  }
0x7: {  	s21 =	simm.s32 $0x4300;
	s22 =	simm.s32 $0x6300;
	s23 =	simm.s32 $0x8300  }
0x8: {  	s24 =	simm.s32 $0xA300;
	s25 =	simm.s32 $0xC300;
	s26 =	simm.s32 $0x2  }
0x9: {  	s28 =	simm.s32 $0x0;
	s3 =	sand.u32 $0x1, s2;
	s2 =	simm.s32 $0x0  }
0xa: {  	s5 =	sshll.u32 s0, $0x8;
	s7 =	sshll.u32 s3, $0x7;
	[smem:$0x7FF] =	sst s2  }
0xb: {  	s31 =	ssub.s32 $0x2, s3;
	s3 =	sadd.s32 $0x189400, s4;
	s12 =	sor.u32 s7, s5  }
0xc: {  	_ =	strace $0x80000047;
	s8 =	sshrl.u32 s31, $0x1;
	s7 =	sshrl.u32 s12, $0x3  }
0xd: {  	s13 =	ssub.s32 s31, s8;
	s11 =	sadd.s32 s11, s12;
	s10 =	sadd.s32 s7, s4  }
0xe: {  	s4 =	sadd.s32 $0x24CA00, s4;
	s5 =	sadd.s32 s1, s7;
	s6 =	sadd.s32 s6, s7  }
0xf: {  	s12 =	smax.u32 s13, $0x1;
	s13 =	simm.s32 $0x80;
	s7 =	sadd.s32 $0x2800, s10  }
0x10: {  	vm0 =	vcmask $0x3F3C;
	s8 =	sadd.s32 $0x2600, s10;
	s9 =	sadd.s32 $0x2400, s10;
	s10 =	sadd.s32 $0x2200, s10  }
.LBB2_1:
0x11: {  	[tilespmem:s2], [sflag:$0x1] =	stream.linear.gather [hbm4b:s5+s2], $0x80, $0x38;
	[tilespmem:$0xC700] =	vst v63  }
0x12: {  	_ = 	snop  }
0x13: {  	[tilespmem:s13], [sflag:$0x1] =	stream.linear.gather [hbm4b:s6+s2], $0x80, $0x38;
	[tilespmem:$0xC700] =	vst v63  }
0x14: {  	_ = 	snop  }
0x15: {  	[tilespmem:s14], [sflag:$0x1] =	stream.linear.gather [hbm4b:s7+s2], $0x80, $0x38;
	[tilespmem:$0xC700] =	vst v63  }
0x16: {  	_ = 	snop  }
0x17: {  	[tilespmem:s15], [sflag:$0x1] =	stream.linear.gather [hbm4b:s8+s2], $0x80, $0x38;
	[tilespmem:$0xC700] =	vst v63  }
0x18: {  	_ = 	snop  }
0x19: {  	[tilespmem:s16], [sflag:$0x1] =	stream.linear.gather [hbm4b:s9+s2], $0x80, $0x38;
	[tilespmem:$0xC700] =	vst v63  }
0x1a: {  	_ = 	snop  }
0x1b: {  	[tilespmem:s17], [sflag:$0x1] =	stream.linear.gather [hbm4b:s10+s2], $0x80, $0x38;
	[tilespmem:$0xC700] =	vst v63  }
0x1c: {  	_ =	swait.ge [sflag:s18], $0x80  }
0x1d: {  	[sflag:s18] =	ssyncset.done $0x0  }
0x1e: {  	[sflag:s18] =	ssyncadd.s32 $0xFFFFFF80  }
0x1f: {  	_ =	swait.ge [sflag:s18], $0x80  }
0x20: {  	[sflag:s18] =	ssyncset.done $0x0  }
0x21: {  	[sflag:s18] =	ssyncadd.s32 $0xFFFFFF80  }
0x22: {  	_ =	swait.ge [sflag:s18], $0x80  }
0x23: {  	[sflag:s18] =	ssyncset.done $0x0  }
0x24: {  	[sflag:s18] =	ssyncadd.s32 $0xFFFFFF80  }
0x25: {  	_ =	swait.ge [sflag:s18], $0x80  }
0x26: {  	[sflag:s18] =	ssyncset.done $0x0  }
0x27: {  	[sflag:s18] =	ssyncadd.s32 $0xFFFFFF80  }
0x28: {  	_ =	swait.ge [sflag:s18], $0x80  }
0x29: {  	[sflag:s18] =	ssyncset.done $0x0  }
0x2a: {  	[sflag:s18] =	ssyncadd.s32 $0xFFFFFF80  }
0x2b: {  	_ =	swait.ge [sflag:s18], $0x80  }
0x2c: {  	[sflag:s18] =	ssyncset.done $0x0  }
0x2d: {  	[sflag:s18] =	ssyncadd.s32 $0xFFFFFF80  }
0x2e: {  	[tilespmem:s19], [sflag:$0x1] =	stream.indirect.gather [hbm4b:s3+s13], $0x40, s2, s13, $0xb8;
	[tilespmem:$0xC700] =	vst v63  }
0x2f: {  	_ = 	snop  }
0x30: {  	[tilespmem:s20], [sflag:$0x1] =	stream.indirect.gather [hbm4b:s4+s13], $0x40, s13, s13, $0xb8;
	[tilespmem:$0xC700] =	vst v63  }
0x31: {  	_ = 	snop  }
0x32: {  	[tilespmem:s21], [sflag:$0x1] =	stream.indirect.gather [hbm4b:s4+s13], $0x40, s14, s13, $0xb8;
	[tilespmem:$0xC700] =	vst v63  }
0x33: {  	_ = 	snop  }
0x34: {  	[tilespmem:s22], [sflag:$0x1] =	stream.indirect.gather [hbm4b:s4+s13], $0x40, s15, s13, $0xb8;
	[tilespmem:$0xC700] =	vst v63  }
0x35: {  	_ = 	snop  }
0x36: {  	[tilespmem:s23], [sflag:$0x1] =	stream.indirect.gather [hbm4b:s4+s13], $0x40, s16, s13, $0xb8;
	[tilespmem:$0xC700] =	vst v63  }
0x37: {  	_ = 	snop  }
0x38: {  	[tilespmem:s24], [sflag:$0x1] =	stream.indirect.gather [hbm4b:s4+s13], $0x40, s17, s13, $0xb8;
	[tilespmem:$0xC700] =	vst v63  }
0x39: {  	_ =	swait.ge [sflag:s18], $0x2000  }
0x3a: {  	[sflag:s18] =	ssyncset.done $0x0  }
0x3b: {  	[sflag:s18] =	ssyncadd.s32 $0xFFFFE000  }
0x3c: {  	_ =	swait.ge [sflag:s18], $0x2000  }
0x3d: {  	[sflag:s18] =	ssyncset.done $0x0  }
0x3e: {  	[sflag:s18] =	ssyncadd.s32 $0xFFFFE000  }
0x3f: {  	_ =	swait.ge [sflag:s18], $0x2000  }
0x40: {  	[sflag:s18] =	ssyncset.done $0x0  }
0x41: {  	[sflag:s18] =	ssyncadd.s32 $0xFFFFE000  }
0x42: {  	_ =	swait.ge [sflag:s18], $0x2000  }
0x43: {  	[sflag:s18] =	ssyncset.done $0x0  }
0x44: {  	[sflag:s18] =	ssyncadd.s32 $0xFFFFE000  }
0x45: {  	_ =	swait.ge [sflag:s18], $0x2000  }
0x46: {  	[sflag:s18] =	ssyncset.done $0x0  }
0x47: {  	[sflag:s18] =	ssyncadd.s32 $0xFFFFE000  }
0x48: {  	_ =	swait.ge [sflag:s18], $0x2000  }
0x49: {  	[sflag:s18] =	ssyncset.done $0x0  }
0x4a: {  	s29 =	simm.s32 $0x0;
	[sflag:s18] =	ssyncadd.s32 $0xFFFFE000  }
.LBB2_2:
0x4b: {  	s30 =	sshll.u32 s29, $0xA  }
0x4c: {  	v0 =	vld [tilespmem:s30+$0x300]  }
0x4d: {  	v1 =	vld [tilespmem:s30+$0x310]  }
0x4e: {  	v2 =	vld [tilespmem:s30+$0x320]  }
0x4f: {  	v3 =	vld [tilespmem:s30+$0x330]  }
0x50: {  	v4 =	vld [tilespmem:s30+$0x2300]  }
0x51: {  	v5 =	vld [tilespmem:s30+$0x2310]  }
0x52: {  	v6 =	vld [tilespmem:s30+$0x2320]  }
0x53: {  	v7 =	vld [tilespmem:s30+$0x2330]  }
0x54: {  	v8 =	vld [tilespmem:s30+$0x4300]  }
0x55: {  	v9 =	vld [tilespmem:s30+$0x4310]  }
0x56: {  	v10 =	vld [tilespmem:s30+$0x4320]  }
0x57: {  	v11 =	vld [tilespmem:s30+$0x4330]  }
0x58: {  	v12 =	vld [tilespmem:s30+$0x6300]  }
0x59: {  	v13 =	vld [tilespmem:s30+$0x6310]  }
0x5a: {  	v14 =	vld [tilespmem:s30+$0x6320]  }
0x5b: {  	v15 =	vld [tilespmem:s30+$0x6330]  }
0x5c: {  	v16 =	vld [tilespmem:s30+$0x8300]  }
0x5d: {  	v17 =	vld [tilespmem:s30+$0x8310];
	v4 =	vmul.f32 v4, v0;
	v5 =	vmul.f32 v5, v1  }
0x5e: {  	v18 =	vld [tilespmem:s30+$0x8320];
	v6 =	vmul.f32 v6, v2;
	v7 =	vmul.f32 v7, v3  }
0x5f: {  	v19 =	vld [tilespmem:s30+$0x8330];
	v54 =	vmul.f32 v8, v0;
	v55 =	vmul.f32 v9, v1  }
0x60: {  	v20 =	vld [tilespmem:s30+$0xA300];
	v57 =	vmul.f32 v10, v2;
	v58 =	vmul.f32 v11, v3  }
0x61: {  	v53 =	vld [tilespmem:s30+$0xA310];
	v60 =	vmul.f32 v12, v0;
	v61 =	vmul.f32 v13, v1  }
0x62: {  	v56 =	vld [tilespmem:s30+$0xA320];
	v62 =	vmul.f32 v14, v2;
	v63 =	vmul.f32 v15, v3  }
0x63: {  	v59 =	vld [tilespmem:s30+$0xA330];
	v21 =	vmul.f32 v16, v0;
	v22 =	vmul.f32 v17, v1  }
0x64: {  	v23 =	vmul.f32 v18, v2;
	v24 =	vmul.f32 v19, v3;
	v4 =	vadd.f32 v5, v4  }
0x65: {  	v0 =	vmul.f32 v20, v0;
	v52 =	vadd.f32 v7, v6;
	v7 =	vadd.f32 v55, v54  }
0x66: {  	v1 =	vmul.f32 v53, v1;
	v5 =	vadd.f32 v58, v57;
	v8 =	vadd.f32 v61, v60  }
0x67: {  	v2 =	vmul.f32 v56, v2;
	v10 =	vadd.f32 v63, v62;
	v26 =	vadd.f32 v22, v21  }
0x68: {  	v3 =	vmul.f32 v59, v3;
	v27 =	vadd.f32 v24, v23;
	v4 =	vadd.f32 v52, v4  }
0x69: {  	v0 =	vadd.f32 v1, v0;
	v5 =	vadd.f32 v5, v7  }
0x6a: {  	v28 =	vadd.f32 v3, v2;
	v25 =	vadd.f32 v10, v8;
	(xrf2) =	vadd.scan.msk.f32 $0xffff, v4  }
0x6b: {  	v29 =	vadd.f32 v27, v26;
	(xrf2) =	vadd.scan.msk.f32 $0xffff, v5  }
0x6c: {  	v0 =	vadd.f32 v28, v0;
	(xrf2) =	vadd.scan.msk.f32 $0xffff, v25  }
0x6d: {  	(xrf2) =	vadd.scan.msk.f32 $0xffff, v29  }
0x6e: {  	(xrf2) =	vadd.scan.msk.f32 $0xffff, v0  }
0x6f: {  	s1 =	sshll.u32 s29, $0x7  }
0x70: {  	v30 =	vmov s1  }
0x71: {  	v31 =	vor.u32 $0x1, v30  }
0x72: {  	v32 =	vor.u32 $0x2, v30  }
0x73: {  	v33 =	vor.u32 $0x3, v30  }
0x74: {  	v34 =	vor.u32 $0x4, v30;
	v4, _, _ =	vpop (xrf2)  }
0x75: {  	v35, _, _ =	vpop (xrf2);
	[tilespmem:v30+s25+$0x0] =	vst.idx.msk vm0, v4  }
0x76: {  	v36, _, _ =	vpop (xrf2);
	[tilespmem:v31+s25+$0x0] =	vst.idx.msk vm0, v35  }
0x77: {  	s31 =	sshll.u32 s29, $0x4;
	v37, _, _ =	vpop (xrf2);
	[tilespmem:v32+s25+$0x0] =	vst.idx.msk vm0, v36  }
0x78: {  	s1 =	sor.u32 $0x1, s31;
	v38, _, _ =	vpop (xrf2);
	[tilespmem:v33+s25+$0x0] =	vst.idx.msk vm0, v37  }
0x79: {  	s0 =	sshll.u32 s1, $0x6;
	[tilespmem:v34+s25+$0x0] =	vst.idx.msk vm0, v38  }
0x7a: {  	v0 =	vld [tilespmem:s0+$0x300]  }
0x7b: {  	v1 =	vld [tilespmem:s0+$0x310]  }
0x7c: {  	v2 =	vld [tilespmem:s0+$0x320]  }
0x7d: {  	v3 =	vld [tilespmem:s0+$0x330]  }
0x7e: {  	v4 =	vld [tilespmem:s0+$0x2300]  }
0x7f: {  	v5 =	vld [tilespmem:s0+$0x2310]  }
0x80: {  	v6 =	vld [tilespmem:s0+$0x2320]  }
0x81: {  	v39 =	vld [tilespmem:s0+$0x2330]  }
0x82: {  	v40 =	vld [tilespmem:s0+$0x4300]  }
0x83: {  	v41 =	vld [tilespmem:s0+$0x4310]  }
0x84: {  	v42 =	vld [tilespmem:s0+$0x4320]  }
0x85: {  	v43 =	vld [tilespmem:s0+$0x4330]  }
0x86: {  	v44 =	vld [tilespmem:s30+$0x6340]  }
0x87: {  	v45 =	vld [tilespmem:s30+$0x6350]  }
0x88: {  	v46 =	vld [tilespmem:s30+$0x6360]  }
0x89: {  	v47 =	vld [tilespmem:s30+$0x6370]  }
0x8a: {  	v48 =	vld [tilespmem:s30+$0x8340]  }
0x8b: {  	v49 =	vld [tilespmem:s30+$0x8350];
	v4 =	vmul.f32 v4, v0;
	v5 =	vmul.f32 v5, v1  }
0x8c: {  	v50 =	vld [tilespmem:s30+$0x8360];
	v6 =	vmul.f32 v6, v2;
	v7 =	vmul.f32 v39, v3  }
0x8d: {  	v51 =	vld [tilespmem:s30+$0x8370];
	v55 =	vmul.f32 v40, v0;
	v56 =	vmul.f32 v41, v1  }
0x8e: {  	v52 =	vld [tilespmem:s30+$0xA340];
	v58 =	vmul.f32 v42, v2;
	v59 =	vmul.f32 v43, v3  }
0x8f: {  	v54 =	vld [tilespmem:s30+$0xA350];
	v61 =	vmul.f32 v44, v0;
	v62 =	vmul.f32 v45, v1  }
0x90: {  	v57 =	vld [tilespmem:s30+$0xA360];
	v63 =	vmul.f32 v46, v2;
	v21 =	vmul.f32 v47, v3  }
0x91: {  	v60 =	vld [tilespmem:s30+$0xA370];
	v22 =	vmul.f32 v48, v0;
	v23 =	vmul.f32 v49, v1  }
0x92: {  	v24 =	vmul.f32 v50, v2;
	v25 =	vmul.f32 v51, v3;
	v4 =	vadd.f32 v5, v4  }
0x93: {  	v0 =	vmul.f32 v52, v0;
	v53 =	vadd.f32 v7, v6;
	v7 =	vadd.f32 v56, v55  }
0x94: {  	v1 =	vmul.f32 v54, v1;
	v5 =	vadd.f32 v59, v58;
	v8 =	vadd.f32 v62, v61  }
0x95: {  	v2 =	vmul.f32 v57, v2;
	v10 =	vadd.f32 v21, v63;
	v27 =	vadd.f32 v23, v22  }
0x96: {  	v3 =	vmul.f32 v60, v3;
	v28 =	vadd.f32 v25, v24;
	v4 =	vadd.f32 v53, v4  }
0x97: {  	v0 =	vadd.f32 v1, v0;
	v5 =	vadd.f32 v5, v7  }
0x98: {  	v29 =	vadd.f32 v3, v2;
	v26 =	vadd.f32 v10, v8;
	(xrf2) =	vadd.scan.msk.f32 $0xffff, v4  }
0x99: {  	v30 =	vadd.f32 v28, v27;
	(xrf2) =	vadd.scan.msk.f32 $0xffff, v5  }
0x9a: {  	v0 =	vadd.f32 v29, v0;
	(xrf2) =	vadd.scan.msk.f32 $0xffff, v26  }
0x9b: {  	(xrf2) =	vadd.scan.msk.f32 $0xffff, v30  }
0x9c: {  	(xrf2) =	vadd.scan.msk.f32 $0xffff, v0  }
0x9d: {  	s1 =	sshll.u32 s1, $0x3  }
0x9e: {  	v31 =	vmov s1  }
0x9f: {  	v32 =	vor.u32 $0x1, v31  }
0xa0: {  	v33 =	vor.u32 $0x2, v31  }
0xa1: {  	v34 =	vor.u32 $0x3, v31  }
0xa2: {  	v35 =	vor.u32 $0x4, v31;
	v4, _, _ =	vpop (xrf2)  }
0xa3: {  	v36, _, _ =	vpop (xrf2);
	[tilespmem:v31+s25+$0x0] =	vst.idx.msk vm0, v4  }
0xa4: {  	v37, _, _ =	vpop (xrf2);
	[tilespmem:v32+s25+$0x0] =	vst.idx.msk vm0, v36  }
0xa5: {  	v38, _, _ =	vpop (xrf2);
	[tilespmem:v33+s25+$0x0] =	vst.idx.msk vm0, v37  }
0xa6: {  	s1 =	sor.u32 $0x2, s31;
	v39, _, _ =	vpop (xrf2);
	[tilespmem:v34+s25+$0x0] =	vst.idx.msk vm0, v38  }
0xa7: {  	s0 =	sshll.u32 s1, $0x6;
	[tilespmem:v35+s25+$0x0] =	vst.idx.msk vm0, v39  }
0xa8: {  	v0 =	vld [tilespmem:s0+$0x300]  }
0xa9: {  	v1 =	vld [tilespmem:s0+$0x310]  }
0xaa: {  	v2 =	vld [tilespmem:s0+$0x320]  }
0xab: {  	v3 =	vld [tilespmem:s0+$0x330]  }
0xac: {  	v4 =	vld [tilespmem:s0+$0x2300]  }
0xad: {  	v5 =	vld [tilespmem:s0+$0x2310]  }
0xae: {  	v6 =	vld [tilespmem:s0+$0x2320]  }
0xaf: {  	v40 =	vld [tilespmem:s0+$0x2330]  }
0xb0: {  	v41 =	vld [tilespmem:s0+$0x4300]  }
0xb1: {  	v42 =	vld [tilespmem:s0+$0x4310]  }
0xb2: {  	v43 =	vld [tilespmem:s0+$0x4320]  }
0xb3: {  	v44 =	vld [tilespmem:s0+$0x4330]  }
0xb4: {  	v45 =	vld [tilespmem:s30+$0x6380]  }
0xb5: {  	v46 =	vld [tilespmem:s30+$0x6390]  }
0xb6: {  	v47 =	vld [tilespmem:s30+$0x63A0]  }
0xb7: {  	v48 =	vld [tilespmem:s30+$0x63B0]  }
0xb8: {  	v49 =	vld [tilespmem:s30+$0x8380]  }
0xb9: {  	v50 =	vld [tilespmem:s30+$0x8390];
	v4 =	vmul.f32 v4, v0;
	v5 =	vmul.f32 v5, v1  }
0xba: {  	v51 =	vld [tilespmem:s30+$0x83A0];
	v6 =	vmul.f32 v6, v2;
	v7 =	vmul.f32 v40, v3  }
0xbb: {  	v52 =	vld [tilespmem:s30+$0x83B0];
	v56 =	vmul.f32 v41, v0;
	v57 =	vmul.f32 v42, v1  }
0xbc: {  	v53 =	vld [tilespmem:s30+$0xA380];
	v59 =	vmul.f32 v43, v2;
	v60 =	vmul.f32 v44, v3  }
0xbd: {  	v55 =	vld [tilespmem:s30+$0xA390];
	v62 =	vmul.f32 v45, v0;
	v63 =	vmul.f32 v46, v1  }
0xbe: {  	v58 =	vld [tilespmem:s30+$0xA3A0];
	v21 =	vmul.f32 v47, v2;
	v22 =	vmul.f32 v48, v3  }
0xbf: {  	v61 =	vld [tilespmem:s30+$0xA3B0];
	v23 =	vmul.f32 v49, v0;
	v24 =	vmul.f32 v50, v1  }
0xc0: {  	v25 =	vmul.f32 v51, v2;
	v26 =	vmul.f32 v52, v3;
	v4 =	vadd.f32 v5, v4  }
0xc1: {  	v0 =	vmul.f32 v53, v0;
	v54 =	vadd.f32 v7, v6;
	v7 =	vadd.f32 v57, v56  }
0xc2: {  	v1 =	vmul.f32 v55, v1;
	v5 =	vadd.f32 v60, v59;
	v8 =	vadd.f32 v63, v62  }
0xc3: {  	v2 =	vmul.f32 v58, v2;
	v10 =	vadd.f32 v22, v21;
	v28 =	vadd.f32 v24, v23  }
0xc4: {  	v3 =	vmul.f32 v61, v3;
	v29 =	vadd.f32 v26, v25;
	v4 =	vadd.f32 v54, v4  }
0xc5: {  	v0 =	vadd.f32 v1, v0;
	v5 =	vadd.f32 v5, v7  }
0xc6: {  	v30 =	vadd.f32 v3, v2;
	v27 =	vadd.f32 v10, v8;
	(xrf2) =	vadd.scan.msk.f32 $0xffff, v4  }
0xc7: {  	v31 =	vadd.f32 v29, v28;
	(xrf2) =	vadd.scan.msk.f32 $0xffff, v5  }
0xc8: {  	v0 =	vadd.f32 v30, v0;
	(xrf2) =	vadd.scan.msk.f32 $0xffff, v27  }
0xc9: {  	(xrf2) =	vadd.scan.msk.f32 $0xffff, v31  }
0xca: {  	(xrf2) =	vadd.scan.msk.f32 $0xffff, v0  }
0xcb: {  	s1 =	sshll.u32 s1, $0x3  }
0xcc: {  	v32 =	vmov s1  }
0xcd: {  	v33 =	vor.u32 $0x1, v32  }
0xce: {  	v34 =	vor.u32 $0x2, v32  }
0xcf: {  	v35 =	vor.u32 $0x3, v32  }
0xd0: {  	v36 =	vor.u32 $0x4, v32;
	v4, _, _ =	vpop (xrf2)  }
0xd1: {  	v37, _, _ =	vpop (xrf2);
	[tilespmem:v32+s25+$0x0] =	vst.idx.msk vm0, v4  }
0xd2: {  	v38, _, _ =	vpop (xrf2);
	[tilespmem:v33+s25+$0x0] =	vst.idx.msk vm0, v37  }
0xd3: {  	v39, _, _ =	vpop (xrf2);
	[tilespmem:v34+s25+$0x0] =	vst.idx.msk vm0, v38  }
0xd4: {  	s1 =	sor.u32 $0x3, s31;
	v40, _, _ =	vpop (xrf2);
	[tilespmem:v35+s25+$0x0] =	vst.idx.msk vm0, v39  }
0xd5: {  	s0 =	sshll.u32 s1, $0x6;
	[tilespmem:v36+s25+$0x0] =	vst.idx.msk vm0, v40  }
0xd6: {  	v0 =	vld [tilespmem:s0+$0x300]  }
0xd7: {  	v1 =	vld [tilespmem:s0+$0x310]  }
0xd8: {  	v2 =	vld [tilespmem:s0+$0x320]  }
0xd9: {  	v3 =	vld [tilespmem:s0+$0x330]  }
0xda: {  	v4 =	vld [tilespmem:s0+$0x2300]  }
0xdb: {  	v5 =	vld [tilespmem:s0+$0x2310]  }
0xdc: {  	v6 =	vld [tilespmem:s0+$0x2320]  }
0xdd: {  	v41 =	vld [tilespmem:s0+$0x2330]  }
0xde: {  	v42 =	vld [tilespmem:s0+$0x4300]  }
0xdf: {  	v43 =	vld [tilespmem:s0+$0x4310]  }
0xe0: {  	v44 =	vld [tilespmem:s0+$0x4320]  }
0xe1: {  	v45 =	vld [tilespmem:s0+$0x4330]  }
0xe2: {  	v46 =	vld [tilespmem:s30+$0x63C0]  }
0xe3: {  	v47 =	vld [tilespmem:s30+$0x63D0]  }
0xe4: {  	v48 =	vld [tilespmem:s30+$0x63E0]  }
0xe5: {  	v49 =	vld [tilespmem:s30+$0x63F0]  }
0xe6: {  	v50 =	vld [tilespmem:s30+$0x83C0]  }
0xe7: {  	v51 =	vld [tilespmem:s30+$0x83D0];
	v4 =	vmul.f32 v4, v0;
	v5 =	vmul.f32 v5, v1  }
0xe8: {  	v52 =	vld [tilespmem:s30+$0x83E0];
	v6 =	vmul.f32 v6, v2;
	v7 =	vmul.f32 v41, v3  }
0xe9: {  	v53 =	vld [tilespmem:s30+$0x83F0];
	v57 =	vmul.f32 v42, v0;
	v58 =	vmul.f32 v43, v1  }
0xea: {  	v54 =	vld [tilespmem:s30+$0xA3C0];
	v60 =	vmul.f32 v44, v2;
	v61 =	vmul.f32 v45, v3  }
0xeb: {  	v56 =	vld [tilespmem:s30+$0xA3D0];
	v63 =	vmul.f32 v46, v0;
	v21 =	vmul.f32 v47, v1  }
0xec: {  	v59 =	vld [tilespmem:s30+$0xA3E0];
	v22 =	vmul.f32 v48, v2;
	v23 =	vmul.f32 v49, v3  }
0xed: {  	v62 =	vld [tilespmem:s30+$0xA3F0];
	v24 =	vmul.f32 v50, v0;
	v25 =	vmul.f32 v51, v1  }
0xee: {  	v26 =	vmul.f32 v52, v2;
	v27 =	vmul.f32 v53, v3;
	v4 =	vadd.f32 v5, v4  }
0xef: {  	v0 =	vmul.f32 v54, v0;
	v55 =	vadd.f32 v7, v6;
	v7 =	vadd.f32 v58, v57  }
0xf0: {  	v1 =	vmul.f32 v56, v1;
	v5 =	vadd.f32 v61, v60;
	v8 =	vadd.f32 v21, v63  }
0xf1: {  	v2 =	vmul.f32 v59, v2;
	v10 =	vadd.f32 v23, v22;
	v29 =	vadd.f32 v25, v24  }
0xf2: {  	v3 =	vmul.f32 v62, v3;
	v30 =	vadd.f32 v27, v26;
	v4 =	vadd.f32 v55, v4  }
0xf3: {  	v0 =	vadd.f32 v1, v0;
	v5 =	vadd.f32 v5, v7  }
0xf4: {  	v31 =	vadd.f32 v3, v2;
	v28 =	vadd.f32 v10, v8;
	(xrf2) =	vadd.scan.msk.f32 $0xffff, v4  }
0xf5: {  	v32 =	vadd.f32 v30, v29;
	(xrf2) =	vadd.scan.msk.f32 $0xffff, v5  }
0xf6: {  	v0 =	vadd.f32 v31, v0;
	(xrf2) =	vadd.scan.msk.f32 $0xffff, v28  }
0xf7: {  	(xrf2) =	vadd.scan.msk.f32 $0xffff, v32  }
0xf8: {  	(xrf2) =	vadd.scan.msk.f32 $0xffff, v0  }
0xf9: {  	s1 =	sshll.u32 s1, $0x3  }
0xfa: {  	v33 =	vmov s1  }
0xfb: {  	v34 =	vor.u32 $0x1, v33  }
0xfc: {  	v35 =	vor.u32 $0x2, v33  }
0xfd: {  	v36 =	vor.u32 $0x3, v33  }
0xfe: {  	v37 =	vor.u32 $0x4, v33;
	v4, _, _ =	vpop (xrf2)  }
0xff: {  	v38, _, _ =	vpop (xrf2);
	[tilespmem:v33+s25+$0x0] =	vst.idx.msk vm0, v4  }
0x100: {  	v39, _, _ =	vpop (xrf2);
	[tilespmem:v34+s25+$0x0] =	vst.idx.msk vm0, v38  }
0x101: {  	v40, _, _ =	vpop (xrf2);
	[tilespmem:v35+s25+$0x0] =	vst.idx.msk vm0, v39  }
0x102: {  	s1 =	sor.u32 $0x4, s31;
	v41, _, _ =	vpop (xrf2);
	[tilespmem:v36+s25+$0x0] =	vst.idx.msk vm0, v40  }
0x103: {  	s0 =	sshll.u32 s1, $0x6;
	[tilespmem:v37+s25+$0x0] =	vst.idx.msk vm0, v41  }
0x104: {  	v0 =	vld [tilespmem:s0+$0x300]  }
0x105: {  	v1 =	vld [tilespmem:s0+$0x310]  }
0x106: {  	v2 =	vld [tilespmem:s0+$0x320]  }
0x107: {  	v3 =	vld [tilespmem:s0+$0x330]  }
0x108: {  	v4 =	vld [tilespmem:s0+$0x2300]  }
0x109: {  	v5 =	vld [tilespmem:s0+$0x2310]  }
0x10a: {  	v6 =	vld [tilespmem:s0+$0x2320]  }
0x10b: {  	v42 =	vld [tilespmem:s0+$0x2330]  }
0x10c: {  	v43 =	vld [tilespmem:s0+$0x4300]  }
0x10d: {  	v44 =	vld [tilespmem:s0+$0x4310]  }
0x10e: {  	v45 =	vld [tilespmem:s0+$0x4320]  }
0x10f: {  	v46 =	vld [tilespmem:s0+$0x4330]  }
0x110: {  	v47 =	vld [tilespmem:s30+$0x6400]  }
0x111: {  	v48 =	vld [tilespmem:s30+$0x6410]  }
0x112: {  	v49 =	vld [tilespmem:s30+$0x6420]  }
0x113: {  	v50 =	vld [tilespmem:s30+$0x6430]  }
0x114: {  	v51 =	vld [tilespmem:s30+$0x8400]  }
0x115: {  	v52 =	vld [tilespmem:s30+$0x8410];
	v4 =	vmul.f32 v4, v0;
	v5 =	vmul.f32 v5, v1  }
0x116: {  	v53 =	vld [tilespmem:s30+$0x8420];
	v6 =	vmul.f32 v6, v2;
	v7 =	vmul.f32 v42, v3  }
0x117: {  	v54 =	vld [tilespmem:s30+$0x8430];
	v58 =	vmul.f32 v43, v0;
	v59 =	vmul.f32 v44, v1  }
0x118: {  	v55 =	vld [tilespmem:s30+$0xA400];
	v61 =	vmul.f32 v45, v2;
	v62 =	vmul.f32 v46, v3  }
0x119: {  	v57 =	vld [tilespmem:s30+$0xA410];
	v21 =	vmul.f32 v47, v0;
	v22 =	vmul.f32 v48, v1  }
0x11a: {  	v60 =	vld [tilespmem:s30+$0xA420];
	v23 =	vmul.f32 v49, v2;
	v24 =	vmul.f32 v50, v3  }
0x11b: {  	v63 =	vld [tilespmem:s30+$0xA430];
	v25 =	vmul.f32 v51, v0;
	v26 =	vmul.f32 v52, v1  }
0x11c: {  	v27 =	vmul.f32 v53, v2;
	v28 =	vmul.f32 v54, v3;
	v4 =	vadd.f32 v5, v4  }
0x11d: {  	v0 =	vmul.f32 v55, v0;
	v56 =	vadd.f32 v7, v6;
	v7 =	vadd.f32 v59, v58  }
0x11e: {  	v1 =	vmul.f32 v57, v1;
	v5 =	vadd.f32 v62, v61;
	v8 =	vadd.f32 v22, v21  }
0x11f: {  	v2 =	vmul.f32 v60, v2;
	v10 =	vadd.f32 v24, v23;
	v30 =	vadd.f32 v26, v25  }
0x120: {  	v3 =	vmul.f32 v63, v3;
	v31 =	vadd.f32 v28, v27;
	v4 =	vadd.f32 v56, v4  }
0x121: {  	v0 =	vadd.f32 v1, v0;
	v5 =	vadd.f32 v5, v7  }
0x122: {  	v32 =	vadd.f32 v3, v2;
	v29 =	vadd.f32 v10, v8;
	(xrf2) =	vadd.scan.msk.f32 $0xffff, v4  }
0x123: {  	v33 =	vadd.f32 v31, v30;
	(xrf2) =	vadd.scan.msk.f32 $0xffff, v5  }
0x124: {  	v0 =	vadd.f32 v32, v0;
	(xrf2) =	vadd.scan.msk.f32 $0xffff, v29  }
0x125: {  	(xrf2) =	vadd.scan.msk.f32 $0xffff, v33  }
0x126: {  	(xrf2) =	vadd.scan.msk.f32 $0xffff, v0  }
0x127: {  	s1 =	sshll.u32 s1, $0x3  }
0x128: {  	v34 =	vmov s1  }
0x129: {  	v35 =	vor.u32 $0x1, v34  }
0x12a: {  	v36 =	vor.u32 $0x2, v34  }
0x12b: {  	v37 =	vor.u32 $0x3, v34  }
0x12c: {  	v38 =	vor.u32 $0x4, v34;
	v4, _, _ =	vpop (xrf2)  }
0x12d: {  	v39, _, _ =	vpop (xrf2);
	[tilespmem:v34+s25+$0x0] =	vst.idx.msk vm0, v4  }
0x12e: {  	v40, _, _ =	vpop (xrf2);
	[tilespmem:v35+s25+$0x0] =	vst.idx.msk vm0, v39  }
0x12f: {  	v41, _, _ =	vpop (xrf2);
	[tilespmem:v36+s25+$0x0] =	vst.idx.msk vm0, v40  }
0x130: {  	s1 =	sor.u32 $0x5, s31;
	v42, _, _ =	vpop (xrf2);
	[tilespmem:v37+s25+$0x0] =	vst.idx.msk vm0, v41  }
0x131: {  	s0 =	sshll.u32 s1, $0x6;
	[tilespmem:v38+s25+$0x0] =	vst.idx.msk vm0, v42  }
0x132: {  	v0 =	vld [tilespmem:s0+$0x300]  }
0x133: {  	v1 =	vld [tilespmem:s0+$0x310]  }
0x134: {  	v2 =	vld [tilespmem:s0+$0x320]  }
0x135: {  	v3 =	vld [tilespmem:s0+$0x330]  }
0x136: {  	v4 =	vld [tilespmem:s0+$0x2300]  }
0x137: {  	v5 =	vld [tilespmem:s0+$0x2310]  }
0x138: {  	v6 =	vld [tilespmem:s0+$0x2320]  }
0x139: {  	v43 =	vld [tilespmem:s0+$0x2330]  }
0x13a: {  	v44 =	vld [tilespmem:s0+$0x4300]  }
0x13b: {  	v45 =	vld [tilespmem:s0+$0x4310]  }
0x13c: {  	v46 =	vld [tilespmem:s0+$0x4320]  }
0x13d: {  	v47 =	vld [tilespmem:s0+$0x4330]  }
0x13e: {  	v48 =	vld [tilespmem:s30+$0x6440]  }
0x13f: {  	v49 =	vld [tilespmem:s30+$0x6450]  }
0x140: {  	v50 =	vld [tilespmem:s30+$0x6460]  }
0x141: {  	v51 =	vld [tilespmem:s30+$0x6470]  }
0x142: {  	v52 =	vld [tilespmem:s30+$0x8440]  }
0x143: {  	v53 =	vld [tilespmem:s30+$0x8450];
	v4 =	vmul.f32 v4, v0;
	v5 =	vmul.f32 v5, v1  }
0x144: {  	v54 =	vld [tilespmem:s30+$0x8460];
	v6 =	vmul.f32 v6, v2;
	v7 =	vmul.f32 v43, v3  }
0x145: {  	v55 =	vld [tilespmem:s30+$0x8470];
	v59 =	vmul.f32 v44, v0;
	v60 =	vmul.f32 v45, v1  }
0x146: {  	v56 =	vld [tilespmem:s30+$0xA440];
	v62 =	vmul.f32 v46, v2;
	v63 =	vmul.f32 v47, v3  }
0x147: {  	v58 =	vld [tilespmem:s30+$0xA450];
	v22 =	vmul.f32 v48, v0;
	v23 =	vmul.f32 v49, v1  }
0x148: {  	v61 =	vld [tilespmem:s30+$0xA460];
	v24 =	vmul.f32 v50, v2;
	v25 =	vmul.f32 v51, v3  }
0x149: {  	v21 =	vld [tilespmem:s30+$0xA470];
	v26 =	vmul.f32 v52, v0;
	v27 =	vmul.f32 v53, v1  }
0x14a: {  	v28 =	vmul.f32 v54, v2;
	v29 =	vmul.f32 v55, v3;
	v4 =	vadd.f32 v5, v4  }
0x14b: {  	v0 =	vmul.f32 v56, v0;
	v57 =	vadd.f32 v7, v6;
	v7 =	vadd.f32 v60, v59  }
0x14c: {  	v1 =	vmul.f32 v58, v1;
	v5 =	vadd.f32 v63, v62;
	v8 =	vadd.f32 v23, v22  }
0x14d: {  	v2 =	vmul.f32 v61, v2;
	v10 =	vadd.f32 v25, v24;
	v31 =	vadd.f32 v27, v26  }
0x14e: {  	v3 =	vmul.f32 v21, v3;
	v32 =	vadd.f32 v29, v28;
	v4 =	vadd.f32 v57, v4  }
0x14f: {  	v0 =	vadd.f32 v1, v0;
	v5 =	vadd.f32 v5, v7  }
0x150: {  	v33 =	vadd.f32 v3, v2;
	v30 =	vadd.f32 v10, v8;
	(xrf2) =	vadd.scan.msk.f32 $0xffff, v4  }
0x151: {  	v34 =	vadd.f32 v32, v31;
	(xrf2) =	vadd.scan.msk.f32 $0xffff, v5  }
0x152: {  	v0 =	vadd.f32 v33, v0;
	(xrf2) =	vadd.scan.msk.f32 $0xffff, v30  }
0x153: {  	(xrf2) =	vadd.scan.msk.f32 $0xffff, v34  }
0x154: {  	(xrf2) =	vadd.scan.msk.f32 $0xffff, v0  }
0x155: {  	s1 =	sshll.u32 s1, $0x3  }
0x156: {  	v35 =	vmov s1  }
0x157: {  	v36 =	vor.u32 $0x1, v35  }
0x158: {  	v37 =	vor.u32 $0x2, v35  }
0x159: {  	v38 =	vor.u32 $0x3, v35  }
0x15a: {  	v39 =	vor.u32 $0x4, v35;
	v4, _, _ =	vpop (xrf2)  }
0x15b: {  	v40, _, _ =	vpop (xrf2);
	[tilespmem:v35+s25+$0x0] =	vst.idx.msk vm0, v4  }
0x15c: {  	v41, _, _ =	vpop (xrf2);
	[tilespmem:v36+s25+$0x0] =	vst.idx.msk vm0, v40  }
0x15d: {  	v42, _, _ =	vpop (xrf2);
	[tilespmem:v37+s25+$0x0] =	vst.idx.msk vm0, v41  }
0x15e: {  	s1 =	sor.u32 $0x6, s31;
	v43, _, _ =	vpop (xrf2);
	[tilespmem:v38+s25+$0x0] =	vst.idx.msk vm0, v42  }
0x15f: {  	s0 =	sshll.u32 s1, $0x6;
	[tilespmem:v39+s25+$0x0] =	vst.idx.msk vm0, v43  }
0x160: {  	v0 =	vld [tilespmem:s0+$0x300]  }
0x161: {  	v1 =	vld [tilespmem:s0+$0x310]  }
0x162: {  	v2 =	vld [tilespmem:s0+$0x320]  }
0x163: {  	v3 =	vld [tilespmem:s0+$0x330]  }
0x164: {  	v4 =	vld [tilespmem:s0+$0x2300]  }
0x165: {  	v5 =	vld [tilespmem:s0+$0x2310]  }
0x166: {  	v6 =	vld [tilespmem:s0+$0x2320]  }
0x167: {  	v44 =	vld [tilespmem:s0+$0x2330]  }
0x168: {  	v45 =	vld [tilespmem:s0+$0x4300]  }
0x169: {  	v46 =	vld [tilespmem:s0+$0x4310]  }
0x16a: {  	v47 =	vld [tilespmem:s0+$0x4320]  }
0x16b: {  	v48 =	vld [tilespmem:s0+$0x4330]  }
0x16c: {  	v49 =	vld [tilespmem:s30+$0x6480]  }
0x16d: {  	v50 =	vld [tilespmem:s30+$0x6490]  }
0x16e: {  	v51 =	vld [tilespmem:s30+$0x64A0]  }
0x16f: {  	v52 =	vld [tilespmem:s30+$0x64B0]  }
0x170: {  	v53 =	vld [tilespmem:s30+$0x8480]  }
0x171: {  	v54 =	vld [tilespmem:s30+$0x8490];
	v4 =	vmul.f32 v4, v0;
	v5 =	vmul.f32 v5, v1  }
0x172: {  	v55 =	vld [tilespmem:s30+$0x84A0];
	v6 =	vmul.f32 v6, v2;
	v7 =	vmul.f32 v44, v3  }
0x173: {  	v56 =	vld [tilespmem:s30+$0x84B0];
	v60 =	vmul.f32 v45, v0;
	v61 =	vmul.f32 v46, v1  }
0x174: {  	v57 =	vld [tilespmem:s30+$0xA480];
	v63 =	vmul.f32 v47, v2;
	v21 =	vmul.f32 v48, v3  }
0x175: {  	v59 =	vld [tilespmem:s30+$0xA490];
	v23 =	vmul.f32 v49, v0;
	v24 =	vmul.f32 v50, v1  }
0x176: {  	v62 =	vld [tilespmem:s30+$0xA4A0];
	v25 =	vmul.f32 v51, v2;
	v26 =	vmul.f32 v52, v3  }
0x177: {  	v22 =	vld [tilespmem:s30+$0xA4B0];
	v27 =	vmul.f32 v53, v0;
	v28 =	vmul.f32 v54, v1  }
0x178: {  	v29 =	vmul.f32 v55, v2;
	v30 =	vmul.f32 v56, v3;
	v4 =	vadd.f32 v5, v4  }
0x179: {  	v0 =	vmul.f32 v57, v0;
	v58 =	vadd.f32 v7, v6;
	v7 =	vadd.f32 v61, v60  }
0x17a: {  	v1 =	vmul.f32 v59, v1;
	v5 =	vadd.f32 v21, v63;
	v8 =	vadd.f32 v24, v23  }
0x17b: {  	v2 =	vmul.f32 v62, v2;
	v10 =	vadd.f32 v26, v25;
	v32 =	vadd.f32 v28, v27  }
0x17c: {  	v3 =	vmul.f32 v22, v3;
	v33 =	vadd.f32 v30, v29;
	v4 =	vadd.f32 v58, v4  }
0x17d: {  	v0 =	vadd.f32 v1, v0;
	v5 =	vadd.f32 v5, v7  }
0x17e: {  	v34 =	vadd.f32 v3, v2;
	v31 =	vadd.f32 v10, v8;
	(xrf2) =	vadd.scan.msk.f32 $0xffff, v4  }
0x17f: {  	v35 =	vadd.f32 v33, v32;
	(xrf2) =	vadd.scan.msk.f32 $0xffff, v5  }
0x180: {  	v0 =	vadd.f32 v34, v0;
	(xrf2) =	vadd.scan.msk.f32 $0xffff, v31  }
0x181: {  	(xrf2) =	vadd.scan.msk.f32 $0xffff, v35  }
0x182: {  	(xrf2) =	vadd.scan.msk.f32 $0xffff, v0  }
0x183: {  	s1 =	sshll.u32 s1, $0x3  }
0x184: {  	v36 =	vmov s1  }
0x185: {  	v37 =	vor.u32 $0x1, v36  }
0x186: {  	v38 =	vor.u32 $0x2, v36  }
0x187: {  	v39 =	vor.u32 $0x3, v36  }
0x188: {  	v40 =	vor.u32 $0x4, v36;
	v4, _, _ =	vpop (xrf2)  }
0x189: {  	v41, _, _ =	vpop (xrf2);
	[tilespmem:v36+s25+$0x0] =	vst.idx.msk vm0, v4  }
0x18a: {  	v42, _, _ =	vpop (xrf2);
	[tilespmem:v37+s25+$0x0] =	vst.idx.msk vm0, v41  }
0x18b: {  	v43, _, _ =	vpop (xrf2);
	[tilespmem:v38+s25+$0x0] =	vst.idx.msk vm0, v42  }
0x18c: {  	s1 =	sor.u32 $0x7, s31;
	v44, _, _ =	vpop (xrf2);
	[tilespmem:v39+s25+$0x0] =	vst.idx.msk vm0, v43  }
0x18d: {  	s0 =	sshll.u32 s1, $0x6;
	[tilespmem:v40+s25+$0x0] =	vst.idx.msk vm0, v44  }
0x18e: {  	v0 =	vld [tilespmem:s0+$0x300]  }
0x18f: {  	v1 =	vld [tilespmem:s0+$0x310]  }
0x190: {  	v2 =	vld [tilespmem:s0+$0x320]  }
0x191: {  	v3 =	vld [tilespmem:s0+$0x330]  }
0x192: {  	v4 =	vld [tilespmem:s0+$0x2300]  }
0x193: {  	v5 =	vld [tilespmem:s0+$0x2310]  }
0x194: {  	v6 =	vld [tilespmem:s0+$0x2320]  }
0x195: {  	v45 =	vld [tilespmem:s0+$0x2330]  }
0x196: {  	v46 =	vld [tilespmem:s0+$0x4300]  }
0x197: {  	v47 =	vld [tilespmem:s0+$0x4310]  }
0x198: {  	v48 =	vld [tilespmem:s0+$0x4320]  }
0x199: {  	v49 =	vld [tilespmem:s0+$0x4330]  }
0x19a: {  	v50 =	vld [tilespmem:s30+$0x64C0]  }
0x19b: {  	v51 =	vld [tilespmem:s30+$0x64D0]  }
0x19c: {  	v52 =	vld [tilespmem:s30+$0x64E0]  }
0x19d: {  	v53 =	vld [tilespmem:s30+$0x64F0]  }
0x19e: {  	v54 =	vld [tilespmem:s30+$0x84C0]  }
0x19f: {  	v55 =	vld [tilespmem:s30+$0x84D0];
	v4 =	vmul.f32 v4, v0;
	v5 =	vmul.f32 v5, v1  }
0x1a0: {  	v56 =	vld [tilespmem:s30+$0x84E0];
	v6 =	vmul.f32 v6, v2;
	v7 =	vmul.f32 v45, v3  }
0x1a1: {  	v57 =	vld [tilespmem:s30+$0x84F0];
	v61 =	vmul.f32 v46, v0;
	v62 =	vmul.f32 v47, v1  }
0x1a2: {  	v58 =	vld [tilespmem:s30+$0xA4C0];
	v21 =	vmul.f32 v48, v2;
	v22 =	vmul.f32 v49, v3  }
0x1a3: {  	v60 =	vld [tilespmem:s30+$0xA4D0];
	v24 =	vmul.f32 v50, v0;
	v25 =	vmul.f32 v51, v1  }
0x1a4: {  	v63 =	vld [tilespmem:s30+$0xA4E0];
	v26 =	vmul.f32 v52, v2;
	v27 =	vmul.f32 v53, v3  }
0x1a5: {  	v23 =	vld [tilespmem:s30+$0xA4F0];
	v28 =	vmul.f32 v54, v0;
	v29 =	vmul.f32 v55, v1  }
0x1a6: {  	v30 =	vmul.f32 v56, v2;
	v31 =	vmul.f32 v57, v3;
	v4 =	vadd.f32 v5, v4  }
0x1a7: {  	v0 =	vmul.f32 v58, v0;
	v59 =	vadd.f32 v7, v6;
	v7 =	vadd.f32 v62, v61  }
0x1a8: {  	v1 =	vmul.f32 v60, v1;
	v5 =	vadd.f32 v22, v21;
	v8 =	vadd.f32 v25, v24  }
0x1a9: {  	v2 =	vmul.f32 v63, v2;
	v10 =	vadd.f32 v27, v26;
	v33 =	vadd.f32 v29, v28  }
0x1aa: {  	v3 =	vmul.f32 v23, v3;
	v34 =	vadd.f32 v31, v30;
	v4 =	vadd.f32 v59, v4  }
0x1ab: {  	v0 =	vadd.f32 v1, v0;
	v5 =	vadd.f32 v5, v7  }
0x1ac: {  	v35 =	vadd.f32 v3, v2;
	v32 =	vadd.f32 v10, v8;
	(xrf2) =	vadd.scan.msk.f32 $0xffff, v4  }
0x1ad: {  	v36 =	vadd.f32 v34, v33;
	(xrf2) =	vadd.scan.msk.f32 $0xffff, v5  }
0x1ae: {  	v0 =	vadd.f32 v35, v0;
	(xrf2) =	vadd.scan.msk.f32 $0xffff, v32  }
0x1af: {  	(xrf2) =	vadd.scan.msk.f32 $0xffff, v36  }
0x1b0: {  	(xrf2) =	vadd.scan.msk.f32 $0xffff, v0  }
0x1b1: {  	s1 =	sshll.u32 s1, $0x3  }
0x1b2: {  	v37 =	vmov s1  }
0x1b3: {  	v38 =	vor.u32 $0x1, v37  }
0x1b4: {  	v39 =	vor.u32 $0x2, v37  }
0x1b5: {  	v40 =	vor.u32 $0x3, v37  }
0x1b6: {  	v41 =	vor.u32 $0x4, v37;
	v4, _, _ =	vpop (xrf2)  }
0x1b7: {  	v42, _, _ =	vpop (xrf2);
	[tilespmem:v37+s25+$0x0] =	vst.idx.msk vm0, v4  }
0x1b8: {  	v43, _, _ =	vpop (xrf2);
	[tilespmem:v38+s25+$0x0] =	vst.idx.msk vm0, v42  }
0x1b9: {  	v44, _, _ =	vpop (xrf2);
	[tilespmem:v39+s25+$0x0] =	vst.idx.msk vm0, v43  }
0x1ba: {  	s1 =	sor.u32 $0x8, s31;
	v45, _, _ =	vpop (xrf2);
	[tilespmem:v40+s25+$0x0] =	vst.idx.msk vm0, v44  }
0x1bb: {  	s0 =	sshll.u32 s1, $0x6;
	[tilespmem:v41+s25+$0x0] =	vst.idx.msk vm0, v45  }
0x1bc: {  	v0 =	vld [tilespmem:s0+$0x300]  }
0x1bd: {  	v1 =	vld [tilespmem:s0+$0x310]  }
0x1be: {  	v2 =	vld [tilespmem:s0+$0x320]  }
0x1bf: {  	v3 =	vld [tilespmem:s0+$0x330]  }
0x1c0: {  	v4 =	vld [tilespmem:s0+$0x2300]  }
0x1c1: {  	v5 =	vld [tilespmem:s0+$0x2310]  }
0x1c2: {  	v6 =	vld [tilespmem:s0+$0x2320]  }
0x1c3: {  	v46 =	vld [tilespmem:s0+$0x2330]  }
0x1c4: {  	v47 =	vld [tilespmem:s0+$0x4300]  }
0x1c5: {  	v48 =	vld [tilespmem:s0+$0x4310]  }
0x1c6: {  	v49 =	vld [tilespmem:s0+$0x4320]  }
0x1c7: {  	v50 =	vld [tilespmem:s0+$0x4330]  }
0x1c8: {  	v51 =	vld [tilespmem:s30+$0x6500]  }
0x1c9: {  	v52 =	vld [tilespmem:s30+$0x6510]  }
0x1ca: {  	v53 =	vld [tilespmem:s30+$0x6520]  }
0x1cb: {  	v54 =	vld [tilespmem:s30+$0x6530]  }
0x1cc: {  	v55 =	vld [tilespmem:s30+$0x8500]  }
0x1cd: {  	v56 =	vld [tilespmem:s30+$0x8510];
	v4 =	vmul.f32 v4, v0;
	v5 =	vmul.f32 v5, v1  }
0x1ce: {  	v57 =	vld [tilespmem:s30+$0x8520];
	v6 =	vmul.f32 v6, v2;
	v7 =	vmul.f32 v46, v3  }
0x1cf: {  	v58 =	vld [tilespmem:s30+$0x8530];
	v62 =	vmul.f32 v47, v0;
	v63 =	vmul.f32 v48, v1  }
0x1d0: {  	v59 =	vld [tilespmem:s30+$0xA500];
	v22 =	vmul.f32 v49, v2;
	v23 =	vmul.f32 v50, v3  }
0x1d1: {  	v61 =	vld [tilespmem:s30+$0xA510];
	v25 =	vmul.f32 v51, v0;
	v26 =	vmul.f32 v52, v1  }
0x1d2: {  	v21 =	vld [tilespmem:s30+$0xA520];
	v27 =	vmul.f32 v53, v2;
	v28 =	vmul.f32 v54, v3  }
0x1d3: {  	v24 =	vld [tilespmem:s30+$0xA530];
	v29 =	vmul.f32 v55, v0;
	v30 =	vmul.f32 v56, v1  }
0x1d4: {  	v31 =	vmul.f32 v57, v2;
	v32 =	vmul.f32 v58, v3;
	v4 =	vadd.f32 v5, v4  }
0x1d5: {  	v0 =	vmul.f32 v59, v0;
	v60 =	vadd.f32 v7, v6;
	v7 =	vadd.f32 v63, v62  }
0x1d6: {  	v1 =	vmul.f32 v61, v1;
	v5 =	vadd.f32 v23, v22;
	v8 =	vadd.f32 v26, v25  }
0x1d7: {  	v2 =	vmul.f32 v21, v2;
	v10 =	vadd.f32 v28, v27;
	v34 =	vadd.f32 v30, v29  }
0x1d8: {  	v3 =	vmul.f32 v24, v3;
	v35 =	vadd.f32 v32, v31;
	v4 =	vadd.f32 v60, v4  }
0x1d9: {  	v0 =	vadd.f32 v1, v0;
	v5 =	vadd.f32 v5, v7  }
0x1da: {  	v36 =	vadd.f32 v3, v2;
	v33 =	vadd.f32 v10, v8;
	(xrf2) =	vadd.scan.msk.f32 $0xffff, v4  }
0x1db: {  	v37 =	vadd.f32 v35, v34;
	(xrf2) =	vadd.scan.msk.f32 $0xffff, v5  }
0x1dc: {  	v0 =	vadd.f32 v36, v0;
	(xrf2) =	vadd.scan.msk.f32 $0xffff, v33  }
0x1dd: {  	(xrf2) =	vadd.scan.msk.f32 $0xffff, v37  }
0x1de: {  	(xrf2) =	vadd.scan.msk.f32 $0xffff, v0  }
0x1df: {  	s1 =	sshll.u32 s1, $0x3  }
0x1e0: {  	v38 =	vmov s1  }
0x1e1: {  	v39 =	vor.u32 $0x1, v38  }
0x1e2: {  	v40 =	vor.u32 $0x2, v38  }
0x1e3: {  	v41 =	vor.u32 $0x3, v38  }
0x1e4: {  	v42 =	vor.u32 $0x4, v38;
	v4, _, _ =	vpop (xrf2)  }
0x1e5: {  	v43, _, _ =	vpop (xrf2);
	[tilespmem:v38+s25+$0x0] =	vst.idx.msk vm0, v4  }
0x1e6: {  	v44, _, _ =	vpop (xrf2);
	[tilespmem:v39+s25+$0x0] =	vst.idx.msk vm0, v43  }
0x1e7: {  	v45, _, _ =	vpop (xrf2);
	[tilespmem:v40+s25+$0x0] =	vst.idx.msk vm0, v44  }
0x1e8: {  	s1 =	sor.u32 $0x9, s31;
	v46, _, _ =	vpop (xrf2);
	[tilespmem:v41+s25+$0x0] =	vst.idx.msk vm0, v45  }
0x1e9: {  	s0 =	sshll.u32 s1, $0x6;
	[tilespmem:v42+s25+$0x0] =	vst.idx.msk vm0, v46  }
0x1ea: {  	v0 =	vld [tilespmem:s0+$0x300]  }
0x1eb: {  	v1 =	vld [tilespmem:s0+$0x310]  }
0x1ec: {  	v2 =	vld [tilespmem:s0+$0x320]  }
0x1ed: {  	v3 =	vld [tilespmem:s0+$0x330]  }
0x1ee: {  	v4 =	vld [tilespmem:s0+$0x2300]  }
0x1ef: {  	v5 =	vld [tilespmem:s0+$0x2310]  }
0x1f0: {  	v6 =	vld [tilespmem:s0+$0x2320]  }
0x1f1: {  	v47 =	vld [tilespmem:s0+$0x2330]  }
0x1f2: {  	v48 =	vld [tilespmem:s0+$0x4300]  }
0x1f3: {  	v49 =	vld [tilespmem:s0+$0x4310]  }
0x1f4: {  	v50 =	vld [tilespmem:s0+$0x4320]  }
0x1f5: {  	v51 =	vld [tilespmem:s0+$0x4330]  }
0x1f6: {  	v52 =	vld [tilespmem:s30+$0x6540]  }
0x1f7: {  	v53 =	vld [tilespmem:s30+$0x6550]  }
0x1f8: {  	v54 =	vld [tilespmem:s30+$0x6560]  }
0x1f9: {  	v55 =	vld [tilespmem:s30+$0x6570]  }
0x1fa: {  	v56 =	vld [tilespmem:s30+$0x8540]  }
0x1fb: {  	v57 =	vld [tilespmem:s30+$0x8550];
	v4 =	vmul.f32 v4, v0;
	v5 =	vmul.f32 v5, v1  }
0x1fc: {  	v58 =	vld [tilespmem:s30+$0x8560];
	v6 =	vmul.f32 v6, v2;
	v7 =	vmul.f32 v47, v3  }
0x1fd: {  	v59 =	vld [tilespmem:s30+$0x8570];
	v63 =	vmul.f32 v48, v0;
	v21 =	vmul.f32 v49, v1  }
0x1fe: {  	v60 =	vld [tilespmem:s30+$0xA540];
	v23 =	vmul.f32 v50, v2;
	v24 =	vmul.f32 v51, v3  }
0x1ff: {  	v62 =	vld [tilespmem:s30+$0xA550];
	v26 =	vmul.f32 v52, v0;
	v27 =	vmul.f32 v53, v1  }
0x200: {  	v22 =	vld [tilespmem:s30+$0xA560];
	v28 =	vmul.f32 v54, v2;
	v29 =	vmul.f32 v55, v3  }
0x201: {  	v25 =	vld [tilespmem:s30+$0xA570];
	v30 =	vmul.f32 v56, v0;
	v31 =	vmul.f32 v57, v1  }
0x202: {  	v32 =	vmul.f32 v58, v2;
	v33 =	vmul.f32 v59, v3;
	v4 =	vadd.f32 v5, v4  }
0x203: {  	v0 =	vmul.f32 v60, v0;
	v61 =	vadd.f32 v7, v6;
	v7 =	vadd.f32 v21, v63  }
0x204: {  	v1 =	vmul.f32 v62, v1;
	v5 =	vadd.f32 v24, v23;
	v8 =	vadd.f32 v27, v26  }
0x205: {  	v2 =	vmul.f32 v22, v2;
	v10 =	vadd.f32 v29, v28;
	v35 =	vadd.f32 v31, v30  }
0x206: {  	v3 =	vmul.f32 v25, v3;
	v36 =	vadd.f32 v33, v32;
	v4 =	vadd.f32 v61, v4  }
0x207: {  	v0 =	vadd.f32 v1, v0;
	v5 =	vadd.f32 v5, v7  }
0x208: {  	v37 =	vadd.f32 v3, v2;
	v34 =	vadd.f32 v10, v8;
	(xrf2) =	vadd.scan.msk.f32 $0xffff, v4  }
0x209: {  	v38 =	vadd.f32 v36, v35;
	(xrf2) =	vadd.scan.msk.f32 $0xffff, v5  }
0x20a: {  	v0 =	vadd.f32 v37, v0;
	(xrf2) =	vadd.scan.msk.f32 $0xffff, v34  }
0x20b: {  	(xrf2) =	vadd.scan.msk.f32 $0xffff, v38  }
0x20c: {  	(xrf2) =	vadd.scan.msk.f32 $0xffff, v0  }
0x20d: {  	s1 =	sshll.u32 s1, $0x3  }
0x20e: {  	v39 =	vmov s1  }
0x20f: {  	v40 =	vor.u32 $0x1, v39  }
0x210: {  	v41 =	vor.u32 $0x2, v39  }
0x211: {  	v42 =	vor.u32 $0x3, v39  }
0x212: {  	v43 =	vor.u32 $0x4, v39;
	v4, _, _ =	vpop (xrf2)  }
0x213: {  	v44, _, _ =	vpop (xrf2);
	[tilespmem:v39+s25+$0x0] =	vst.idx.msk vm0, v4  }
0x214: {  	v45, _, _ =	vpop (xrf2);
	[tilespmem:v40+s25+$0x0] =	vst.idx.msk vm0, v44  }
0x215: {  	v46, _, _ =	vpop (xrf2);
	[tilespmem:v41+s25+$0x0] =	vst.idx.msk vm0, v45  }
0x216: {  	s1 =	sor.u32 $0xA, s31;
	v47, _, _ =	vpop (xrf2);
	[tilespmem:v42+s25+$0x0] =	vst.idx.msk vm0, v46  }
0x217: {  	s0 =	sshll.u32 s1, $0x6;
	[tilespmem:v43+s25+$0x0] =	vst.idx.msk vm0, v47  }
0x218: {  	v0 =	vld [tilespmem:s0+$0x300]  }
0x219: {  	v1 =	vld [tilespmem:s0+$0x310]  }
0x21a: {  	v2 =	vld [tilespmem:s0+$0x320]  }
0x21b: {  	v3 =	vld [tilespmem:s0+$0x330]  }
0x21c: {  	v4 =	vld [tilespmem:s0+$0x2300]  }
0x21d: {  	v5 =	vld [tilespmem:s0+$0x2310]  }
0x21e: {  	v6 =	vld [tilespmem:s0+$0x2320]  }
0x21f: {  	v48 =	vld [tilespmem:s0+$0x2330]  }
0x220: {  	v49 =	vld [tilespmem:s0+$0x4300]  }
0x221: {  	v50 =	vld [tilespmem:s0+$0x4310]  }
0x222: {  	v51 =	vld [tilespmem:s0+$0x4320]  }
0x223: {  	v52 =	vld [tilespmem:s0+$0x4330]  }
0x224: {  	v53 =	vld [tilespmem:s30+$0x6580]  }
0x225: {  	v54 =	vld [tilespmem:s30+$0x6590]  }
0x226: {  	v55 =	vld [tilespmem:s30+$0x65A0]  }
0x227: {  	v56 =	vld [tilespmem:s30+$0x65B0]  }
0x228: {  	v57 =	vld [tilespmem:s30+$0x8580]  }
0x229: {  	v58 =	vld [tilespmem:s30+$0x8590];
	v4 =	vmul.f32 v4, v0;
	v5 =	vmul.f32 v5, v1  }
0x22a: {  	v59 =	vld [tilespmem:s30+$0x85A0];
	v6 =	vmul.f32 v6, v2;
	v7 =	vmul.f32 v48, v3  }
0x22b: {  	v60 =	vld [tilespmem:s30+$0x85B0];
	v21 =	vmul.f32 v49, v0;
	v22 =	vmul.f32 v50, v1  }
0x22c: {  	v61 =	vld [tilespmem:s30+$0xA580];
	v24 =	vmul.f32 v51, v2;
	v25 =	vmul.f32 v52, v3  }
0x22d: {  	v63 =	vld [tilespmem:s30+$0xA590];
	v27 =	vmul.f32 v53, v0;
	v28 =	vmul.f32 v54, v1  }
0x22e: {  	v23 =	vld [tilespmem:s30+$0xA5A0];
	v29 =	vmul.f32 v55, v2;
	v30 =	vmul.f32 v56, v3  }
0x22f: {  	v26 =	vld [tilespmem:s30+$0xA5B0];
	v31 =	vmul.f32 v57, v0;
	v32 =	vmul.f32 v58, v1  }
0x230: {  	v33 =	vmul.f32 v59, v2;
	v34 =	vmul.f32 v60, v3;
	v4 =	vadd.f32 v5, v4  }
0x231: {  	v0 =	vmul.f32 v61, v0;
	v62 =	vadd.f32 v7, v6;
	v7 =	vadd.f32 v22, v21  }
0x232: {  	v1 =	vmul.f32 v63, v1;
	v5 =	vadd.f32 v25, v24;
	v8 =	vadd.f32 v28, v27  }
0x233: {  	v2 =	vmul.f32 v23, v2;
	v10 =	vadd.f32 v30, v29;
	v36 =	vadd.f32 v32, v31  }
0x234: {  	v3 =	vmul.f32 v26, v3;
	v37 =	vadd.f32 v34, v33;
	v4 =	vadd.f32 v62, v4  }
0x235: {  	v0 =	vadd.f32 v1, v0;
	v5 =	vadd.f32 v5, v7  }
0x236: {  	v38 =	vadd.f32 v3, v2;
	v35 =	vadd.f32 v10, v8;
	(xrf2) =	vadd.scan.msk.f32 $0xffff, v4  }
0x237: {  	v39 =	vadd.f32 v37, v36;
	(xrf2) =	vadd.scan.msk.f32 $0xffff, v5  }
0x238: {  	v0 =	vadd.f32 v38, v0;
	(xrf2) =	vadd.scan.msk.f32 $0xffff, v35  }
0x239: {  	(xrf2) =	vadd.scan.msk.f32 $0xffff, v39  }
0x23a: {  	(xrf2) =	vadd.scan.msk.f32 $0xffff, v0  }
0x23b: {  	s1 =	sshll.u32 s1, $0x3  }
0x23c: {  	v40 =	vmov s1  }
0x23d: {  	v41 =	vor.u32 $0x1, v40  }
0x23e: {  	v42 =	vor.u32 $0x2, v40  }
0x23f: {  	v43 =	vor.u32 $0x3, v40  }
0x240: {  	v44 =	vor.u32 $0x4, v40;
	v4, _, _ =	vpop (xrf2)  }
0x241: {  	v45, _, _ =	vpop (xrf2);
	[tilespmem:v40+s25+$0x0] =	vst.idx.msk vm0, v4  }
0x242: {  	v46, _, _ =	vpop (xrf2);
	[tilespmem:v41+s25+$0x0] =	vst.idx.msk vm0, v45  }
0x243: {  	v47, _, _ =	vpop (xrf2);
	[tilespmem:v42+s25+$0x0] =	vst.idx.msk vm0, v46  }
0x244: {  	s1 =	sor.u32 $0xB, s31;
	v48, _, _ =	vpop (xrf2);
	[tilespmem:v43+s25+$0x0] =	vst.idx.msk vm0, v47  }
0x245: {  	s0 =	sshll.u32 s1, $0x6;
	[tilespmem:v44+s25+$0x0] =	vst.idx.msk vm0, v48  }
0x246: {  	v0 =	vld [tilespmem:s0+$0x300]  }
0x247: {  	v1 =	vld [tilespmem:s0+$0x310]  }
0x248: {  	v2 =	vld [tilespmem:s0+$0x320]  }
0x249: {  	v3 =	vld [tilespmem:s0+$0x330]  }
0x24a: {  	v4 =	vld [tilespmem:s0+$0x2300]  }
0x24b: {  	v5 =	vld [tilespmem:s0+$0x2310]  }
0x24c: {  	v6 =	vld [tilespmem:s0+$0x2320]  }
0x24d: {  	v49 =	vld [tilespmem:s0+$0x2330]  }
0x24e: {  	v50 =	vld [tilespmem:s0+$0x4300]  }
0x24f: {  	v51 =	vld [tilespmem:s0+$0x4310]  }
0x250: {  	v52 =	vld [tilespmem:s0+$0x4320]  }
0x251: {  	v53 =	vld [tilespmem:s0+$0x4330]  }
0x252: {  	v54 =	vld [tilespmem:s30+$0x65C0]  }
0x253: {  	v55 =	vld [tilespmem:s30+$0x65D0]  }
0x254: {  	v56 =	vld [tilespmem:s30+$0x65E0]  }
0x255: {  	v57 =	vld [tilespmem:s30+$0x65F0]  }
0x256: {  	v58 =	vld [tilespmem:s30+$0x85C0]  }
0x257: {  	v59 =	vld [tilespmem:s30+$0x85D0];
	v4 =	vmul.f32 v4, v0;
	v5 =	vmul.f32 v5, v1  }
0x258: {  	v60 =	vld [tilespmem:s30+$0x85E0];
	v6 =	vmul.f32 v6, v2;
	v7 =	vmul.f32 v49, v3  }
0x259: {  	v61 =	vld [tilespmem:s30+$0x85F0];
	v22 =	vmul.f32 v50, v0;
	v23 =	vmul.f32 v51, v1  }
0x25a: {  	v62 =	vld [tilespmem:s30+$0xA5C0];
	v25 =	vmul.f32 v52, v2;
	v26 =	vmul.f32 v53, v3  }
0x25b: {  	v21 =	vld [tilespmem:s30+$0xA5D0];
	v28 =	vmul.f32 v54, v0;
	v29 =	vmul.f32 v55, v1  }
0x25c: {  	v24 =	vld [tilespmem:s30+$0xA5E0];
	v30 =	vmul.f32 v56, v2;
	v31 =	vmul.f32 v57, v3  }
0x25d: {  	v27 =	vld [tilespmem:s30+$0xA5F0];
	v32 =	vmul.f32 v58, v0;
	v33 =	vmul.f32 v59, v1  }
0x25e: {  	v34 =	vmul.f32 v60, v2;
	v35 =	vmul.f32 v61, v3;
	v4 =	vadd.f32 v5, v4  }
0x25f: {  	v0 =	vmul.f32 v62, v0;
	v63 =	vadd.f32 v7, v6;
	v7 =	vadd.f32 v23, v22  }
0x260: {  	v1 =	vmul.f32 v21, v1;
	v5 =	vadd.f32 v26, v25;
	v8 =	vadd.f32 v29, v28  }
0x261: {  	v2 =	vmul.f32 v24, v2;
	v10 =	vadd.f32 v31, v30;
	v37 =	vadd.f32 v33, v32  }
0x262: {  	v3 =	vmul.f32 v27, v3;
	v38 =	vadd.f32 v35, v34;
	v4 =	vadd.f32 v63, v4  }
0x263: {  	v0 =	vadd.f32 v1, v0;
	v5 =	vadd.f32 v5, v7  }
0x264: {  	v39 =	vadd.f32 v3, v2;
	v36 =	vadd.f32 v10, v8;
	(xrf2) =	vadd.scan.msk.f32 $0xffff, v4  }
0x265: {  	v40 =	vadd.f32 v38, v37;
	(xrf2) =	vadd.scan.msk.f32 $0xffff, v5  }
0x266: {  	v0 =	vadd.f32 v39, v0;
	(xrf2) =	vadd.scan.msk.f32 $0xffff, v36  }
0x267: {  	(xrf2) =	vadd.scan.msk.f32 $0xffff, v40  }
0x268: {  	(xrf2) =	vadd.scan.msk.f32 $0xffff, v0  }
0x269: {  	s1 =	sshll.u32 s1, $0x3  }
0x26a: {  	v41 =	vmov s1  }
0x26b: {  	v42 =	vor.u32 $0x1, v41  }
0x26c: {  	v43 =	vor.u32 $0x2, v41  }
0x26d: {  	v44 =	vor.u32 $0x3, v41  }
0x26e: {  	v45 =	vor.u32 $0x4, v41;
	v4, _, _ =	vpop (xrf2)  }
0x26f: {  	v46, _, _ =	vpop (xrf2);
	[tilespmem:v41+s25+$0x0] =	vst.idx.msk vm0, v4  }
0x270: {  	v47, _, _ =	vpop (xrf2);
	[tilespmem:v42+s25+$0x0] =	vst.idx.msk vm0, v46  }
0x271: {  	v48, _, _ =	vpop (xrf2);
	[tilespmem:v43+s25+$0x0] =	vst.idx.msk vm0, v47  }
0x272: {  	s1 =	sor.u32 $0xC, s31;
	v49, _, _ =	vpop (xrf2);
	[tilespmem:v44+s25+$0x0] =	vst.idx.msk vm0, v48  }
0x273: {  	s0 =	sshll.u32 s1, $0x6;
	[tilespmem:v45+s25+$0x0] =	vst.idx.msk vm0, v49  }
0x274: {  	v0 =	vld [tilespmem:s0+$0x300]  }
0x275: {  	v1 =	vld [tilespmem:s0+$0x310]  }
0x276: {  	v2 =	vld [tilespmem:s0+$0x320]  }
0x277: {  	v3 =	vld [tilespmem:s0+$0x330]  }
0x278: {  	v4 =	vld [tilespmem:s0+$0x2300]  }
0x279: {  	v5 =	vld [tilespmem:s0+$0x2310]  }
0x27a: {  	v6 =	vld [tilespmem:s0+$0x2320]  }
0x27b: {  	v50 =	vld [tilespmem:s0+$0x2330]  }
0x27c: {  	v51 =	vld [tilespmem:s0+$0x4300]  }
0x27d: {  	v52 =	vld [tilespmem:s0+$0x4310]  }
0x27e: {  	v53 =	vld [tilespmem:s0+$0x4320]  }
0x27f: {  	v54 =	vld [tilespmem:s0+$0x4330]  }
0x280: {  	v55 =	vld [tilespmem:s30+$0x6600]  }
0x281: {  	v56 =	vld [tilespmem:s30+$0x6610]  }
0x282: {  	v57 =	vld [tilespmem:s30+$0x6620]  }
0x283: {  	v58 =	vld [tilespmem:s30+$0x6630]  }
0x284: {  	v59 =	vld [tilespmem:s30+$0x8600]  }
0x285: {  	v60 =	vld [tilespmem:s30+$0x8610];
	v4 =	vmul.f32 v4, v0;
	v5 =	vmul.f32 v5, v1  }
0x286: {  	v61 =	vld [tilespmem:s30+$0x8620];
	v6 =	vmul.f32 v6, v2;
	v7 =	vmul.f32 v50, v3  }
0x287: {  	v62 =	vld [tilespmem:s30+$0x8630];
	v24 =	vmul.f32 v51, v0;
	v25 =	vmul.f32 v52, v1  }
0x288: {  	v63 =	vld [tilespmem:s30+$0xA600];
	v27 =	vmul.f32 v53, v2;
	v28 =	vmul.f32 v54, v3  }
0x289: {  	v23 =	vld [tilespmem:s30+$0xA610];
	v30 =	vmul.f32 v55, v0;
	v31 =	vmul.f32 v56, v1  }
0x28a: {  	v26 =	vld [tilespmem:s30+$0xA620];
	v32 =	vmul.f32 v57, v2;
	v33 =	vmul.f32 v58, v3  }
0x28b: {  	v29 =	vld [tilespmem:s30+$0xA630];
	v34 =	vmul.f32 v59, v0;
	v35 =	vmul.f32 v60, v1  }
0x28c: {  	v36 =	vmul.f32 v61, v2;
	v37 =	vmul.f32 v62, v3;
	v4 =	vadd.f32 v5, v4  }
0x28d: {  	v0 =	vmul.f32 v63, v0;
	v22 =	vadd.f32 v7, v6;
	v7 =	vadd.f32 v25, v24  }
0x28e: {  	v1 =	vmul.f32 v23, v1;
	v5 =	vadd.f32 v28, v27;
	v8 =	vadd.f32 v31, v30  }
0x28f: {  	v2 =	vmul.f32 v26, v2;
	v10 =	vadd.f32 v33, v32;
	v39 =	vadd.f32 v35, v34  }
0x290: {  	v3 =	vmul.f32 v29, v3;
	v40 =	vadd.f32 v37, v36;
	v4 =	vadd.f32 v22, v4  }
0x291: {  	v0 =	vadd.f32 v1, v0;
	v5 =	vadd.f32 v5, v7  }
0x292: {  	v41 =	vadd.f32 v3, v2;
	v38 =	vadd.f32 v10, v8;
	(xrf2) =	vadd.scan.msk.f32 $0xffff, v4  }
0x293: {  	v42 =	vadd.f32 v40, v39;
	(xrf2) =	vadd.scan.msk.f32 $0xffff, v5  }
0x294: {  	v0 =	vadd.f32 v41, v0;
	(xrf2) =	vadd.scan.msk.f32 $0xffff, v38  }
0x295: {  	(xrf2) =	vadd.scan.msk.f32 $0xffff, v42  }
0x296: {  	(xrf2) =	vadd.scan.msk.f32 $0xffff, v0  }
0x297: {  	s1 =	sshll.u32 s1, $0x3  }
0x298: {  	v43 =	vmov s1  }
0x299: {  	v44 =	vor.u32 $0x1, v43  }
0x29a: {  	v45 =	vor.u32 $0x2, v43  }
0x29b: {  	v46 =	vor.u32 $0x3, v43  }
0x29c: {  	v47 =	vor.u32 $0x4, v43;
	v4, _, _ =	vpop (xrf2)  }
0x29d: {  	v48, _, _ =	vpop (xrf2);
	[tilespmem:v43+s25+$0x0] =	vst.idx.msk vm0, v4  }
0x29e: {  	v49, _, _ =	vpop (xrf2);
	[tilespmem:v44+s25+$0x0] =	vst.idx.msk vm0, v48  }
0x29f: {  	v50, _, _ =	vpop (xrf2);
	[tilespmem:v45+s25+$0x0] =	vst.idx.msk vm0, v49  }
0x2a0: {  	s1 =	sor.u32 $0xD, s31;
	v51, _, _ =	vpop (xrf2);
	[tilespmem:v46+s25+$0x0] =	vst.idx.msk vm0, v50  }
0x2a1: {  	s0 =	sshll.u32 s1, $0x6;
	[tilespmem:v47+s25+$0x0] =	vst.idx.msk vm0, v51  }
0x2a2: {  	v0 =	vld [tilespmem:s0+$0x300]  }
0x2a3: {  	v1 =	vld [tilespmem:s0+$0x310]  }
0x2a4: {  	v2 =	vld [tilespmem:s0+$0x320]  }
0x2a5: {  	v3 =	vld [tilespmem:s0+$0x330]  }
0x2a6: {  	v4 =	vld [tilespmem:s0+$0x2300]  }
0x2a7: {  	v5 =	vld [tilespmem:s0+$0x2310]  }
0x2a8: {  	v6 =	vld [tilespmem:s0+$0x2320]  }
0x2a9: {  	v52 =	vld [tilespmem:s0+$0x2330]  }
0x2aa: {  	v53 =	vld [tilespmem:s0+$0x4300]  }
0x2ab: {  	v54 =	vld [tilespmem:s0+$0x4310]  }
0x2ac: {  	v55 =	vld [tilespmem:s0+$0x4320]  }
0x2ad: {  	v56 =	vld [tilespmem:s0+$0x4330]  }
0x2ae: {  	v57 =	vld [tilespmem:s30+$0x6640]  }
0x2af: {  	v58 =	vld [tilespmem:s30+$0x6650]  }
0x2b0: {  	v59 =	vld [tilespmem:s30+$0x6660]  }
0x2b1: {  	v60 =	vld [tilespmem:s30+$0x6670]  }
0x2b2: {  	v61 =	vld [tilespmem:s30+$0x8640]  }
0x2b3: {  	v62 =	vld [tilespmem:s30+$0x8650];
	v4 =	vmul.f32 v4, v0;
	v5 =	vmul.f32 v5, v1  }
0x2b4: {  	v63 =	vld [tilespmem:s30+$0x8660];
	v6 =	vmul.f32 v6, v2;
	v7 =	vmul.f32 v52, v3  }
0x2b5: {  	v24 =	vld [tilespmem:s30+$0x8670];
	v28 =	vmul.f32 v53, v0;
	v29 =	vmul.f32 v54, v1  }
0x2b6: {  	v25 =	vld [tilespmem:s30+$0xA640];
	v31 =	vmul.f32 v55, v2;
	v32 =	vmul.f32 v56, v3  }
0x2b7: {  	v27 =	vld [tilespmem:s30+$0xA650];
	v34 =	vmul.f32 v57, v0;
	v35 =	vmul.f32 v58, v1  }
0x2b8: {  	v30 =	vld [tilespmem:s30+$0xA660];
	v36 =	vmul.f32 v59, v2;
	v37 =	vmul.f32 v60, v3  }
0x2b9: {  	v33 =	vld [tilespmem:s30+$0xA670];
	v38 =	vmul.f32 v61, v0;
	v39 =	vmul.f32 v62, v1  }
0x2ba: {  	v40 =	vmul.f32 v63, v2;
	v41 =	vmul.f32 v24, v3;
	v4 =	vadd.f32 v5, v4  }
0x2bb: {  	v0 =	vmul.f32 v25, v0;
	v26 =	vadd.f32 v7, v6;
	v7 =	vadd.f32 v29, v28  }
0x2bc: {  	v1 =	vmul.f32 v27, v1;
	v5 =	vadd.f32 v32, v31;
	v8 =	vadd.f32 v35, v34  }
0x2bd: {  	v2 =	vmul.f32 v30, v2;
	v10 =	vadd.f32 v37, v36;
	v43 =	vadd.f32 v39, v38  }
0x2be: {  	v3 =	vmul.f32 v33, v3;
	v44 =	vadd.f32 v41, v40;
	v4 =	vadd.f32 v26, v4  }
0x2bf: {  	v0 =	vadd.f32 v1, v0;
	v5 =	vadd.f32 v5, v7  }
0x2c0: {  	v45 =	vadd.f32 v3, v2;
	v42 =	vadd.f32 v10, v8;
	(xrf2) =	vadd.scan.msk.f32 $0xffff, v4  }
0x2c1: {  	v46 =	vadd.f32 v44, v43;
	(xrf2) =	vadd.scan.msk.f32 $0xffff, v5  }
0x2c2: {  	v0 =	vadd.f32 v45, v0;
	(xrf2) =	vadd.scan.msk.f32 $0xffff, v42  }
0x2c3: {  	(xrf2) =	vadd.scan.msk.f32 $0xffff, v46  }
0x2c4: {  	(xrf2) =	vadd.scan.msk.f32 $0xffff, v0  }
0x2c5: {  	s1 =	sshll.u32 s1, $0x3  }
0x2c6: {  	v47 =	vmov s1  }
0x2c7: {  	v48 =	vor.u32 $0x1, v47  }
0x2c8: {  	v49 =	vor.u32 $0x2, v47  }
0x2c9: {  	v50 =	vor.u32 $0x3, v47  }
0x2ca: {  	v51 =	vor.u32 $0x4, v47;
	v4, _, _ =	vpop (xrf2)  }
0x2cb: {  	v52, _, _ =	vpop (xrf2);
	[tilespmem:v47+s25+$0x0] =	vst.idx.msk vm0, v4  }
0x2cc: {  	v53, _, _ =	vpop (xrf2);
	[tilespmem:v48+s25+$0x0] =	vst.idx.msk vm0, v52  }
0x2cd: {  	v54, _, _ =	vpop (xrf2);
	[tilespmem:v49+s25+$0x0] =	vst.idx.msk vm0, v53  }
0x2ce: {  	s1 =	sor.u32 $0xE, s31;
	v55, _, _ =	vpop (xrf2);
	[tilespmem:v50+s25+$0x0] =	vst.idx.msk vm0, v54  }
0x2cf: {  	s31 =	sshll.u32 s1, $0x6;
	[tilespmem:v51+s25+$0x0] =	vst.idx.msk vm0, v55  }
0x2d0: {  	v0 =	vld [tilespmem:s31+$0x300]  }
0x2d1: {  	v1 =	vld [tilespmem:s31+$0x310]  }
0x2d2: {  	v2 =	vld [tilespmem:s31+$0x320]  }
0x2d3: {  	v3 =	vld [tilespmem:s31+$0x330]  }
0x2d4: {  	v4 =	vld [tilespmem:s31+$0x2300]  }
0x2d5: {  	v5 =	vld [tilespmem:s31+$0x2310]  }
0x2d6: {  	v6 =	vld [tilespmem:s31+$0x2320]  }
0x2d7: {  	v56 =	vld [tilespmem:s31+$0x2330]  }
0x2d8: {  	v57 =	vld [tilespmem:s31+$0x4300]  }
0x2d9: {  	v58 =	vld [tilespmem:s31+$0x4310]  }
0x2da: {  	v59 =	vld [tilespmem:s31+$0x4320]  }
0x2db: {  	v60 =	vld [tilespmem:s31+$0x4330]  }
0x2dc: {  	v61 =	vld [tilespmem:s30+$0x6680]  }
0x2dd: {  	v62 =	vld [tilespmem:s30+$0x6690]  }
0x2de: {  	v63 =	vld [tilespmem:s30+$0x66A0]  }
0x2df: {  	v24 =	vld [tilespmem:s30+$0x66B0]  }
0x2e0: {  	v25 =	vld [tilespmem:s30+$0x8680]  }
0x2e1: {  	v26 =	vld [tilespmem:s30+$0x8690];
	v4 =	vmul.f32 v4, v0;
	v5 =	vmul.f32 v5, v1  }
0x2e2: {  	v27 =	vld [tilespmem:s30+$0x86A0];
	v6 =	vmul.f32 v6, v2;
	v7 =	vmul.f32 v56, v3  }
0x2e3: {  	v28 =	vld [tilespmem:s30+$0x86B0];
	v32 =	vmul.f32 v57, v0;
	v33 =	vmul.f32 v58, v1  }
0x2e4: {  	v29 =	vld [tilespmem:s30+$0xA680];
	v35 =	vmul.f32 v59, v2;
	v36 =	vmul.f32 v60, v3  }
0x2e5: {  	v31 =	vld [tilespmem:s30+$0xA690];
	v38 =	vmul.f32 v61, v0;
	v39 =	vmul.f32 v62, v1  }
0x2e6: {  	v34 =	vld [tilespmem:s30+$0xA6A0];
	v40 =	vmul.f32 v63, v2;
	v41 =	vmul.f32 v24, v3  }
0x2e7: {  	v37 =	vld [tilespmem:s30+$0xA6B0];
	v42 =	vmul.f32 v25, v0;
	v43 =	vmul.f32 v26, v1  }
0x2e8: {  	v44 =	vmul.f32 v27, v2;
	v45 =	vmul.f32 v28, v3;
	v4 =	vadd.f32 v5, v4  }
0x2e9: {  	v0 =	vmul.f32 v29, v0;
	v30 =	vadd.f32 v7, v6;
	v7 =	vadd.f32 v33, v32  }
0x2ea: {  	v1 =	vmul.f32 v31, v1;
	v5 =	vadd.f32 v36, v35;
	v8 =	vadd.f32 v39, v38  }
0x2eb: {  	v2 =	vmul.f32 v34, v2;
	v10 =	vadd.f32 v41, v40;
	v47 =	vadd.f32 v43, v42  }
0x2ec: {  	v3 =	vmul.f32 v37, v3;
	v48 =	vadd.f32 v45, v44;
	v4 =	vadd.f32 v30, v4  }
0x2ed: {  	v0 =	vadd.f32 v1, v0;
	v5 =	vadd.f32 v5, v7  }
0x2ee: {  	v49 =	vadd.f32 v3, v2;
	v46 =	vadd.f32 v10, v8;
	(xrf2) =	vadd.scan.msk.f32 $0xffff, v4  }
0x2ef: {  	v50 =	vadd.f32 v48, v47;
	(xrf2) =	vadd.scan.msk.f32 $0xffff, v5  }
0x2f0: {  	v0 =	vadd.f32 v49, v0;
	(xrf2) =	vadd.scan.msk.f32 $0xffff, v46  }
0x2f1: {  	(xrf2) =	vadd.scan.msk.f32 $0xffff, v50  }
0x2f2: {  	(xrf2) =	vadd.scan.msk.f32 $0xffff, v0  }
0x2f3: {  	s1 =	sshll.u32 s1, $0x3  }
0x2f4: {  	v51 =	vmov s1  }
0x2f5: {  	v52 =	vor.u32 $0x1, v51  }
0x2f6: {  	v53 =	vor.u32 $0x2, v51  }
0x2f7: {  	v54 =	vor.u32 $0x3, v51  }
0x2f8: {  	v55 =	vor.u32 $0x4, v51;
	v4, _, _ =	vpop (xrf2)  }
0x2f9: {  	v56, _, _ =	vpop (xrf2);
	[tilespmem:v51+s25+$0x0] =	vst.idx.msk vm0, v4  }
0x2fa: {  	v57, _, _ =	vpop (xrf2);
	[tilespmem:v52+s25+$0x0] =	vst.idx.msk vm0, v56  }
0x2fb: {  	v58, _, _ =	vpop (xrf2);
	[tilespmem:v53+s25+$0x0] =	vst.idx.msk vm0, v57  }
0x2fc: {  	s1 =	sshllo.u32 s29, $0x4;
	v59, _, _ =	vpop (xrf2);
	[tilespmem:v54+s25+$0x0] =	vst.idx.msk vm0, v58  }
0x2fd: {  	s31 =	sshll.u32 s1, $0x6;
	[tilespmem:v55+s25+$0x0] =	vst.idx.msk vm0, v59  }
0x2fe: {  	v0 =	vld [tilespmem:s31+$0x300]  }
0x2ff: {  	v1 =	vld [tilespmem:s31+$0x310]  }
0x300: {  	v2 =	vld [tilespmem:s31+$0x320]  }
0x301: {  	v3 =	vld [tilespmem:s31+$0x330]  }
0x302: {  	v4 =	vld [tilespmem:s31+$0x2300]  }
0x303: {  	v5 =	vld [tilespmem:s31+$0x2310]  }
0x304: {  	v6 =	vld [tilespmem:s31+$0x2320]  }
0x305: {  	v60 =	vld [tilespmem:s31+$0x2330]  }
0x306: {  	v61 =	vld [tilespmem:s31+$0x4300]  }
0x307: {  	v62 =	vld [tilespmem:s31+$0x4310]  }
0x308: {  	v63 =	vld [tilespmem:s31+$0x4320]  }
0x309: {  	v24 =	vld [tilespmem:s31+$0x4330]  }
0x30a: {  	v25 =	vld [tilespmem:s30+$0x66C0]  }
0x30b: {  	v26 =	vld [tilespmem:s30+$0x66D0]  }
0x30c: {  	v27 =	vld [tilespmem:s30+$0x66E0]  }
0x30d: {  	v28 =	vld [tilespmem:s30+$0x66F0]  }
0x30e: {  	v29 =	vld [tilespmem:s30+$0x86C0]  }
0x30f: {  	v30 =	vld [tilespmem:s30+$0x86D0];
	v4 =	vmul.f32 v4, v0;
	v5 =	vmul.f32 v5, v1  }
0x310: {  	v31 =	vld [tilespmem:s30+$0x86E0];
	v6 =	vmul.f32 v6, v2;
	v7 =	vmul.f32 v60, v3  }
0x311: {  	v32 =	vld [tilespmem:s30+$0x86F0];
	v36 =	vmul.f32 v61, v0;
	v37 =	vmul.f32 v62, v1  }
0x312: {  	v33 =	vld [tilespmem:s30+$0xA6C0];
	v39 =	vmul.f32 v63, v2;
	v40 =	vmul.f32 v24, v3  }
0x313: {  	v35 =	vld [tilespmem:s30+$0xA6D0];
	v42 =	vmul.f32 v25, v0;
	v43 =	vmul.f32 v26, v1  }
0x314: {  	v38 =	vld [tilespmem:s30+$0xA6E0];
	v44 =	vmul.f32 v27, v2;
	v45 =	vmul.f32 v28, v3  }
0x315: {  	v41 =	vld [tilespmem:s30+$0xA6F0];
	v46 =	vmul.f32 v29, v0;
	v47 =	vmul.f32 v30, v1  }
0x316: {  	v48 =	vmul.f32 v31, v2;
	v49 =	vmul.f32 v32, v3;
	v4 =	vadd.f32 v5, v4  }
0x317: {  	v0 =	vmul.f32 v33, v0;
	v34 =	vadd.f32 v7, v6;
	v7 =	vadd.f32 v37, v36  }
0x318: {  	v1 =	vmul.f32 v35, v1;
	v5 =	vadd.f32 v40, v39;
	v8 =	vadd.f32 v43, v42  }
0x319: {  	v2 =	vmul.f32 v38, v2;
	v10 =	vadd.f32 v45, v44;
	v51 =	vadd.f32 v47, v46  }
0x31a: {  	v3 =	vmul.f32 v41, v3;
	v52 =	vadd.f32 v49, v48;
	v4 =	vadd.f32 v34, v4  }
0x31b: {  	v0 =	vadd.f32 v1, v0;
	v5 =	vadd.f32 v5, v7  }
0x31c: {  	v53 =	vadd.f32 v3, v2;
	v50 =	vadd.f32 v10, v8;
	(xrf2) =	vadd.scan.msk.f32 $0xffff, v4  }
0x31d: {  	v54 =	vadd.f32 v52, v51;
	(xrf2) =	vadd.scan.msk.f32 $0xffff, v5  }
0x31e: {  	v0 =	vadd.f32 v53, v0;
	(xrf2) =	vadd.scan.msk.f32 $0xffff, v50  }
0x31f: {  	(xrf2) =	vadd.scan.msk.f32 $0xffff, v54  }
0x320: {  	(xrf2) =	vadd.scan.msk.f32 $0xffff, v0  }
0x321: {  	s31 =	sshll.u32 s1, $0x3  }
0x322: {  	v55 =	vmov s31  }
0x323: {  	v56 =	vor.u32 $0x1, v55  }
0x324: {  	v57 =	vor.u32 $0x2, v55  }
0x325: {  	v58 =	vor.u32 $0x3, v55  }
0x326: {  	p0 =	sne.s32 s29, $0x7;
	v59 =	vor.u32 $0x4, v55;
	v4, _, _ =	vpop (xrf2)  }
.Ltmp0:
0x327: {  	v60, _, _ =	vpop (xrf2);
	[tilespmem:v55+s25+$0x0] =	vst.idx.msk vm0, v4;
	(pc) =	sbr.rel @p0 .LBB2_2-.Ltmp0, $4  }
0x328: {  	v61, _, _ =	vpop (xrf2);
	[tilespmem:v56+s25+$0x0] =	vst.idx.msk vm0, v60  }
0x329: {  	v62, _, _ =	vpop (xrf2);
	[tilespmem:v57+s25+$0x0] =	vst.idx.msk vm0, v61  }
0x32a: {  	v63, _, _ =	vpop (xrf2);
	[tilespmem:v58+s25+$0x0] =	vst.idx.msk vm0, v62  }
0x32b: {  	s29 =	sadd.s32 $0x1, s29;
	[tilespmem:v59+s25+$0x0] =	vst.idx.msk vm0, v63  }
0x32c: {  	s28 =	sadd.s32 $0x1, s28  }
0x32d: {  	p0 =	sne.s32 s28, s12  }
.Ltmp1:
0x32e: {  	_ = 	snop;
	(pc) =	sbr.rel @p0 .LBB2_1-.Ltmp1, $4  }
0x32f: {  	[hbm4b:s11+s2] =	stream.linear.scatter [tilespmem:s25], [sflag:$0x2], $0x400, $0x38;
	[tilespmem:$0xC700] =	vst v63  }
0x330: {  	_ =	swait.ge [sflag:s26], $0x400  }
0x331: {  	[sflag:s26] =	ssyncset.done $0x0  }
0x332: {  	[sflag:s26] =	ssyncadd.s32 $0xFFFFFC00  }
0x333: {  	_ =	sfence.sel $0x180000  }
0x334: {  	[bflag:$0x0] =	sbarrier.arrive $0xFFFF  }
0x335: {  	_ =	strace $0x90000047  }
0x336: {  	s0 =	stileid.u32;
	[bflag:$0x2] =	sbarrier.arrive $0xFFFF  }
0x337: {  	p0 =	sne.s32 s0, $0x0;
	s0 =	rddreg [dreg:$0x4]  }
0x338: {  	s0 =	sadd.s32 @!p0 $0x100000, s0  }
0x339: {  	[sflag:s0] =	ssyncadd.tile.s32 @!p0 $0x1;
	_ =	shalt  }
.Lfunc_end2:
_tile_overlayer_lowered:
.L_overlay_start_2:
0x33a: {  	(tag) =	ssettag $0x2  }
0x33b: {  	s0 =	rddreg [dreg:$0x0];
	s2 =	stileid.u32  }
0x33c: {  	s1 =	rddreg [dreg:$0x1];
	p0 =	sne.s32 s2, $0x0  }
0x33d: {  	s3 =	rddreg [dreg:$0x2];
	[bflag:$0x3] =	sbarrier.arrive $0xFFFF;
	s2 =	simm.s32 @!p0 $0x1C02  }
0x33e: {  	[timem:s3], [sflag:s2] =	dma.local @!p0 [hbm:s0], s1  }
0x33f: {  	s0 =	simm.s32 @!p0 $0x2  }
0x340: {  	_ =	swait.ge @!p0 [sflag:s0], s1  }
0x341: {  	s1 =	ssub.s32 @!p0 $0x0, s1;
	[sflag:s0] =	ssyncset.done @!p0 $0x0  }
0x342: {  	[sflag:s0] =	ssyncadd.s32 @!p0 s1  }
0x343: {  	[bflag:$0x3] =	sbarrier.arrive $0xFFFF  }
0x344: {  	_ =	shalt  }

</sc_bundles>
